<compile_context>
chip_gen: v7x
topology: tpu7x:2x2x1
jax: 0.10.2.dev20260603
libtpu: 0.0.44.dev20260713+nightly
codegen_flags: <defaults>
</compile_context>

<pallas_src>
import functools

import jax
import jax.numpy as jnp
from jax import lax
from jax.experimental import pallas as pl
from jax.experimental.pallas import tpu as pltpu
from jax.experimental.pallas import tpu_sc as plsc

N_NODES = 10000
N_EDGES = 320000
D = 128

NUM_CORES = 2
NUM_SUBCORES = 16
NW = NUM_CORES * NUM_SUBCORES
EDGES_PER_TILE = N_EDGES // NW
CHUNK = 80
NCHUNK = EDGES_PER_TILE // CHUNK
NBUF = 4
NSRC = 8
PRE = 5
OUT_TILES = 10
ROWS_PER_TILE = N_NODES // OUT_TILES
CNT_CHUNK = 200
CNT_PAD = 16 * ((CNT_CHUNK + 15) // 16)


def _sc_agg_body(with_counts, *refs):
  nsem = NSRC + 3 * NBUF + (NBUF if with_counts else 0)
  if with_counts:
    (x_hbm, ei_hbm, out_p, out_c, ones_v, zcnt, acc, cnt) = refs[:8]
    sv = refs[8:8 + NSRC]
    dv = refs[8 + NSRC:8 + NSRC + NBUF]
    rows = refs[8 + NSRC + NBUF:8 + NSRC + 2 * NBUF]
    sems = refs[8 + NSRC + 2 * NBUF:]
  else:
    (x_hbm, ei_hbm, out_p, acc) = refs[:4]
    ones_v = zcnt = cnt = None
    sv = refs[4:4 + NSRC]
    dv = refs[4 + NSRC:4 + NSRC + NBUF]
    rows = refs[4 + NSRC + NBUF:4 + NSRC + 2 * NBUF]
    sems = refs[4 + NSRC + 2 * NBUF:]
  isem = sems[:NSRC]
  jsem = sems[NSRC:NSRC + NBUF]
  gsem = sems[NSRC + NBUF:NSRC + 2 * NBUF]
  ssem = sems[NSRC + 2 * NBUF:NSRC + 3 * NBUF]
  csem = sems[NSRC + 3 * NBUF:] if with_counts else None

  cid = lax.axis_index("c")
  sid = lax.axis_index("s")
  wid = cid * NUM_SUBCORES + sid
  ebase = wid * EDGES_PER_TILE

  def ld_src(g, m):
    pltpu.async_copy(
        ei_hbm.at[pl.ds(ebase + g * CHUNK, CHUNK)], sv[m % NSRC],
        isem[m % NSRC])

  def src_wait(m):
    pltpu.make_async_copy(
        ei_hbm.at[pl.ds(0, CHUNK)], sv[m % NSRC], isem[m % NSRC]).wait()

  def ld_dst(g, m):
    pltpu.async_copy(
        ei_hbm.at[pl.ds(N_EDGES + ebase + g * CHUNK, CHUNK)], dv[m % NBUF],
        jsem[m % NBUF])

  def dst_wait(m):
    pltpu.make_async_copy(
        ei_hbm.at[pl.ds(0, CHUNK)], dv[m % NBUF], jsem[m % NBUF]).wait()

  def gat(m):
    pltpu.async_copy(x_hbm.at[sv[m % NSRC]], rows[m % NBUF], gsem[m % NBUF])

  def gat_wait(m):
    pltpu.make_async_copy(
        x_hbm.at[sv[m % NSRC]], rows[m % NBUF], gsem[m % NBUF]).wait()

  def scat(m):
    pltpu.async_copy(rows[m % NBUF], acc.at[dv[m % NBUF]], ssem[m % NBUF],
                     add=True)
    if with_counts:
      pltpu.async_copy(ones_v, cnt.at[dv[m % NBUF]], csem[m % NBUF], add=True)

  def scat_wait(m):
    pltpu.make_async_copy(
        rows[m % NBUF], acc.at[dv[m % NBUF]], ssem[m % NBUF]).wait()
    if with_counts:
      pltpu.make_async_copy(
          ones_v, cnt.at[dv[m % NBUF]], csem[m % NBUF]).wait()

  def step(g, m, first=False):
    gat_wait(m)
    dst_wait(m)
    scat(m)
    if not first:
      scat_wait(m - 1)

    @pl.when(g + 4 < NCHUNK)
    def _():
      ld_src(g + 4, m + 4)

    @pl.when(g + 3 < NCHUNK)
    def _():
      ld_dst(g + 3, m + 3)
      src_wait(m + 3)
      gat(m + 3)

  for g in range(4):
    ld_src(g, g)
  for g in range(3):
    ld_dst(g, g)
  for g in range(3):
    src_wait(g)
    gat(g)

  zbuf = rows[NBUF - 1]
  zeros16 = jnp.zeros((16,), jnp.float32)

  def _zrow(i, _):
    for j in range(D // 16):
      zbuf[i, pl.ds(j * 16, 16)] = zeros16
    return 0

  lax.fori_loop(0, CHUNK, _zrow, 0)

  @pl.when(sid < OUT_TILES)
  def _():
    for r in range(ROWS_PER_TILE // CHUNK):
      pltpu.sync_copy(
          zbuf, acc.at[pl.ds(sid * ROWS_PER_TILE + r * CHUNK, CHUNK), :])
    pltpu.sync_copy(
        zbuf.at[pl.ds(0, ROWS_PER_TILE % CHUNK), :],
        acc.at[pl.ds(sid * ROWS_PER_TILE + ROWS_PER_TILE - ROWS_PER_TILE % CHUNK,
                     ROWS_PER_TILE % CHUNK), :])

  if with_counts:
    ones16 = jnp.ones((16,), jnp.float32)
    for j in range(CHUNK // 16):
      ones_v[pl.ds(j * 16, 16)] = ones16

    def _zc(i, _):
      zcnt[pl.ds(i * 16, 16)] = zeros16
      return 0

    lax.fori_loop(0, CNT_PAD // 16, _zc, 0)

    @pl.when(sid < OUT_TILES)
    def _():
      for r in range(ROWS_PER_TILE // CNT_CHUNK):
        pltpu.sync_copy(
            zcnt.at[pl.ds(0, CNT_CHUNK)],
            cnt.at[pl.ds(sid * ROWS_PER_TILE + r * CNT_CHUNK, CNT_CHUNK)])

  plsc.subcore_barrier()

  step(0, 0, first=True)
  for g in range(1, PRE):
    step(g, g)

  def _oct(k, _):
    for j in range(8):
      step(8 * k + PRE + j, PRE + j)
    return 0

  lax.fori_loop(0, (NCHUNK - PRE) // 8, _oct, 0)
  scat_wait(NCHUNK - 1)

  plsc.subcore_barrier()

  @pl.when(sid < OUT_TILES)
  def _():
    pltpu.sync_copy(
        acc.at[pl.ds(sid * ROWS_PER_TILE, ROWS_PER_TILE), :],
        out_p.at[cid, pl.ds(sid * ROWS_PER_TILE, ROWS_PER_TILE), :],
    )
  if with_counts:
    @pl.when(sid < OUT_TILES)
    def _():
      for r in range(ROWS_PER_TILE // CNT_CHUNK):
        off = sid * ROWS_PER_TILE + r * CNT_CHUNK
        pltpu.sync_copy(cnt.at[pl.ds(off, CNT_CHUNK)],
                        zcnt.at[pl.ds(0, CNT_CHUNK)])
        pltpu.sync_copy(zcnt.at[pl.ds(0, CNT_CHUNK)],
                        out_c.at[pl.ds(cid * N_NODES + off, CNT_CHUNK)])


def _make_sc_agg(with_counts):
  mesh = plsc.VectorSubcoreMesh(
      core_axis_name="c", subcore_axis_name="s",
      num_cores=NUM_CORES, num_subcores=NUM_SUBCORES,
  )
  out_type = [jax.ShapeDtypeStruct((NUM_CORES, N_NODES, D), jnp.float32)]
  if with_counts:
    out_type.append(jax.ShapeDtypeStruct((NUM_CORES * N_NODES,), jnp.float32))
  scratch = []
  if with_counts:
    scratch += [
        pltpu.VMEM((CHUNK,), jnp.float32),
        pltpu.VMEM((CNT_PAD,), jnp.float32),
    ]
  scratch.append(pltpu.VMEM_SHARED((N_NODES, D), jnp.float32))
  if with_counts:
    scratch.append(pltpu.VMEM_SHARED((N_NODES,), jnp.float32))
  scratch += [pltpu.VMEM((CHUNK,), jnp.int32)] * NSRC
  scratch += [pltpu.VMEM((CHUNK,), jnp.int32)] * NBUF
  scratch += [pltpu.VMEM((CHUNK, D), jnp.float32)] * NBUF
  nsem = NSRC + 3 * NBUF + (NBUF if with_counts else 0)
  scratch += [pltpu.SemaphoreType.DMA] * nsem

  return pl.kernel(
      functools.partial(_sc_agg_body, with_counts),
      out_type=tuple(out_type) if with_counts else out_type[0],
      mesh=mesh,
      scratch_types=scratch,
  )


_sc_agg_with_counts = _make_sc_agg(True)
_sc_agg_no_counts = _make_sc_agg(False)

_DN_T = (((1,), (1,)), ((), ()))


def _mean(p_ref, c_ref):
  c = c_ref[0] + c_ref[1]
  inv = 1.0 / jnp.maximum(c, 1.0)
  return (p_ref[0] + p_ref[1]) * inv


def _tc_mm_body(x_ref, w_ref, o_ref):
  o_ref[...] = lax.dot_general(x_ref[...], w_ref[...], _DN_T,
                               preferred_element_type=jnp.float32)


def _tc_combine_body(relu, p_ref, c_ref, xr_ref, wl_ref, bl_ref, o_ref):
  acc = lax.dot_general(_mean(p_ref, c_ref), wl_ref[...], _DN_T,
                        preferred_element_type=jnp.float32)
  acc = acc + xr_ref[...] + bl_ref[...]
  if relu:
    acc = jnp.maximum(acc, 0.0)
  o_ref[...] = acc


_BLOCK = 2000
_NBLK = N_NODES // _BLOCK
_P_SPEC = pl.BlockSpec((NUM_CORES, _BLOCK, D), lambda i: (0, i, 0))
_C_SPEC = pl.BlockSpec((NUM_CORES, _BLOCK, 1), lambda i: (0, i, 0))
_V_SPEC = pl.BlockSpec((_BLOCK, D), lambda i: (i, 0))
_W_SPEC = pl.BlockSpec((D, D), lambda i: (0, 0))
_B_SPEC = pl.BlockSpec((1, D), lambda i: (0, 0))
_V_SHAPE = jax.ShapeDtypeStruct((N_NODES, D), jnp.float32)

_tc_mm = pl.pallas_call(
    _tc_mm_body,
    grid=(_NBLK,),
    in_specs=[_V_SPEC, _W_SPEC],
    out_specs=_V_SPEC,
    out_shape=_V_SHAPE,
)


def _make_tc_combine(relu):
  return pl.pallas_call(
      functools.partial(_tc_combine_body, relu),
      grid=(_NBLK,),
      in_specs=[_P_SPEC, _C_SPEC, _V_SPEC, _W_SPEC, _B_SPEC],
      out_specs=_V_SPEC,
      out_shape=_V_SHAPE,
  )


_tc_combine_relu = _make_tc_combine(True)
_tc_combine_lin = _make_tc_combine(False)


def kernel(x, edge_index, Wl1, bl1, Wr1, Wl2, bl2, Wr2):
  ei = edge_index.astype(jnp.int32).reshape(-1)

  xr1 = _tc_mm(x, Wr1)
  p1, cnt = _sc_agg_with_counts(x, ei)
  cnt3 = cnt.reshape(NUM_CORES, N_NODES, 1)
  h = _tc_combine_relu(p1, cnt3, xr1, Wl1, bl1.reshape(1, D))
  xr2 = _tc_mm(h, Wr2)
  p2 = _sc_agg_no_counts(h, ei)
  out = _tc_combine_lin(p2, cnt3, xr2, Wl2, bl2.reshape(1, D))
  return out

# --- scband reference (transcript-rebuilt; emitter-appended) ---
"""Pipeline reference for scband-graph-sagemodel-2001454760098 (READ-ONLY COPY).

The authoritative reference and input builder live on the scoring server;
editing this copy changes nothing except your own understanding.
"""

import jax, jax.numpy as jnp
import numpy as np

N_NODES = 10000
N_EDGES = 320000
D_IN = 128
D_HID = 128
D_OUT = 128


def setup_inputs(seed: int = 0) -> dict:
    key = jax.random.key(seed)
    ks = jax.random.split(key, 8)
    x = jax.random.normal(ks[0], (N_NODES, D_IN), dtype=jnp.float32)
    edge_index = jax.random.randint(ks[1], (2, N_EDGES), 0, N_NODES, dtype=jnp.int64)
    # SAGEConv layer 1: lin_l (neighbor aggregate, with bias), lin_r (root, no bias)
    Wl1 = jax.random.normal(ks[2], (D_HID, D_IN), dtype=jnp.float32) * 0.05
    bl1 = jnp.zeros((D_HID,), dtype=jnp.float32)
    Wr1 = jax.random.normal(ks[3], (D_HID, D_IN), dtype=jnp.float32) * 0.05
    # SAGEConv layer 2
    Wl2 = jax.random.normal(ks[4], (D_OUT, D_HID), dtype=jnp.float32) * 0.05
    bl2 = jnp.zeros((D_OUT,), dtype=jnp.float32)
    Wr2 = jax.random.normal(ks[5], (D_OUT, D_HID), dtype=jnp.float32) * 0.05
    return {
        "x": x,
        "edge_index": edge_index,
        "Wl1": Wl1, "bl1": bl1, "Wr1": Wr1,
        "Wl2": Wl2, "bl2": bl2, "Wr2": Wr2,
    }


def _sage_conv_mean(x, src, dst, Wl, bl, Wr, n_nodes):
    # mean aggregation of source-node features at destination nodes
    msg = jnp.take(x, src, axis=0)  # gather [E, d]
    agg = jax.ops.segment_sum(msg, dst, num_segments=n_nodes)  # scatter-add
    cnt = jax.ops.segment_sum(jnp.ones((src.shape[0], 1), dtype=x.dtype), dst, num_segments=n_nodes)
    mean = agg / jnp.clip(cnt, 1.0, None)
    # PyG SAGEConv: out = lin_l(aggr) + lin_r(x); bias lives in lin_l
    return mean @ Wl.T + bl + x @ Wr.T


def reference(x, edge_index, Wl1, bl1, Wr1, Wl2, bl2, Wr2):
    src = edge_index[0]
    dst = edge_index[1]
    h = _sage_conv_mean(x, src, dst, Wl1, bl1, Wr1, N_NODES)
    h = jax.nn.relu(h)
    # dropout is identity in eval mode
    out = _sage_conv_mean(h, src, dst, Wl2, bl2, Wr2, N_NODES)
    return out

if __name__ == "__main__":
    import jax
    _d = setup_inputs()
    print(jax.jit(kernel)(*tuple(_d.values())))

</pallas_src>

<mosaic_0001>
#map = affine_map<(d0, d1) -> (0, 0)>
#map1 = affine_map<(d0, d1) -> (0)>
#map2 = affine_map<(d0, d1) -> (0, 0, 0)>
module attributes {stable_mosaic.version = 14 : i64} {
  func.func @_sc_agg_body(%arg0: i32, %arg1: i32, %arg2: memref<10000x128xf32, #tpu.memory_space<hbm>>, %arg3: memref<640000xi32, #tpu.memory_space<hbm>>, %arg4: memref<2x10000x128xf32, #tpu.memory_space<hbm>>, %arg5: memref<20000xf32, #tpu.memory_space<hbm>>, %arg6: memref<80xf32, #tpu.memory_space<vmem>>, %arg7: memref<208xf32, #tpu.memory_space<vmem>>, %arg8: memref<10000x128xf32, #tpu.memory_space<vmem_shared>>, %arg9: memref<10000xf32, #tpu.memory_space<vmem_shared>>, %arg10: memref<80xi32, #tpu.memory_space<vmem>>, %arg11: memref<80xi32, #tpu.memory_space<vmem>>, %arg12: memref<80xi32, #tpu.memory_space<vmem>>, %arg13: memref<80xi32, #tpu.memory_space<vmem>>, %arg14: memref<80xi32, #tpu.memory_space<vmem>>, %arg15: memref<80xi32, #tpu.memory_space<vmem>>, %arg16: memref<80xi32, #tpu.memory_space<vmem>>, %arg17: memref<80xi32, #tpu.memory_space<vmem>>, %arg18: memref<80xi32, #tpu.memory_space<vmem>>, %arg19: memref<80xi32, #tpu.memory_space<vmem>>, %arg20: memref<80xi32, #tpu.memory_space<vmem>>, %arg21: memref<80xi32, #tpu.memory_space<vmem>>, %arg22: memref<80x128xf32, #tpu.memory_space<vmem>>, %arg23: memref<80x128xf32, #tpu.memory_space<vmem>>, %arg24: memref<80x128xf32, #tpu.memory_space<vmem>>, %arg25: memref<80x128xf32, #tpu.memory_space<vmem>>, %arg26: memref<!tpu.dma_semaphore, #tpu.memory_space<semaphore_mem>>, %arg27: memref<!tpu.dma_semaphore, #tpu.memory_space<semaphore_mem>>, %arg28: memref<!tpu.dma_semaphore, #tpu.memory_space<semaphore_mem>>, %arg29: memref<!tpu.dma_semaphore, #tpu.memory_space<semaphore_mem>>, %arg30: memref<!tpu.dma_semaphore, #tpu.memory_space<semaphore_mem>>, %arg31: memref<!tpu.dma_semaphore, #tpu.memory_space<semaphore_mem>>, %arg32: memref<!tpu.dma_semaphore, #tpu.memory_space<semaphore_mem>>, %arg33: memref<!tpu.dma_semaphore, #tpu.memory_space<semaphore_mem>>, %arg34: memref<!tpu.dma_semaphore, #tpu.memory_space<semaphore_mem>>, %arg35: memref<!tpu.dma_semaphore, #tpu.memory_space<semaphore_mem>>, %arg36: memref<!tpu.dma_semaphore, #tpu.memory_space<semaphore_mem>>, %arg37: memref<!tpu.dma_semaphore, #tpu.memory_space<semaphore_mem>>, %arg38: memref<!tpu.dma_semaphore, #tpu.memory_space<semaphore_mem>>, %arg39: memref<!tpu.dma_semaphore, #tpu.memory_space<semaphore_mem>>, %arg40: memref<!tpu.dma_semaphore, #tpu.memory_space<semaphore_mem>>, %arg41: memref<!tpu.dma_semaphore, #tpu.memory_space<semaphore_mem>>, %arg42: memref<!tpu.dma_semaphore, #tpu.memory_space<semaphore_mem>>, %arg43: memref<!tpu.dma_semaphore, #tpu.memory_space<semaphore_mem>>, %arg44: memref<!tpu.dma_semaphore, #tpu.memory_space<semaphore_mem>>, %arg45: memref<!tpu.dma_semaphore, #tpu.memory_space<semaphore_mem>>, %arg46: memref<!tpu.dma_semaphore, #tpu.memory_space<semaphore_mem>>, %arg47: memref<!tpu.dma_semaphore, #tpu.memory_space<semaphore_mem>>, %arg48: memref<!tpu.dma_semaphore, #tpu.memory_space<semaphore_mem>>, %arg49: memref<!tpu.dma_semaphore, #tpu.memory_space<semaphore_mem>>) attributes {dimension_semantics = [#tpu.dimension_semantics<core_parallel>, #tpu.dimension_semantics<subcore_parallel>], iteration_bounds = array<i64: 2, 16>, scalar_prefetch = 0 : i64, scratch_operands = 44 : i64, tpu.core_type = #tpu.core_type<sc_vector_subcore>, window_params = [{transform_indices = #map}, {transform_indices = #map1}, {transform_indices = #map2}, {transform_indices = #map1}]} {
    %mul3A = arith.constant 16 : i32
    %mul3A_0 = arith.muli %arg0, %mul3A : i32
    %add3A = arith.addi %mul3A_0, %arg1 : i32
    %mul3A_1 = arith.constant 10000 : i32
    %mul3A_2 = arith.muli %add3A, %mul3A_1 : i32
    %add3A_3 = arith.constant 0 : i32
    %add3A_4 = arith.addi %mul3A_2, %add3A_3 : i32
    %dma_start3A = tpu.memref_slice %arg3[%add3A_4] : memref<640000xi32, #tpu.memory_space<hbm>> -> memref<80xi32, #tpu.memory_space<hbm>>
    %dma_start3A_5 = tpu.memref_slice %arg3[%add3A_4] : memref<640000xi32, #tpu.memory_space<hbm>> -> memref<80xi32, #tpu.memory_space<hbm>>
    tpu.enqueue_dma source(%dma_start3A_5 : memref<80xi32, #tpu.memory_space<hbm>>) target(%arg10 : memref<80xi32, #tpu.memory_space<vmem>>) target_semaphore(%arg26 : memref<!tpu.dma_semaphore, #tpu.memory_space<semaphore_mem>>)
    %add3A_6 = arith.constant 80 : i32
    %add3A_7 = arith.addi %mul3A_2, %add3A_6 : i32
    %dma_start3A_8 = tpu.memref_slice %arg3[%add3A_7] : memref<640000xi32, #tpu.memory_space<hbm>> -> memref<80xi32, #tpu.memory_space<hbm>>
    %dma_start3A_9 = tpu.memref_slice %arg3[%add3A_7] : memref<640000xi32, #tpu.memory_space<hbm>> -> memref<80xi32, #tpu.memory_space<hbm>>
    tpu.enqueue_dma source(%dma_start3A_9 : memref<80xi32, #tpu.memory_space<hbm>>) target(%arg11 : memref<80xi32, #tpu.memory_space<vmem>>) target_semaphore(%arg27 : memref<!tpu.dma_semaphore, #tpu.memory_space<semaphore_mem>>)
    %add3A_10 = arith.constant 160 : i32
    %add3A_11 = arith.addi %mul3A_2, %add3A_10 : i32
    %dma_start3A_12 = tpu.memref_slice %arg3[%add3A_11] : memref<640000xi32, #tpu.memory_space<hbm>> -> memref<80xi32, #tpu.memory_space<hbm>>
    %dma_start3A_13 = tpu.memref_slice %arg3[%add3A_11] : memref<640000xi32, #tpu.memory_space<hbm>> -> memref<80xi32, #tpu.memory_space<hbm>>
    tpu.enqueue_dma source(%dma_start3A_13 : memref<80xi32, #tpu.memory_space<hbm>>) target(%arg12 : memref<80xi32, #tpu.memory_space<vmem>>) target_semaphore(%arg28 : memref<!tpu.dma_semaphore, #tpu.memory_space<semaphore_mem>>)
    %add3A_14 = arith.constant 240 : i32
    %add3A_15 = arith.addi %mul3A_2, %add3A_14 : i32
    %dma_start3A_16 = tpu.memref_slice %arg3[%add3A_15] : memref<640000xi32, #tpu.memory_space<hbm>> -> memref<80xi32, #tpu.memory_space<hbm>>
    %dma_start3A_17 = tpu.memref_slice %arg3[%add3A_15] : memref<640000xi32, #tpu.memory_space<hbm>> -> memref<80xi32, #tpu.memory_space<hbm>>
    tpu.enqueue_dma source(%dma_start3A_17 : memref<80xi32, #tpu.memory_space<hbm>>) target(%arg13 : memref<80xi32, #tpu.memory_space<vmem>>) target_semaphore(%arg29 : memref<!tpu.dma_semaphore, #tpu.memory_space<semaphore_mem>>)
    %add3A_18 = arith.constant 320000 : i32
    %add3A_19 = arith.addi %add3A_18, %mul3A_2 : i32
    %add3A_20 = arith.constant 0 : i32
    %add3A_21 = arith.addi %add3A_19, %add3A_20 : i32
    %dma_start3A_22 = tpu.memref_slice %arg3[%add3A_21] : memref<640000xi32, #tpu.memory_space<hbm>> -> memref<80xi32, #tpu.memory_space<hbm>>
    %dma_start3A_23 = tpu.memref_slice %arg3[%add3A_21] : memref<640000xi32, #tpu.memory_space<hbm>> -> memref<80xi32, #tpu.memory_space<hbm>>
    tpu.enqueue_dma source(%dma_start3A_23 : memref<80xi32, #tpu.memory_space<hbm>>) target(%arg18 : memref<80xi32, #tpu.memory_space<vmem>>) target_semaphore(%arg34 : memref<!tpu.dma_semaphore, #tpu.memory_space<semaphore_mem>>)
    %add3A_24 = arith.constant 320000 : i32
    %add3A_25 = arith.addi %add3A_24, %mul3A_2 : i32
    %add3A_26 = arith.constant 80 : i32
    %add3A_27 = arith.addi %add3A_25, %add3A_26 : i32
    %dma_start3A_28 = tpu.memref_slice %arg3[%add3A_27] : memref<640000xi32, #tpu.memory_space<hbm>> -> memref<80xi32, #tpu.memory_space<hbm>>
    %dma_start3A_29 = tpu.memref_slice %arg3[%add3A_27] : memref<640000xi32, #tpu.memory_space<hbm>> -> memref<80xi32, #tpu.memory_space<hbm>>
    tpu.enqueue_dma source(%dma_start3A_29 : memref<80xi32, #tpu.memory_space<hbm>>) target(%arg19 : memref<80xi32, #tpu.memory_space<vmem>>) target_semaphore(%arg35 : memref<!tpu.dma_semaphore, #tpu.memory_space<semaphore_mem>>)
    %add3A_30 = arith.constant 320000 : i32
    %add3A_31 = arith.addi %add3A_30, %mul3A_2 : i32
    %add3A_32 = arith.constant 160 : i32
    %add3A_33 = arith.addi %add3A_31, %add3A_32 : i32
    %dma_start3A_34 = tpu.memref_slice %arg3[%add3A_33] : memref<640000xi32, #tpu.memory_space<hbm>> -> memref<80xi32, #tpu.memory_space<hbm>>
    %dma_start3A_35 = tpu.memref_slice %arg3[%add3A_33] : memref<640000xi32, #tpu.memory_space<hbm>> -> memref<80xi32, #tpu.memory_space<hbm>>
    tpu.enqueue_dma source(%dma_start3A_35 : memref<80xi32, #tpu.memory_space<hbm>>) target(%arg20 : memref<80xi32, #tpu.memory_space<vmem>>) target_semaphore(%arg36 : memref<!tpu.dma_semaphore, #tpu.memory_space<semaphore_mem>>)
    %dma_wait3A = arith.constant 0 : i32
    %dma_wait3A_36 = tpu.memref_slice %arg3[%dma_wait3A] : memref<640000xi32, #tpu.memory_space<hbm>> -> memref<80xi32, #tpu.memory_space<hbm>>
    %dma_wait3A_37 = arith.constant 0 : i32
    %dma_wait3A_38 = tpu.memref_slice %arg3[%dma_wait3A_37] : memref<640000xi32, #tpu.memory_space<hbm>> -> memref<80xi32, #tpu.memory_space<hbm>>
    tpu.wait_dma2 semaphore(%arg26 : memref<!tpu.dma_semaphore, #tpu.memory_space<semaphore_mem>>) src(%dma_wait3A_38 : memref<80xi32, #tpu.memory_space<hbm>>) dst(%arg10 : memref<80xi32, #tpu.memory_space<vmem>>)
    %dma_start3A_39 = arith.constant 0 : i32
    %dma_start3A_40 = arith.constant 0 : i32
    %dma_start3A_41 = tpu.memref_slice %arg2[%dma_start3A_39, %dma_start3A_40] : memref<10000x128xf32, #tpu.memory_space<hbm>> -> memref<10000x128xf32, #tpu.memory_space<hbm>>
    tpu.enqueue_indirect_dma source(%dma_start3A_41 : memref<10000x128xf32, #tpu.memory_space<hbm>>) target(%arg22 : memref<80x128xf32, #tpu.memory_space<vmem>>) offsets(%arg10 : memref<80xi32, #tpu.memory_space<vmem>>) semaphore(%arg38 : memref<!tpu.dma_semaphore, #tpu.memory_space<semaphore_mem>>)
    %dma_wait3A_42 = arith.constant 0 : i32
    %dma_wait3A_43 = tpu.memref_slice %arg3[%dma_wait3A_42] : memref<640000xi32, #tpu.memory_space<hbm>> -> memref<80xi32, #tpu.memory_space<hbm>>
    %dma_wait3A_44 = arith.constant 0 : i32
    %dma_wait3A_45 = tpu.memref_slice %arg3[%dma_wait3A_44] : memref<640000xi32, #tpu.memory_space<hbm>> -> memref<80xi32, #tpu.memory_space<hbm>>
    tpu.wait_dma2 semaphore(%arg27 : memref<!tpu.dma_semaphore, #tpu.memory_space<semaphore_mem>>) src(%dma_wait3A_45 : memref<80xi32, #tpu.memory_space<hbm>>) dst(%arg11 : memref<80xi32, #tpu.memory_space<vmem>>)
    %dma_start3A_46 = arith.constant 0 : i32
    %dma_start3A_47 = arith.constant 0 : i32
    %dma_start3A_48 = tpu.memref_slice %arg2[%dma_start3A_46, %dma_start3A_47] : memref<10000x128xf32, #tpu.memory_space<hbm>> -> memref<10000x128xf32, #tpu.memory_space<hbm>>
    tpu.enqueue_indirect_dma source(%dma_start3A_48 : memref<10000x128xf32, #tpu.memory_space<hbm>>) target(%arg23 : memref<80x128xf32, #tpu.memory_space<vmem>>) offsets(%arg11 : memref<80xi32, #tpu.memory_space<vmem>>) semaphore(%arg39 : memref<!tpu.dma_semaphore, #tpu.memory_space<semaphore_mem>>)
    %dma_wait3A_49 = arith.constant 0 : i32
    %dma_wait3A_50 = tpu.memref_slice %arg3[%dma_wait3A_49] : memref<640000xi32, #tpu.memory_space<hbm>> -> memref<80xi32, #tpu.memory_space<hbm>>
    %dma_wait3A_51 = arith.constant 0 : i32
    %dma_wait3A_52 = tpu.memref_slice %arg3[%dma_wait3A_51] : memref<640000xi32, #tpu.memory_space<hbm>> -> memref<80xi32, #tpu.memory_space<hbm>>
    tpu.wait_dma2 semaphore(%arg28 : memref<!tpu.dma_semaphore, #tpu.memory_space<semaphore_mem>>) src(%dma_wait3A_52 : memref<80xi32, #tpu.memory_space<hbm>>) dst(%arg12 : memref<80xi32, #tpu.memory_space<vmem>>)
    %dma_start3A_53 = arith.constant 0 : i32
    %dma_start3A_54 = arith.constant 0 : i32
    %dma_start3A_55 = tpu.memref_slice %arg2[%dma_start3A_53, %dma_start3A_54] : memref<10000x128xf32, #tpu.memory_space<hbm>> -> memref<10000x128xf32, #tpu.memory_space<hbm>>
    tpu.enqueue_indirect_dma source(%dma_start3A_55 : memref<10000x128xf32, #tpu.memory_space<hbm>>) target(%arg24 : memref<80x128xf32, #tpu.memory_space<vmem>>) offsets(%arg12 : memref<80xi32, #tpu.memory_space<vmem>>) semaphore(%arg40 : memref<!tpu.dma_semaphore, #tpu.memory_space<semaphore_mem>>)
    %broadcast_in_dim3A = arith.constant 0.000000e+00 : f32
    %broadcast_in_dim3A_56 = vector.broadcast %broadcast_in_dim3A : f32 to vector<16xf32>
    %scan3A = arith.constant 0 : i32
    %scan3A_57 = arith.constant 0 : i32
    %scan3A_58 = arith.constant 80 : i32
    %scan3A_59 = arith.addi %scan3A_57, %scan3A_58 : i32
    %scan3A_60 = arith.constant 1 : i32
    %scan3A_61 = scf.for %scan3A_286 = %scan3A_57 to %scan3A_59 step %scan3A_60 iter_args(%scan3A_287 = %scan3A) -> (i32)  : i32 {
      %swap3A_288 = arith.index_cast %scan3A_286 : i32 to index
      %swap3A_289 = arith.constant 0 : index
      %swap3A_290 = tpu.vector_load %arg25[%swap3A_288, %swap3A_289] {strides = array<i32>} : memref<80x128xf32, #tpu.memory_space<vmem>>, vector<1x16xf32>,
      %swap3A_291 = vector.shape_cast %swap3A_290 : vector<1x16xf32> to vector<16xf32>
      %swap3A_292 = vector.shape_cast %broadcast_in_dim3A_56 : vector<16xf32> to vector<1x16xf32>
      tpu.vector_store %arg25[%swap3A_288, %swap3A_289], %swap3A_292 {strides = array<i32>} : memref<80x128xf32, #tpu.memory_space<vmem>>, vector<1x16xf32>,
      %swap3A_293 = arith.index_cast %scan3A_286 : i32 to index
      %swap3A_294 = arith.constant 16 : index
      %swap3A_295 = tpu.vector_load %arg25[%swap3A_293, %swap3A_294] {strides = array<i32>} : memref<80x128xf32, #tpu.memory_space<vmem>>, vector<1x16xf32>,
      %swap3A_296 = vector.shape_cast %swap3A_295 : vector<1x16xf32> to vector<16xf32>
      %swap3A_297 = vector.shape_cast %broadcast_in_dim3A_56 : vector<16xf32> to vector<1x16xf32>
      tpu.vector_store %arg25[%swap3A_293, %swap3A_294], %swap3A_297 {strides = array<i32>} : memref<80x128xf32, #tpu.memory_space<vmem>>, vector<1x16xf32>,
      %swap3A_298 = arith.index_cast %scan3A_286 : i32 to index
      %swap3A_299 = arith.constant 32 : index
      %swap3A_300 = tpu.vector_load %arg25[%swap3A_298, %swap3A_299] {strides = array<i32>} : memref<80x128xf32, #tpu.memory_space<vmem>>, vector<1x16xf32>,
      %swap3A_301 = vector.shape_cast %swap3A_300 : vector<1x16xf32> to vector<16xf32>
      %swap3A_302 = vector.shape_cast %broadcast_in_dim3A_56 : vector<16xf32> to vector<1x16xf32>
      tpu.vector_store %arg25[%swap3A_298, %swap3A_299], %swap3A_302 {strides = array<i32>} : memref<80x128xf32, #tpu.memory_space<vmem>>, vector<1x16xf32>,
      %swap3A_303 = arith.index_cast %scan3A_286 : i32 to index
      %swap3A_304 = arith.constant 48 : index
      %swap3A_305 = tpu.vector_load %arg25[%swap3A_303, %swap3A_304] {strides = array<i32>} : memref<80x128xf32, #tpu.memory_space<vmem>>, vector<1x16xf32>,
      %swap3A_306 = vector.shape_cast %swap3A_305 : vector<1x16xf32> to vector<16xf32>
      %swap3A_307 = vector.shape_cast %broadcast_in_dim3A_56 : vector<16xf32> to vector<1x16xf32>
      tpu.vector_store %arg25[%swap3A_303, %swap3A_304], %swap3A_307 {strides = array<i32>} : memref<80x128xf32, #tpu.memory_space<vmem>>, vector<1x16xf32>,
      %swap3A_308 = arith.index_cast %scan3A_286 : i32 to index
      %swap3A_309 = arith.constant 64 : index
      %swap3A_310 = tpu.vector_load %arg25[%swap3A_308, %swap3A_309] {strides = array<i32>} : memref<80x128xf32, #tpu.memory_space<vmem>>, vector<1x16xf32>,
      %swap3A_311 = vector.shape_cast %swap3A_310 : vector<1x16xf32> to vector<16xf32>
      %swap3A_312 = vector.shape_cast %broadcast_in_dim3A_56 : vector<16xf32> to vector<1x16xf32>
      tpu.vector_store %arg25[%swap3A_308, %swap3A_309], %swap3A_312 {strides = array<i32>} : memref<80x128xf32, #tpu.memory_space<vmem>>, vector<1x16xf32>,
      %swap3A_313 = arith.index_cast %scan3A_286 : i32 to index
      %swap3A_314 = arith.constant 80 : index
      %swap3A_315 = tpu.vector_load %arg25[%swap3A_313, %swap3A_314] {strides = array<i32>} : memref<80x128xf32, #tpu.memory_space<vmem>>, vector<1x16xf32>,
      %swap3A_316 = vector.shape_cast %swap3A_315 : vector<1x16xf32> to vector<16xf32>
      %swap3A_317 = vector.shape_cast %broadcast_in_dim3A_56 : vector<16xf32> to vector<1x16xf32>
      tpu.vector_store %arg25[%swap3A_313, %swap3A_314], %swap3A_317 {strides = array<i32>} : memref<80x128xf32, #tpu.memory_space<vmem>>, vector<1x16xf32>,
      %swap3A_318 = arith.index_cast %scan3A_286 : i32 to index
      %swap3A_319 = arith.constant 96 : index
      %swap3A_320 = tpu.vector_load %arg25[%swap3A_318, %swap3A_319] {strides = array<i32>} : memref<80x128xf32, #tpu.memory_space<vmem>>, vector<1x16xf32>,
      %swap3A_321 = vector.shape_cast %swap3A_320 : vector<1x16xf32> to vector<16xf32>
      %swap3A_322 = vector.shape_cast %broadcast_in_dim3A_56 : vector<16xf32> to vector<1x16xf32>
      tpu.vector_store %arg25[%swap3A_318, %swap3A_319], %swap3A_322 {strides = array<i32>} : memref<80x128xf32, #tpu.memory_space<vmem>>, vector<1x16xf32>,
      %swap3A_323 = arith.index_cast %scan3A_286 : i32 to index
      %swap3A_324 = arith.constant 112 : index
      %swap3A_325 = tpu.vector_load %arg25[%swap3A_323, %swap3A_324] {strides = array<i32>} : memref<80x128xf32, #tpu.memory_space<vmem>>, vector<1x16xf32>,
      %swap3A_326 = vector.shape_cast %swap3A_325 : vector<1x16xf32> to vector<16xf32>
      %swap3A_327 = vector.shape_cast %broadcast_in_dim3A_56 : vector<16xf32> to vector<1x16xf32>
      tpu.vector_store %arg25[%swap3A_323, %swap3A_324], %swap3A_327 {strides = array<i32>} : memref<80x128xf32, #tpu.memory_space<vmem>>, vector<1x16xf32>,
      %scan3A_328 = arith.constant 0 : i32
      scf.yield %scan3A_328 : i32
    }
    %scan3A_62 = arith.constant 80 : i32
    %lt3A = arith.constant 10 : i32
    %lt3A_63 = arith.cmpi slt, %arg1, %lt3A : i32
    %convert_element_type3A = arith.extui %lt3A_63 : i1 to i32
    %cond3A = arith.constant 0 : i32
    %cond3A_64 = arith.cmpi ne, %convert_element_type3A, %cond3A : i32
    scf.if %cond3A_64 {
      %mul3A_286 = arith.constant 1000 : i32
      %mul3A_287 = arith.muli %arg1, %mul3A_286 : i32
      %add3A_288 = arith.constant 0 : i32
      %add3A_289 = arith.addi %mul3A_287, %add3A_288 : i32
      "tpu.region"() ({
        %run_scoped3A = tpu.sem_alloc : memref<!tpu.dma_semaphore, #tpu.memory_space<semaphore_mem>>
        %dma_start3A_339 = arith.constant 0 : i32
        %dma_start3A_340 = tpu.memref_slice %arg8[%add3A_289, %dma_start3A_339] : memref<10000x128xf32, #tpu.memory_space<vmem_shared>> -> memref<80x128xf32, #tpu.memory_space<vmem_shared>>
        %dma_start3A_341 = arith.constant 0 : i32
        %dma_start3A_342 = tpu.memref_slice %arg8[%add3A_289, %dma_start3A_341] : memref<10000x128xf32, #tpu.memory_space<vmem_shared>> -> memref<80x128xf32, #tpu.memory_space<vmem_shared>>
        tpu.enqueue_dma source(%arg25 : memref<80x128xf32, #tpu.memory_space<vmem>>) target(%dma_start3A_342 : memref<80x128xf32, #tpu.memory_space<vmem_shared>>) target_semaphore(%run_scoped3A : memref<!tpu.dma_semaphore, #tpu.memory_space<semaphore_mem>>)
        %dma_wait3A_343 = arith.constant 0 : i32
        %dma_wait3A_344 = tpu.memref_slice %arg8[%add3A_289, %dma_wait3A_343] : memref<10000x128xf32, #tpu.memory_space<vmem_shared>> -> memref<80x128xf32, #tpu.memory_space<vmem_shared>>
        %dma_wait3A_345 = arith.constant 0 : i32
        %dma_wait3A_346 = tpu.memref_slice %arg8[%add3A_289, %dma_wait3A_345] : memref<10000x128xf32, #tpu.memory_space<vmem_shared>> -> memref<80x128xf32, #tpu.memory_space<vmem_shared>>
        tpu.wait_dma2 semaphore(%run_scoped3A : memref<!tpu.dma_semaphore, #tpu.memory_space<semaphore_mem>>) src(%arg25 : memref<80x128xf32, #tpu.memory_space<vmem>>) dst(%dma_wait3A_346 : memref<80x128xf32, #tpu.memory_space<vmem_shared>>)
        tpu.yield
      }) : () -> ()
      %mul3A_290 = arith.constant 1000 : i32
      %mul3A_291 = arith.muli %arg1, %mul3A_290 : i32
      %add3A_292 = arith.constant 80 : i32
      %add3A_293 = arith.addi %mul3A_291, %add3A_292 : i32
      "tpu.region"() ({
        %run_scoped3A = tpu.sem_alloc : memref<!tpu.dma_semaphore, #tpu.memory_space<semaphore_mem>>
        %dma_start3A_339 = arith.constant 0 : i32
        %dma_start3A_340 = tpu.memref_slice %arg8[%add3A_293, %dma_start3A_339] : memref<10000x128xf32, #tpu.memory_space<vmem_shared>> -> memref<80x128xf32, #tpu.memory_space<vmem_shared>>
        %dma_start3A_341 = arith.constant 0 : i32
        %dma_start3A_342 = tpu.memref_slice %arg8[%add3A_293, %dma_start3A_341] : memref<10000x128xf32, #tpu.memory_space<vmem_shared>> -> memref<80x128xf32, #tpu.memory_space<vmem_shared>>
        tpu.enqueue_dma source(%arg25 : memref<80x128xf32, #tpu.memory_space<vmem>>) target(%dma_start3A_342 : memref<80x128xf32, #tpu.memory_space<vmem_shared>>) target_semaphore(%run_scoped3A : memref<!tpu.dma_semaphore, #tpu.memory_space<semaphore_mem>>)
        %dma_wait3A_343 = arith.constant 0 : i32
        %dma_wait3A_344 = tpu.memref_slice %arg8[%add3A_293, %dma_wait3A_343] : memref<10000x128xf32, #tpu.memory_space<vmem_shared>> -> memref<80x128xf32, #tpu.memory_space<vmem_shared>>
        %dma_wait3A_345 = arith.constant 0 : i32
        %dma_wait3A_346 = tpu.memref_slice %arg8[%add3A_293, %dma_wait3A_345] : memref<10000x128xf32, #tpu.memory_space<vmem_shared>> -> memref<80x128xf32, #tpu.memory_space<vmem_shared>>
        tpu.wait_dma2 semaphore(%run_scoped3A : memref<!tpu.dma_semaphore, #tpu.memory_space<semaphore_mem>>) src(%arg25 : memref<80x128xf32, #tpu.memory_space<vmem>>) dst(%dma_wait3A_346 : memref<80x128xf32, #tpu.memory_space<vmem_shared>>)
        tpu.yield
      }) : () -> ()
      %mul3A_294 = arith.constant 1000 : i32
      %mul3A_295 = arith.muli %arg1, %mul3A_294 : i32
      %add3A_296 = arith.constant 160 : i32
      %add3A_297 = arith.addi %mul3A_295, %add3A_296 : i32
      "tpu.region"() ({
        %run_scoped3A = tpu.sem_alloc : memref<!tpu.dma_semaphore, #tpu.memory_space<semaphore_mem>>
        %dma_start3A_339 = arith.constant 0 : i32
        %dma_start3A_340 = tpu.memref_slice %arg8[%add3A_297, %dma_start3A_339] : memref<10000x128xf32, #tpu.memory_space<vmem_shared>> -> memref<80x128xf32, #tpu.memory_space<vmem_shared>>
        %dma_start3A_341 = arith.constant 0 : i32
        %dma_start3A_342 = tpu.memref_slice %arg8[%add3A_297, %dma_start3A_341] : memref<10000x128xf32, #tpu.memory_space<vmem_shared>> -> memref<80x128xf32, #tpu.memory_space<vmem_shared>>
        tpu.enqueue_dma source(%arg25 : memref<80x128xf32, #tpu.memory_space<vmem>>) target(%dma_start3A_342 : memref<80x128xf32, #tpu.memory_space<vmem_shared>>) target_semaphore(%run_scoped3A : memref<!tpu.dma_semaphore, #tpu.memory_space<semaphore_mem>>)
        %dma_wait3A_343 = arith.constant 0 : i32
        %dma_wait3A_344 = tpu.memref_slice %arg8[%add3A_297, %dma_wait3A_343] : memref<10000x128xf32, #tpu.memory_space<vmem_shared>> -> memref<80x128xf32, #tpu.memory_space<vmem_shared>>
        %dma_wait3A_345 = arith.constant 0 : i32
        %dma_wait3A_346 = tpu.memref_slice %arg8[%add3A_297, %dma_wait3A_345] : memref<10000x128xf32, #tpu.memory_space<vmem_shared>> -> memref<80x128xf32, #tpu.memory_space<vmem_shared>>
        tpu.wait_dma2 semaphore(%run_scoped3A : memref<!tpu.dma_semaphore, #tpu.memory_space<semaphore_mem>>) src(%arg25 : memref<80x128xf32, #tpu.memory_space<vmem>>) dst(%dma_wait3A_346 : memref<80x128xf32, #tpu.memory_space<vmem_shared>>)
        tpu.yield
      }) : () -> ()
      %mul3A_298 = arith.constant 1000 : i32
      %mul3A_299 = arith.muli %arg1, %mul3A_298 : i32
      %add3A_300 = arith.constant 240 : i32
      %add3A_301 = arith.addi %mul3A_299, %add3A_300 : i32
      "tpu.region"() ({
        %run_scoped3A = tpu.sem_alloc : memref<!tpu.dma_semaphore, #tpu.memory_space<semaphore_mem>>
        %dma_start3A_339 = arith.constant 0 : i32
        %dma_start3A_340 = tpu.memref_slice %arg8[%add3A_301, %dma_start3A_339] : memref<10000x128xf32, #tpu.memory_space<vmem_shared>> -> memref<80x128xf32, #tpu.memory_space<vmem_shared>>
        %dma_start3A_341 = arith.constant 0 : i32
        %dma_start3A_342 = tpu.memref_slice %arg8[%add3A_301, %dma_start3A_341] : memref<10000x128xf32, #tpu.memory_space<vmem_shared>> -> memref<80x128xf32, #tpu.memory_space<vmem_shared>>
        tpu.enqueue_dma source(%arg25 : memref<80x128xf32, #tpu.memory_space<vmem>>) target(%dma_start3A_342 : memref<80x128xf32, #tpu.memory_space<vmem_shared>>) target_semaphore(%run_scoped3A : memref<!tpu.dma_semaphore, #tpu.memory_space<semaphore_mem>>)
        %dma_wait3A_343 = arith.constant 0 : i32
        %dma_wait3A_344 = tpu.memref_slice %arg8[%add3A_301, %dma_wait3A_343] : memref<10000x128xf32, #tpu.memory_space<vmem_shared>> -> memref<80x128xf32, #tpu.memory_space<vmem_shared>>
        %dma_wait3A_345 = arith.constant 0 : i32
        %dma_wait3A_346 = tpu.memref_slice %arg8[%add3A_301, %dma_wait3A_345] : memref<10000x128xf32, #tpu.memory_space<vmem_shared>> -> memref<80x128xf32, #tpu.memory_space<vmem_shared>>
        tpu.wait_dma2 semaphore(%run_scoped3A : memref<!tpu.dma_semaphore, #tpu.memory_space<semaphore_mem>>) src(%arg25 : memref<80x128xf32, #tpu.memory_space<vmem>>) dst(%dma_wait3A_346 : memref<80x128xf32, #tpu.memory_space<vmem_shared>>)
        tpu.yield
      }) : () -> ()
      %mul3A_302 = arith.constant 1000 : i32
      %mul3A_303 = arith.muli %arg1, %mul3A_302 : i32
      %add3A_304 = arith.constant 320 : i32
      %add3A_305 = arith.addi %mul3A_303, %add3A_304 : i32
      "tpu.region"() ({
        %run_scoped3A = tpu.sem_alloc : memref<!tpu.dma_semaphore, #tpu.memory_space<semaphore_mem>>
        %dma_start3A_339 = arith.constant 0 : i32
        %dma_start3A_340 = tpu.memref_slice %arg8[%add3A_305, %dma_start3A_339] : memref<10000x128xf32, #tpu.memory_space<vmem_shared>> -> memref<80x128xf32, #tpu.memory_space<vmem_shared>>
        %dma_start3A_341 = arith.constant 0 : i32
        %dma_start3A_342 = tpu.memref_slice %arg8[%add3A_305, %dma_start3A_341] : memref<10000x128xf32, #tpu.memory_space<vmem_shared>> -> memref<80x128xf32, #tpu.memory_space<vmem_shared>>
        tpu.enqueue_dma source(%arg25 : memref<80x128xf32, #tpu.memory_space<vmem>>) target(%dma_start3A_342 : memref<80x128xf32, #tpu.memory_space<vmem_shared>>) target_semaphore(%run_scoped3A : memref<!tpu.dma_semaphore, #tpu.memory_space<semaphore_mem>>)
        %dma_wait3A_343 = arith.constant 0 : i32
        %dma_wait3A_344 = tpu.memref_slice %arg8[%add3A_305, %dma_wait3A_343] : memref<10000x128xf32, #tpu.memory_space<vmem_shared>> -> memref<80x128xf32, #tpu.memory_space<vmem_shared>>
        %dma_wait3A_345 = arith.constant 0 : i32
        %dma_wait3A_346 = tpu.memref_slice %arg8[%add3A_305, %dma_wait3A_345] : memref<10000x128xf32, #tpu.memory_space<vmem_shared>> -> memref<80x128xf32, #tpu.memory_space<vmem_shared>>
        tpu.wait_dma2 semaphore(%run_scoped3A : memref<!tpu.dma_semaphore, #tpu.memory_space<semaphore_mem>>) src(%arg25 : memref<80x128xf32, #tpu.memory_space<vmem>>) dst(%dma_wait3A_346 : memref<80x128xf32, #tpu.memory_space<vmem_shared>>)
        tpu.yield
      }) : () -> ()
      %mul3A_306 = arith.constant 1000 : i32
      %mul3A_307 = arith.muli %arg1, %mul3A_306 : i32
      %add3A_308 = arith.constant 400 : i32
      %add3A_309 = arith.addi %mul3A_307, %add3A_308 : i32
      "tpu.region"() ({
        %run_scoped3A = tpu.sem_alloc : memref<!tpu.dma_semaphore, #tpu.memory_space<semaphore_mem>>
        %dma_start3A_339 = arith.constant 0 : i32
        %dma_start3A_340 = tpu.memref_slice %arg8[%add3A_309, %dma_start3A_339] : memref<10000x128xf32, #tpu.memory_space<vmem_shared>> -> memref<80x128xf32, #tpu.memory_space<vmem_shared>>
        %dma_start3A_341 = arith.constant 0 : i32
        %dma_start3A_342 = tpu.memref_slice %arg8[%add3A_309, %dma_start3A_341] : memref<10000x128xf32, #tpu.memory_space<vmem_shared>> -> memref<80x128xf32, #tpu.memory_space<vmem_shared>>
        tpu.enqueue_dma source(%arg25 : memref<80x128xf32, #tpu.memory_space<vmem>>) target(%dma_start3A_342 : memref<80x128xf32, #tpu.memory_space<vmem_shared>>) target_semaphore(%run_scoped3A : memref<!tpu.dma_semaphore, #tpu.memory_space<semaphore_mem>>)
        %dma_wait3A_343 = arith.constant 0 : i32
        %dma_wait3A_344 = tpu.memref_slice %arg8[%add3A_309, %dma_wait3A_343] : memref<10000x128xf32, #tpu.memory_space<vmem_shared>> -> memref<80x128xf32, #tpu.memory_space<vmem_shared>>
        %dma_wait3A_345 = arith.constant 0 : i32
        %dma_wait3A_346 = tpu.memref_slice %arg8[%add3A_309, %dma_wait3A_345] : memref<10000x128xf32, #tpu.memory_space<vmem_shared>> -> memref<80x128xf32, #tpu.memory_space<vmem_shared>>
        tpu.wait_dma2 semaphore(%run_scoped3A : memref<!tpu.dma_semaphore, #tpu.memory_space<semaphore_mem>>) src(%arg25 : memref<80x128xf32, #tpu.memory_space<vmem>>) dst(%dma_wait3A_346 : memref<80x128xf32, #tpu.memory_space<vmem_shared>>)
        tpu.yield
      }) : () -> ()
      %mul3A_310 = arith.constant 1000 : i32
      %mul3A_311 = arith.muli %arg1, %mul3A_310 : i32
      %add3A_312 = arith.constant 480 : i32
      %add3A_313 = arith.addi %mul3A_311, %add3A_312 : i32
      "tpu.region"() ({
        %run_scoped3A = tpu.sem_alloc : memref<!tpu.dma_semaphore, #tpu.memory_space<semaphore_mem>>
        %dma_start3A_339 = arith.constant 0 : i32
        %dma_start3A_340 = tpu.memref_slice %arg8[%add3A_313, %dma_start3A_339] : memref<10000x128xf32, #tpu.memory_space<vmem_shared>> -> memref<80x128xf32, #tpu.memory_space<vmem_shared>>
        %dma_start3A_341 = arith.constant 0 : i32
        %dma_start3A_342 = tpu.memref_slice %arg8[%add3A_313, %dma_start3A_341] : memref<10000x128xf32, #tpu.memory_space<vmem_shared>> -> memref<80x128xf32, #tpu.memory_space<vmem_shared>>
        tpu.enqueue_dma source(%arg25 : memref<80x128xf32, #tpu.memory_space<vmem>>) target(%dma_start3A_342 : memref<80x128xf32, #tpu.memory_space<vmem_shared>>) target_semaphore(%run_scoped3A : memref<!tpu.dma_semaphore, #tpu.memory_space<semaphore_mem>>)
        %dma_wait3A_343 = arith.constant 0 : i32
        %dma_wait3A_344 = tpu.memref_slice %arg8[%add3A_313, %dma_wait3A_343] : memref<10000x128xf32, #tpu.memory_space<vmem_shared>> -> memref<80x128xf32, #tpu.memory_space<vmem_shared>>
        %dma_wait3A_345 = arith.constant 0 : i32
        %dma_wait3A_346 = tpu.memref_slice %arg8[%add3A_313, %dma_wait3A_345] : memref<10000x128xf32, #tpu.memory_space<vmem_shared>> -> memref<80x128xf32, #tpu.memory_space<vmem_shared>>
        tpu.wait_dma2 semaphore(%run_scoped3A : memref<!tpu.dma_semaphore, #tpu.memory_space<semaphore_mem>>) src(%arg25 : memref<80x128xf32, #tpu.memory_space<vmem>>) dst(%dma_wait3A_346 : memref<80x128xf32, #tpu.memory_space<vmem_shared>>)
        tpu.yield
      }) : () -> ()
      %mul3A_314 = arith.constant 1000 : i32
      %mul3A_315 = arith.muli %arg1, %mul3A_314 : i32
      %add3A_316 = arith.constant 560 : i32
      %add3A_317 = arith.addi %mul3A_315, %add3A_316 : i32
      "tpu.region"() ({
        %run_scoped3A = tpu.sem_alloc : memref<!tpu.dma_semaphore, #tpu.memory_space<semaphore_mem>>
        %dma_start3A_339 = arith.constant 0 : i32
        %dma_start3A_340 = tpu.memref_slice %arg8[%add3A_317, %dma_start3A_339] : memref<10000x128xf32, #tpu.memory_space<vmem_shared>> -> memref<80x128xf32, #tpu.memory_space<vmem_shared>>
        %dma_start3A_341 = arith.constant 0 : i32
        %dma_start3A_342 = tpu.memref_slice %arg8[%add3A_317, %dma_start3A_341] : memref<10000x128xf32, #tpu.memory_space<vmem_shared>> -> memref<80x128xf32, #tpu.memory_space<vmem_shared>>
        tpu.enqueue_dma source(%arg25 : memref<80x128xf32, #tpu.memory_space<vmem>>) target(%dma_start3A_342 : memref<80x128xf32, #tpu.memory_space<vmem_shared>>) target_semaphore(%run_scoped3A : memref<!tpu.dma_semaphore, #tpu.memory_space<semaphore_mem>>)
        %dma_wait3A_343 = arith.constant 0 : i32
        %dma_wait3A_344 = tpu.memref_slice %arg8[%add3A_317, %dma_wait3A_343] : memref<10000x128xf32, #tpu.memory_space<vmem_shared>> -> memref<80x128xf32, #tpu.memory_space<vmem_shared>>
        %dma_wait3A_345 = arith.constant 0 : i32
        %dma_wait3A_346 = tpu.memref_slice %arg8[%add3A_317, %dma_wait3A_345] : memref<10000x128xf32, #tpu.memory_space<vmem_shared>> -> memref<80x128xf32, #tpu.memory_space<vmem_shared>>
        tpu.wait_dma2 semaphore(%run_scoped3A : memref<!tpu.dma_semaphore, #tpu.memory_space<semaphore_mem>>) src(%arg25 : memref<80x128xf32, #tpu.memory_space<vmem>>) dst(%dma_wait3A_346 : memref<80x128xf32, #tpu.memory_space<vmem_shared>>)
        tpu.yield
      }) : () -> ()
      %mul3A_318 = arith.constant 1000 : i32
      %mul3A_319 = arith.muli %arg1, %mul3A_318 : i32
      %add3A_320 = arith.constant 640 : i32
      %add3A_321 = arith.addi %mul3A_319, %add3A_320 : i32
      "tpu.region"() ({
        %run_scoped3A = tpu.sem_alloc : memref<!tpu.dma_semaphore, #tpu.memory_space<semaphore_mem>>
        %dma_start3A_339 = arith.constant 0 : i32
        %dma_start3A_340 = tpu.memref_slice %arg8[%add3A_321, %dma_start3A_339] : memref<10000x128xf32, #tpu.memory_space<vmem_shared>> -> memref<80x128xf32, #tpu.memory_space<vmem_shared>>
        %dma_start3A_341 = arith.constant 0 : i32
        %dma_start3A_342 = tpu.memref_slice %arg8[%add3A_321, %dma_start3A_341] : memref<10000x128xf32, #tpu.memory_space<vmem_shared>> -> memref<80x128xf32, #tpu.memory_space<vmem_shared>>
        tpu.enqueue_dma source(%arg25 : memref<80x128xf32, #tpu.memory_space<vmem>>) target(%dma_start3A_342 : memref<80x128xf32, #tpu.memory_space<vmem_shared>>) target_semaphore(%run_scoped3A : memref<!tpu.dma_semaphore, #tpu.memory_space<semaphore_mem>>)
        %dma_wait3A_343 = arith.constant 0 : i32
        %dma_wait3A_344 = tpu.memref_slice %arg8[%add3A_321, %dma_wait3A_343] : memref<10000x128xf32, #tpu.memory_space<vmem_shared>> -> memref<80x128xf32, #tpu.memory_space<vmem_shared>>
        %dma_wait3A_345 = arith.constant 0 : i32
        %dma_wait3A_346 = tpu.memref_slice %arg8[%add3A_321, %dma_wait3A_345] : memref<10000x128xf32, #tpu.memory_space<vmem_shared>> -> memref<80x128xf32, #tpu.memory_space<vmem_shared>>
        tpu.wait_dma2 semaphore(%run_scoped3A : memref<!tpu.dma_semaphore, #tpu.memory_space<semaphore_mem>>) src(%arg25 : memref<80x128xf32, #tpu.memory_space<vmem>>) dst(%dma_wait3A_346 : memref<80x128xf32, #tpu.memory_space<vmem_shared>>)
        tpu.yield
      }) : () -> ()
      %mul3A_322 = arith.constant 1000 : i32
      %mul3A_323 = arith.muli %arg1, %mul3A_322 : i32
      %add3A_324 = arith.constant 720 : i32
      %add3A_325 = arith.addi %mul3A_323, %add3A_324 : i32
      "tpu.region"() ({
        %run_scoped3A = tpu.sem_alloc : memref<!tpu.dma_semaphore, #tpu.memory_space<semaphore_mem>>
        %dma_start3A_339 = arith.constant 0 : i32
        %dma_start3A_340 = tpu.memref_slice %arg8[%add3A_325, %dma_start3A_339] : memref<10000x128xf32, #tpu.memory_space<vmem_shared>> -> memref<80x128xf32, #tpu.memory_space<vmem_shared>>
        %dma_start3A_341 = arith.constant 0 : i32
        %dma_start3A_342 = tpu.memref_slice %arg8[%add3A_325, %dma_start3A_341] : memref<10000x128xf32, #tpu.memory_space<vmem_shared>> -> memref<80x128xf32, #tpu.memory_space<vmem_shared>>
        tpu.enqueue_dma source(%arg25 : memref<80x128xf32, #tpu.memory_space<vmem>>) target(%dma_start3A_342 : memref<80x128xf32, #tpu.memory_space<vmem_shared>>) target_semaphore(%run_scoped3A : memref<!tpu.dma_semaphore, #tpu.memory_space<semaphore_mem>>)
        %dma_wait3A_343 = arith.constant 0 : i32
        %dma_wait3A_344 = tpu.memref_slice %arg8[%add3A_325, %dma_wait3A_343] : memref<10000x128xf32, #tpu.memory_space<vmem_shared>> -> memref<80x128xf32, #tpu.memory_space<vmem_shared>>
        %dma_wait3A_345 = arith.constant 0 : i32
        %dma_wait3A_346 = tpu.memref_slice %arg8[%add3A_325, %dma_wait3A_345] : memref<10000x128xf32, #tpu.memory_space<vmem_shared>> -> memref<80x128xf32, #tpu.memory_space<vmem_shared>>
        tpu.wait_dma2 semaphore(%run_scoped3A : memref<!tpu.dma_semaphore, #tpu.memory_space<semaphore_mem>>) src(%arg25 : memref<80x128xf32, #tpu.memory_space<vmem>>) dst(%dma_wait3A_346 : memref<80x128xf32, #tpu.memory_space<vmem_shared>>)
        tpu.yield
      }) : () -> ()
      %mul3A_326 = arith.constant 1000 : i32
      %mul3A_327 = arith.muli %arg1, %mul3A_326 : i32
      %add3A_328 = arith.constant 800 : i32
      %add3A_329 = arith.addi %mul3A_327, %add3A_328 : i32
      "tpu.region"() ({
        %run_scoped3A = tpu.sem_alloc : memref<!tpu.dma_semaphore, #tpu.memory_space<semaphore_mem>>
        %dma_start3A_339 = arith.constant 0 : i32
        %dma_start3A_340 = tpu.memref_slice %arg8[%add3A_329, %dma_start3A_339] : memref<10000x128xf32, #tpu.memory_space<vmem_shared>> -> memref<80x128xf32, #tpu.memory_space<vmem_shared>>
        %dma_start3A_341 = arith.constant 0 : i32
        %dma_start3A_342 = tpu.memref_slice %arg8[%add3A_329, %dma_start3A_341] : memref<10000x128xf32, #tpu.memory_space<vmem_shared>> -> memref<80x128xf32, #tpu.memory_space<vmem_shared>>
        tpu.enqueue_dma source(%arg25 : memref<80x128xf32, #tpu.memory_space<vmem>>) target(%dma_start3A_342 : memref<80x128xf32, #tpu.memory_space<vmem_shared>>) target_semaphore(%run_scoped3A : memref<!tpu.dma_semaphore, #tpu.memory_space<semaphore_mem>>)
        %dma_wait3A_343 = arith.constant 0 : i32
        %dma_wait3A_344 = tpu.memref_slice %arg8[%add3A_329, %dma_wait3A_343] : memref<10000x128xf32, #tpu.memory_space<vmem_shared>> -> memref<80x128xf32, #tpu.memory_space<vmem_shared>>
        %dma_wait3A_345 = arith.constant 0 : i32
        %dma_wait3A_346 = tpu.memref_slice %arg8[%add3A_329, %dma_wait3A_345] : memref<10000x128xf32, #tpu.memory_space<vmem_shared>> -> memref<80x128xf32, #tpu.memory_space<vmem_shared>>
        tpu.wait_dma2 semaphore(%run_scoped3A : memref<!tpu.dma_semaphore, #tpu.memory_space<semaphore_mem>>) src(%arg25 : memref<80x128xf32, #tpu.memory_space<vmem>>) dst(%dma_wait3A_346 : memref<80x128xf32, #tpu.memory_space<vmem_shared>>)
        tpu.yield
      }) : () -> ()
      %mul3A_330 = arith.constant 1000 : i32
      %mul3A_331 = arith.muli %arg1, %mul3A_330 : i32
      %add3A_332 = arith.constant 880 : i32
      %add3A_333 = arith.addi %mul3A_331, %add3A_332 : i32
      "tpu.region"() ({
        %run_scoped3A = tpu.sem_alloc : memref<!tpu.dma_semaphore, #tpu.memory_space<semaphore_mem>>
        %dma_start3A_339 = arith.constant 0 : i32
        %dma_start3A_340 = tpu.memref_slice %arg8[%add3A_333, %dma_start3A_339] : memref<10000x128xf32, #tpu.memory_space<vmem_shared>> -> memref<80x128xf32, #tpu.memory_space<vmem_shared>>
        %dma_start3A_341 = arith.constant 0 : i32
        %dma_start3A_342 = tpu.memref_slice %arg8[%add3A_333, %dma_start3A_341] : memref<10000x128xf32, #tpu.memory_space<vmem_shared>> -> memref<80x128xf32, #tpu.memory_space<vmem_shared>>
        tpu.enqueue_dma source(%arg25 : memref<80x128xf32, #tpu.memory_space<vmem>>) target(%dma_start3A_342 : memref<80x128xf32, #tpu.memory_space<vmem_shared>>) target_semaphore(%run_scoped3A : memref<!tpu.dma_semaphore, #tpu.memory_space<semaphore_mem>>)
        %dma_wait3A_343 = arith.constant 0 : i32
        %dma_wait3A_344 = tpu.memref_slice %arg8[%add3A_333, %dma_wait3A_343] : memref<10000x128xf32, #tpu.memory_space<vmem_shared>> -> memref<80x128xf32, #tpu.memory_space<vmem_shared>>
        %dma_wait3A_345 = arith.constant 0 : i32
        %dma_wait3A_346 = tpu.memref_slice %arg8[%add3A_333, %dma_wait3A_345] : memref<10000x128xf32, #tpu.memory_space<vmem_shared>> -> memref<80x128xf32, #tpu.memory_space<vmem_shared>>
        tpu.wait_dma2 semaphore(%run_scoped3A : memref<!tpu.dma_semaphore, #tpu.memory_space<semaphore_mem>>) src(%arg25 : memref<80x128xf32, #tpu.memory_space<vmem>>) dst(%dma_wait3A_346 : memref<80x128xf32, #tpu.memory_space<vmem_shared>>)
        tpu.yield
      }) : () -> ()
      %mul3A_334 = arith.constant 1000 : i32
      %mul3A_335 = arith.muli %arg1, %mul3A_334 : i32
      %add3A_336 = arith.constant 1000 : i32
      %add3A_337 = arith.addi %mul3A_335, %add3A_336 : i32
      %sub3A = arith.constant 40 : i32
      %sub3A_338 = arith.subi %add3A_337, %sub3A : i32
      "tpu.region"() ({
        %run_scoped3A = tpu.sem_alloc : memref<!tpu.dma_semaphore, #tpu.memory_space<semaphore_mem>>
        %dma_start3A_339 = arith.constant 0 : i32
        %dma_start3A_340 = arith.constant 0 : i32
        %dma_start3A_341 = tpu.memref_slice %arg25[%dma_start3A_339, %dma_start3A_340] : memref<80x128xf32, #tpu.memory_space<vmem>> -> memref<40x128xf32, #tpu.memory_space<vmem>>
        %dma_start3A_342 = arith.constant 0 : i32
        %dma_start3A_343 = tpu.memref_slice %arg8[%sub3A_338, %dma_start3A_342] : memref<10000x128xf32, #tpu.memory_space<vmem_shared>> -> memref<40x128xf32, #tpu.memory_space<vmem_shared>>
        %dma_start3A_344 = arith.constant 0 : i32
        %dma_start3A_345 = tpu.memref_slice %arg8[%sub3A_338, %dma_start3A_344] : memref<10000x128xf32, #tpu.memory_space<vmem_shared>> -> memref<40x128xf32, #tpu.memory_space<vmem_shared>>
        %dma_start3A_346 = arith.constant 0 : i32
        %dma_start3A_347 = arith.constant 0 : i32
        %dma_start3A_348 = tpu.memref_slice %arg25[%dma_start3A_346, %dma_start3A_347] : memref<80x128xf32, #tpu.memory_space<vmem>> -> memref<40x128xf32, #tpu.memory_space<vmem>>
        tpu.enqueue_dma source(%dma_start3A_348 : memref<40x128xf32, #tpu.memory_space<vmem>>) target(%dma_start3A_345 : memref<40x128xf32, #tpu.memory_space<vmem_shared>>) target_semaphore(%run_scoped3A : memref<!tpu.dma_semaphore, #tpu.memory_space<semaphore_mem>>)
        %dma_wait3A_349 = arith.constant 0 : i32
        %dma_wait3A_350 = arith.constant 0 : i32
        %dma_wait3A_351 = tpu.memref_slice %arg25[%dma_wait3A_349, %dma_wait3A_350] : memref<80x128xf32, #tpu.memory_space<vmem>> -> memref<40x128xf32, #tpu.memory_space<vmem>>
        %dma_wait3A_352 = arith.constant 0 : i32
        %dma_wait3A_353 = tpu.memref_slice %arg8[%sub3A_338, %dma_wait3A_352] : memref<10000x128xf32, #tpu.memory_space<vmem_shared>> -> memref<40x128xf32, #tpu.memory_space<vmem_shared>>
        %dma_wait3A_354 = arith.constant 0 : i32
        %dma_wait3A_355 = tpu.memref_slice %arg8[%sub3A_338, %dma_wait3A_354] : memref<10000x128xf32, #tpu.memory_space<vmem_shared>> -> memref<40x128xf32, #tpu.memory_space<vmem_shared>>
        %dma_wait3A_356 = arith.constant 0 : i32
        %dma_wait3A_357 = arith.constant 0 : i32
        %dma_wait3A_358 = tpu.memref_slice %arg25[%dma_wait3A_356, %dma_wait3A_357] : memref<80x128xf32, #tpu.memory_space<vmem>> -> memref<40x128xf32, #tpu.memory_space<vmem>>
        tpu.wait_dma2 semaphore(%run_scoped3A : memref<!tpu.dma_semaphore, #tpu.memory_space<semaphore_mem>>) src(%dma_wait3A_358 : memref<40x128xf32, #tpu.memory_space<vmem>>) dst(%dma_wait3A_355 : memref<40x128xf32, #tpu.memory_space<vmem_shared>>)
        tpu.yield
      }) : () -> ()
    } else {
    }
    %broadcast_in_dim3A_65 = arith.constant 1.000000e+00 : f32
    %broadcast_in_dim3A_66 = vector.broadcast %broadcast_in_dim3A_65 : f32 to vector<16xf32>
    %swap3A = arith.constant 0 : index
    %swap3A_67 = tpu.vector_load %arg6[%swap3A] {strides = array<i32>} : memref<80xf32, #tpu.memory_space<vmem>>, vector<16xf32>,
    %swap3A_68 = vector.shape_cast %swap3A_67 : vector<16xf32> to vector<16xf32>
    %swap3A_69 = vector.shape_cast %broadcast_in_dim3A_66 : vector<16xf32> to vector<16xf32>
    tpu.vector_store %arg6[%swap3A], %swap3A_69 {strides = array<i32>} : memref<80xf32, #tpu.memory_space<vmem>>, vector<16xf32>,
    %swap3A_70 = arith.constant 16 : index
    %swap3A_71 = tpu.vector_load %arg6[%swap3A_70] {strides = array<i32>} : memref<80xf32, #tpu.memory_space<vmem>>, vector<16xf32>,
    %swap3A_72 = vector.shape_cast %swap3A_71 : vector<16xf32> to vector<16xf32>
    %swap3A_73 = vector.shape_cast %broadcast_in_dim3A_66 : vector<16xf32> to vector<16xf32>
    tpu.vector_store %arg6[%swap3A_70], %swap3A_73 {strides = array<i32>} : memref<80xf32, #tpu.memory_space<vmem>>, vector<16xf32>,
    %swap3A_74 = arith.constant 32 : index
    %swap3A_75 = tpu.vector_load %arg6[%swap3A_74] {strides = array<i32>} : memref<80xf32, #tpu.memory_space<vmem>>, vector<16xf32>,
    %swap3A_76 = vector.shape_cast %swap3A_75 : vector<16xf32> to vector<16xf32>
    %swap3A_77 = vector.shape_cast %broadcast_in_dim3A_66 : vector<16xf32> to vector<16xf32>
    tpu.vector_store %arg6[%swap3A_74], %swap3A_77 {strides = array<i32>} : memref<80xf32, #tpu.memory_space<vmem>>, vector<16xf32>,
    %swap3A_78 = arith.constant 48 : index
    %swap3A_79 = tpu.vector_load %arg6[%swap3A_78] {strides = array<i32>} : memref<80xf32, #tpu.memory_space<vmem>>, vector<16xf32>,
    %swap3A_80 = vector.shape_cast %swap3A_79 : vector<16xf32> to vector<16xf32>
    %swap3A_81 = vector.shape_cast %broadcast_in_dim3A_66 : vector<16xf32> to vector<16xf32>
    tpu.vector_store %arg6[%swap3A_78], %swap3A_81 {strides = array<i32>} : memref<80xf32, #tpu.memory_space<vmem>>, vector<16xf32>,
    %swap3A_82 = arith.constant 64 : index
    %swap3A_83 = tpu.vector_load %arg6[%swap3A_82] {strides = array<i32>} : memref<80xf32, #tpu.memory_space<vmem>>, vector<16xf32>,
    %swap3A_84 = vector.shape_cast %swap3A_83 : vector<16xf32> to vector<16xf32>
    %swap3A_85 = vector.shape_cast %broadcast_in_dim3A_66 : vector<16xf32> to vector<16xf32>
    tpu.vector_store %arg6[%swap3A_82], %swap3A_85 {strides = array<i32>} : memref<80xf32, #tpu.memory_space<vmem>>, vector<16xf32>,
    %scan3A_86 = arith.constant 0 : i32
    %scan3A_87 = arith.constant 0 : i32
    %scan3A_88 = arith.constant 13 : i32
    %scan3A_89 = arith.addi %scan3A_87, %scan3A_88 : i32
    %scan3A_90 = arith.constant 1 : i32
    %scan3A_91 = scf.for %scan3A_286 = %scan3A_87 to %scan3A_89 step %scan3A_90 iter_args(%scan3A_287 = %scan3A_86) -> (i32)  : i32 {
      %mul3A_288 = arith.constant 16 : i32
      %mul3A_289 = arith.muli %scan3A_286, %mul3A_288 : i32
      %swap3A_290 = arith.index_cast %mul3A_289 : i32 to index
      %swap3A_291 = tpu.vector_load %arg7[%swap3A_290] {strides = array<i32>} : memref<208xf32, #tpu.memory_space<vmem>>, vector<16xf32>,
      %swap3A_292 = vector.shape_cast %swap3A_291 : vector<16xf32> to vector<16xf32>
      %swap3A_293 = vector.shape_cast %broadcast_in_dim3A_56 : vector<16xf32> to vector<16xf32>
      tpu.vector_store %arg7[%swap3A_290], %swap3A_293 {strides = array<i32>} : memref<208xf32, #tpu.memory_space<vmem>>, vector<16xf32>,
      %scan3A_294 = arith.constant 0 : i32
      scf.yield %scan3A_294 : i32
    }
    %scan3A_92 = arith.constant 13 : i32
    %lt3A_93 = arith.constant 10 : i32
    %lt3A_94 = arith.cmpi slt, %arg1, %lt3A_93 : i32
    %convert_element_type3A_95 = arith.extui %lt3A_94 : i1 to i32
    %cond3A_96 = arith.constant 0 : i32
    %cond3A_97 = arith.cmpi ne, %convert_element_type3A_95, %cond3A_96 : i32
    scf.if %cond3A_97 {
      %mul3A_286 = arith.constant 1000 : i32
      %mul3A_287 = arith.muli %arg1, %mul3A_286 : i32
      %add3A_288 = arith.constant 0 : i32
      %add3A_289 = arith.addi %mul3A_287, %add3A_288 : i32
      "tpu.region"() ({
        %run_scoped3A = tpu.sem_alloc : memref<!tpu.dma_semaphore, #tpu.memory_space<semaphore_mem>>
        %dma_start3A_306 = arith.constant 0 : i32
        %dma_start3A_307 = tpu.memref_slice %arg7[%dma_start3A_306] : memref<208xf32, #tpu.memory_space<vmem>> -> memref<200xf32, #tpu.memory_space<vmem>>
        %dma_start3A_308 = tpu.memref_slice %arg9[%add3A_289] : memref<10000xf32, #tpu.memory_space<vmem_shared>> -> memref<200xf32, #tpu.memory_space<vmem_shared>>
        %dma_start3A_309 = tpu.memref_slice %arg9[%add3A_289] : memref<10000xf32, #tpu.memory_space<vmem_shared>> -> memref<200xf32, #tpu.memory_space<vmem_shared>>
        %dma_start3A_310 = arith.constant 0 : i32
        %dma_start3A_311 = tpu.memref_slice %arg7[%dma_start3A_310] : memref<208xf32, #tpu.memory_space<vmem>> -> memref<200xf32, #tpu.memory_space<vmem>>
        tpu.enqueue_dma source(%dma_start3A_311 : memref<200xf32, #tpu.memory_space<vmem>>) target(%dma_start3A_309 : memref<200xf32, #tpu.memory_space<vmem_shared>>) target_semaphore(%run_scoped3A : memref<!tpu.dma_semaphore, #tpu.memory_space<semaphore_mem>>)
        %dma_wait3A_312 = arith.constant 0 : i32
        %dma_wait3A_313 = tpu.memref_slice %arg7[%dma_wait3A_312] : memref<208xf32, #tpu.memory_space<vmem>> -> memref<200xf32, #tpu.memory_space<vmem>>
        %dma_wait3A_314 = tpu.memref_slice %arg9[%add3A_289] : memref<10000xf32, #tpu.memory_space<vmem_shared>> -> memref<200xf32, #tpu.memory_space<vmem_shared>>
        %dma_wait3A_315 = tpu.memref_slice %arg9[%add3A_289] : memref<10000xf32, #tpu.memory_space<vmem_shared>> -> memref<200xf32, #tpu.memory_space<vmem_shared>>
        %dma_wait3A_316 = arith.constant 0 : i32
        %dma_wait3A_317 = tpu.memref_slice %arg7[%dma_wait3A_316] : memref<208xf32, #tpu.memory_space<vmem>> -> memref<200xf32, #tpu.memory_space<vmem>>
        tpu.wait_dma2 semaphore(%run_scoped3A : memref<!tpu.dma_semaphore, #tpu.memory_space<semaphore_mem>>) src(%dma_wait3A_317 : memref<200xf32, #tpu.memory_space<vmem>>) dst(%dma_wait3A_315 : memref<200xf32, #tpu.memory_space<vmem_shared>>)
        tpu.yield
      }) : () -> ()
      %mul3A_290 = arith.constant 1000 : i32
      %mul3A_291 = arith.muli %arg1, %mul3A_290 : i32
      %add3A_292 = arith.constant 200 : i32
      %add3A_293 = arith.addi %mul3A_291, %add3A_292 : i32
      "tpu.region"() ({
        %run_scoped3A = tpu.sem_alloc : memref<!tpu.dma_semaphore, #tpu.memory_space<semaphore_mem>>
        %dma_start3A_306 = arith.constant 0 : i32
        %dma_start3A_307 = tpu.memref_slice %arg7[%dma_start3A_306] : memref<208xf32, #tpu.memory_space<vmem>> -> memref<200xf32, #tpu.memory_space<vmem>>
        %dma_start3A_308 = tpu.memref_slice %arg9[%add3A_293] : memref<10000xf32, #tpu.memory_space<vmem_shared>> -> memref<200xf32, #tpu.memory_space<vmem_shared>>
        %dma_start3A_309 = tpu.memref_slice %arg9[%add3A_293] : memref<10000xf32, #tpu.memory_space<vmem_shared>> -> memref<200xf32, #tpu.memory_space<vmem_shared>>
        %dma_start3A_310 = arith.constant 0 : i32
        %dma_start3A_311 = tpu.memref_slice %arg7[%dma_start3A_310] : memref<208xf32, #tpu.memory_space<vmem>> -> memref<200xf32, #tpu.memory_space<vmem>>
        tpu.enqueue_dma source(%dma_start3A_311 : memref<200xf32, #tpu.memory_space<vmem>>) target(%dma_start3A_309 : memref<200xf32, #tpu.memory_space<vmem_shared>>) target_semaphore(%run_scoped3A : memref<!tpu.dma_semaphore, #tpu.memory_space<semaphore_mem>>)
        %dma_wait3A_312 = arith.constant 0 : i32
        %dma_wait3A_313 = tpu.memref_slice %arg7[%dma_wait3A_312] : memref<208xf32, #tpu.memory_space<vmem>> -> memref<200xf32, #tpu.memory_space<vmem>>
        %dma_wait3A_314 = tpu.memref_slice %arg9[%add3A_293] : memref<10000xf32, #tpu.memory_space<vmem_shared>> -> memref<200xf32, #tpu.memory_space<vmem_shared>>
        %dma_wait3A_315 = tpu.memref_slice %arg9[%add3A_293] : memref<10000xf32, #tpu.memory_space<vmem_shared>> -> memref<200xf32, #tpu.memory_space<vmem_shared>>
        %dma_wait3A_316 = arith.constant 0 : i32
        %dma_wait3A_317 = tpu.memref_slice %arg7[%dma_wait3A_316] : memref<208xf32, #tpu.memory_space<vmem>> -> memref<200xf32, #tpu.memory_space<vmem>>
        tpu.wait_dma2 semaphore(%run_scoped3A : memref<!tpu.dma_semaphore, #tpu.memory_space<semaphore_mem>>) src(%dma_wait3A_317 : memref<200xf32, #tpu.memory_space<vmem>>) dst(%dma_wait3A_315 : memref<200xf32, #tpu.memory_space<vmem_shared>>)
        tpu.yield
      }) : () -> ()
      %mul3A_294 = arith.constant 1000 : i32
      %mul3A_295 = arith.muli %arg1, %mul3A_294 : i32
      %add3A_296 = arith.constant 400 : i32
      %add3A_297 = arith.addi %mul3A_295, %add3A_296 : i32
      "tpu.region"() ({
        %run_scoped3A = tpu.sem_alloc : memref<!tpu.dma_semaphore, #tpu.memory_space<semaphore_mem>>
        %dma_start3A_306 = arith.constant 0 : i32
        %dma_start3A_307 = tpu.memref_slice %arg7[%dma_start3A_306] : memref<208xf32, #tpu.memory_space<vmem>> -> memref<200xf32, #tpu.memory_space<vmem>>
        %dma_start3A_308 = tpu.memref_slice %arg9[%add3A_297] : memref<10000xf32, #tpu.memory_space<vmem_shared>> -> memref<200xf32, #tpu.memory_space<vmem_shared>>
        %dma_start3A_309 = tpu.memref_slice %arg9[%add3A_297] : memref<10000xf32, #tpu.memory_space<vmem_shared>> -> memref<200xf32, #tpu.memory_space<vmem_shared>>
        %dma_start3A_310 = arith.constant 0 : i32
        %dma_start3A_311 = tpu.memref_slice %arg7[%dma_start3A_310] : memref<208xf32, #tpu.memory_space<vmem>> -> memref<200xf32, #tpu.memory_space<vmem>>
        tpu.enqueue_dma source(%dma_start3A_311 : memref<200xf32, #tpu.memory_space<vmem>>) target(%dma_start3A_309 : memref<200xf32, #tpu.memory_space<vmem_shared>>) target_semaphore(%run_scoped3A : memref<!tpu.dma_semaphore, #tpu.memory_space<semaphore_mem>>)
        %dma_wait3A_312 = arith.constant 0 : i32
        %dma_wait3A_313 = tpu.memref_slice %arg7[%dma_wait3A_312] : memref<208xf32, #tpu.memory_space<vmem>> -> memref<200xf32, #tpu.memory_space<vmem>>
        %dma_wait3A_314 = tpu.memref_slice %arg9[%add3A_297] : memref<10000xf32, #tpu.memory_space<vmem_shared>> -> memref<200xf32, #tpu.memory_space<vmem_shared>>
        %dma_wait3A_315 = tpu.memref_slice %arg9[%add3A_297] : memref<10000xf32, #tpu.memory_space<vmem_shared>> -> memref<200xf32, #tpu.memory_space<vmem_shared>>
        %dma_wait3A_316 = arith.constant 0 : i32
        %dma_wait3A_317 = tpu.memref_slice %arg7[%dma_wait3A_316] : memref<208xf32, #tpu.memory_space<vmem>> -> memref<200xf32, #tpu.memory_space<vmem>>
        tpu.wait_dma2 semaphore(%run_scoped3A : memref<!tpu.dma_semaphore, #tpu.memory_space<semaphore_mem>>) src(%dma_wait3A_317 : memref<200xf32, #tpu.memory_space<vmem>>) dst(%dma_wait3A_315 : memref<200xf32, #tpu.memory_space<vmem_shared>>)
        tpu.yield
      }) : () -> ()
      %mul3A_298 = arith.constant 1000 : i32
      %mul3A_299 = arith.muli %arg1, %mul3A_298 : i32
      %add3A_300 = arith.constant 600 : i32
      %add3A_301 = arith.addi %mul3A_299, %add3A_300 : i32
      "tpu.region"() ({
        %run_scoped3A = tpu.sem_alloc : memref<!tpu.dma_semaphore, #tpu.memory_space<semaphore_mem>>
        %dma_start3A_306 = arith.constant 0 : i32
        %dma_start3A_307 = tpu.memref_slice %arg7[%dma_start3A_306] : memref<208xf32, #tpu.memory_space<vmem>> -> memref<200xf32, #tpu.memory_space<vmem>>
        %dma_start3A_308 = tpu.memref_slice %arg9[%add3A_301] : memref<10000xf32, #tpu.memory_space<vmem_shared>> -> memref<200xf32, #tpu.memory_space<vmem_shared>>
        %dma_start3A_309 = tpu.memref_slice %arg9[%add3A_301] : memref<10000xf32, #tpu.memory_space<vmem_shared>> -> memref<200xf32, #tpu.memory_space<vmem_shared>>
        %dma_start3A_310 = arith.constant 0 : i32
        %dma_start3A_311 = tpu.memref_slice %arg7[%dma_start3A_310] : memref<208xf32, #tpu.memory_space<vmem>> -> memref<200xf32, #tpu.memory_space<vmem>>
        tpu.enqueue_dma source(%dma_start3A_311 : memref<200xf32, #tpu.memory_space<vmem>>) target(%dma_start3A_309 : memref<200xf32, #tpu.memory_space<vmem_shared>>) target_semaphore(%run_scoped3A : memref<!tpu.dma_semaphore, #tpu.memory_space<semaphore_mem>>)
        %dma_wait3A_312 = arith.constant 0 : i32
        %dma_wait3A_313 = tpu.memref_slice %arg7[%dma_wait3A_312] : memref<208xf32, #tpu.memory_space<vmem>> -> memref<200xf32, #tpu.memory_space<vmem>>
        %dma_wait3A_314 = tpu.memref_slice %arg9[%add3A_301] : memref<10000xf32, #tpu.memory_space<vmem_shared>> -> memref<200xf32, #tpu.memory_space<vmem_shared>>
        %dma_wait3A_315 = tpu.memref_slice %arg9[%add3A_301] : memref<10000xf32, #tpu.memory_space<vmem_shared>> -> memref<200xf32, #tpu.memory_space<vmem_shared>>
        %dma_wait3A_316 = arith.constant 0 : i32
        %dma_wait3A_317 = tpu.memref_slice %arg7[%dma_wait3A_316] : memref<208xf32, #tpu.memory_space<vmem>> -> memref<200xf32, #tpu.memory_space<vmem>>
        tpu.wait_dma2 semaphore(%run_scoped3A : memref<!tpu.dma_semaphore, #tpu.memory_space<semaphore_mem>>) src(%dma_wait3A_317 : memref<200xf32, #tpu.memory_space<vmem>>) dst(%dma_wait3A_315 : memref<200xf32, #tpu.memory_space<vmem_shared>>)
        tpu.yield
      }) : () -> ()
      %mul3A_302 = arith.constant 1000 : i32
      %mul3A_303 = arith.muli %arg1, %mul3A_302 : i32
      %add3A_304 = arith.constant 800 : i32
      %add3A_305 = arith.addi %mul3A_303, %add3A_304 : i32
      "tpu.region"() ({
        %run_scoped3A = tpu.sem_alloc : memref<!tpu.dma_semaphore, #tpu.memory_space<semaphore_mem>>
        %dma_start3A_306 = arith.constant 0 : i32
        %dma_start3A_307 = tpu.memref_slice %arg7[%dma_start3A_306] : memref<208xf32, #tpu.memory_space<vmem>> -> memref<200xf32, #tpu.memory_space<vmem>>
        %dma_start3A_308 = tpu.memref_slice %arg9[%add3A_305] : memref<10000xf32, #tpu.memory_space<vmem_shared>> -> memref<200xf32, #tpu.memory_space<vmem_shared>>
        %dma_start3A_309 = tpu.memref_slice %arg9[%add3A_305] : memref<10000xf32, #tpu.memory_space<vmem_shared>> -> memref<200xf32, #tpu.memory_space<vmem_shared>>
        %dma_start3A_310 = arith.constant 0 : i32
        %dma_start3A_311 = tpu.memref_slice %arg7[%dma_start3A_310] : memref<208xf32, #tpu.memory_space<vmem>> -> memref<200xf32, #tpu.memory_space<vmem>>
        tpu.enqueue_dma source(%dma_start3A_311 : memref<200xf32, #tpu.memory_space<vmem>>) target(%dma_start3A_309 : memref<200xf32, #tpu.memory_space<vmem_shared>>) target_semaphore(%run_scoped3A : memref<!tpu.dma_semaphore, #tpu.memory_space<semaphore_mem>>)
        %dma_wait3A_312 = arith.constant 0 : i32
        %dma_wait3A_313 = tpu.memref_slice %arg7[%dma_wait3A_312] : memref<208xf32, #tpu.memory_space<vmem>> -> memref<200xf32, #tpu.memory_space<vmem>>
        %dma_wait3A_314 = tpu.memref_slice %arg9[%add3A_305] : memref<10000xf32, #tpu.memory_space<vmem_shared>> -> memref<200xf32, #tpu.memory_space<vmem_shared>>
        %dma_wait3A_315 = tpu.memref_slice %arg9[%add3A_305] : memref<10000xf32, #tpu.memory_space<vmem_shared>> -> memref<200xf32, #tpu.memory_space<vmem_shared>>
        %dma_wait3A_316 = arith.constant 0 : i32
        %dma_wait3A_317 = tpu.memref_slice %arg7[%dma_wait3A_316] : memref<208xf32, #tpu.memory_space<vmem>> -> memref<200xf32, #tpu.memory_space<vmem>>
        tpu.wait_dma2 semaphore(%run_scoped3A : memref<!tpu.dma_semaphore, #tpu.memory_space<semaphore_mem>>) src(%dma_wait3A_317 : memref<200xf32, #tpu.memory_space<vmem>>) dst(%dma_wait3A_315 : memref<200xf32, #tpu.memory_space<vmem_shared>>)
        tpu.yield
      }) : () -> ()
    } else {
    }
    %barrier3A = arith.constant 0 : index
    tpu.barrier barrier_id(%barrier3A)
    %dma_wait3A_98 = arith.constant 0 : i32
    %dma_wait3A_99 = arith.constant 0 : i32
    %dma_wait3A_100 = tpu.memref_slice %arg2[%dma_wait3A_98, %dma_wait3A_99] : memref<10000x128xf32, #tpu.memory_space<hbm>> -> memref<10000x128xf32, #tpu.memory_space<hbm>>
    tpu.wait_indirect_dma semaphore(%arg38 : memref<!tpu.dma_semaphore, #tpu.memory_space<semaphore_mem>>) src(%dma_wait3A_100 : memref<10000x128xf32, #tpu.memory_space<hbm>>) dst(%arg22 : memref<80x128xf32, #tpu.memory_space<vmem>>)
    %dma_wait3A_101 = arith.constant 0 : i32
    %dma_wait3A_102 = tpu.memref_slice %arg3[%dma_wait3A_101] : memref<640000xi32, #tpu.memory_space<hbm>> -> memref<80xi32, #tpu.memory_space<hbm>>
    %dma_wait3A_103 = arith.constant 0 : i32
    %dma_wait3A_104 = tpu.memref_slice %arg3[%dma_wait3A_103] : memref<640000xi32, #tpu.memory_space<hbm>> -> memref<80xi32, #tpu.memory_space<hbm>>
    tpu.wait_dma2 semaphore(%arg34 : memref<!tpu.dma_semaphore, #tpu.memory_space<semaphore_mem>>) src(%dma_wait3A_104 : memref<80xi32, #tpu.memory_space<hbm>>) dst(%arg18 : memref<80xi32, #tpu.memory_space<vmem>>)
    %dma_start3A_105 = arith.constant 0 : i32
    %dma_start3A_106 = arith.constant 0 : i32
    %dma_start3A_107 = tpu.memref_slice %arg8[%dma_start3A_105, %dma_start3A_106] : memref<10000x128xf32, #tpu.memory_space<vmem_shared>> -> memref<10000x128xf32, #tpu.memory_space<vmem_shared>>
    tpu.enqueue_indirect_dma source(%arg22 : memref<80x128xf32, #tpu.memory_space<vmem>>) target(%dma_start3A_107 : memref<10000x128xf32, #tpu.memory_space<vmem_shared>>) offsets(%arg18 : memref<80xi32, #tpu.memory_space<vmem>>) semaphore(%arg42 : memref<!tpu.dma_semaphore, #tpu.memory_space<semaphore_mem>>) {add = true}
    %dma_start3A_108 = arith.constant 0 : i32
    %dma_start3A_109 = tpu.memref_slice %arg9[%dma_start3A_108] : memref<10000xf32, #tpu.memory_space<vmem_shared>> -> memref<10000xf32, #tpu.memory_space<vmem_shared>>
    tpu.enqueue_indirect_dma source(%arg6 : memref<80xf32, #tpu.memory_space<vmem>>) target(%dma_start3A_109 : memref<10000xf32, #tpu.memory_space<vmem_shared>>) offsets(%arg18 : memref<80xi32, #tpu.memory_space<vmem>>) semaphore(%arg46 : memref<!tpu.dma_semaphore, #tpu.memory_space<semaphore_mem>>) {add = true}
    %add3A_110 = arith.constant 320 : i32
    %add3A_111 = arith.addi %mul3A_2, %add3A_110 : i32
    %dma_start3A_112 = tpu.memref_slice %arg3[%add3A_111] : memref<640000xi32, #tpu.memory_space<hbm>> -> memref<80xi32, #tpu.memory_space<hbm>>
    %dma_start3A_113 = tpu.memref_slice %arg3[%add3A_111] : memref<640000xi32, #tpu.memory_space<hbm>> -> memref<80xi32, #tpu.memory_space<hbm>>
    tpu.enqueue_dma source(%dma_start3A_113 : memref<80xi32, #tpu.memory_space<hbm>>) target(%arg14 : memref<80xi32, #tpu.memory_space<vmem>>) target_semaphore(%arg30 : memref<!tpu.dma_semaphore, #tpu.memory_space<semaphore_mem>>)
    %add3A_114 = arith.constant 320000 : i32
    %add3A_115 = arith.addi %add3A_114, %mul3A_2 : i32
    %add3A_116 = arith.constant 240 : i32
    %add3A_117 = arith.addi %add3A_115, %add3A_116 : i32
    %dma_start3A_118 = tpu.memref_slice %arg3[%add3A_117] : memref<640000xi32, #tpu.memory_space<hbm>> -> memref<80xi32, #tpu.memory_space<hbm>>
    %dma_start3A_119 = tpu.memref_slice %arg3[%add3A_117] : memref<640000xi32, #tpu.memory_space<hbm>> -> memref<80xi32, #tpu.memory_space<hbm>>
    tpu.enqueue_dma source(%dma_start3A_119 : memref<80xi32, #tpu.memory_space<hbm>>) target(%arg21 : memref<80xi32, #tpu.memory_space<vmem>>) target_semaphore(%arg37 : memref<!tpu.dma_semaphore, #tpu.memory_space<semaphore_mem>>)
    %dma_wait3A_120 = arith.constant 0 : i32
    %dma_wait3A_121 = tpu.memref_slice %arg3[%dma_wait3A_120] : memref<640000xi32, #tpu.memory_space<hbm>> -> memref<80xi32, #tpu.memory_space<hbm>>
    %dma_wait3A_122 = arith.constant 0 : i32
    %dma_wait3A_123 = tpu.memref_slice %arg3[%dma_wait3A_122] : memref<640000xi32, #tpu.memory_space<hbm>> -> memref<80xi32, #tpu.memory_space<hbm>>
    tpu.wait_dma2 semaphore(%arg29 : memref<!tpu.dma_semaphore, #tpu.memory_space<semaphore_mem>>) src(%dma_wait3A_123 : memref<80xi32, #tpu.memory_space<hbm>>) dst(%arg13 : memref<80xi32, #tpu.memory_space<vmem>>)
    %dma_start3A_124 = arith.constant 0 : i32
    %dma_start3A_125 = arith.constant 0 : i32
    %dma_start3A_126 = tpu.memref_slice %arg2[%dma_start3A_124, %dma_start3A_125] : memref<10000x128xf32, #tpu.memory_space<hbm>> -> memref<10000x128xf32, #tpu.memory_space<hbm>>
    tpu.enqueue_indirect_dma source(%dma_start3A_126 : memref<10000x128xf32, #tpu.memory_space<hbm>>) target(%arg25 : memref<80x128xf32, #tpu.memory_space<vmem>>) offsets(%arg13 : memref<80xi32, #tpu.memory_space<vmem>>) semaphore(%arg41 : memref<!tpu.dma_semaphore, #tpu.memory_space<semaphore_mem>>)
    %dma_wait3A_127 = arith.constant 0 : i32
    %dma_wait3A_128 = arith.constant 0 : i32
    %dma_wait3A_129 = tpu.memref_slice %arg2[%dma_wait3A_127, %dma_wait3A_128] : memref<10000x128xf32, #tpu.memory_space<hbm>> -> memref<10000x128xf32, #tpu.memory_space<hbm>>
    tpu.wait_indirect_dma semaphore(%arg39 : memref<!tpu.dma_semaphore, #tpu.memory_space<semaphore_mem>>) src(%dma_wait3A_129 : memref<10000x128xf32, #tpu.memory_space<hbm>>) dst(%arg23 : memref<80x128xf32, #tpu.memory_space<vmem>>)
    %dma_wait3A_130 = arith.constant 0 : i32
    %dma_wait3A_131 = tpu.memref_slice %arg3[%dma_wait3A_130] : memref<640000xi32, #tpu.memory_space<hbm>> -> memref<80xi32, #tpu.memory_space<hbm>>
    %dma_wait3A_132 = arith.constant 0 : i32
    %dma_wait3A_133 = tpu.memref_slice %arg3[%dma_wait3A_132] : memref<640000xi32, #tpu.memory_space<hbm>> -> memref<80xi32, #tpu.memory_space<hbm>>
    tpu.wait_dma2 semaphore(%arg35 : memref<!tpu.dma_semaphore, #tpu.memory_space<semaphore_mem>>) src(%dma_wait3A_133 : memref<80xi32, #tpu.memory_space<hbm>>) dst(%arg19 : memref<80xi32, #tpu.memory_space<vmem>>)
    %dma_start3A_134 = arith.constant 0 : i32
    %dma_start3A_135 = arith.constant 0 : i32
    %dma_start3A_136 = tpu.memref_slice %arg8[%dma_start3A_134, %dma_start3A_135] : memref<10000x128xf32, #tpu.memory_space<vmem_shared>> -> memref<10000x128xf32, #tpu.memory_space<vmem_shared>>
    tpu.enqueue_indirect_dma source(%arg23 : memref<80x128xf32, #tpu.memory_space<vmem>>) target(%dma_start3A_136 : memref<10000x128xf32, #tpu.memory_space<vmem_shared>>) offsets(%arg19 : memref<80xi32, #tpu.memory_space<vmem>>) semaphore(%arg43 : memref<!tpu.dma_semaphore, #tpu.memory_space<semaphore_mem>>) {add = true}
    %dma_start3A_137 = arith.constant 0 : i32
    %dma_start3A_138 = tpu.memref_slice %arg9[%dma_start3A_137] : memref<10000xf32, #tpu.memory_space<vmem_shared>> -> memref<10000xf32, #tpu.memory_space<vmem_shared>>
    tpu.enqueue_indirect_dma source(%arg6 : memref<80xf32, #tpu.memory_space<vmem>>) target(%dma_start3A_138 : memref<10000xf32, #tpu.memory_space<vmem_shared>>) offsets(%arg19 : memref<80xi32, #tpu.memory_space<vmem>>) semaphore(%arg47 : memref<!tpu.dma_semaphore, #tpu.memory_space<semaphore_mem>>) {add = true}
    %dma_wait3A_139 = arith.constant 0 : i32
    %dma_wait3A_140 = arith.constant 0 : i32
    %dma_wait3A_141 = tpu.memref_slice %arg8[%dma_wait3A_139, %dma_wait3A_140] : memref<10000x128xf32, #tpu.memory_space<vmem_shared>> -> memref<10000x128xf32, #tpu.memory_space<vmem_shared>>
    tpu.wait_indirect_dma semaphore(%arg42 : memref<!tpu.dma_semaphore, #tpu.memory_space<semaphore_mem>>) src(%arg22 : memref<80x128xf32, #tpu.memory_space<vmem>>) dst(%dma_wait3A_141 : memref<10000x128xf32, #tpu.memory_space<vmem_shared>>)
    %dma_wait3A_142 = arith.constant 0 : i32
    %dma_wait3A_143 = tpu.memref_slice %arg9[%dma_wait3A_142] : memref<10000xf32, #tpu.memory_space<vmem_shared>> -> memref<10000xf32, #tpu.memory_space<vmem_shared>>
    tpu.wait_indirect_dma semaphore(%arg46 : memref<!tpu.dma_semaphore, #tpu.memory_space<semaphore_mem>>) src(%arg6 : memref<80xf32, #tpu.memory_space<vmem>>) dst(%dma_wait3A_143 : memref<10000xf32, #tpu.memory_space<vmem_shared>>)
    %add3A_144 = arith.constant 400 : i32
    %add3A_145 = arith.addi %mul3A_2, %add3A_144 : i32
    %dma_start3A_146 = tpu.memref_slice %arg3[%add3A_145] : memref<640000xi32, #tpu.memory_space<hbm>> -> memref<80xi32, #tpu.memory_space<hbm>>
    %dma_start3A_147 = tpu.memref_slice %arg3[%add3A_145] : memref<640000xi32, #tpu.memory_space<hbm>> -> memref<80xi32, #tpu.memory_space<hbm>>
    tpu.enqueue_dma source(%dma_start3A_147 : memref<80xi32, #tpu.memory_space<hbm>>) target(%arg15 : memref<80xi32, #tpu.memory_space<vmem>>) target_semaphore(%arg31 : memref<!tpu.dma_semaphore, #tpu.memory_space<semaphore_mem>>)
    %add3A_148 = arith.constant 320000 : i32
    %add3A_149 = arith.addi %add3A_148, %mul3A_2 : i32
    %add3A_150 = arith.constant 320 : i32
    %add3A_151 = arith.addi %add3A_149, %add3A_150 : i32
    %dma_start3A_152 = tpu.memref_slice %arg3[%add3A_151] : memref<640000xi32, #tpu.memory_space<hbm>> -> memref<80xi32, #tpu.memory_space<hbm>>
    %dma_start3A_153 = tpu.memref_slice %arg3[%add3A_151] : memref<640000xi32, #tpu.memory_space<hbm>> -> memref<80xi32, #tpu.memory_space<hbm>>
    tpu.enqueue_dma source(%dma_start3A_153 : memref<80xi32, #tpu.memory_space<hbm>>) target(%arg18 : memref<80xi32, #tpu.memory_space<vmem>>) target_semaphore(%arg34 : memref<!tpu.dma_semaphore, #tpu.memory_space<semaphore_mem>>)
    %dma_wait3A_154 = arith.constant 0 : i32
    %dma_wait3A_155 = tpu.memref_slice %arg3[%dma_wait3A_154] : memref<640000xi32, #tpu.memory_space<hbm>> -> memref<80xi32, #tpu.memory_space<hbm>>
    %dma_wait3A_156 = arith.constant 0 : i32
    %dma_wait3A_157 = tpu.memref_slice %arg3[%dma_wait3A_156] : memref<640000xi32, #tpu.memory_space<hbm>> -> memref<80xi32, #tpu.memory_space<hbm>>
    tpu.wait_dma2 semaphore(%arg30 : memref<!tpu.dma_semaphore, #tpu.memory_space<semaphore_mem>>) src(%dma_wait3A_157 : memref<80xi32, #tpu.memory_space<hbm>>) dst(%arg14 : memref<80xi32, #tpu.memory_space<vmem>>)
    %dma_start3A_158 = arith.constant 0 : i32
    %dma_start3A_159 = arith.constant 0 : i32
    %dma_start3A_160 = tpu.memref_slice %arg2[%dma_start3A_158, %dma_start3A_159] : memref<10000x128xf32, #tpu.memory_space<hbm>> -> memref<10000x128xf32, #tpu.memory_space<hbm>>
    tpu.enqueue_indirect_dma source(%dma_start3A_160 : memref<10000x128xf32, #tpu.memory_space<hbm>>) target(%arg22 : memref<80x128xf32, #tpu.memory_space<vmem>>) offsets(%arg14 : memref<80xi32, #tpu.memory_space<vmem>>) semaphore(%arg38 : memref<!tpu.dma_semaphore, #tpu.memory_space<semaphore_mem>>)
    %dma_wait3A_161 = arith.constant 0 : i32
    %dma_wait3A_162 = arith.constant 0 : i32
    %dma_wait3A_163 = tpu.memref_slice %arg2[%dma_wait3A_161, %dma_wait3A_162] : memref<10000x128xf32, #tpu.memory_space<hbm>> -> memref<10000x128xf32, #tpu.memory_space<hbm>>
    tpu.wait_indirect_dma semaphore(%arg40 : memref<!tpu.dma_semaphore, #tpu.memory_space<semaphore_mem>>) src(%dma_wait3A_163 : memref<10000x128xf32, #tpu.memory_space<hbm>>) dst(%arg24 : memref<80x128xf32, #tpu.memory_space<vmem>>)
    %dma_wait3A_164 = arith.constant 0 : i32
    %dma_wait3A_165 = tpu.memref_slice %arg3[%dma_wait3A_164] : memref<640000xi32, #tpu.memory_space<hbm>> -> memref<80xi32, #tpu.memory_space<hbm>>
    %dma_wait3A_166 = arith.constant 0 : i32
    %dma_wait3A_167 = tpu.memref_slice %arg3[%dma_wait3A_166] : memref<640000xi32, #tpu.memory_space<hbm>> -> memref<80xi32, #tpu.memory_space<hbm>>
    tpu.wait_dma2 semaphore(%arg36 : memref<!tpu.dma_semaphore, #tpu.memory_space<semaphore_mem>>) src(%dma_wait3A_167 : memref<80xi32, #tpu.memory_space<hbm>>) dst(%arg20 : memref<80xi32, #tpu.memory_space<vmem>>)
    %dma_start3A_168 = arith.constant 0 : i32
    %dma_start3A_169 = arith.constant 0 : i32
    %dma_start3A_170 = tpu.memref_slice %arg8[%dma_start3A_168, %dma_start3A_169] : memref<10000x128xf32, #tpu.memory_space<vmem_shared>> -> memref<10000x128xf32, #tpu.memory_space<vmem_shared>>
    tpu.enqueue_indirect_dma source(%arg24 : memref<80x128xf32, #tpu.memory_space<vmem>>) target(%dma_start3A_170 : memref<10000x128xf32, #tpu.memory_space<vmem_shared>>) offsets(%arg20 : memref<80xi32, #tpu.memory_space<vmem>>) semaphore(%arg44 : memref<!tpu.dma_semaphore, #tpu.memory_space<semaphore_mem>>) {add = true}
    %dma_start3A_171 = arith.constant 0 : i32
    %dma_start3A_172 = tpu.memref_slice %arg9[%dma_start3A_171] : memref<10000xf32, #tpu.memory_space<vmem_shared>> -> memref<10000xf32, #tpu.memory_space<vmem_shared>>
    tpu.enqueue_indirect_dma source(%arg6 : memref<80xf32, #tpu.memory_space<vmem>>) target(%dma_start3A_172 : memref<10000xf32, #tpu.memory_space<vmem_shared>>) offsets(%arg20 : memref<80xi32, #tpu.memory_space<vmem>>) semaphore(%arg48 : memref<!tpu.dma_semaphore, #tpu.memory_space<semaphore_mem>>) {add = true}
    %dma_wait3A_173 = arith.constant 0 : i32
    %dma_wait3A_174 = arith.constant 0 : i32
    %dma_wait3A_175 = tpu.memref_slice %arg8[%dma_wait3A_173, %dma_wait3A_174] : memref<10000x128xf32, #tpu.memory_space<vmem_shared>> -> memref<10000x128xf32, #tpu.memory_space<vmem_shared>>
    tpu.wait_indirect_dma semaphore(%arg43 : memref<!tpu.dma_semaphore, #tpu.memory_space<semaphore_mem>>) src(%arg23 : memref<80x128xf32, #tpu.memory_space<vmem>>) dst(%dma_wait3A_175 : memref<10000x128xf32, #tpu.memory_space<vmem_shared>>)
    %dma_wait3A_176 = arith.constant 0 : i32
    %dma_wait3A_177 = tpu.memref_slice %arg9[%dma_wait3A_176] : memref<10000xf32, #tpu.memory_space<vmem_shared>> -> memref<10000xf32, #tpu.memory_space<vmem_shared>>
    tpu.wait_indirect_dma semaphore(%arg47 : memref<!tpu.dma_semaphore, #tpu.memory_space<semaphore_mem>>) src(%arg6 : memref<80xf32, #tpu.memory_space<vmem>>) dst(%dma_wait3A_177 : memref<10000xf32, #tpu.memory_space<vmem_shared>>)
    %add3A_178 = arith.constant 480 : i32
    %add3A_179 = arith.addi %mul3A_2, %add3A_178 : i32
    %dma_start3A_180 = tpu.memref_slice %arg3[%add3A_179] : memref<640000xi32, #tpu.memory_space<hbm>> -> memref<80xi32, #tpu.memory_space<hbm>>
    %dma_start3A_181 = tpu.memref_slice %arg3[%add3A_179] : memref<640000xi32, #tpu.memory_space<hbm>> -> memref<80xi32, #tpu.memory_space<hbm>>
    tpu.enqueue_dma source(%dma_start3A_181 : memref<80xi32, #tpu.memory_space<hbm>>) target(%arg16 : memref<80xi32, #tpu.memory_space<vmem>>) target_semaphore(%arg32 : memref<!tpu.dma_semaphore, #tpu.memory_space<semaphore_mem>>)
    %add3A_182 = arith.constant 320000 : i32
    %add3A_183 = arith.addi %add3A_182, %mul3A_2 : i32
    %add3A_184 = arith.constant 400 : i32
    %add3A_185 = arith.addi %add3A_183, %add3A_184 : i32
    %dma_start3A_186 = tpu.memref_slice %arg3[%add3A_185] : memref<640000xi32, #tpu.memory_space<hbm>> -> memref<80xi32, #tpu.memory_space<hbm>>
    %dma_start3A_187 = tpu.memref_slice %arg3[%add3A_185] : memref<640000xi32, #tpu.memory_space<hbm>> -> memref<80xi32, #tpu.memory_space<hbm>>
    tpu.enqueue_dma source(%dma_start3A_187 : memref<80xi32, #tpu.memory_space<hbm>>) target(%arg19 : memref<80xi32, #tpu.memory_space<vmem>>) target_semaphore(%arg35 : memref<!tpu.dma_semaphore, #tpu.memory_space<semaphore_mem>>)
    %dma_wait3A_188 = arith.constant 0 : i32
    %dma_wait3A_189 = tpu.memref_slice %arg3[%dma_wait3A_188] : memref<640000xi32, #tpu.memory_space<hbm>> -> memref<80xi32, #tpu.memory_space<hbm>>
    %dma_wait3A_190 = arith.constant 0 : i32
    %dma_wait3A_191 = tpu.memref_slice %arg3[%dma_wait3A_190] : memref<640000xi32, #tpu.memory_space<hbm>> -> memref<80xi32, #tpu.memory_space<hbm>>
    tpu.wait_dma2 semaphore(%arg31 : memref<!tpu.dma_semaphore, #tpu.memory_space<semaphore_mem>>) src(%dma_wait3A_191 : memref<80xi32, #tpu.memory_space<hbm>>) dst(%arg15 : memref<80xi32, #tpu.memory_space<vmem>>)
    %dma_start3A_192 = arith.constant 0 : i32
    %dma_start3A_193 = arith.constant 0 : i32
    %dma_start3A_194 = tpu.memref_slice %arg2[%dma_start3A_192, %dma_start3A_193] : memref<10000x128xf32, #tpu.memory_space<hbm>> -> memref<10000x128xf32, #tpu.memory_space<hbm>>
    tpu.enqueue_indirect_dma source(%dma_start3A_194 : memref<10000x128xf32, #tpu.memory_space<hbm>>) target(%arg23 : memref<80x128xf32, #tpu.memory_space<vmem>>) offsets(%arg15 : memref<80xi32, #tpu.memory_space<vmem>>) semaphore(%arg39 : memref<!tpu.dma_semaphore, #tpu.memory_space<semaphore_mem>>)
    %dma_wait3A_195 = arith.constant 0 : i32
    %dma_wait3A_196 = arith.constant 0 : i32
    %dma_wait3A_197 = tpu.memref_slice %arg2[%dma_wait3A_195, %dma_wait3A_196] : memref<10000x128xf32, #tpu.memory_space<hbm>> -> memref<10000x128xf32, #tpu.memory_space<hbm>>
    tpu.wait_indirect_dma semaphore(%arg41 : memref<!tpu.dma_semaphore, #tpu.memory_space<semaphore_mem>>) src(%dma_wait3A_197 : memref<10000x128xf32, #tpu.memory_space<hbm>>) dst(%arg25 : memref<80x128xf32, #tpu.memory_space<vmem>>)
    %dma_wait3A_198 = arith.constant 0 : i32
    %dma_wait3A_199 = tpu.memref_slice %arg3[%dma_wait3A_198] : memref<640000xi32, #tpu.memory_space<hbm>> -> memref<80xi32, #tpu.memory_space<hbm>>
    %dma_wait3A_200 = arith.constant 0 : i32
    %dma_wait3A_201 = tpu.memref_slice %arg3[%dma_wait3A_200] : memref<640000xi32, #tpu.memory_space<hbm>> -> memref<80xi32, #tpu.memory_space<hbm>>
    tpu.wait_dma2 semaphore(%arg37 : memref<!tpu.dma_semaphore, #tpu.memory_space<semaphore_mem>>) src(%dma_wait3A_201 : memref<80xi32, #tpu.memory_space<hbm>>) dst(%arg21 : memref<80xi32, #tpu.memory_space<vmem>>)
    %dma_start3A_202 = arith.constant 0 : i32
    %dma_start3A_203 = arith.constant 0 : i32
    %dma_start3A_204 = tpu.memref_slice %arg8[%dma_start3A_202, %dma_start3A_203] : memref<10000x128xf32, #tpu.memory_space<vmem_shared>> -> memref<10000x128xf32, #tpu.memory_space<vmem_shared>>
    tpu.enqueue_indirect_dma source(%arg25 : memref<80x128xf32, #tpu.memory_space<vmem>>) target(%dma_start3A_204 : memref<10000x128xf32, #tpu.memory_space<vmem_shared>>) offsets(%arg21 : memref<80xi32, #tpu.memory_space<vmem>>) semaphore(%arg45 : memref<!tpu.dma_semaphore, #tpu.memory_space<semaphore_mem>>) {add = true}
    %dma_start3A_205 = arith.constant 0 : i32
    %dma_start3A_206 = tpu.memref_slice %arg9[%dma_start3A_205] : memref<10000xf32, #tpu.memory_space<vmem_shared>> -> memref<10000xf32, #tpu.memory_space<vmem_shared>>
    tpu.enqueue_indirect_dma source(%arg6 : memref<80xf32, #tpu.memory_space<vmem>>) target(%dma_start3A_206 : memref<10000xf32, #tpu.memory_space<vmem_shared>>) offsets(%arg21 : memref<80xi32, #tpu.memory_space<vmem>>) semaphore(%arg49 : memref<!tpu.dma_semaphore, #tpu.memory_space<semaphore_mem>>) {add = true}
    %dma_wait3A_207 = arith.constant 0 : i32
    %dma_wait3A_208 = arith.constant 0 : i32
    %dma_wait3A_209 = tpu.memref_slice %arg8[%dma_wait3A_207, %dma_wait3A_208] : memref<10000x128xf32, #tpu.memory_space<vmem_shared>> -> memref<10000x128xf32, #tpu.memory_space<vmem_shared>>
    tpu.wait_indirect_dma semaphore(%arg44 : memref<!tpu.dma_semaphore, #tpu.memory_space<semaphore_mem>>) src(%arg24 : memref<80x128xf32, #tpu.memory_space<vmem>>) dst(%dma_wait3A_209 : memref<10000x128xf32, #tpu.memory_space<vmem_shared>>)
    %dma_wait3A_210 = arith.constant 0 : i32
    %dma_wait3A_211 = tpu.memref_slice %arg9[%dma_wait3A_210] : memref<10000xf32, #tpu.memory_space<vmem_shared>> -> memref<10000xf32, #tpu.memory_space<vmem_shared>>
    tpu.wait_indirect_dma semaphore(%arg48 : memref<!tpu.dma_semaphore, #tpu.memory_space<semaphore_mem>>) src(%arg6 : memref<80xf32, #tpu.memory_space<vmem>>) dst(%dma_wait3A_211 : memref<10000xf32, #tpu.memory_space<vmem_shared>>)
    %add3A_212 = arith.constant 560 : i32
    %add3A_213 = arith.addi %mul3A_2, %add3A_212 : i32
    %dma_start3A_214 = tpu.memref_slice %arg3[%add3A_213] : memref<640000xi32, #tpu.memory_space<hbm>> -> memref<80xi32, #tpu.memory_space<hbm>>
    %dma_start3A_215 = tpu.memref_slice %arg3[%add3A_213] : memref<640000xi32, #tpu.memory_space<hbm>> -> memref<80xi32, #tpu.memory_space<hbm>>
    tpu.enqueue_dma source(%dma_start3A_215 : memref<80xi32, #tpu.memory_space<hbm>>) target(%arg17 : memref<80xi32, #tpu.memory_space<vmem>>) target_semaphore(%arg33 : memref<!tpu.dma_semaphore, #tpu.memory_space<semaphore_mem>>)
    %add3A_216 = arith.constant 320000 : i32
    %add3A_217 = arith.addi %add3A_216, %mul3A_2 : i32
    %add3A_218 = arith.constant 480 : i32
    %add3A_219 = arith.addi %add3A_217, %add3A_218 : i32
    %dma_start3A_220 = tpu.memref_slice %arg3[%add3A_219] : memref<640000xi32, #tpu.memory_space<hbm>> -> memref<80xi32, #tpu.memory_space<hbm>>
    %dma_start3A_221 = tpu.memref_slice %arg3[%add3A_219] : memref<640000xi32, #tpu.memory_space<hbm>> -> memref<80xi32, #tpu.memory_space<hbm>>
    tpu.enqueue_dma source(%dma_start3A_221 : memref<80xi32, #tpu.memory_space<hbm>>) target(%arg20 : memref<80xi32, #tpu.memory_space<vmem>>) target_semaphore(%arg36 : memref<!tpu.dma_semaphore, #tpu.memory_space<semaphore_mem>>)
    %dma_wait3A_222 = arith.constant 0 : i32
    %dma_wait3A_223 = tpu.memref_slice %arg3[%dma_wait3A_222] : memref<640000xi32, #tpu.memory_space<hbm>> -> memref<80xi32, #tpu.memory_space<hbm>>
    %dma_wait3A_224 = arith.constant 0 : i32
    %dma_wait3A_225 = tpu.memref_slice %arg3[%dma_wait3A_224] : memref<640000xi32, #tpu.memory_space<hbm>> -> memref<80xi32, #tpu.memory_space<hbm>>
    tpu.wait_dma2 semaphore(%arg32 : memref<!tpu.dma_semaphore, #tpu.memory_space<semaphore_mem>>) src(%dma_wait3A_225 : memref<80xi32, #tpu.memory_space<hbm>>) dst(%arg16 : memref<80xi32, #tpu.memory_space<vmem>>)
    %dma_start3A_226 = arith.constant 0 : i32
    %dma_start3A_227 = arith.constant 0 : i32
    %dma_start3A_228 = tpu.memref_slice %arg2[%dma_start3A_226, %dma_start3A_227] : memref<10000x128xf32, #tpu.memory_space<hbm>> -> memref<10000x128xf32, #tpu.memory_space<hbm>>
    tpu.enqueue_indirect_dma source(%dma_start3A_228 : memref<10000x128xf32, #tpu.memory_space<hbm>>) target(%arg24 : memref<80x128xf32, #tpu.memory_space<vmem>>) offsets(%arg16 : memref<80xi32, #tpu.memory_space<vmem>>) semaphore(%arg40 : memref<!tpu.dma_semaphore, #tpu.memory_space<semaphore_mem>>)
    %dma_wait3A_229 = arith.constant 0 : i32
    %dma_wait3A_230 = arith.constant 0 : i32
    %dma_wait3A_231 = tpu.memref_slice %arg2[%dma_wait3A_229, %dma_wait3A_230] : memref<10000x128xf32, #tpu.memory_space<hbm>> -> memref<10000x128xf32, #tpu.memory_space<hbm>>
    tpu.wait_indirect_dma semaphore(%arg38 : memref<!tpu.dma_semaphore, #tpu.memory_space<semaphore_mem>>) src(%dma_wait3A_231 : memref<10000x128xf32, #tpu.memory_space<hbm>>) dst(%arg22 : memref<80x128xf32, #tpu.memory_space<vmem>>)
    %dma_wait3A_232 = arith.constant 0 : i32
    %dma_wait3A_233 = tpu.memref_slice %arg3[%dma_wait3A_232] : memref<640000xi32, #tpu.memory_space<hbm>> -> memref<80xi32, #tpu.memory_space<hbm>>
    %dma_wait3A_234 = arith.constant 0 : i32
    %dma_wait3A_235 = tpu.memref_slice %arg3[%dma_wait3A_234] : memref<640000xi32, #tpu.memory_space<hbm>> -> memref<80xi32, #tpu.memory_space<hbm>>
    tpu.wait_dma2 semaphore(%arg34 : memref<!tpu.dma_semaphore, #tpu.memory_space<semaphore_mem>>) src(%dma_wait3A_235 : memref<80xi32, #tpu.memory_space<hbm>>) dst(%arg18 : memref<80xi32, #tpu.memory_space<vmem>>)
    %dma_start3A_236 = arith.constant 0 : i32
    %dma_start3A_237 = arith.constant 0 : i32
    %dma_start3A_238 = tpu.memref_slice %arg8[%dma_start3A_236, %dma_start3A_237] : memref<10000x128xf32, #tpu.memory_space<vmem_shared>> -> memref<10000x128xf32, #tpu.memory_space<vmem_shared>>
    tpu.enqueue_indirect_dma source(%arg22 : memref<80x128xf32, #tpu.memory_space<vmem>>) target(%dma_start3A_238 : memref<10000x128xf32, #tpu.memory_space<vmem_shared>>) offsets(%arg18 : memref<80xi32, #tpu.memory_space<vmem>>) semaphore(%arg42 : memref<!tpu.dma_semaphore, #tpu.memory_space<semaphore_mem>>) {add = true}
    %dma_start3A_239 = arith.constant 0 : i32
    %dma_start3A_240 = tpu.memref_slice %arg9[%dma_start3A_239] : memref<10000xf32, #tpu.memory_space<vmem_shared>> -> memref<10000xf32, #tpu.memory_space<vmem_shared>>
    tpu.enqueue_indirect_dma source(%arg6 : memref<80xf32, #tpu.memory_space<vmem>>) target(%dma_start3A_240 : memref<10000xf32, #tpu.memory_space<vmem_shared>>) offsets(%arg18 : memref<80xi32, #tpu.memory_space<vmem>>) semaphore(%arg46 : memref<!tpu.dma_semaphore, #tpu.memory_space<semaphore_mem>>) {add = true}
    %dma_wait3A_241 = arith.constant 0 : i32
    %dma_wait3A_242 = arith.constant 0 : i32
    %dma_wait3A_243 = tpu.memref_slice %arg8[%dma_wait3A_241, %dma_wait3A_242] : memref<10000x128xf32, #tpu.memory_space<vmem_shared>> -> memref<10000x128xf32, #tpu.memory_space<vmem_shared>>
    tpu.wait_indirect_dma semaphore(%arg45 : memref<!tpu.dma_semaphore, #tpu.memory_space<semaphore_mem>>) src(%arg25 : memref<80x128xf32, #tpu.memory_space<vmem>>) dst(%dma_wait3A_243 : memref<10000x128xf32, #tpu.memory_space<vmem_shared>>)
    %dma_wait3A_244 = arith.constant 0 : i32
    %dma_wait3A_245 = tpu.memref_slice %arg9[%dma_wait3A_244] : memref<10000xf32, #tpu.memory_space<vmem_shared>> -> memref<10000xf32, #tpu.memory_space<vmem_shared>>
    tpu.wait_indirect_dma semaphore(%arg49 : memref<!tpu.dma_semaphore, #tpu.memory_space<semaphore_mem>>) src(%arg6 : memref<80xf32, #tpu.memory_space<vmem>>) dst(%dma_wait3A_245 : memref<10000xf32, #tpu.memory_space<vmem_shared>>)
    %add3A_246 = arith.constant 640 : i32
    %add3A_247 = arith.addi %mul3A_2, %add3A_246 : i32
    %dma_start3A_248 = tpu.memref_slice %arg3[%add3A_247] : memref<640000xi32, #tpu.memory_space<hbm>> -> memref<80xi32, #tpu.memory_space<hbm>>
    %dma_start3A_249 = tpu.memref_slice %arg3[%add3A_247] : memref<640000xi32, #tpu.memory_space<hbm>> -> memref<80xi32, #tpu.memory_space<hbm>>
    tpu.enqueue_dma source(%dma_start3A_249 : memref<80xi32, #tpu.memory_space<hbm>>) target(%arg10 : memref<80xi32, #tpu.memory_space<vmem>>) target_semaphore(%arg26 : memref<!tpu.dma_semaphore, #tpu.memory_space<semaphore_mem>>)
    %add3A_250 = arith.constant 320000 : i32
    %add3A_251 = arith.addi %add3A_250, %mul3A_2 : i32
    %add3A_252 = arith.constant 560 : i32
    %add3A_253 = arith.addi %add3A_251, %add3A_252 : i32
    %dma_start3A_254 = tpu.memref_slice %arg3[%add3A_253] : memref<640000xi32, #tpu.memory_space<hbm>> -> memref<80xi32, #tpu.memory_space<hbm>>
    %dma_start3A_255 = tpu.memref_slice %arg3[%add3A_253] : memref<640000xi32, #tpu.memory_space<hbm>> -> memref<80xi32, #tpu.memory_space<hbm>>
    tpu.enqueue_dma source(%dma_start3A_255 : memref<80xi32, #tpu.memory_space<hbm>>) target(%arg21 : memref<80xi32, #tpu.memory_space<vmem>>) target_semaphore(%arg37 : memref<!tpu.dma_semaphore, #tpu.memory_space<semaphore_mem>>)
    %dma_wait3A_256 = arith.constant 0 : i32
    %dma_wait3A_257 = tpu.memref_slice %arg3[%dma_wait3A_256] : memref<640000xi32, #tpu.memory_space<hbm>> -> memref<80xi32, #tpu.memory_space<hbm>>
    %dma_wait3A_258 = arith.constant 0 : i32
    %dma_wait3A_259 = tpu.memref_slice %arg3[%dma_wait3A_258] : memref<640000xi32, #tpu.memory_space<hbm>> -> memref<80xi32, #tpu.memory_space<hbm>>
    tpu.wait_dma2 semaphore(%arg33 : memref<!tpu.dma_semaphore, #tpu.memory_space<semaphore_mem>>) src(%dma_wait3A_259 : memref<80xi32, #tpu.memory_space<hbm>>) dst(%arg17 : memref<80xi32, #tpu.memory_space<vmem>>)
    %dma_start3A_260 = arith.constant 0 : i32
    %dma_start3A_261 = arith.constant 0 : i32
    %dma_start3A_262 = tpu.memref_slice %arg2[%dma_start3A_260, %dma_start3A_261] : memref<10000x128xf32, #tpu.memory_space<hbm>> -> memref<10000x128xf32, #tpu.memory_space<hbm>>
    tpu.enqueue_indirect_dma source(%dma_start3A_262 : memref<10000x128xf32, #tpu.memory_space<hbm>>) target(%arg25 : memref<80x128xf32, #tpu.memory_space<vmem>>) offsets(%arg17 : memref<80xi32, #tpu.memory_space<vmem>>) semaphore(%arg41 : memref<!tpu.dma_semaphore, #tpu.memory_space<semaphore_mem>>)
    %scan3A_263 = arith.constant 0 : i32
    %scan3A_264 = arith.constant 0 : i32
    %scan3A_265 = arith.constant 15 : i32
    %scan3A_266 = arith.addi %scan3A_264, %scan3A_265 : i32
    %scan3A_267 = arith.constant 1 : i32
    %scan3A_268 = scf.for %scan3A_286 = %scan3A_264 to %scan3A_266 step %scan3A_267 iter_args(%scan3A_287 = %scan3A_263) -> (i32)  : i32 {
      %mul3A_288 = arith.constant 8 : i32
      %mul3A_289 = arith.muli %mul3A_288, %scan3A_286 : i32
      %add3A_290 = arith.constant 5 : i32
      %add3A_291 = arith.addi %mul3A_289, %add3A_290 : i32
      %add3A_292 = arith.constant 0 : i32
      %add3A_293 = arith.addi %add3A_291, %add3A_292 : i32
      %dma_wait3A_294 = arith.constant 0 : i32
      %dma_wait3A_295 = arith.constant 0 : i32
      %dma_wait3A_296 = tpu.memref_slice %arg2[%dma_wait3A_294, %dma_wait3A_295] : memref<10000x128xf32, #tpu.memory_space<hbm>> -> memref<10000x128xf32, #tpu.memory_space<hbm>>
      tpu.wait_indirect_dma semaphore(%arg39 : memref<!tpu.dma_semaphore, #tpu.memory_space<semaphore_mem>>) src(%dma_wait3A_296 : memref<10000x128xf32, #tpu.memory_space<hbm>>) dst(%arg23 : memref<80x128xf32, #tpu.memory_space<vmem>>)
      %dma_wait3A_297 = arith.constant 0 : i32
      %dma_wait3A_298 = tpu.memref_slice %arg3[%dma_wait3A_297] : memref<640000xi32, #tpu.memory_space<hbm>> -> memref<80xi32, #tpu.memory_space<hbm>>
      %dma_wait3A_299 = arith.constant 0 : i32
      %dma_wait3A_300 = tpu.memref_slice %arg3[%dma_wait3A_299] : memref<640000xi32, #tpu.memory_space<hbm>> -> memref<80xi32, #tpu.memory_space<hbm>>
      tpu.wait_dma2 semaphore(%arg35 : memref<!tpu.dma_semaphore, #tpu.memory_space<semaphore_mem>>) src(%dma_wait3A_300 : memref<80xi32, #tpu.memory_space<hbm>>) dst(%arg19 : memref<80xi32, #tpu.memory_space<vmem>>)
      %dma_start3A_301 = arith.constant 0 : i32
      %dma_start3A_302 = arith.constant 0 : i32
      %dma_start3A_303 = tpu.memref_slice %arg8[%dma_start3A_301, %dma_start3A_302] : memref<10000x128xf32, #tpu.memory_space<vmem_shared>> -> memref<10000x128xf32, #tpu.memory_space<vmem_shared>>
      tpu.enqueue_indirect_dma source(%arg23 : memref<80x128xf32, #tpu.memory_space<vmem>>) target(%dma_start3A_303 : memref<10000x128xf32, #tpu.memory_space<vmem_shared>>) offsets(%arg19 : memref<80xi32, #tpu.memory_space<vmem>>) semaphore(%arg43 : memref<!tpu.dma_semaphore, #tpu.memory_space<semaphore_mem>>) {add = true}
      %dma_start3A_304 = arith.constant 0 : i32
      %dma_start3A_305 = tpu.memref_slice %arg9[%dma_start3A_304] : memref<10000xf32, #tpu.memory_space<vmem_shared>> -> memref<10000xf32, #tpu.memory_space<vmem_shared>>
      tpu.enqueue_indirect_dma source(%arg6 : memref<80xf32, #tpu.memory_space<vmem>>) target(%dma_start3A_305 : memref<10000xf32, #tpu.memory_space<vmem_shared>>) offsets(%arg19 : memref<80xi32, #tpu.memory_space<vmem>>) semaphore(%arg47 : memref<!tpu.dma_semaphore, #tpu.memory_space<semaphore_mem>>) {add = true}
      %dma_wait3A_306 = arith.constant 0 : i32
      %dma_wait3A_307 = arith.constant 0 : i32
      %dma_wait3A_308 = tpu.memref_slice %arg8[%dma_wait3A_306, %dma_wait3A_307] : memref<10000x128xf32, #tpu.memory_space<vmem_shared>> -> memref<10000x128xf32, #tpu.memory_space<vmem_shared>>
      tpu.wait_indirect_dma semaphore(%arg42 : memref<!tpu.dma_semaphore, #tpu.memory_space<semaphore_mem>>) src(%arg22 : memref<80x128xf32, #tpu.memory_space<vmem>>) dst(%dma_wait3A_308 : memref<10000x128xf32, #tpu.memory_space<vmem_shared>>)
      %dma_wait3A_309 = arith.constant 0 : i32
      %dma_wait3A_310 = tpu.memref_slice %arg9[%dma_wait3A_309] : memref<10000xf32, #tpu.memory_space<vmem_shared>> -> memref<10000xf32, #tpu.memory_space<vmem_shared>>
      tpu.wait_indirect_dma semaphore(%arg46 : memref<!tpu.dma_semaphore, #tpu.memory_space<semaphore_mem>>) src(%arg6 : memref<80xf32, #tpu.memory_space<vmem>>) dst(%dma_wait3A_310 : memref<10000xf32, #tpu.memory_space<vmem_shared>>)
      %add3A_311 = arith.constant 4 : i32
      %add3A_312 = arith.addi %add3A_293, %add3A_311 : i32
      %lt3A_313 = arith.constant 125 : i32
      %lt3A_314 = arith.cmpi slt, %add3A_312, %lt3A_313 : i32
      %convert_element_type3A_315 = arith.extui %lt3A_314 : i1 to i32
      %cond3A_316 = arith.constant 0 : i32
      %cond3A_317 = arith.cmpi ne, %convert_element_type3A_315, %cond3A_316 : i32
      scf.if %cond3A_317 {
        %add3A_585 = arith.constant 4 : i32
        %add3A_586 = arith.addi %add3A_293, %add3A_585 : i32
        %mul3A_587 = arith.constant 80 : i32
        %mul3A_588 = arith.muli %add3A_586, %mul3A_587 : i32
        %add3A_589 = arith.addi %mul3A_2, %mul3A_588 : i32
        %dma_start3A_590 = tpu.memref_slice %arg3[%add3A_589] : memref<640000xi32, #tpu.memory_space<hbm>> -> memref<80xi32, #tpu.memory_space<hbm>>
        %dma_start3A_591 = tpu.memref_slice %arg3[%add3A_589] : memref<640000xi32, #tpu.memory_space<hbm>> -> memref<80xi32, #tpu.memory_space<hbm>>
        tpu.enqueue_dma source(%dma_start3A_591 : memref<80xi32, #tpu.memory_space<hbm>>) target(%arg11 : memref<80xi32, #tpu.memory_space<vmem>>) target_semaphore(%arg27 : memref<!tpu.dma_semaphore, #tpu.memory_space<semaphore_mem>>)
      } else {
      }
      %add3A_318 = arith.constant 3 : i32
      %add3A_319 = arith.addi %add3A_293, %add3A_318 : i32
      %lt3A_320 = arith.constant 125 : i32
      %lt3A_321 = arith.cmpi slt, %add3A_319, %lt3A_320 : i32
      %convert_element_type3A_322 = arith.extui %lt3A_321 : i1 to i32
      %cond3A_323 = arith.constant 0 : i32
      %cond3A_324 = arith.cmpi ne, %convert_element_type3A_322, %cond3A_323 : i32
      scf.if %cond3A_324 {
        %add3A_585 = arith.constant 3 : i32
        %add3A_586 = arith.addi %add3A_293, %add3A_585 : i32
        %add3A_587 = arith.constant 320000 : i32
        %add3A_588 = arith.addi %add3A_587, %mul3A_2 : i32
        %mul3A_589 = arith.constant 80 : i32
        %mul3A_590 = arith.muli %add3A_586, %mul3A_589 : i32
        %add3A_591 = arith.addi %add3A_588, %mul3A_590 : i32
        %dma_start3A_592 = tpu.memref_slice %arg3[%add3A_591] : memref<640000xi32, #tpu.memory_space<hbm>> -> memref<80xi32, #tpu.memory_space<hbm>>
        %dma_start3A_593 = tpu.memref_slice %arg3[%add3A_591] : memref<640000xi32, #tpu.memory_space<hbm>> -> memref<80xi32, #tpu.memory_space<hbm>>
        tpu.enqueue_dma source(%dma_start3A_593 : memref<80xi32, #tpu.memory_space<hbm>>) target(%arg18 : memref<80xi32, #tpu.memory_space<vmem>>) target_semaphore(%arg34 : memref<!tpu.dma_semaphore, #tpu.memory_space<semaphore_mem>>)
        %dma_wait3A_594 = arith.constant 0 : i32
        %dma_wait3A_595 = tpu.memref_slice %arg3[%dma_wait3A_594] : memref<640000xi32, #tpu.memory_space<hbm>> -> memref<80xi32, #tpu.memory_space<hbm>>
        %dma_wait3A_596 = arith.constant 0 : i32
        %dma_wait3A_597 = tpu.memref_slice %arg3[%dma_wait3A_596] : memref<640000xi32, #tpu.memory_space<hbm>> -> memref<80xi32, #tpu.memory_space<hbm>>
        tpu.wait_dma2 semaphore(%arg26 : memref<!tpu.dma_semaphore, #tpu.memory_space<semaphore_mem>>) src(%dma_wait3A_597 : memref<80xi32, #tpu.memory_space<hbm>>) dst(%arg10 : memref<80xi32, #tpu.memory_space<vmem>>)
        %dma_start3A_598 = arith.constant 0 : i32
        %dma_start3A_599 = arith.constant 0 : i32
        %dma_start3A_600 = tpu.memref_slice %arg2[%dma_start3A_598, %dma_start3A_599] : memref<10000x128xf32, #tpu.memory_space<hbm>> -> memref<10000x128xf32, #tpu.memory_space<hbm>>
        tpu.enqueue_indirect_dma source(%dma_start3A_600 : memref<10000x128xf32, #tpu.memory_space<hbm>>) target(%arg22 : memref<80x128xf32, #tpu.memory_space<vmem>>) offsets(%arg10 : memref<80xi32, #tpu.memory_space<vmem>>) semaphore(%arg38 : memref<!tpu.dma_semaphore, #tpu.memory_space<semaphore_mem>>)
      } else {
      }
      %mul3A_325 = arith.constant 8 : i32
      %mul3A_326 = arith.muli %mul3A_325, %scan3A_286 : i32
      %add3A_327 = arith.constant 5 : i32
      %add3A_328 = arith.addi %mul3A_326, %add3A_327 : i32
      %add3A_329 = arith.constant 1 : i32
      %add3A_330 = arith.addi %add3A_328, %add3A_329 : i32
      %dma_wait3A_331 = arith.constant 0 : i32
      %dma_wait3A_332 = arith.constant 0 : i32
      %dma_wait3A_333 = tpu.memref_slice %arg2[%dma_wait3A_331, %dma_wait3A_332] : memref<10000x128xf32, #tpu.memory_space<hbm>> -> memref<10000x128xf32, #tpu.memory_space<hbm>>
      tpu.wait_indirect_dma semaphore(%arg40 : memref<!tpu.dma_semaphore, #tpu.memory_space<semaphore_mem>>) src(%dma_wait3A_333 : memref<10000x128xf32, #tpu.memory_space<hbm>>) dst(%arg24 : memref<80x128xf32, #tpu.memory_space<vmem>>)
      %dma_wait3A_334 = arith.constant 0 : i32
      %dma_wait3A_335 = tpu.memref_slice %arg3[%dma_wait3A_334] : memref<640000xi32, #tpu.memory_space<hbm>> -> memref<80xi32, #tpu.memory_space<hbm>>
      %dma_wait3A_336 = arith.constant 0 : i32
      %dma_wait3A_337 = tpu.memref_slice %arg3[%dma_wait3A_336] : memref<640000xi32, #tpu.memory_space<hbm>> -> memref<80xi32, #tpu.memory_space<hbm>>
      tpu.wait_dma2 semaphore(%arg36 : memref<!tpu.dma_semaphore, #tpu.memory_space<semaphore_mem>>) src(%dma_wait3A_337 : memref<80xi32, #tpu.memory_space<hbm>>) dst(%arg20 : memref<80xi32, #tpu.memory_space<vmem>>)
      %dma_start3A_338 = arith.constant 0 : i32
      %dma_start3A_339 = arith.constant 0 : i32
      %dma_start3A_340 = tpu.memref_slice %arg8[%dma_start3A_338, %dma_start3A_339] : memref<10000x128xf32, #tpu.memory_space<vmem_shared>> -> memref<10000x128xf32, #tpu.memory_space<vmem_shared>>
      tpu.enqueue_indirect_dma source(%arg24 : memref<80x128xf32, #tpu.memory_space<vmem>>) target(%dma_start3A_340 : memref<10000x128xf32, #tpu.memory_space<vmem_shared>>) offsets(%arg20 : memref<80xi32, #tpu.memory_space<vmem>>) semaphore(%arg44 : memref<!tpu.dma_semaphore, #tpu.memory_space<semaphore_mem>>) {add = true}
      %dma_start3A_341 = arith.constant 0 : i32
      %dma_start3A_342 = tpu.memref_slice %arg9[%dma_start3A_341] : memref<10000xf32, #tpu.memory_space<vmem_shared>> -> memref<10000xf32, #tpu.memory_space<vmem_shared>>
      tpu.enqueue_indirect_dma source(%arg6 : memref<80xf32, #tpu.memory_space<vmem>>) target(%dma_start3A_342 : memref<10000xf32, #tpu.memory_space<vmem_shared>>) offsets(%arg20 : memref<80xi32, #tpu.memory_space<vmem>>) semaphore(%arg48 : memref<!tpu.dma_semaphore, #tpu.memory_space<semaphore_mem>>) {add = true}
      %dma_wait3A_343 = arith.constant 0 : i32
      %dma_wait3A_344 = arith.constant 0 : i32
      %dma_wait3A_345 = tpu.memref_slice %arg8[%dma_wait3A_343, %dma_wait3A_344] : memref<10000x128xf32, #tpu.memory_space<vmem_shared>> -> memref<10000x128xf32, #tpu.memory_space<vmem_shared>>
      tpu.wait_indirect_dma semaphore(%arg43 : memref<!tpu.dma_semaphore, #tpu.memory_space<semaphore_mem>>) src(%arg23 : memref<80x128xf32, #tpu.memory_space<vmem>>) dst(%dma_wait3A_345 : memref<10000x128xf32, #tpu.memory_space<vmem_shared>>)
      %dma_wait3A_346 = arith.constant 0 : i32
      %dma_wait3A_347 = tpu.memref_slice %arg9[%dma_wait3A_346] : memref<10000xf32, #tpu.memory_space<vmem_shared>> -> memref<10000xf32, #tpu.memory_space<vmem_shared>>
      tpu.wait_indirect_dma semaphore(%arg47 : memref<!tpu.dma_semaphore, #tpu.memory_space<semaphore_mem>>) src(%arg6 : memref<80xf32, #tpu.memory_space<vmem>>) dst(%dma_wait3A_347 : memref<10000xf32, #tpu.memory_space<vmem_shared>>)
      %add3A_348 = arith.constant 4 : i32
      %add3A_349 = arith.addi %add3A_330, %add3A_348 : i32
      %lt3A_350 = arith.constant 125 : i32
      %lt3A_351 = arith.cmpi slt, %add3A_349, %lt3A_350 : i32
      %convert_element_type3A_352 = arith.extui %lt3A_351 : i1 to i32
      %cond3A_353 = arith.constant 0 : i32
      %cond3A_354 = arith.cmpi ne, %convert_element_type3A_352, %cond3A_353 : i32
      scf.if %cond3A_354 {
        %add3A_585 = arith.constant 4 : i32
        %add3A_586 = arith.addi %add3A_330, %add3A_585 : i32
        %mul3A_587 = arith.constant 80 : i32
        %mul3A_588 = arith.muli %add3A_586, %mul3A_587 : i32
        %add3A_589 = arith.addi %mul3A_2, %mul3A_588 : i32
        %dma_start3A_590 = tpu.memref_slice %arg3[%add3A_589] : memref<640000xi32, #tpu.memory_space<hbm>> -> memref<80xi32, #tpu.memory_space<hbm>>
        %dma_start3A_591 = tpu.memref_slice %arg3[%add3A_589] : memref<640000xi32, #tpu.memory_space<hbm>> -> memref<80xi32, #tpu.memory_space<hbm>>
        tpu.enqueue_dma source(%dma_start3A_591 : memref<80xi32, #tpu.memory_space<hbm>>) target(%arg12 : memref<80xi32, #tpu.memory_space<vmem>>) target_semaphore(%arg28 : memref<!tpu.dma_semaphore, #tpu.memory_space<semaphore_mem>>)
      } else {
      }
      %add3A_355 = arith.constant 3 : i32
      %add3A_356 = arith.addi %add3A_330, %add3A_355 : i32
      %lt3A_357 = arith.constant 125 : i32
      %lt3A_358 = arith.cmpi slt, %add3A_356, %lt3A_357 : i32
      %convert_element_type3A_359 = arith.extui %lt3A_358 : i1 to i32
      %cond3A_360 = arith.constant 0 : i32
      %cond3A_361 = arith.cmpi ne, %convert_element_type3A_359, %cond3A_360 : i32
      scf.if %cond3A_361 {
        %add3A_585 = arith.constant 3 : i32
        %add3A_586 = arith.addi %add3A_330, %add3A_585 : i32
        %add3A_587 = arith.constant 320000 : i32
        %add3A_588 = arith.addi %add3A_587, %mul3A_2 : i32
        %mul3A_589 = arith.constant 80 : i32
        %mul3A_590 = arith.muli %add3A_586, %mul3A_589 : i32
        %add3A_591 = arith.addi %add3A_588, %mul3A_590 : i32
        %dma_start3A_592 = tpu.memref_slice %arg3[%add3A_591] : memref<640000xi32, #tpu.memory_space<hbm>> -> memref<80xi32, #tpu.memory_space<hbm>>
        %dma_start3A_593 = tpu.memref_slice %arg3[%add3A_591] : memref<640000xi32, #tpu.memory_space<hbm>> -> memref<80xi32, #tpu.memory_space<hbm>>
        tpu.enqueue_dma source(%dma_start3A_593 : memref<80xi32, #tpu.memory_space<hbm>>) target(%arg19 : memref<80xi32, #tpu.memory_space<vmem>>) target_semaphore(%arg35 : memref<!tpu.dma_semaphore, #tpu.memory_space<semaphore_mem>>)
        %dma_wait3A_594 = arith.constant 0 : i32
        %dma_wait3A_595 = tpu.memref_slice %arg3[%dma_wait3A_594] : memref<640000xi32, #tpu.memory_space<hbm>> -> memref<80xi32, #tpu.memory_space<hbm>>
        %dma_wait3A_596 = arith.constant 0 : i32
        %dma_wait3A_597 = tpu.memref_slice %arg3[%dma_wait3A_596] : memref<640000xi32, #tpu.memory_space<hbm>> -> memref<80xi32, #tpu.memory_space<hbm>>
        tpu.wait_dma2 semaphore(%arg27 : memref<!tpu.dma_semaphore, #tpu.memory_space<semaphore_mem>>) src(%dma_wait3A_597 : memref<80xi32, #tpu.memory_space<hbm>>) dst(%arg11 : memref<80xi32, #tpu.memory_space<vmem>>)
        %dma_start3A_598 = arith.constant 0 : i32
        %dma_start3A_599 = arith.constant 0 : i32
        %dma_start3A_600 = tpu.memref_slice %arg2[%dma_start3A_598, %dma_start3A_599] : memref<10000x128xf32, #tpu.memory_space<hbm>> -> memref<10000x128xf32, #tpu.memory_space<hbm>>
        tpu.enqueue_indirect_dma source(%dma_start3A_600 : memref<10000x128xf32, #tpu.memory_space<hbm>>) target(%arg23 : memref<80x128xf32, #tpu.memory_space<vmem>>) offsets(%arg11 : memref<80xi32, #tpu.memory_space<vmem>>) semaphore(%arg39 : memref<!tpu.dma_semaphore, #tpu.memory_space<semaphore_mem>>)
      } else {
      }
      %mul3A_362 = arith.constant 8 : i32
      %mul3A_363 = arith.muli %mul3A_362, %scan3A_286 : i32
      %add3A_364 = arith.constant 5 : i32
      %add3A_365 = arith.addi %mul3A_363, %add3A_364 : i32
      %add3A_366 = arith.constant 2 : i32
      %add3A_367 = arith.addi %add3A_365, %add3A_366 : i32
      %dma_wait3A_368 = arith.constant 0 : i32
      %dma_wait3A_369 = arith.constant 0 : i32
      %dma_wait3A_370 = tpu.memref_slice %arg2[%dma_wait3A_368, %dma_wait3A_369] : memref<10000x128xf32, #tpu.memory_space<hbm>> -> memref<10000x128xf32, #tpu.memory_space<hbm>>
      tpu.wait_indirect_dma semaphore(%arg41 : memref<!tpu.dma_semaphore, #tpu.memory_space<semaphore_mem>>) src(%dma_wait3A_370 : memref<10000x128xf32, #tpu.memory_space<hbm>>) dst(%arg25 : memref<80x128xf32, #tpu.memory_space<vmem>>)
      %dma_wait3A_371 = arith.constant 0 : i32
      %dma_wait3A_372 = tpu.memref_slice %arg3[%dma_wait3A_371] : memref<640000xi32, #tpu.memory_space<hbm>> -> memref<80xi32, #tpu.memory_space<hbm>>
      %dma_wait3A_373 = arith.constant 0 : i32
      %dma_wait3A_374 = tpu.memref_slice %arg3[%dma_wait3A_373] : memref<640000xi32, #tpu.memory_space<hbm>> -> memref<80xi32, #tpu.memory_space<hbm>>
      tpu.wait_dma2 semaphore(%arg37 : memref<!tpu.dma_semaphore, #tpu.memory_space<semaphore_mem>>) src(%dma_wait3A_374 : memref<80xi32, #tpu.memory_space<hbm>>) dst(%arg21 : memref<80xi32, #tpu.memory_space<vmem>>)
      %dma_start3A_375 = arith.constant 0 : i32
      %dma_start3A_376 = arith.constant 0 : i32
      %dma_start3A_377 = tpu.memref_slice %arg8[%dma_start3A_375, %dma_start3A_376] : memref<10000x128xf32, #tpu.memory_space<vmem_shared>> -> memref<10000x128xf32, #tpu.memory_space<vmem_shared>>
      tpu.enqueue_indirect_dma source(%arg25 : memref<80x128xf32, #tpu.memory_space<vmem>>) target(%dma_start3A_377 : memref<10000x128xf32, #tpu.memory_space<vmem_shared>>) offsets(%arg21 : memref<80xi32, #tpu.memory_space<vmem>>) semaphore(%arg45 : memref<!tpu.dma_semaphore, #tpu.memory_space<semaphore_mem>>) {add = true}
      %dma_start3A_378 = arith.constant 0 : i32
      %dma_start3A_379 = tpu.memref_slice %arg9[%dma_start3A_378] : memref<10000xf32, #tpu.memory_space<vmem_shared>> -> memref<10000xf32, #tpu.memory_space<vmem_shared>>
      tpu.enqueue_indirect_dma source(%arg6 : memref<80xf32, #tpu.memory_space<vmem>>) target(%dma_start3A_379 : memref<10000xf32, #tpu.memory_space<vmem_shared>>) offsets(%arg21 : memref<80xi32, #tpu.memory_space<vmem>>) semaphore(%arg49 : memref<!tpu.dma_semaphore, #tpu.memory_space<semaphore_mem>>) {add = true}
      %dma_wait3A_380 = arith.constant 0 : i32
      %dma_wait3A_381 = arith.constant 0 : i32
      %dma_wait3A_382 = tpu.memref_slice %arg8[%dma_wait3A_380, %dma_wait3A_381] : memref<10000x128xf32, #tpu.memory_space<vmem_shared>> -> memref<10000x128xf32, #tpu.memory_space<vmem_shared>>
      tpu.wait_indirect_dma semaphore(%arg44 : memref<!tpu.dma_semaphore, #tpu.memory_space<semaphore_mem>>) src(%arg24 : memref<80x128xf32, #tpu.memory_space<vmem>>) dst(%dma_wait3A_382 : memref<10000x128xf32, #tpu.memory_space<vmem_shared>>)
      %dma_wait3A_383 = arith.constant 0 : i32
      %dma_wait3A_384 = tpu.memref_slice %arg9[%dma_wait3A_383] : memref<10000xf32, #tpu.memory_space<vmem_shared>> -> memref<10000xf32, #tpu.memory_space<vmem_shared>>
      tpu.wait_indirect_dma semaphore(%arg48 : memref<!tpu.dma_semaphore, #tpu.memory_space<semaphore_mem>>) src(%arg6 : memref<80xf32, #tpu.memory_space<vmem>>) dst(%dma_wait3A_384 : memref<10000xf32, #tpu.memory_space<vmem_shared>>)
      %add3A_385 = arith.constant 4 : i32
      %add3A_386 = arith.addi %add3A_367, %add3A_385 : i32
      %lt3A_387 = arith.constant 125 : i32
      %lt3A_388 = arith.cmpi slt, %add3A_386, %lt3A_387 : i32
      %convert_element_type3A_389 = arith.extui %lt3A_388 : i1 to i32
      %cond3A_390 = arith.constant 0 : i32
      %cond3A_391 = arith.cmpi ne, %convert_element_type3A_389, %cond3A_390 : i32
      scf.if %cond3A_391 {
        %add3A_585 = arith.constant 4 : i32
        %add3A_586 = arith.addi %add3A_367, %add3A_585 : i32
        %mul3A_587 = arith.constant 80 : i32
        %mul3A_588 = arith.muli %add3A_586, %mul3A_587 : i32
        %add3A_589 = arith.addi %mul3A_2, %mul3A_588 : i32
        %dma_start3A_590 = tpu.memref_slice %arg3[%add3A_589] : memref<640000xi32, #tpu.memory_space<hbm>> -> memref<80xi32, #tpu.memory_space<hbm>>
        %dma_start3A_591 = tpu.memref_slice %arg3[%add3A_589] : memref<640000xi32, #tpu.memory_space<hbm>> -> memref<80xi32, #tpu.memory_space<hbm>>
        tpu.enqueue_dma source(%dma_start3A_591 : memref<80xi32, #tpu.memory_space<hbm>>) target(%arg13 : memref<80xi32, #tpu.memory_space<vmem>>) target_semaphore(%arg29 : memref<!tpu.dma_semaphore, #tpu.memory_space<semaphore_mem>>)
      } else {
      }
      %add3A_392 = arith.constant 3 : i32
      %add3A_393 = arith.addi %add3A_367, %add3A_392 : i32
      %lt3A_394 = arith.constant 125 : i32
      %lt3A_395 = arith.cmpi slt, %add3A_393, %lt3A_394 : i32
      %convert_element_type3A_396 = arith.extui %lt3A_395 : i1 to i32
      %cond3A_397 = arith.constant 0 : i32
      %cond3A_398 = arith.cmpi ne, %convert_element_type3A_396, %cond3A_397 : i32
      scf.if %cond3A_398 {
        %add3A_585 = arith.constant 3 : i32
        %add3A_586 = arith.addi %add3A_367, %add3A_585 : i32
        %add3A_587 = arith.constant 320000 : i32
        %add3A_588 = arith.addi %add3A_587, %mul3A_2 : i32
        %mul3A_589 = arith.constant 80 : i32
        %mul3A_590 = arith.muli %add3A_586, %mul3A_589 : i32
        %add3A_591 = arith.addi %add3A_588, %mul3A_590 : i32
        %dma_start3A_592 = tpu.memref_slice %arg3[%add3A_591] : memref<640000xi32, #tpu.memory_space<hbm>> -> memref<80xi32, #tpu.memory_space<hbm>>
        %dma_start3A_593 = tpu.memref_slice %arg3[%add3A_591] : memref<640000xi32, #tpu.memory_space<hbm>> -> memref<80xi32, #tpu.memory_space<hbm>>
        tpu.enqueue_dma source(%dma_start3A_593 : memref<80xi32, #tpu.memory_space<hbm>>) target(%arg20 : memref<80xi32, #tpu.memory_space<vmem>>) target_semaphore(%arg36 : memref<!tpu.dma_semaphore, #tpu.memory_space<semaphore_mem>>)
        %dma_wait3A_594 = arith.constant 0 : i32
        %dma_wait3A_595 = tpu.memref_slice %arg3[%dma_wait3A_594] : memref<640000xi32, #tpu.memory_space<hbm>> -> memref<80xi32, #tpu.memory_space<hbm>>
        %dma_wait3A_596 = arith.constant 0 : i32
        %dma_wait3A_597 = tpu.memref_slice %arg3[%dma_wait3A_596] : memref<640000xi32, #tpu.memory_space<hbm>> -> memref<80xi32, #tpu.memory_space<hbm>>
        tpu.wait_dma2 semaphore(%arg28 : memref<!tpu.dma_semaphore, #tpu.memory_space<semaphore_mem>>) src(%dma_wait3A_597 : memref<80xi32, #tpu.memory_space<hbm>>) dst(%arg12 : memref<80xi32, #tpu.memory_space<vmem>>)
        %dma_start3A_598 = arith.constant 0 : i32
        %dma_start3A_599 = arith.constant 0 : i32
        %dma_start3A_600 = tpu.memref_slice %arg2[%dma_start3A_598, %dma_start3A_599] : memref<10000x128xf32, #tpu.memory_space<hbm>> -> memref<10000x128xf32, #tpu.memory_space<hbm>>
        tpu.enqueue_indirect_dma source(%dma_start3A_600 : memref<10000x128xf32, #tpu.memory_space<hbm>>) target(%arg24 : memref<80x128xf32, #tpu.memory_space<vmem>>) offsets(%arg12 : memref<80xi32, #tpu.memory_space<vmem>>) semaphore(%arg40 : memref<!tpu.dma_semaphore, #tpu.memory_space<semaphore_mem>>)
      } else {
      }
      %mul3A_399 = arith.constant 8 : i32
      %mul3A_400 = arith.muli %mul3A_399, %scan3A_286 : i32
      %add3A_401 = arith.constant 5 : i32
      %add3A_402 = arith.addi %mul3A_400, %add3A_401 : i32
      %add3A_403 = arith.constant 3 : i32
      %add3A_404 = arith.addi %add3A_402, %add3A_403 : i32
      %dma_wait3A_405 = arith.constant 0 : i32
      %dma_wait3A_406 = arith.constant 0 : i32
      %dma_wait3A_407 = tpu.memref_slice %arg2[%dma_wait3A_405, %dma_wait3A_406] : memref<10000x128xf32, #tpu.memory_space<hbm>> -> memref<10000x128xf32, #tpu.memory_space<hbm>>
      tpu.wait_indirect_dma semaphore(%arg38 : memref<!tpu.dma_semaphore, #tpu.memory_space<semaphore_mem>>) src(%dma_wait3A_407 : memref<10000x128xf32, #tpu.memory_space<hbm>>) dst(%arg22 : memref<80x128xf32, #tpu.memory_space<vmem>>)
      %dma_wait3A_408 = arith.constant 0 : i32
      %dma_wait3A_409 = tpu.memref_slice %arg3[%dma_wait3A_408] : memref<640000xi32, #tpu.memory_space<hbm>> -> memref<80xi32, #tpu.memory_space<hbm>>
      %dma_wait3A_410 = arith.constant 0 : i32
      %dma_wait3A_411 = tpu.memref_slice %arg3[%dma_wait3A_410] : memref<640000xi32, #tpu.memory_space<hbm>> -> memref<80xi32, #tpu.memory_space<hbm>>
      tpu.wait_dma2 semaphore(%arg34 : memref<!tpu.dma_semaphore, #tpu.memory_space<semaphore_mem>>) src(%dma_wait3A_411 : memref<80xi32, #tpu.memory_space<hbm>>) dst(%arg18 : memref<80xi32, #tpu.memory_space<vmem>>)
      %dma_start3A_412 = arith.constant 0 : i32
      %dma_start3A_413 = arith.constant 0 : i32
      %dma_start3A_414 = tpu.memref_slice %arg8[%dma_start3A_412, %dma_start3A_413] : memref<10000x128xf32, #tpu.memory_space<vmem_shared>> -> memref<10000x128xf32, #tpu.memory_space<vmem_shared>>
      tpu.enqueue_indirect_dma source(%arg22 : memref<80x128xf32, #tpu.memory_space<vmem>>) target(%dma_start3A_414 : memref<10000x128xf32, #tpu.memory_space<vmem_shared>>) offsets(%arg18 : memref<80xi32, #tpu.memory_space<vmem>>) semaphore(%arg42 : memref<!tpu.dma_semaphore, #tpu.memory_space<semaphore_mem>>) {add = true}
      %dma_start3A_415 = arith.constant 0 : i32
      %dma_start3A_416 = tpu.memref_slice %arg9[%dma_start3A_415] : memref<10000xf32, #tpu.memory_space<vmem_shared>> -> memref<10000xf32, #tpu.memory_space<vmem_shared>>
      tpu.enqueue_indirect_dma source(%arg6 : memref<80xf32, #tpu.memory_space<vmem>>) target(%dma_start3A_416 : memref<10000xf32, #tpu.memory_space<vmem_shared>>) offsets(%arg18 : memref<80xi32, #tpu.memory_space<vmem>>) semaphore(%arg46 : memref<!tpu.dma_semaphore, #tpu.memory_space<semaphore_mem>>) {add = true}
      %dma_wait3A_417 = arith.constant 0 : i32
      %dma_wait3A_418 = arith.constant 0 : i32
      %dma_wait3A_419 = tpu.memref_slice %arg8[%dma_wait3A_417, %dma_wait3A_418] : memref<10000x128xf32, #tpu.memory_space<vmem_shared>> -> memref<10000x128xf32, #tpu.memory_space<vmem_shared>>
      tpu.wait_indirect_dma semaphore(%arg45 : memref<!tpu.dma_semaphore, #tpu.memory_space<semaphore_mem>>) src(%arg25 : memref<80x128xf32, #tpu.memory_space<vmem>>) dst(%dma_wait3A_419 : memref<10000x128xf32, #tpu.memory_space<vmem_shared>>)
      %dma_wait3A_420 = arith.constant 0 : i32
      %dma_wait3A_421 = tpu.memref_slice %arg9[%dma_wait3A_420] : memref<10000xf32, #tpu.memory_space<vmem_shared>> -> memref<10000xf32, #tpu.memory_space<vmem_shared>>
      tpu.wait_indirect_dma semaphore(%arg49 : memref<!tpu.dma_semaphore, #tpu.memory_space<semaphore_mem>>) src(%arg6 : memref<80xf32, #tpu.memory_space<vmem>>) dst(%dma_wait3A_421 : memref<10000xf32, #tpu.memory_space<vmem_shared>>)
      %add3A_422 = arith.constant 4 : i32
      %add3A_423 = arith.addi %add3A_404, %add3A_422 : i32
      %lt3A_424 = arith.constant 125 : i32
      %lt3A_425 = arith.cmpi slt, %add3A_423, %lt3A_424 : i32
      %convert_element_type3A_426 = arith.extui %lt3A_425 : i1 to i32
      %cond3A_427 = arith.constant 0 : i32
      %cond3A_428 = arith.cmpi ne, %convert_element_type3A_426, %cond3A_427 : i32
      scf.if %cond3A_428 {
        %add3A_585 = arith.constant 4 : i32
        %add3A_586 = arith.addi %add3A_404, %add3A_585 : i32
        %mul3A_587 = arith.constant 80 : i32
        %mul3A_588 = arith.muli %add3A_586, %mul3A_587 : i32
        %add3A_589 = arith.addi %mul3A_2, %mul3A_588 : i32
        %dma_start3A_590 = tpu.memref_slice %arg3[%add3A_589] : memref<640000xi32, #tpu.memory_space<hbm>> -> memref<80xi32, #tpu.memory_space<hbm>>
        %dma_start3A_591 = tpu.memref_slice %arg3[%add3A_589] : memref<640000xi32, #tpu.memory_space<hbm>> -> memref<80xi32, #tpu.memory_space<hbm>>
        tpu.enqueue_dma source(%dma_start3A_591 : memref<80xi32, #tpu.memory_space<hbm>>) target(%arg14 : memref<80xi32, #tpu.memory_space<vmem>>) target_semaphore(%arg30 : memref<!tpu.dma_semaphore, #tpu.memory_space<semaphore_mem>>)
      } else {
      }
      %add3A_429 = arith.constant 3 : i32
      %add3A_430 = arith.addi %add3A_404, %add3A_429 : i32
      %lt3A_431 = arith.constant 125 : i32
      %lt3A_432 = arith.cmpi slt, %add3A_430, %lt3A_431 : i32
      %convert_element_type3A_433 = arith.extui %lt3A_432 : i1 to i32
      %cond3A_434 = arith.constant 0 : i32
      %cond3A_435 = arith.cmpi ne, %convert_element_type3A_433, %cond3A_434 : i32
      scf.if %cond3A_435 {
        %add3A_585 = arith.constant 3 : i32
        %add3A_586 = arith.addi %add3A_404, %add3A_585 : i32
        %add3A_587 = arith.constant 320000 : i32
        %add3A_588 = arith.addi %add3A_587, %mul3A_2 : i32
        %mul3A_589 = arith.constant 80 : i32
        %mul3A_590 = arith.muli %add3A_586, %mul3A_589 : i32
        %add3A_591 = arith.addi %add3A_588, %mul3A_590 : i32
        %dma_start3A_592 = tpu.memref_slice %arg3[%add3A_591] : memref<640000xi32, #tpu.memory_space<hbm>> -> memref<80xi32, #tpu.memory_space<hbm>>
        %dma_start3A_593 = tpu.memref_slice %arg3[%add3A_591] : memref<640000xi32, #tpu.memory_space<hbm>> -> memref<80xi32, #tpu.memory_space<hbm>>
        tpu.enqueue_dma source(%dma_start3A_593 : memref<80xi32, #tpu.memory_space<hbm>>) target(%arg21 : memref<80xi32, #tpu.memory_space<vmem>>) target_semaphore(%arg37 : memref<!tpu.dma_semaphore, #tpu.memory_space<semaphore_mem>>)
        %dma_wait3A_594 = arith.constant 0 : i32
        %dma_wait3A_595 = tpu.memref_slice %arg3[%dma_wait3A_594] : memref<640000xi32, #tpu.memory_space<hbm>> -> memref<80xi32, #tpu.memory_space<hbm>>
        %dma_wait3A_596 = arith.constant 0 : i32
        %dma_wait3A_597 = tpu.memref_slice %arg3[%dma_wait3A_596] : memref<640000xi32, #tpu.memory_space<hbm>> -> memref<80xi32, #tpu.memory_space<hbm>>
        tpu.wait_dma2 semaphore(%arg29 : memref<!tpu.dma_semaphore, #tpu.memory_space<semaphore_mem>>) src(%dma_wait3A_597 : memref<80xi32, #tpu.memory_space<hbm>>) dst(%arg13 : memref<80xi32, #tpu.memory_space<vmem>>)
        %dma_start3A_598 = arith.constant 0 : i32
        %dma_start3A_599 = arith.constant 0 : i32
        %dma_start3A_600 = tpu.memref_slice %arg2[%dma_start3A_598, %dma_start3A_599] : memref<10000x128xf32, #tpu.memory_space<hbm>> -> memref<10000x128xf32, #tpu.memory_space<hbm>>
        tpu.enqueue_indirect_dma source(%dma_start3A_600 : memref<10000x128xf32, #tpu.memory_space<hbm>>) target(%arg25 : memref<80x128xf32, #tpu.memory_space<vmem>>) offsets(%arg13 : memref<80xi32, #tpu.memory_space<vmem>>) semaphore(%arg41 : memref<!tpu.dma_semaphore, #tpu.memory_space<semaphore_mem>>)
      } else {
      }
      %mul3A_436 = arith.constant 8 : i32
      %mul3A_437 = arith.muli %mul3A_436, %scan3A_286 : i32
      %add3A_438 = arith.constant 5 : i32
      %add3A_439 = arith.addi %mul3A_437, %add3A_438 : i32
      %add3A_440 = arith.constant 4 : i32
      %add3A_441 = arith.addi %add3A_439, %add3A_440 : i32
      %dma_wait3A_442 = arith.constant 0 : i32
      %dma_wait3A_443 = arith.constant 0 : i32
      %dma_wait3A_444 = tpu.memref_slice %arg2[%dma_wait3A_442, %dma_wait3A_443] : memref<10000x128xf32, #tpu.memory_space<hbm>> -> memref<10000x128xf32, #tpu.memory_space<hbm>>
      tpu.wait_indirect_dma semaphore(%arg39 : memref<!tpu.dma_semaphore, #tpu.memory_space<semaphore_mem>>) src(%dma_wait3A_444 : memref<10000x128xf32, #tpu.memory_space<hbm>>) dst(%arg23 : memref<80x128xf32, #tpu.memory_space<vmem>>)
      %dma_wait3A_445 = arith.constant 0 : i32
      %dma_wait3A_446 = tpu.memref_slice %arg3[%dma_wait3A_445] : memref<640000xi32, #tpu.memory_space<hbm>> -> memref<80xi32, #tpu.memory_space<hbm>>
      %dma_wait3A_447 = arith.constant 0 : i32
      %dma_wait3A_448 = tpu.memref_slice %arg3[%dma_wait3A_447] : memref<640000xi32, #tpu.memory_space<hbm>> -> memref<80xi32, #tpu.memory_space<hbm>>
      tpu.wait_dma2 semaphore(%arg35 : memref<!tpu.dma_semaphore, #tpu.memory_space<semaphore_mem>>) src(%dma_wait3A_448 : memref<80xi32, #tpu.memory_space<hbm>>) dst(%arg19 : memref<80xi32, #tpu.memory_space<vmem>>)
      %dma_start3A_449 = arith.constant 0 : i32
      %dma_start3A_450 = arith.constant 0 : i32
      %dma_start3A_451 = tpu.memref_slice %arg8[%dma_start3A_449, %dma_start3A_450] : memref<10000x128xf32, #tpu.memory_space<vmem_shared>> -> memref<10000x128xf32, #tpu.memory_space<vmem_shared>>
      tpu.enqueue_indirect_dma source(%arg23 : memref<80x128xf32, #tpu.memory_space<vmem>>) target(%dma_start3A_451 : memref<10000x128xf32, #tpu.memory_space<vmem_shared>>) offsets(%arg19 : memref<80xi32, #tpu.memory_space<vmem>>) semaphore(%arg43 : memref<!tpu.dma_semaphore, #tpu.memory_space<semaphore_mem>>) {add = true}
      %dma_start3A_452 = arith.constant 0 : i32
      %dma_start3A_453 = tpu.memref_slice %arg9[%dma_start3A_452] : memref<10000xf32, #tpu.memory_space<vmem_shared>> -> memref<10000xf32, #tpu.memory_space<vmem_shared>>
      tpu.enqueue_indirect_dma source(%arg6 : memref<80xf32, #tpu.memory_space<vmem>>) target(%dma_start3A_453 : memref<10000xf32, #tpu.memory_space<vmem_shared>>) offsets(%arg19 : memref<80xi32, #tpu.memory_space<vmem>>) semaphore(%arg47 : memref<!tpu.dma_semaphore, #tpu.memory_space<semaphore_mem>>) {add = true}
      %dma_wait3A_454 = arith.constant 0 : i32
      %dma_wait3A_455 = arith.constant 0 : i32
      %dma_wait3A_456 = tpu.memref_slice %arg8[%dma_wait3A_454, %dma_wait3A_455] : memref<10000x128xf32, #tpu.memory_space<vmem_shared>> -> memref<10000x128xf32, #tpu.memory_space<vmem_shared>>
      tpu.wait_indirect_dma semaphore(%arg42 : memref<!tpu.dma_semaphore, #tpu.memory_space<semaphore_mem>>) src(%arg22 : memref<80x128xf32, #tpu.memory_space<vmem>>) dst(%dma_wait3A_456 : memref<10000x128xf32, #tpu.memory_space<vmem_shared>>)
      %dma_wait3A_457 = arith.constant 0 : i32
      %dma_wait3A_458 = tpu.memref_slice %arg9[%dma_wait3A_457] : memref<10000xf32, #tpu.memory_space<vmem_shared>> -> memref<10000xf32, #tpu.memory_space<vmem_shared>>
      tpu.wait_indirect_dma semaphore(%arg46 : memref<!tpu.dma_semaphore, #tpu.memory_space<semaphore_mem>>) src(%arg6 : memref<80xf32, #tpu.memory_space<vmem>>) dst(%dma_wait3A_458 : memref<10000xf32, #tpu.memory_space<vmem_shared>>)
      %add3A_459 = arith.constant 4 : i32
      %add3A_460 = arith.addi %add3A_441, %add3A_459 : i32
      %lt3A_461 = arith.constant 125 : i32
      %lt3A_462 = arith.cmpi slt, %add3A_460, %lt3A_461 : i32
      %convert_element_type3A_463 = arith.extui %lt3A_462 : i1 to i32
      %cond3A_464 = arith.constant 0 : i32
      %cond3A_465 = arith.cmpi ne, %convert_element_type3A_463, %cond3A_464 : i32
      scf.if %cond3A_465 {
        %add3A_585 = arith.constant 4 : i32
        %add3A_586 = arith.addi %add3A_441, %add3A_585 : i32
        %mul3A_587 = arith.constant 80 : i32
        %mul3A_588 = arith.muli %add3A_586, %mul3A_587 : i32
        %add3A_589 = arith.addi %mul3A_2, %mul3A_588 : i32
        %dma_start3A_590 = tpu.memref_slice %arg3[%add3A_589] : memref<640000xi32, #tpu.memory_space<hbm>> -> memref<80xi32, #tpu.memory_space<hbm>>
        %dma_start3A_591 = tpu.memref_slice %arg3[%add3A_589] : memref<640000xi32, #tpu.memory_space<hbm>> -> memref<80xi32, #tpu.memory_space<hbm>>
        tpu.enqueue_dma source(%dma_start3A_591 : memref<80xi32, #tpu.memory_space<hbm>>) target(%arg15 : memref<80xi32, #tpu.memory_space<vmem>>) target_semaphore(%arg31 : memref<!tpu.dma_semaphore, #tpu.memory_space<semaphore_mem>>)
      } else {
      }
      %add3A_466 = arith.constant 3 : i32
      %add3A_467 = arith.addi %add3A_441, %add3A_466 : i32
      %lt3A_468 = arith.constant 125 : i32
      %lt3A_469 = arith.cmpi slt, %add3A_467, %lt3A_468 : i32
      %convert_element_type3A_470 = arith.extui %lt3A_469 : i1 to i32
      %cond3A_471 = arith.constant 0 : i32
      %cond3A_472 = arith.cmpi ne, %convert_element_type3A_470, %cond3A_471 : i32
      scf.if %cond3A_472 {
        %add3A_585 = arith.constant 3 : i32
        %add3A_586 = arith.addi %add3A_441, %add3A_585 : i32
        %add3A_587 = arith.constant 320000 : i32
        %add3A_588 = arith.addi %add3A_587, %mul3A_2 : i32
        %mul3A_589 = arith.constant 80 : i32
        %mul3A_590 = arith.muli %add3A_586, %mul3A_589 : i32
        %add3A_591 = arith.addi %add3A_588, %mul3A_590 : i32
        %dma_start3A_592 = tpu.memref_slice %arg3[%add3A_591] : memref<640000xi32, #tpu.memory_space<hbm>> -> memref<80xi32, #tpu.memory_space<hbm>>
        %dma_start3A_593 = tpu.memref_slice %arg3[%add3A_591] : memref<640000xi32, #tpu.memory_space<hbm>> -> memref<80xi32, #tpu.memory_space<hbm>>
        tpu.enqueue_dma source(%dma_start3A_593 : memref<80xi32, #tpu.memory_space<hbm>>) target(%arg18 : memref<80xi32, #tpu.memory_space<vmem>>) target_semaphore(%arg34 : memref<!tpu.dma_semaphore, #tpu.memory_space<semaphore_mem>>)
        %dma_wait3A_594 = arith.constant 0 : i32
        %dma_wait3A_595 = tpu.memref_slice %arg3[%dma_wait3A_594] : memref<640000xi32, #tpu.memory_space<hbm>> -> memref<80xi32, #tpu.memory_space<hbm>>
        %dma_wait3A_596 = arith.constant 0 : i32
        %dma_wait3A_597 = tpu.memref_slice %arg3[%dma_wait3A_596] : memref<640000xi32, #tpu.memory_space<hbm>> -> memref<80xi32, #tpu.memory_space<hbm>>
        tpu.wait_dma2 semaphore(%arg30 : memref<!tpu.dma_semaphore, #tpu.memory_space<semaphore_mem>>) src(%dma_wait3A_597 : memref<80xi32, #tpu.memory_space<hbm>>) dst(%arg14 : memref<80xi32, #tpu.memory_space<vmem>>)
        %dma_start3A_598 = arith.constant 0 : i32
        %dma_start3A_599 = arith.constant 0 : i32
        %dma_start3A_600 = tpu.memref_slice %arg2[%dma_start3A_598, %dma_start3A_599] : memref<10000x128xf32, #tpu.memory_space<hbm>> -> memref<10000x128xf32, #tpu.memory_space<hbm>>
        tpu.enqueue_indirect_dma source(%dma_start3A_600 : memref<10000x128xf32, #tpu.memory_space<hbm>>) target(%arg22 : memref<80x128xf32, #tpu.memory_space<vmem>>) offsets(%arg14 : memref<80xi32, #tpu.memory_space<vmem>>) semaphore(%arg38 : memref<!tpu.dma_semaphore, #tpu.memory_space<semaphore_mem>>)
      } else {
      }
      %mul3A_473 = arith.constant 8 : i32
      %mul3A_474 = arith.muli %mul3A_473, %scan3A_286 : i32
      %add3A_475 = arith.constant 5 : i32
      %add3A_476 = arith.addi %mul3A_474, %add3A_475 : i32
      %add3A_477 = arith.constant 5 : i32
      %add3A_478 = arith.addi %add3A_476, %add3A_477 : i32
      %dma_wait3A_479 = arith.constant 0 : i32
      %dma_wait3A_480 = arith.constant 0 : i32
      %dma_wait3A_481 = tpu.memref_slice %arg2[%dma_wait3A_479, %dma_wait3A_480] : memref<10000x128xf32, #tpu.memory_space<hbm>> -> memref<10000x128xf32, #tpu.memory_space<hbm>>
      tpu.wait_indirect_dma semaphore(%arg40 : memref<!tpu.dma_semaphore, #tpu.memory_space<semaphore_mem>>) src(%dma_wait3A_481 : memref<10000x128xf32, #tpu.memory_space<hbm>>) dst(%arg24 : memref<80x128xf32, #tpu.memory_space<vmem>>)
      %dma_wait3A_482 = arith.constant 0 : i32
      %dma_wait3A_483 = tpu.memref_slice %arg3[%dma_wait3A_482] : memref<640000xi32, #tpu.memory_space<hbm>> -> memref<80xi32, #tpu.memory_space<hbm>>
      %dma_wait3A_484 = arith.constant 0 : i32
      %dma_wait3A_485 = tpu.memref_slice %arg3[%dma_wait3A_484] : memref<640000xi32, #tpu.memory_space<hbm>> -> memref<80xi32, #tpu.memory_space<hbm>>
      tpu.wait_dma2 semaphore(%arg36 : memref<!tpu.dma_semaphore, #tpu.memory_space<semaphore_mem>>) src(%dma_wait3A_485 : memref<80xi32, #tpu.memory_space<hbm>>) dst(%arg20 : memref<80xi32, #tpu.memory_space<vmem>>)
      %dma_start3A_486 = arith.constant 0 : i32
      %dma_start3A_487 = arith.constant 0 : i32
      %dma_start3A_488 = tpu.memref_slice %arg8[%dma_start3A_486, %dma_start3A_487] : memref<10000x128xf32, #tpu.memory_space<vmem_shared>> -> memref<10000x128xf32, #tpu.memory_space<vmem_shared>>
      tpu.enqueue_indirect_dma source(%arg24 : memref<80x128xf32, #tpu.memory_space<vmem>>) target(%dma_start3A_488 : memref<10000x128xf32, #tpu.memory_space<vmem_shared>>) offsets(%arg20 : memref<80xi32, #tpu.memory_space<vmem>>) semaphore(%arg44 : memref<!tpu.dma_semaphore, #tpu.memory_space<semaphore_mem>>) {add = true}
      %dma_start3A_489 = arith.constant 0 : i32
      %dma_start3A_490 = tpu.memref_slice %arg9[%dma_start3A_489] : memref<10000xf32, #tpu.memory_space<vmem_shared>> -> memref<10000xf32, #tpu.memory_space<vmem_shared>>
      tpu.enqueue_indirect_dma source(%arg6 : memref<80xf32, #tpu.memory_space<vmem>>) target(%dma_start3A_490 : memref<10000xf32, #tpu.memory_space<vmem_shared>>) offsets(%arg20 : memref<80xi32, #tpu.memory_space<vmem>>) semaphore(%arg48 : memref<!tpu.dma_semaphore, #tpu.memory_space<semaphore_mem>>) {add = true}
      %dma_wait3A_491 = arith.constant 0 : i32
      %dma_wait3A_492 = arith.constant 0 : i32
      %dma_wait3A_493 = tpu.memref_slice %arg8[%dma_wait3A_491, %dma_wait3A_492] : memref<10000x128xf32, #tpu.memory_space<vmem_shared>> -> memref<10000x128xf32, #tpu.memory_space<vmem_shared>>
      tpu.wait_indirect_dma semaphore(%arg43 : memref<!tpu.dma_semaphore, #tpu.memory_space<semaphore_mem>>) src(%arg23 : memref<80x128xf32, #tpu.memory_space<vmem>>) dst(%dma_wait3A_493 : memref<10000x128xf32, #tpu.memory_space<vmem_shared>>)
      %dma_wait3A_494 = arith.constant 0 : i32
      %dma_wait3A_495 = tpu.memref_slice %arg9[%dma_wait3A_494] : memref<10000xf32, #tpu.memory_space<vmem_shared>> -> memref<10000xf32, #tpu.memory_space<vmem_shared>>
      tpu.wait_indirect_dma semaphore(%arg47 : memref<!tpu.dma_semaphore, #tpu.memory_space<semaphore_mem>>) src(%arg6 : memref<80xf32, #tpu.memory_space<vmem>>) dst(%dma_wait3A_495 : memref<10000xf32, #tpu.memory_space<vmem_shared>>)
      %add3A_496 = arith.constant 4 : i32
      %add3A_497 = arith.addi %add3A_478, %add3A_496 : i32
      %lt3A_498 = arith.constant 125 : i32
      %lt3A_499 = arith.cmpi slt, %add3A_497, %lt3A_498 : i32
      %convert_element_type3A_500 = arith.extui %lt3A_499 : i1 to i32
      %cond3A_501 = arith.constant 0 : i32
      %cond3A_502 = arith.cmpi ne, %convert_element_type3A_500, %cond3A_501 : i32
      scf.if %cond3A_502 {
        %add3A_585 = arith.constant 4 : i32
        %add3A_586 = arith.addi %add3A_478, %add3A_585 : i32
        %mul3A_587 = arith.constant 80 : i32
        %mul3A_588 = arith.muli %add3A_586, %mul3A_587 : i32
        %add3A_589 = arith.addi %mul3A_2, %mul3A_588 : i32
        %dma_start3A_590 = tpu.memref_slice %arg3[%add3A_589] : memref<640000xi32, #tpu.memory_space<hbm>> -> memref<80xi32, #tpu.memory_space<hbm>>
        %dma_start3A_591 = tpu.memref_slice %arg3[%add3A_589] : memref<640000xi32, #tpu.memory_space<hbm>> -> memref<80xi32, #tpu.memory_space<hbm>>
        tpu.enqueue_dma source(%dma_start3A_591 : memref<80xi32, #tpu.memory_space<hbm>>) target(%arg16 : memref<80xi32, #tpu.memory_space<vmem>>) target_semaphore(%arg32 : memref<!tpu.dma_semaphore, #tpu.memory_space<semaphore_mem>>)
      } else {
      }
      %add3A_503 = arith.constant 3 : i32
      %add3A_504 = arith.addi %add3A_478, %add3A_503 : i32
      %lt3A_505 = arith.constant 125 : i32
      %lt3A_506 = arith.cmpi slt, %add3A_504, %lt3A_505 : i32
      %convert_element_type3A_507 = arith.extui %lt3A_506 : i1 to i32
      %cond3A_508 = arith.constant 0 : i32
      %cond3A_509 = arith.cmpi ne, %convert_element_type3A_507, %cond3A_508 : i32
      scf.if %cond3A_509 {
        %add3A_585 = arith.constant 3 : i32
        %add3A_586 = arith.addi %add3A_478, %add3A_585 : i32
        %add3A_587 = arith.constant 320000 : i32
        %add3A_588 = arith.addi %add3A_587, %mul3A_2 : i32
        %mul3A_589 = arith.constant 80 : i32
        %mul3A_590 = arith.muli %add3A_586, %mul3A_589 : i32
        %add3A_591 = arith.addi %add3A_588, %mul3A_590 : i32
        %dma_start3A_592 = tpu.memref_slice %arg3[%add3A_591] : memref<640000xi32, #tpu.memory_space<hbm>> -> memref<80xi32, #tpu.memory_space<hbm>>
        %dma_start3A_593 = tpu.memref_slice %arg3[%add3A_591] : memref<640000xi32, #tpu.memory_space<hbm>> -> memref<80xi32, #tpu.memory_space<hbm>>
        tpu.enqueue_dma source(%dma_start3A_593 : memref<80xi32, #tpu.memory_space<hbm>>) target(%arg19 : memref<80xi32, #tpu.memory_space<vmem>>) target_semaphore(%arg35 : memref<!tpu.dma_semaphore, #tpu.memory_space<semaphore_mem>>)
        %dma_wait3A_594 = arith.constant 0 : i32
        %dma_wait3A_595 = tpu.memref_slice %arg3[%dma_wait3A_594] : memref<640000xi32, #tpu.memory_space<hbm>> -> memref<80xi32, #tpu.memory_space<hbm>>
        %dma_wait3A_596 = arith.constant 0 : i32
        %dma_wait3A_597 = tpu.memref_slice %arg3[%dma_wait3A_596] : memref<640000xi32, #tpu.memory_space<hbm>> -> memref<80xi32, #tpu.memory_space<hbm>>
        tpu.wait_dma2 semaphore(%arg31 : memref<!tpu.dma_semaphore, #tpu.memory_space<semaphore_mem>>) src(%dma_wait3A_597 : memref<80xi32, #tpu.memory_space<hbm>>) dst(%arg15 : memref<80xi32, #tpu.memory_space<vmem>>)
        %dma_start3A_598 = arith.constant 0 : i32
        %dma_start3A_599 = arith.constant 0 : i32
        %dma_start3A_600 = tpu.memref_slice %arg2[%dma_start3A_598, %dma_start3A_599] : memref<10000x128xf32, #tpu.memory_space<hbm>> -> memref<10000x128xf32, #tpu.memory_space<hbm>>
        tpu.enqueue_indirect_dma source(%dma_start3A_600 : memref<10000x128xf32, #tpu.memory_space<hbm>>) target(%arg23 : memref<80x128xf32, #tpu.memory_space<vmem>>) offsets(%arg15 : memref<80xi32, #tpu.memory_space<vmem>>) semaphore(%arg39 : memref<!tpu.dma_semaphore, #tpu.memory_space<semaphore_mem>>)
      } else {
      }
      %mul3A_510 = arith.constant 8 : i32
      %mul3A_511 = arith.muli %mul3A_510, %scan3A_286 : i32
      %add3A_512 = arith.constant 5 : i32
      %add3A_513 = arith.addi %mul3A_511, %add3A_512 : i32
      %add3A_514 = arith.constant 6 : i32
      %add3A_515 = arith.addi %add3A_513, %add3A_514 : i32
      %dma_wait3A_516 = arith.constant 0 : i32
      %dma_wait3A_517 = arith.constant 0 : i32
      %dma_wait3A_518 = tpu.memref_slice %arg2[%dma_wait3A_516, %dma_wait3A_517] : memref<10000x128xf32, #tpu.memory_space<hbm>> -> memref<10000x128xf32, #tpu.memory_space<hbm>>
      tpu.wait_indirect_dma semaphore(%arg41 : memref<!tpu.dma_semaphore, #tpu.memory_space<semaphore_mem>>) src(%dma_wait3A_518 : memref<10000x128xf32, #tpu.memory_space<hbm>>) dst(%arg25 : memref<80x128xf32, #tpu.memory_space<vmem>>)
      %dma_wait3A_519 = arith.constant 0 : i32
      %dma_wait3A_520 = tpu.memref_slice %arg3[%dma_wait3A_519] : memref<640000xi32, #tpu.memory_space<hbm>> -> memref<80xi32, #tpu.memory_space<hbm>>
      %dma_wait3A_521 = arith.constant 0 : i32
      %dma_wait3A_522 = tpu.memref_slice %arg3[%dma_wait3A_521] : memref<640000xi32, #tpu.memory_space<hbm>> -> memref<80xi32, #tpu.memory_space<hbm>>
      tpu.wait_dma2 semaphore(%arg37 : memref<!tpu.dma_semaphore, #tpu.memory_space<semaphore_mem>>) src(%dma_wait3A_522 : memref<80xi32, #tpu.memory_space<hbm>>) dst(%arg21 : memref<80xi32, #tpu.memory_space<vmem>>)
      %dma_start3A_523 = arith.constant 0 : i32
      %dma_start3A_524 = arith.constant 0 : i32
      %dma_start3A_525 = tpu.memref_slice %arg8[%dma_start3A_523, %dma_start3A_524] : memref<10000x128xf32, #tpu.memory_space<vmem_shared>> -> memref<10000x128xf32, #tpu.memory_space<vmem_shared>>
      tpu.enqueue_indirect_dma source(%arg25 : memref<80x128xf32, #tpu.memory_space<vmem>>) target(%dma_start3A_525 : memref<10000x128xf32, #tpu.memory_space<vmem_shared>>) offsets(%arg21 : memref<80xi32, #tpu.memory_space<vmem>>) semaphore(%arg45 : memref<!tpu.dma_semaphore, #tpu.memory_space<semaphore_mem>>) {add = true}
      %dma_start3A_526 = arith.constant 0 : i32
      %dma_start3A_527 = tpu.memref_slice %arg9[%dma_start3A_526] : memref<10000xf32, #tpu.memory_space<vmem_shared>> -> memref<10000xf32, #tpu.memory_space<vmem_shared>>
      tpu.enqueue_indirect_dma source(%arg6 : memref<80xf32, #tpu.memory_space<vmem>>) target(%dma_start3A_527 : memref<10000xf32, #tpu.memory_space<vmem_shared>>) offsets(%arg21 : memref<80xi32, #tpu.memory_space<vmem>>) semaphore(%arg49 : memref<!tpu.dma_semaphore, #tpu.memory_space<semaphore_mem>>) {add = true}
      %dma_wait3A_528 = arith.constant 0 : i32
      %dma_wait3A_529 = arith.constant 0 : i32
      %dma_wait3A_530 = tpu.memref_slice %arg8[%dma_wait3A_528, %dma_wait3A_529] : memref<10000x128xf32, #tpu.memory_space<vmem_shared>> -> memref<10000x128xf32, #tpu.memory_space<vmem_shared>>
      tpu.wait_indirect_dma semaphore(%arg44 : memref<!tpu.dma_semaphore, #tpu.memory_space<semaphore_mem>>) src(%arg24 : memref<80x128xf32, #tpu.memory_space<vmem>>) dst(%dma_wait3A_530 : memref<10000x128xf32, #tpu.memory_space<vmem_shared>>)
      %dma_wait3A_531 = arith.constant 0 : i32
      %dma_wait3A_532 = tpu.memref_slice %arg9[%dma_wait3A_531] : memref<10000xf32, #tpu.memory_space<vmem_shared>> -> memref<10000xf32, #tpu.memory_space<vmem_shared>>
      tpu.wait_indirect_dma semaphore(%arg48 : memref<!tpu.dma_semaphore, #tpu.memory_space<semaphore_mem>>) src(%arg6 : memref<80xf32, #tpu.memory_space<vmem>>) dst(%dma_wait3A_532 : memref<10000xf32, #tpu.memory_space<vmem_shared>>)
      %add3A_533 = arith.constant 4 : i32
      %add3A_534 = arith.addi %add3A_515, %add3A_533 : i32
      %lt3A_535 = arith.constant 125 : i32
      %lt3A_536 = arith.cmpi slt, %add3A_534, %lt3A_535 : i32
      %convert_element_type3A_537 = arith.extui %lt3A_536 : i1 to i32
      %cond3A_538 = arith.constant 0 : i32
      %cond3A_539 = arith.cmpi ne, %convert_element_type3A_537, %cond3A_538 : i32
      scf.if %cond3A_539 {
        %add3A_585 = arith.constant 4 : i32
        %add3A_586 = arith.addi %add3A_515, %add3A_585 : i32
        %mul3A_587 = arith.constant 80 : i32
        %mul3A_588 = arith.muli %add3A_586, %mul3A_587 : i32
        %add3A_589 = arith.addi %mul3A_2, %mul3A_588 : i32
        %dma_start3A_590 = tpu.memref_slice %arg3[%add3A_589] : memref<640000xi32, #tpu.memory_space<hbm>> -> memref<80xi32, #tpu.memory_space<hbm>>
        %dma_start3A_591 = tpu.memref_slice %arg3[%add3A_589] : memref<640000xi32, #tpu.memory_space<hbm>> -> memref<80xi32, #tpu.memory_space<hbm>>
        tpu.enqueue_dma source(%dma_start3A_591 : memref<80xi32, #tpu.memory_space<hbm>>) target(%arg17 : memref<80xi32, #tpu.memory_space<vmem>>) target_semaphore(%arg33 : memref<!tpu.dma_semaphore, #tpu.memory_space<semaphore_mem>>)
      } else {
      }
      %add3A_540 = arith.constant 3 : i32
      %add3A_541 = arith.addi %add3A_515, %add3A_540 : i32
      %lt3A_542 = arith.constant 125 : i32
      %lt3A_543 = arith.cmpi slt, %add3A_541, %lt3A_542 : i32
      %convert_element_type3A_544 = arith.extui %lt3A_543 : i1 to i32
      %cond3A_545 = arith.constant 0 : i32
      %cond3A_546 = arith.cmpi ne, %convert_element_type3A_544, %cond3A_545 : i32
      scf.if %cond3A_546 {
        %add3A_585 = arith.constant 3 : i32
        %add3A_586 = arith.addi %add3A_515, %add3A_585 : i32
        %add3A_587 = arith.constant 320000 : i32
        %add3A_588 = arith.addi %add3A_587, %mul3A_2 : i32
        %mul3A_589 = arith.constant 80 : i32
        %mul3A_590 = arith.muli %add3A_586, %mul3A_589 : i32
        %add3A_591 = arith.addi %add3A_588, %mul3A_590 : i32
        %dma_start3A_592 = tpu.memref_slice %arg3[%add3A_591] : memref<640000xi32, #tpu.memory_space<hbm>> -> memref<80xi32, #tpu.memory_space<hbm>>
        %dma_start3A_593 = tpu.memref_slice %arg3[%add3A_591] : memref<640000xi32, #tpu.memory_space<hbm>> -> memref<80xi32, #tpu.memory_space<hbm>>
        tpu.enqueue_dma source(%dma_start3A_593 : memref<80xi32, #tpu.memory_space<hbm>>) target(%arg20 : memref<80xi32, #tpu.memory_space<vmem>>) target_semaphore(%arg36 : memref<!tpu.dma_semaphore, #tpu.memory_space<semaphore_mem>>)
        %dma_wait3A_594 = arith.constant 0 : i32
        %dma_wait3A_595 = tpu.memref_slice %arg3[%dma_wait3A_594] : memref<640000xi32, #tpu.memory_space<hbm>> -> memref<80xi32, #tpu.memory_space<hbm>>
        %dma_wait3A_596 = arith.constant 0 : i32
        %dma_wait3A_597 = tpu.memref_slice %arg3[%dma_wait3A_596] : memref<640000xi32, #tpu.memory_space<hbm>> -> memref<80xi32, #tpu.memory_space<hbm>>
        tpu.wait_dma2 semaphore(%arg32 : memref<!tpu.dma_semaphore, #tpu.memory_space<semaphore_mem>>) src(%dma_wait3A_597 : memref<80xi32, #tpu.memory_space<hbm>>) dst(%arg16 : memref<80xi32, #tpu.memory_space<vmem>>)
        %dma_start3A_598 = arith.constant 0 : i32
        %dma_start3A_599 = arith.constant 0 : i32
        %dma_start3A_600 = tpu.memref_slice %arg2[%dma_start3A_598, %dma_start3A_599] : memref<10000x128xf32, #tpu.memory_space<hbm>> -> memref<10000x128xf32, #tpu.memory_space<hbm>>
        tpu.enqueue_indirect_dma source(%dma_start3A_600 : memref<10000x128xf32, #tpu.memory_space<hbm>>) target(%arg24 : memref<80x128xf32, #tpu.memory_space<vmem>>) offsets(%arg16 : memref<80xi32, #tpu.memory_space<vmem>>) semaphore(%arg40 : memref<!tpu.dma_semaphore, #tpu.memory_space<semaphore_mem>>)
      } else {
      }
      %mul3A_547 = arith.constant 8 : i32
      %mul3A_548 = arith.muli %mul3A_547, %scan3A_286 : i32
      %add3A_549 = arith.constant 5 : i32
      %add3A_550 = arith.addi %mul3A_548, %add3A_549 : i32
      %add3A_551 = arith.constant 7 : i32
      %add3A_552 = arith.addi %add3A_550, %add3A_551 : i32
      %dma_wait3A_553 = arith.constant 0 : i32
      %dma_wait3A_554 = arith.constant 0 : i32
      %dma_wait3A_555 = tpu.memref_slice %arg2[%dma_wait3A_553, %dma_wait3A_554] : memref<10000x128xf32, #tpu.memory_space<hbm>> -> memref<10000x128xf32, #tpu.memory_space<hbm>>
      tpu.wait_indirect_dma semaphore(%arg38 : memref<!tpu.dma_semaphore, #tpu.memory_space<semaphore_mem>>) src(%dma_wait3A_555 : memref<10000x128xf32, #tpu.memory_space<hbm>>) dst(%arg22 : memref<80x128xf32, #tpu.memory_space<vmem>>)
      %dma_wait3A_556 = arith.constant 0 : i32
      %dma_wait3A_557 = tpu.memref_slice %arg3[%dma_wait3A_556] : memref<640000xi32, #tpu.memory_space<hbm>> -> memref<80xi32, #tpu.memory_space<hbm>>
      %dma_wait3A_558 = arith.constant 0 : i32
      %dma_wait3A_559 = tpu.memref_slice %arg3[%dma_wait3A_558] : memref<640000xi32, #tpu.memory_space<hbm>> -> memref<80xi32, #tpu.memory_space<hbm>>
      tpu.wait_dma2 semaphore(%arg34 : memref<!tpu.dma_semaphore, #tpu.memory_space<semaphore_mem>>) src(%dma_wait3A_559 : memref<80xi32, #tpu.memory_space<hbm>>) dst(%arg18 : memref<80xi32, #tpu.memory_space<vmem>>)
      %dma_start3A_560 = arith.constant 0 : i32
      %dma_start3A_561 = arith.constant 0 : i32
      %dma_start3A_562 = tpu.memref_slice %arg8[%dma_start3A_560, %dma_start3A_561] : memref<10000x128xf32, #tpu.memory_space<vmem_shared>> -> memref<10000x128xf32, #tpu.memory_space<vmem_shared>>
      tpu.enqueue_indirect_dma source(%arg22 : memref<80x128xf32, #tpu.memory_space<vmem>>) target(%dma_start3A_562 : memref<10000x128xf32, #tpu.memory_space<vmem_shared>>) offsets(%arg18 : memref<80xi32, #tpu.memory_space<vmem>>) semaphore(%arg42 : memref<!tpu.dma_semaphore, #tpu.memory_space<semaphore_mem>>) {add = true}
      %dma_start3A_563 = arith.constant 0 : i32
      %dma_start3A_564 = tpu.memref_slice %arg9[%dma_start3A_563] : memref<10000xf32, #tpu.memory_space<vmem_shared>> -> memref<10000xf32, #tpu.memory_space<vmem_shared>>
      tpu.enqueue_indirect_dma source(%arg6 : memref<80xf32, #tpu.memory_space<vmem>>) target(%dma_start3A_564 : memref<10000xf32, #tpu.memory_space<vmem_shared>>) offsets(%arg18 : memref<80xi32, #tpu.memory_space<vmem>>) semaphore(%arg46 : memref<!tpu.dma_semaphore, #tpu.memory_space<semaphore_mem>>) {add = true}
      %dma_wait3A_565 = arith.constant 0 : i32
      %dma_wait3A_566 = arith.constant 0 : i32
      %dma_wait3A_567 = tpu.memref_slice %arg8[%dma_wait3A_565, %dma_wait3A_566] : memref<10000x128xf32, #tpu.memory_space<vmem_shared>> -> memref<10000x128xf32, #tpu.memory_space<vmem_shared>>
      tpu.wait_indirect_dma semaphore(%arg45 : memref<!tpu.dma_semaphore, #tpu.memory_space<semaphore_mem>>) src(%arg25 : memref<80x128xf32, #tpu.memory_space<vmem>>) dst(%dma_wait3A_567 : memref<10000x128xf32, #tpu.memory_space<vmem_shared>>)
      %dma_wait3A_568 = arith.constant 0 : i32
      %dma_wait3A_569 = tpu.memref_slice %arg9[%dma_wait3A_568] : memref<10000xf32, #tpu.memory_space<vmem_shared>> -> memref<10000xf32, #tpu.memory_space<vmem_shared>>
      tpu.wait_indirect_dma semaphore(%arg49 : memref<!tpu.dma_semaphore, #tpu.memory_space<semaphore_mem>>) src(%arg6 : memref<80xf32, #tpu.memory_space<vmem>>) dst(%dma_wait3A_569 : memref<10000xf32, #tpu.memory_space<vmem_shared>>)
      %add3A_570 = arith.constant 4 : i32
      %add3A_571 = arith.addi %add3A_552, %add3A_570 : i32
      %lt3A_572 = arith.constant 125 : i32
      %lt3A_573 = arith.cmpi slt, %add3A_571, %lt3A_572 : i32
      %convert_element_type3A_574 = arith.extui %lt3A_573 : i1 to i32
      %cond3A_575 = arith.constant 0 : i32
      %cond3A_576 = arith.cmpi ne, %convert_element_type3A_574, %cond3A_575 : i32
      scf.if %cond3A_576 {
        %add3A_585 = arith.constant 4 : i32
        %add3A_586 = arith.addi %add3A_552, %add3A_585 : i32
        %mul3A_587 = arith.constant 80 : i32
        %mul3A_588 = arith.muli %add3A_586, %mul3A_587 : i32
        %add3A_589 = arith.addi %mul3A_2, %mul3A_588 : i32
        %dma_start3A_590 = tpu.memref_slice %arg3[%add3A_589] : memref<640000xi32, #tpu.memory_space<hbm>> -> memref<80xi32, #tpu.memory_space<hbm>>
        %dma_start3A_591 = tpu.memref_slice %arg3[%add3A_589] : memref<640000xi32, #tpu.memory_space<hbm>> -> memref<80xi32, #tpu.memory_space<hbm>>
        tpu.enqueue_dma source(%dma_start3A_591 : memref<80xi32, #tpu.memory_space<hbm>>) target(%arg10 : memref<80xi32, #tpu.memory_space<vmem>>) target_semaphore(%arg26 : memref<!tpu.dma_semaphore, #tpu.memory_space<semaphore_mem>>)
      } else {
      }
      %add3A_577 = arith.constant 3 : i32
      %add3A_578 = arith.addi %add3A_552, %add3A_577 : i32
      %lt3A_579 = arith.constant 125 : i32
      %lt3A_580 = arith.cmpi slt, %add3A_578, %lt3A_579 : i32
      %convert_element_type3A_581 = arith.extui %lt3A_580 : i1 to i32
      %cond3A_582 = arith.constant 0 : i32
      %cond3A_583 = arith.cmpi ne, %convert_element_type3A_581, %cond3A_582 : i32
      scf.if %cond3A_583 {
        %add3A_585 = arith.constant 3 : i32
        %add3A_586 = arith.addi %add3A_552, %add3A_585 : i32
        %add3A_587 = arith.constant 320000 : i32
        %add3A_588 = arith.addi %add3A_587, %mul3A_2 : i32
        %mul3A_589 = arith.constant 80 : i32
        %mul3A_590 = arith.muli %add3A_586, %mul3A_589 : i32
        %add3A_591 = arith.addi %add3A_588, %mul3A_590 : i32
        %dma_start3A_592 = tpu.memref_slice %arg3[%add3A_591] : memref<640000xi32, #tpu.memory_space<hbm>> -> memref<80xi32, #tpu.memory_space<hbm>>
        %dma_start3A_593 = tpu.memref_slice %arg3[%add3A_591] : memref<640000xi32, #tpu.memory_space<hbm>> -> memref<80xi32, #tpu.memory_space<hbm>>
        tpu.enqueue_dma source(%dma_start3A_593 : memref<80xi32, #tpu.memory_space<hbm>>) target(%arg21 : memref<80xi32, #tpu.memory_space<vmem>>) target_semaphore(%arg37 : memref<!tpu.dma_semaphore, #tpu.memory_space<semaphore_mem>>)
        %dma_wait3A_594 = arith.constant 0 : i32
        %dma_wait3A_595 = tpu.memref_slice %arg3[%dma_wait3A_594] : memref<640000xi32, #tpu.memory_space<hbm>> -> memref<80xi32, #tpu.memory_space<hbm>>
        %dma_wait3A_596 = arith.constant 0 : i32
        %dma_wait3A_597 = tpu.memref_slice %arg3[%dma_wait3A_596] : memref<640000xi32, #tpu.memory_space<hbm>> -> memref<80xi32, #tpu.memory_space<hbm>>
        tpu.wait_dma2 semaphore(%arg33 : memref<!tpu.dma_semaphore, #tpu.memory_space<semaphore_mem>>) src(%dma_wait3A_597 : memref<80xi32, #tpu.memory_space<hbm>>) dst(%arg17 : memref<80xi32, #tpu.memory_space<vmem>>)
        %dma_start3A_598 = arith.constant 0 : i32
        %dma_start3A_599 = arith.constant 0 : i32
        %dma_start3A_600 = tpu.memref_slice %arg2[%dma_start3A_598, %dma_start3A_599] : memref<10000x128xf32, #tpu.memory_space<hbm>> -> memref<10000x128xf32, #tpu.memory_space<hbm>>
        tpu.enqueue_indirect_dma source(%dma_start3A_600 : memref<10000x128xf32, #tpu.memory_space<hbm>>) target(%arg25 : memref<80x128xf32, #tpu.memory_space<vmem>>) offsets(%arg17 : memref<80xi32, #tpu.memory_space<vmem>>) semaphore(%arg41 : memref<!tpu.dma_semaphore, #tpu.memory_space<semaphore_mem>>)
      } else {
      }
      %scan3A_584 = arith.constant 0 : i32
      scf.yield %scan3A_584 : i32
    }
    %scan3A_269 = arith.constant 15 : i32
    %dma_wait3A_270 = arith.constant 0 : i32
    %dma_wait3A_271 = arith.constant 0 : i32
    %dma_wait3A_272 = tpu.memref_slice %arg8[%dma_wait3A_270, %dma_wait3A_271] : memref<10000x128xf32, #tpu.memory_space<vmem_shared>> -> memref<10000x128xf32, #tpu.memory_space<vmem_shared>>
    tpu.wait_indirect_dma semaphore(%arg42 : memref<!tpu.dma_semaphore, #tpu.memory_space<semaphore_mem>>) src(%arg22 : memref<80x128xf32, #tpu.memory_space<vmem>>) dst(%dma_wait3A_272 : memref<10000x128xf32, #tpu.memory_space<vmem_shared>>)
    %dma_wait3A_273 = arith.constant 0 : i32
    %dma_wait3A_274 = tpu.memref_slice %arg9[%dma_wait3A_273] : memref<10000xf32, #tpu.memory_space<vmem_shared>> -> memref<10000xf32, #tpu.memory_space<vmem_shared>>
    tpu.wait_indirect_dma semaphore(%arg46 : memref<!tpu.dma_semaphore, #tpu.memory_space<semaphore_mem>>) src(%arg6 : memref<80xf32, #tpu.memory_space<vmem>>) dst(%dma_wait3A_274 : memref<10000xf32, #tpu.memory_space<vmem_shared>>)
    %barrier3A_275 = arith.constant 0 : index
    tpu.barrier barrier_id(%barrier3A_275)
    %lt3A_276 = arith.constant 10 : i32
    %lt3A_277 = arith.cmpi slt, %arg1, %lt3A_276 : i32
    %convert_element_type3A_278 = arith.extui %lt3A_277 : i1 to i32
    %cond3A_279 = arith.constant 0 : i32
    %cond3A_280 = arith.cmpi ne, %convert_element_type3A_278, %cond3A_279 : i32
    scf.if %cond3A_280 {
      %mul3A_286 = arith.constant 1000 : i32
      %mul3A_287 = arith.muli %arg1, %mul3A_286 : i32
      %mul3A_288 = arith.constant 1000 : i32
      %mul3A_289 = arith.muli %arg1, %mul3A_288 : i32
      "tpu.region"() ({
        %run_scoped3A = tpu.sem_alloc : memref<!tpu.dma_semaphore, #tpu.memory_space<semaphore_mem>>
        %dma_start3A_290 = arith.constant 0 : i32
        %dma_start3A_291 = tpu.memref_slice %arg4[%arg0, %mul3A_289, %dma_start3A_290] : memref<2x10000x128xf32, #tpu.memory_space<hbm>> -> memref<1x1000x128xf32, #tpu.memory_space<hbm>>
        %dma_start3A_292 = tpu.memref_squeeze %dma_start3A_291 : memref<1x1000x128xf32, #tpu.memory_space<hbm>> -> memref<1000x128xf32, #tpu.memory_space<hbm>>
        %dma_start3A_293 = arith.constant 0 : i32
        %dma_start3A_294 = tpu.memref_slice %arg8[%mul3A_287, %dma_start3A_293] : memref<10000x128xf32, #tpu.memory_space<vmem_shared>> -> memref<1000x128xf32, #tpu.memory_space<vmem_shared>>
        tpu.enqueue_dma source(%dma_start3A_294 : memref<1000x128xf32, #tpu.memory_space<vmem_shared>>) target(%dma_start3A_292 : memref<1000x128xf32, #tpu.memory_space<hbm>>) target_semaphore(%run_scoped3A : memref<!tpu.dma_semaphore, #tpu.memory_space<semaphore_mem>>)
        %dma_wait3A_295 = arith.constant 0 : i32
        %dma_wait3A_296 = tpu.memref_slice %arg4[%arg0, %mul3A_289, %dma_wait3A_295] : memref<2x10000x128xf32, #tpu.memory_space<hbm>> -> memref<1x1000x128xf32, #tpu.memory_space<hbm>>
        %dma_wait3A_297 = tpu.memref_squeeze %dma_wait3A_296 : memref<1x1000x128xf32, #tpu.memory_space<hbm>> -> memref<1000x128xf32, #tpu.memory_space<hbm>>
        %dma_wait3A_298 = arith.constant 0 : i32
        %dma_wait3A_299 = tpu.memref_slice %arg8[%mul3A_287, %dma_wait3A_298] : memref<10000x128xf32, #tpu.memory_space<vmem_shared>> -> memref<1000x128xf32, #tpu.memory_space<vmem_shared>>
        tpu.wait_dma2 semaphore(%run_scoped3A : memref<!tpu.dma_semaphore, #tpu.memory_space<semaphore_mem>>) src(%dma_wait3A_299 : memref<1000x128xf32, #tpu.memory_space<vmem_shared>>) dst(%dma_wait3A_297 : memref<1000x128xf32, #tpu.memory_space<hbm>>)
        tpu.yield
      }) : () -> ()
    } else {
    }
    %lt3A_281 = arith.constant 10 : i32
    %lt3A_282 = arith.cmpi slt, %arg1, %lt3A_281 : i32
    %convert_element_type3A_283 = arith.extui %lt3A_282 : i1 to i32
    %cond3A_284 = arith.constant 0 : i32
    %cond3A_285 = arith.cmpi ne, %convert_element_type3A_283, %cond3A_284 : i32
    scf.if %cond3A_285 {
      %mul3A_286 = arith.constant 1000 : i32
      %mul3A_287 = arith.muli %arg1, %mul3A_286 : i32
      %add3A_288 = arith.constant 0 : i32
      %add3A_289 = arith.addi %mul3A_287, %add3A_288 : i32
      "tpu.region"() ({
        %run_scoped3A = tpu.sem_alloc : memref<!tpu.dma_semaphore, #tpu.memory_space<semaphore_mem>>
        %dma_start3A_321 = arith.constant 0 : i32
        %dma_start3A_322 = tpu.memref_slice %arg7[%dma_start3A_321] : memref<208xf32, #tpu.memory_space<vmem>> -> memref<200xf32, #tpu.memory_space<vmem>>
        %dma_start3A_323 = tpu.memref_slice %arg9[%add3A_289] : memref<10000xf32, #tpu.memory_space<vmem_shared>> -> memref<200xf32, #tpu.memory_space<vmem_shared>>
        %dma_start3A_324 = arith.constant 0 : i32
        %dma_start3A_325 = tpu.memref_slice %arg7[%dma_start3A_324] : memref<208xf32, #tpu.memory_space<vmem>> -> memref<200xf32, #tpu.memory_space<vmem>>
        %dma_start3A_326 = tpu.memref_slice %arg9[%add3A_289] : memref<10000xf32, #tpu.memory_space<vmem_shared>> -> memref<200xf32, #tpu.memory_space<vmem_shared>>
        tpu.enqueue_dma source(%dma_start3A_326 : memref<200xf32, #tpu.memory_space<vmem_shared>>) target(%dma_start3A_325 : memref<200xf32, #tpu.memory_space<vmem>>) target_semaphore(%run_scoped3A : memref<!tpu.dma_semaphore, #tpu.memory_space<semaphore_mem>>)
        %dma_wait3A_327 = arith.constant 0 : i32
        %dma_wait3A_328 = tpu.memref_slice %arg7[%dma_wait3A_327] : memref<208xf32, #tpu.memory_space<vmem>> -> memref<200xf32, #tpu.memory_space<vmem>>
        %dma_wait3A_329 = tpu.memref_slice %arg9[%add3A_289] : memref<10000xf32, #tpu.memory_space<vmem_shared>> -> memref<200xf32, #tpu.memory_space<vmem_shared>>
        %dma_wait3A_330 = arith.constant 0 : i32
        %dma_wait3A_331 = tpu.memref_slice %arg7[%dma_wait3A_330] : memref<208xf32, #tpu.memory_space<vmem>> -> memref<200xf32, #tpu.memory_space<vmem>>
        %dma_wait3A_332 = tpu.memref_slice %arg9[%add3A_289] : memref<10000xf32, #tpu.memory_space<vmem_shared>> -> memref<200xf32, #tpu.memory_space<vmem_shared>>
        tpu.wait_dma2 semaphore(%run_scoped3A : memref<!tpu.dma_semaphore, #tpu.memory_space<semaphore_mem>>) src(%dma_wait3A_332 : memref<200xf32, #tpu.memory_space<vmem_shared>>) dst(%dma_wait3A_331 : memref<200xf32, #tpu.memory_space<vmem>>)
        tpu.yield
      }) : () -> ()
      %mul3A_290 = arith.constant 10000 : i32
      %mul3A_291 = arith.muli %arg0, %mul3A_290 : i32
      %add3A_292 = arith.addi %mul3A_291, %add3A_289 : i32
      "tpu.region"() ({
        %run_scoped3A = tpu.sem_alloc : memref<!tpu.dma_semaphore, #tpu.memory_space<semaphore_mem>>
        %dma_start3A_321 = arith.constant 0 : i32
        %dma_start3A_322 = tpu.memref_slice %arg7[%dma_start3A_321] : memref<208xf32, #tpu.memory_space<vmem>> -> memref<200xf32, #tpu.memory_space<vmem>>
        %dma_start3A_323 = tpu.memref_slice %arg5[%add3A_292] : memref<20000xf32, #tpu.memory_space<hbm>> -> memref<200xf32, #tpu.memory_space<hbm>>
        %dma_start3A_324 = tpu.memref_slice %arg5[%add3A_292] : memref<20000xf32, #tpu.memory_space<hbm>> -> memref<200xf32, #tpu.memory_space<hbm>>
        %dma_start3A_325 = arith.constant 0 : i32
        %dma_start3A_326 = tpu.memref_slice %arg7[%dma_start3A_325] : memref<208xf32, #tpu.memory_space<vmem>> -> memref<200xf32, #tpu.memory_space<vmem>>
        tpu.enqueue_dma source(%dma_start3A_326 : memref<200xf32, #tpu.memory_space<vmem>>) target(%dma_start3A_324 : memref<200xf32, #tpu.memory_space<hbm>>) target_semaphore(%run_scoped3A : memref<!tpu.dma_semaphore, #tpu.memory_space<semaphore_mem>>)
        %dma_wait3A_327 = arith.constant 0 : i32
        %dma_wait3A_328 = tpu.memref_slice %arg7[%dma_wait3A_327] : memref<208xf32, #tpu.memory_space<vmem>> -> memref<200xf32, #tpu.memory_space<vmem>>
        %dma_wait3A_329 = tpu.memref_slice %arg5[%add3A_292] : memref<20000xf32, #tpu.memory_space<hbm>> -> memref<200xf32, #tpu.memory_space<hbm>>
        %dma_wait3A_330 = tpu.memref_slice %arg5[%add3A_292] : memref<20000xf32, #tpu.memory_space<hbm>> -> memref<200xf32, #tpu.memory_space<hbm>>
        %dma_wait3A_331 = arith.constant 0 : i32
        %dma_wait3A_332 = tpu.memref_slice %arg7[%dma_wait3A_331] : memref<208xf32, #tpu.memory_space<vmem>> -> memref<200xf32, #tpu.memory_space<vmem>>
        tpu.wait_dma2 semaphore(%run_scoped3A : memref<!tpu.dma_semaphore, #tpu.memory_space<semaphore_mem>>) src(%dma_wait3A_332 : memref<200xf32, #tpu.memory_space<vmem>>) dst(%dma_wait3A_330 : memref<200xf32, #tpu.memory_space<hbm>>)
        tpu.yield
      }) : () -> ()
      %mul3A_293 = arith.constant 1000 : i32
      %mul3A_294 = arith.muli %arg1, %mul3A_293 : i32
      %add3A_295 = arith.constant 200 : i32
      %add3A_296 = arith.addi %mul3A_294, %add3A_295 : i32
      "tpu.region"() ({
        %run_scoped3A = tpu.sem_alloc : memref<!tpu.dma_semaphore, #tpu.memory_space<semaphore_mem>>
        %dma_start3A_321 = arith.constant 0 : i32
        %dma_start3A_322 = tpu.memref_slice %arg7[%dma_start3A_321] : memref<208xf32, #tpu.memory_space<vmem>> -> memref<200xf32, #tpu.memory_space<vmem>>
        %dma_start3A_323 = tpu.memref_slice %arg9[%add3A_296] : memref<10000xf32, #tpu.memory_space<vmem_shared>> -> memref<200xf32, #tpu.memory_space<vmem_shared>>
        %dma_start3A_324 = arith.constant 0 : i32
        %dma_start3A_325 = tpu.memref_slice %arg7[%dma_start3A_324] : memref<208xf32, #tpu.memory_space<vmem>> -> memref<200xf32, #tpu.memory_space<vmem>>
        %dma_start3A_326 = tpu.memref_slice %arg9[%add3A_296] : memref<10000xf32, #tpu.memory_space<vmem_shared>> -> memref<200xf32, #tpu.memory_space<vmem_shared>>
        tpu.enqueue_dma source(%dma_start3A_326 : memref<200xf32, #tpu.memory_space<vmem_shared>>) target(%dma_start3A_325 : memref<200xf32, #tpu.memory_space<vmem>>) target_semaphore(%run_scoped3A : memref<!tpu.dma_semaphore, #tpu.memory_space<semaphore_mem>>)
        %dma_wait3A_327 = arith.constant 0 : i32
        %dma_wait3A_328 = tpu.memref_slice %arg7[%dma_wait3A_327] : memref<208xf32, #tpu.memory_space<vmem>> -> memref<200xf32, #tpu.memory_space<vmem>>
        %dma_wait3A_329 = tpu.memref_slice %arg9[%add3A_296] : memref<10000xf32, #tpu.memory_space<vmem_shared>> -> memref<200xf32, #tpu.memory_space<vmem_shared>>
        %dma_wait3A_330 = arith.constant 0 : i32
        %dma_wait3A_331 = tpu.memref_slice %arg7[%dma_wait3A_330] : memref<208xf32, #tpu.memory_space<vmem>> -> memref<200xf32, #tpu.memory_space<vmem>>
        %dma_wait3A_332 = tpu.memref_slice %arg9[%add3A_296] : memref<10000xf32, #tpu.memory_space<vmem_shared>> -> memref<200xf32, #tpu.memory_space<vmem_shared>>
        tpu.wait_dma2 semaphore(%run_scoped3A : memref<!tpu.dma_semaphore, #tpu.memory_space<semaphore_mem>>) src(%dma_wait3A_332 : memref<200xf32, #tpu.memory_space<vmem_shared>>) dst(%dma_wait3A_331 : memref<200xf32, #tpu.memory_space<vmem>>)
        tpu.yield
      }) : () -> ()
      %mul3A_297 = arith.constant 10000 : i32
      %mul3A_298 = arith.muli %arg0, %mul3A_297 : i32
      %add3A_299 = arith.addi %mul3A_298, %add3A_296 : i32
      "tpu.region"() ({
        %run_scoped3A = tpu.sem_alloc : memref<!tpu.dma_semaphore, #tpu.memory_space<semaphore_mem>>
        %dma_start3A_321 = arith.constant 0 : i32
        %dma_start3A_322 = tpu.memref_slice %arg7[%dma_start3A_321] : memref<208xf32, #tpu.memory_space<vmem>> -> memref<200xf32, #tpu.memory_space<vmem>>
        %dma_start3A_323 = tpu.memref_slice %arg5[%add3A_299] : memref<20000xf32, #tpu.memory_space<hbm>> -> memref<200xf32, #tpu.memory_space<hbm>>
        %dma_start3A_324 = tpu.memref_slice %arg5[%add3A_299] : memref<20000xf32, #tpu.memory_space<hbm>> -> memref<200xf32, #tpu.memory_space<hbm>>
        %dma_start3A_325 = arith.constant 0 : i32
        %dma_start3A_326 = tpu.memref_slice %arg7[%dma_start3A_325] : memref<208xf32, #tpu.memory_space<vmem>> -> memref<200xf32, #tpu.memory_space<vmem>>
        tpu.enqueue_dma source(%dma_start3A_326 : memref<200xf32, #tpu.memory_space<vmem>>) target(%dma_start3A_324 : memref<200xf32, #tpu.memory_space<hbm>>) target_semaphore(%run_scoped3A : memref<!tpu.dma_semaphore, #tpu.memory_space<semaphore_mem>>)
        %dma_wait3A_327 = arith.constant 0 : i32
        %dma_wait3A_328 = tpu.memref_slice %arg7[%dma_wait3A_327] : memref<208xf32, #tpu.memory_space<vmem>> -> memref<200xf32, #tpu.memory_space<vmem>>
        %dma_wait3A_329 = tpu.memref_slice %arg5[%add3A_299] : memref<20000xf32, #tpu.memory_space<hbm>> -> memref<200xf32, #tpu.memory_space<hbm>>
        %dma_wait3A_330 = tpu.memref_slice %arg5[%add3A_299] : memref<20000xf32, #tpu.memory_space<hbm>> -> memref<200xf32, #tpu.memory_space<hbm>>
        %dma_wait3A_331 = arith.constant 0 : i32
        %dma_wait3A_332 = tpu.memref_slice %arg7[%dma_wait3A_331] : memref<208xf32, #tpu.memory_space<vmem>> -> memref<200xf32, #tpu.memory_space<vmem>>
        tpu.wait_dma2 semaphore(%run_scoped3A : memref<!tpu.dma_semaphore, #tpu.memory_space<semaphore_mem>>) src(%dma_wait3A_332 : memref<200xf32, #tpu.memory_space<vmem>>) dst(%dma_wait3A_330 : memref<200xf32, #tpu.memory_space<hbm>>)
        tpu.yield
      }) : () -> ()
      %mul3A_300 = arith.constant 1000 : i32
      %mul3A_301 = arith.muli %arg1, %mul3A_300 : i32
      %add3A_302 = arith.constant 400 : i32
      %add3A_303 = arith.addi %mul3A_301, %add3A_302 : i32
      "tpu.region"() ({
        %run_scoped3A = tpu.sem_alloc : memref<!tpu.dma_semaphore, #tpu.memory_space<semaphore_mem>>
        %dma_start3A_321 = arith.constant 0 : i32
        %dma_start3A_322 = tpu.memref_slice %arg7[%dma_start3A_321] : memref<208xf32, #tpu.memory_space<vmem>> -> memref<200xf32, #tpu.memory_space<vmem>>
        %dma_start3A_323 = tpu.memref_slice %arg9[%add3A_303] : memref<10000xf32, #tpu.memory_space<vmem_shared>> -> memref<200xf32, #tpu.memory_space<vmem_shared>>
        %dma_start3A_324 = arith.constant 0 : i32
        %dma_start3A_325 = tpu.memref_slice %arg7[%dma_start3A_324] : memref<208xf32, #tpu.memory_space<vmem>> -> memref<200xf32, #tpu.memory_space<vmem>>
        %dma_start3A_326 = tpu.memref_slice %arg9[%add3A_303] : memref<10000xf32, #tpu.memory_space<vmem_shared>> -> memref<200xf32, #tpu.memory_space<vmem_shared>>
        tpu.enqueue_dma source(%dma_start3A_326 : memref<200xf32, #tpu.memory_space<vmem_shared>>) target(%dma_start3A_325 : memref<200xf32, #tpu.memory_space<vmem>>) target_semaphore(%run_scoped3A : memref<!tpu.dma_semaphore, #tpu.memory_space<semaphore_mem>>)
        %dma_wait3A_327 = arith.constant 0 : i32
        %dma_wait3A_328 = tpu.memref_slice %arg7[%dma_wait3A_327] : memref<208xf32, #tpu.memory_space<vmem>> -> memref<200xf32, #tpu.memory_space<vmem>>
        %dma_wait3A_329 = tpu.memref_slice %arg9[%add3A_303] : memref<10000xf32, #tpu.memory_space<vmem_shared>> -> memref<200xf32, #tpu.memory_space<vmem_shared>>
        %dma_wait3A_330 = arith.constant 0 : i32
        %dma_wait3A_331 = tpu.memref_slice %arg7[%dma_wait3A_330] : memref<208xf32, #tpu.memory_space<vmem>> -> memref<200xf32, #tpu.memory_space<vmem>>
        %dma_wait3A_332 = tpu.memref_slice %arg9[%add3A_303] : memref<10000xf32, #tpu.memory_space<vmem_shared>> -> memref<200xf32, #tpu.memory_space<vmem_shared>>
        tpu.wait_dma2 semaphore(%run_scoped3A : memref<!tpu.dma_semaphore, #tpu.memory_space<semaphore_mem>>) src(%dma_wait3A_332 : memref<200xf32, #tpu.memory_space<vmem_shared>>) dst(%dma_wait3A_331 : memref<200xf32, #tpu.memory_space<vmem>>)
        tpu.yield
      }) : () -> ()
      %mul3A_304 = arith.constant 10000 : i32
      %mul3A_305 = arith.muli %arg0, %mul3A_304 : i32
      %add3A_306 = arith.addi %mul3A_305, %add3A_303 : i32
      "tpu.region"() ({
        %run_scoped3A = tpu.sem_alloc : memref<!tpu.dma_semaphore, #tpu.memory_space<semaphore_mem>>
        %dma_start3A_321 = arith.constant 0 : i32
        %dma_start3A_322 = tpu.memref_slice %arg7[%dma_start3A_321] : memref<208xf32, #tpu.memory_space<vmem>> -> memref<200xf32, #tpu.memory_space<vmem>>
        %dma_start3A_323 = tpu.memref_slice %arg5[%add3A_306] : memref<20000xf32, #tpu.memory_space<hbm>> -> memref<200xf32, #tpu.memory_space<hbm>>
        %dma_start3A_324 = tpu.memref_slice %arg5[%add3A_306] : memref<20000xf32, #tpu.memory_space<hbm>> -> memref<200xf32, #tpu.memory_space<hbm>>
        %dma_start3A_325 = arith.constant 0 : i32
        %dma_start3A_326 = tpu.memref_slice %arg7[%dma_start3A_325] : memref<208xf32, #tpu.memory_space<vmem>> -> memref<200xf32, #tpu.memory_space<vmem>>
        tpu.enqueue_dma source(%dma_start3A_326 : memref<200xf32, #tpu.memory_space<vmem>>) target(%dma_start3A_324 : memref<200xf32, #tpu.memory_space<hbm>>) target_semaphore(%run_scoped3A : memref<!tpu.dma_semaphore, #tpu.memory_space<semaphore_mem>>)
        %dma_wait3A_327 = arith.constant 0 : i32
        %dma_wait3A_328 = tpu.memref_slice %arg7[%dma_wait3A_327] : memref<208xf32, #tpu.memory_space<vmem>> -> memref<200xf32, #tpu.memory_space<vmem>>
        %dma_wait3A_329 = tpu.memref_slice %arg5[%add3A_306] : memref<20000xf32, #tpu.memory_space<hbm>> -> memref<200xf32, #tpu.memory_space<hbm>>
        %dma_wait3A_330 = tpu.memref_slice %arg5[%add3A_306] : memref<20000xf32, #tpu.memory_space<hbm>> -> memref<200xf32, #tpu.memory_space<hbm>>
        %dma_wait3A_331 = arith.constant 0 : i32
        %dma_wait3A_332 = tpu.memref_slice %arg7[%dma_wait3A_331] : memref<208xf32, #tpu.memory_space<vmem>> -> memref<200xf32, #tpu.memory_space<vmem>>
        tpu.wait_dma2 semaphore(%run_scoped3A : memref<!tpu.dma_semaphore, #tpu.memory_space<semaphore_mem>>) src(%dma_wait3A_332 : memref<200xf32, #tpu.memory_space<vmem>>) dst(%dma_wait3A_330 : memref<200xf32, #tpu.memory_space<hbm>>)
        tpu.yield
      }) : () -> ()
      %mul3A_307 = arith.constant 1000 : i32
      %mul3A_308 = arith.muli %arg1, %mul3A_307 : i32
      %add3A_309 = arith.constant 600 : i32
      %add3A_310 = arith.addi %mul3A_308, %add3A_309 : i32
      "tpu.region"() ({
        %run_scoped3A = tpu.sem_alloc : memref<!tpu.dma_semaphore, #tpu.memory_space<semaphore_mem>>
        %dma_start3A_321 = arith.constant 0 : i32
        %dma_start3A_322 = tpu.memref_slice %arg7[%dma_start3A_321] : memref<208xf32, #tpu.memory_space<vmem>> -> memref<200xf32, #tpu.memory_space<vmem>>
        %dma_start3A_323 = tpu.memref_slice %arg9[%add3A_310] : memref<10000xf32, #tpu.memory_space<vmem_shared>> -> memref<200xf32, #tpu.memory_space<vmem_shared>>
        %dma_start3A_324 = arith.constant 0 : i32
        %dma_start3A_325 = tpu.memref_slice %arg7[%dma_start3A_324] : memref<208xf32, #tpu.memory_space<vmem>> -> memref<200xf32, #tpu.memory_space<vmem>>
        %dma_start3A_326 = tpu.memref_slice %arg9[%add3A_310] : memref<10000xf32, #tpu.memory_space<vmem_shared>> -> memref<200xf32, #tpu.memory_space<vmem_shared>>
        tpu.enqueue_dma source(%dma_start3A_326 : memref<200xf32, #tpu.memory_space<vmem_shared>>) target(%dma_start3A_325 : memref<200xf32, #tpu.memory_space<vmem>>) target_semaphore(%run_scoped3A : memref<!tpu.dma_semaphore, #tpu.memory_space<semaphore_mem>>)
        %dma_wait3A_327 = arith.constant 0 : i32
        %dma_wait3A_328 = tpu.memref_slice %arg7[%dma_wait3A_327] : memref<208xf32, #tpu.memory_space<vmem>> -> memref<200xf32, #tpu.memory_space<vmem>>
        %dma_wait3A_329 = tpu.memref_slice %arg9[%add3A_310] : memref<10000xf32, #tpu.memory_space<vmem_shared>> -> memref<200xf32, #tpu.memory_space<vmem_shared>>
        %dma_wait3A_330 = arith.constant 0 : i32
        %dma_wait3A_331 = tpu.memref_slice %arg7[%dma_wait3A_330] : memref<208xf32, #tpu.memory_space<vmem>> -> memref<200xf32, #tpu.memory_space<vmem>>
        %dma_wait3A_332 = tpu.memref_slice %arg9[%add3A_310] : memref<10000xf32, #tpu.memory_space<vmem_shared>> -> memref<200xf32, #tpu.memory_space<vmem_shared>>
        tpu.wait_dma2 semaphore(%run_scoped3A : memref<!tpu.dma_semaphore, #tpu.memory_space<semaphore_mem>>) src(%dma_wait3A_332 : memref<200xf32, #tpu.memory_space<vmem_shared>>) dst(%dma_wait3A_331 : memref<200xf32, #tpu.memory_space<vmem>>)
        tpu.yield
      }) : () -> ()
      %mul3A_311 = arith.constant 10000 : i32
      %mul3A_312 = arith.muli %arg0, %mul3A_311 : i32
      %add3A_313 = arith.addi %mul3A_312, %add3A_310 : i32
      "tpu.region"() ({
        %run_scoped3A = tpu.sem_alloc : memref<!tpu.dma_semaphore, #tpu.memory_space<semaphore_mem>>
        %dma_start3A_321 = arith.constant 0 : i32
        %dma_start3A_322 = tpu.memref_slice %arg7[%dma_start3A_321] : memref<208xf32, #tpu.memory_space<vmem>> -> memref<200xf32, #tpu.memory_space<vmem>>
        %dma_start3A_323 = tpu.memref_slice %arg5[%add3A_313] : memref<20000xf32, #tpu.memory_space<hbm>> -> memref<200xf32, #tpu.memory_space<hbm>>
        %dma_start3A_324 = tpu.memref_slice %arg5[%add3A_313] : memref<20000xf32, #tpu.memory_space<hbm>> -> memref<200xf32, #tpu.memory_space<hbm>>
        %dma_start3A_325 = arith.constant 0 : i32
        %dma_start3A_326 = tpu.memref_slice %arg7[%dma_start3A_325] : memref<208xf32, #tpu.memory_space<vmem>> -> memref<200xf32, #tpu.memory_space<vmem>>
        tpu.enqueue_dma source(%dma_start3A_326 : memref<200xf32, #tpu.memory_space<vmem>>) target(%dma_start3A_324 : memref<200xf32, #tpu.memory_space<hbm>>) target_semaphore(%run_scoped3A : memref<!tpu.dma_semaphore, #tpu.memory_space<semaphore_mem>>)
        %dma_wait3A_327 = arith.constant 0 : i32
        %dma_wait3A_328 = tpu.memref_slice %arg7[%dma_wait3A_327] : memref<208xf32, #tpu.memory_space<vmem>> -> memref<200xf32, #tpu.memory_space<vmem>>
        %dma_wait3A_329 = tpu.memref_slice %arg5[%add3A_313] : memref<20000xf32, #tpu.memory_space<hbm>> -> memref<200xf32, #tpu.memory_space<hbm>>
        %dma_wait3A_330 = tpu.memref_slice %arg5[%add3A_313] : memref<20000xf32, #tpu.memory_space<hbm>> -> memref<200xf32, #tpu.memory_space<hbm>>
        %dma_wait3A_331 = arith.constant 0 : i32
        %dma_wait3A_332 = tpu.memref_slice %arg7[%dma_wait3A_331] : memref<208xf32, #tpu.memory_space<vmem>> -> memref<200xf32, #tpu.memory_space<vmem>>
        tpu.wait_dma2 semaphore(%run_scoped3A : memref<!tpu.dma_semaphore, #tpu.memory_space<semaphore_mem>>) src(%dma_wait3A_332 : memref<200xf32, #tpu.memory_space<vmem>>) dst(%dma_wait3A_330 : memref<200xf32, #tpu.memory_space<hbm>>)
        tpu.yield
      }) : () -> ()
      %mul3A_314 = arith.constant 1000 : i32
      %mul3A_315 = arith.muli %arg1, %mul3A_314 : i32
      %add3A_316 = arith.constant 800 : i32
      %add3A_317 = arith.addi %mul3A_315, %add3A_316 : i32
      "tpu.region"() ({
        %run_scoped3A = tpu.sem_alloc : memref<!tpu.dma_semaphore, #tpu.memory_space<semaphore_mem>>
        %dma_start3A_321 = arith.constant 0 : i32
        %dma_start3A_322 = tpu.memref_slice %arg7[%dma_start3A_321] : memref<208xf32, #tpu.memory_space<vmem>> -> memref<200xf32, #tpu.memory_space<vmem>>
        %dma_start3A_323 = tpu.memref_slice %arg9[%add3A_317] : memref<10000xf32, #tpu.memory_space<vmem_shared>> -> memref<200xf32, #tpu.memory_space<vmem_shared>>
        %dma_start3A_324 = arith.constant 0 : i32
        %dma_start3A_325 = tpu.memref_slice %arg7[%dma_start3A_324] : memref<208xf32, #tpu.memory_space<vmem>> -> memref<200xf32, #tpu.memory_space<vmem>>
        %dma_start3A_326 = tpu.memref_slice %arg9[%add3A_317] : memref<10000xf32, #tpu.memory_space<vmem_shared>> -> memref<200xf32, #tpu.memory_space<vmem_shared>>
        tpu.enqueue_dma source(%dma_start3A_326 : memref<200xf32, #tpu.memory_space<vmem_shared>>) target(%dma_start3A_325 : memref<200xf32, #tpu.memory_space<vmem>>) target_semaphore(%run_scoped3A : memref<!tpu.dma_semaphore, #tpu.memory_space<semaphore_mem>>)
        %dma_wait3A_327 = arith.constant 0 : i32
        %dma_wait3A_328 = tpu.memref_slice %arg7[%dma_wait3A_327] : memref<208xf32, #tpu.memory_space<vmem>> -> memref<200xf32, #tpu.memory_space<vmem>>
        %dma_wait3A_329 = tpu.memref_slice %arg9[%add3A_317] : memref<10000xf32, #tpu.memory_space<vmem_shared>> -> memref<200xf32, #tpu.memory_space<vmem_shared>>
        %dma_wait3A_330 = arith.constant 0 : i32
        %dma_wait3A_331 = tpu.memref_slice %arg7[%dma_wait3A_330] : memref<208xf32, #tpu.memory_space<vmem>> -> memref<200xf32, #tpu.memory_space<vmem>>
        %dma_wait3A_332 = tpu.memref_slice %arg9[%add3A_317] : memref<10000xf32, #tpu.memory_space<vmem_shared>> -> memref<200xf32, #tpu.memory_space<vmem_shared>>
        tpu.wait_dma2 semaphore(%run_scoped3A : memref<!tpu.dma_semaphore, #tpu.memory_space<semaphore_mem>>) src(%dma_wait3A_332 : memref<200xf32, #tpu.memory_space<vmem_shared>>) dst(%dma_wait3A_331 : memref<200xf32, #tpu.memory_space<vmem>>)
        tpu.yield
      }) : () -> ()
      %mul3A_318 = arith.constant 10000 : i32
      %mul3A_319 = arith.muli %arg0, %mul3A_318 : i32
      %add3A_320 = arith.addi %mul3A_319, %add3A_317 : i32
      "tpu.region"() ({
        %run_scoped3A = tpu.sem_alloc : memref<!tpu.dma_semaphore, #tpu.memory_space<semaphore_mem>>
        %dma_start3A_321 = arith.constant 0 : i32
        %dma_start3A_322 = tpu.memref_slice %arg7[%dma_start3A_321] : memref<208xf32, #tpu.memory_space<vmem>> -> memref<200xf32, #tpu.memory_space<vmem>>
        %dma_start3A_323 = tpu.memref_slice %arg5[%add3A_320] : memref<20000xf32, #tpu.memory_space<hbm>> -> memref<200xf32, #tpu.memory_space<hbm>>
        %dma_start3A_324 = tpu.memref_slice %arg5[%add3A_320] : memref<20000xf32, #tpu.memory_space<hbm>> -> memref<200xf32, #tpu.memory_space<hbm>>
        %dma_start3A_325 = arith.constant 0 : i32
        %dma_start3A_326 = tpu.memref_slice %arg7[%dma_start3A_325] : memref<208xf32, #tpu.memory_space<vmem>> -> memref<200xf32, #tpu.memory_space<vmem>>
        tpu.enqueue_dma source(%dma_start3A_326 : memref<200xf32, #tpu.memory_space<vmem>>) target(%dma_start3A_324 : memref<200xf32, #tpu.memory_space<hbm>>) target_semaphore(%run_scoped3A : memref<!tpu.dma_semaphore, #tpu.memory_space<semaphore_mem>>)
        %dma_wait3A_327 = arith.constant 0 : i32
        %dma_wait3A_328 = tpu.memref_slice %arg7[%dma_wait3A_327] : memref<208xf32, #tpu.memory_space<vmem>> -> memref<200xf32, #tpu.memory_space<vmem>>
        %dma_wait3A_329 = tpu.memref_slice %arg5[%add3A_320] : memref<20000xf32, #tpu.memory_space<hbm>> -> memref<200xf32, #tpu.memory_space<hbm>>
        %dma_wait3A_330 = tpu.memref_slice %arg5[%add3A_320] : memref<20000xf32, #tpu.memory_space<hbm>> -> memref<200xf32, #tpu.memory_space<hbm>>
        %dma_wait3A_331 = arith.constant 0 : i32
        %dma_wait3A_332 = tpu.memref_slice %arg7[%dma_wait3A_331] : memref<208xf32, #tpu.memory_space<vmem>> -> memref<200xf32, #tpu.memory_space<vmem>>
        tpu.wait_dma2 semaphore(%run_scoped3A : memref<!tpu.dma_semaphore, #tpu.memory_space<semaphore_mem>>) src(%dma_wait3A_332 : memref<200xf32, #tpu.memory_space<vmem>>) dst(%dma_wait3A_330 : memref<200xf32, #tpu.memory_space<hbm>>)
        tpu.yield
      }) : () -> ()
    } else {
    }
    return
  }
}

#map = affine_map<(d0, d1) -> (0, 0)>
#map1 = affine_map<(d0, d1) -> (0)>
#map2 = affine_map<(d0, d1) -> (0, 0, 0)>
module attributes {stable_mosaic.version = 14 : i64} {
  func.func @_sc_agg_body(%arg0: i32, %arg1: i32, %arg2: memref<10000x128xf32, #tpu.memory_space<hbm>>, %arg3: memref<640000xi32, #tpu.memory_space<hbm>>, %arg4: memref<2x10000x128xf32, #tpu.memory_space<hbm>>, %arg5: memref<10000x128xf32, #tpu.memory_space<vmem_shared>>, %arg6: memref<80xi32, #tpu.memory_space<vmem>>, %arg7: memref<80xi32, #tpu.memory_space<vmem>>, %arg8: memref<80xi32, #tpu.memory_space<vmem>>, %arg9: memref<80xi32, #tpu.memory_space<vmem>>, %arg10: memref<80xi32, #tpu.memory_space<vmem>>, %arg11: memref<80xi32, #tpu.memory_space<vmem>>, %arg12: memref<80xi32, #tpu.memory_space<vmem>>, %arg13: memref<80xi32, #tpu.memory_space<vmem>>, %arg14: memref<80xi32, #tpu.memory_space<vmem>>, %arg15: memref<80xi32, #tpu.memory_space<vmem>>, %arg16: memref<80xi32, #tpu.memory_space<vmem>>, %arg17: memref<80xi32, #tpu.memory_space<vmem>>, %arg18: memref<80x128xf32, #tpu.memory_space<vmem>>, %arg19: memref<80x128xf32, #tpu.memory_space<vmem>>, %arg20: memref<80x128xf32, #tpu.memory_space<vmem>>, %arg21: memref<80x128xf32, #tpu.memory_space<vmem>>, %arg22: memref<!tpu.dma_semaphore, #tpu.memory_space<semaphore_mem>>, %arg23: memref<!tpu.dma_semaphore, #tpu.memory_space<semaphore_mem>>, %arg24: memref<!tpu.dma_semaphore, #tpu.memory_space<semaphore_mem>>, %arg25: memref<!tpu.dma_semaphore, #tpu.memory_space<semaphore_mem>>, %arg26: memref<!tpu.dma_semaphore, #tpu.memory_space<semaphore_mem>>, %arg27: memref<!tpu.dma_semaphore, #tpu.memory_space<semaphore_mem>>, %arg28: memref<!tpu.dma_semaphore, #tpu.memory_space<semaphore_mem>>, %arg29: memref<!tpu.dma_semaphore, #tpu.memory_space<semaphore_mem>>, %arg30: memref<!tpu.dma_semaphore, #tpu.memory_space<semaphore_mem>>, %arg31: memref<!tpu.dma_semaphore, #tpu.memory_space<semaphore_mem>>, %arg32: memref<!tpu.dma_semaphore, #tpu.memory_space<semaphore_mem>>, %arg33: memref<!tpu.dma_semaphore, #tpu.memory_space<semaphore_mem>>, %arg34: memref<!tpu.dma_semaphore, #tpu.memory_space<semaphore_mem>>, %arg35: memref<!tpu.dma_semaphore, #tpu.memory_space<semaphore_mem>>, %arg36: memref<!tpu.dma_semaphore, #tpu.memory_space<semaphore_mem>>, %arg37: memref<!tpu.dma_semaphore, #tpu.memory_space<semaphore_mem>>, %arg38: memref<!tpu.dma_semaphore, #tpu.memory_space<semaphore_mem>>, %arg39: memref<!tpu.dma_semaphore, #tpu.memory_space<semaphore_mem>>, %arg40: memref<!tpu.dma_semaphore, #tpu.memory_space<semaphore_mem>>, %arg41: memref<!tpu.dma_semaphore, #tpu.memory_space<semaphore_mem>>) attributes {dimension_semantics = [#tpu.dimension_semantics<core_parallel>, #tpu.dimension_semantics<subcore_parallel>], iteration_bounds = array<i64: 2, 16>, scalar_prefetch = 0 : i64, scratch_operands = 37 : i64, tpu.core_type = #tpu.core_type<sc_vector_subcore>, window_params = [{transform_indices = #map}, {transform_indices = #map1}, {transform_indices = #map2}]} {
    %mul3A = arith.constant 16 : i32
    %mul3A_0 = arith.muli %arg0, %mul3A : i32
    %add3A = arith.addi %mul3A_0, %arg1 : i32
    %mul3A_1 = arith.constant 10000 : i32
    %mul3A_2 = arith.muli %add3A, %mul3A_1 : i32
    %add3A_3 = arith.constant 0 : i32
    %add3A_4 = arith.addi %mul3A_2, %add3A_3 : i32
    %dma_start3A = tpu.memref_slice %arg3[%add3A_4] : memref<640000xi32, #tpu.memory_space<hbm>> -> memref<80xi32, #tpu.memory_space<hbm>>
    %dma_start3A_5 = tpu.memref_slice %arg3[%add3A_4] : memref<640000xi32, #tpu.memory_space<hbm>> -> memref<80xi32, #tpu.memory_space<hbm>>
    tpu.enqueue_dma source(%dma_start3A_5 : memref<80xi32, #tpu.memory_space<hbm>>) target(%arg6 : memref<80xi32, #tpu.memory_space<vmem>>) target_semaphore(%arg22 : memref<!tpu.dma_semaphore, #tpu.memory_space<semaphore_mem>>)
    %add3A_6 = arith.constant 80 : i32
    %add3A_7 = arith.addi %mul3A_2, %add3A_6 : i32
    %dma_start3A_8 = tpu.memref_slice %arg3[%add3A_7] : memref<640000xi32, #tpu.memory_space<hbm>> -> memref<80xi32, #tpu.memory_space<hbm>>
    %dma_start3A_9 = tpu.memref_slice %arg3[%add3A_7] : memref<640000xi32, #tpu.memory_space<hbm>> -> memref<80xi32, #tpu.memory_space<hbm>>
    tpu.enqueue_dma source(%dma_start3A_9 : memref<80xi32, #tpu.memory_space<hbm>>) target(%arg7 : memref<80xi32, #tpu.memory_space<vmem>>) target_semaphore(%arg23 : memref<!tpu.dma_semaphore, #tpu.memory_space<semaphore_mem>>)
    %add3A_10 = arith.constant 160 : i32
    %add3A_11 = arith.addi %mul3A_2, %add3A_10 : i32
    %dma_start3A_12 = tpu.memref_slice %arg3[%add3A_11] : memref<640000xi32, #tpu.memory_space<hbm>> -> memref<80xi32, #tpu.memory_space<hbm>>
    %dma_start3A_13 = tpu.memref_slice %arg3[%add3A_11] : memref<640000xi32, #tpu.memory_space<hbm>> -> memref<80xi32, #tpu.memory_space<hbm>>
    tpu.enqueue_dma source(%dma_start3A_13 : memref<80xi32, #tpu.memory_space<hbm>>) target(%arg8 : memref<80xi32, #tpu.memory_space<vmem>>) target_semaphore(%arg24 : memref<!tpu.dma_semaphore, #tpu.memory_space<semaphore_mem>>)
    %add3A_14 = arith.constant 240 : i32
    %add3A_15 = arith.addi %mul3A_2, %add3A_14 : i32
    %dma_start3A_16 = tpu.memref_slice %arg3[%add3A_15] : memref<640000xi32, #tpu.memory_space<hbm>> -> memref<80xi32, #tpu.memory_space<hbm>>
    %dma_start3A_17 = tpu.memref_slice %arg3[%add3A_15] : memref<640000xi32, #tpu.memory_space<hbm>> -> memref<80xi32, #tpu.memory_space<hbm>>
    tpu.enqueue_dma source(%dma_start3A_17 : memref<80xi32, #tpu.memory_space<hbm>>) target(%arg9 : memref<80xi32, #tpu.memory_space<vmem>>) target_semaphore(%arg25 : memref<!tpu.dma_semaphore, #tpu.memory_space<semaphore_mem>>)
    %add3A_18 = arith.constant 320000 : i32
    %add3A_19 = arith.addi %add3A_18, %mul3A_2 : i32
    %add3A_20 = arith.constant 0 : i32
    %add3A_21 = arith.addi %add3A_19, %add3A_20 : i32
    %dma_start3A_22 = tpu.memref_slice %arg3[%add3A_21] : memref<640000xi32, #tpu.memory_space<hbm>> -> memref<80xi32, #tpu.memory_space<hbm>>
    %dma_start3A_23 = tpu.memref_slice %arg3[%add3A_21] : memref<640000xi32, #tpu.memory_space<hbm>> -> memref<80xi32, #tpu.memory_space<hbm>>
    tpu.enqueue_dma source(%dma_start3A_23 : memref<80xi32, #tpu.memory_space<hbm>>) target(%arg14 : memref<80xi32, #tpu.memory_space<vmem>>) target_semaphore(%arg30 : memref<!tpu.dma_semaphore, #tpu.memory_space<semaphore_mem>>)
    %add3A_24 = arith.constant 320000 : i32
    %add3A_25 = arith.addi %add3A_24, %mul3A_2 : i32
    %add3A_26 = arith.constant 80 : i32
    %add3A_27 = arith.addi %add3A_25, %add3A_26 : i32
    %dma_start3A_28 = tpu.memref_slice %arg3[%add3A_27] : memref<640000xi32, #tpu.memory_space<hbm>> -> memref<80xi32, #tpu.memory_space<hbm>>
    %dma_start3A_29 = tpu.memref_slice %arg3[%add3A_27] : memref<640000xi32, #tpu.memory_space<hbm>> -> memref<80xi32, #tpu.memory_space<hbm>>
    tpu.enqueue_dma source(%dma_start3A_29 : memref<80xi32, #tpu.memory_space<hbm>>) target(%arg15 : memref<80xi32, #tpu.memory_space<vmem>>) target_semaphore(%arg31 : memref<!tpu.dma_semaphore, #tpu.memory_space<semaphore_mem>>)
    %add3A_30 = arith.constant 320000 : i32
    %add3A_31 = arith.addi %add3A_30, %mul3A_2 : i32
    %add3A_32 = arith.constant 160 : i32
    %add3A_33 = arith.addi %add3A_31, %add3A_32 : i32
    %dma_start3A_34 = tpu.memref_slice %arg3[%add3A_33] : memref<640000xi32, #tpu.memory_space<hbm>> -> memref<80xi32, #tpu.memory_space<hbm>>
    %dma_start3A_35 = tpu.memref_slice %arg3[%add3A_33] : memref<640000xi32, #tpu.memory_space<hbm>> -> memref<80xi32, #tpu.memory_space<hbm>>
    tpu.enqueue_dma source(%dma_start3A_35 : memref<80xi32, #tpu.memory_space<hbm>>) target(%arg16 : memref<80xi32, #tpu.memory_space<vmem>>) target_semaphore(%arg32 : memref<!tpu.dma_semaphore, #tpu.memory_space<semaphore_mem>>)
    %dma_wait3A = arith.constant 0 : i32
    %dma_wait3A_36 = tpu.memref_slice %arg3[%dma_wait3A] : memref<640000xi32, #tpu.memory_space<hbm>> -> memref<80xi32, #tpu.memory_space<hbm>>
    %dma_wait3A_37 = arith.constant 0 : i32
    %dma_wait3A_38 = tpu.memref_slice %arg3[%dma_wait3A_37] : memref<640000xi32, #tpu.memory_space<hbm>> -> memref<80xi32, #tpu.memory_space<hbm>>
    tpu.wait_dma2 semaphore(%arg22 : memref<!tpu.dma_semaphore, #tpu.memory_space<semaphore_mem>>) src(%dma_wait3A_38 : memref<80xi32, #tpu.memory_space<hbm>>) dst(%arg6 : memref<80xi32, #tpu.memory_space<vmem>>)
    %dma_start3A_39 = arith.constant 0 : i32
    %dma_start3A_40 = arith.constant 0 : i32
    %dma_start3A_41 = tpu.memref_slice %arg2[%dma_start3A_39, %dma_start3A_40] : memref<10000x128xf32, #tpu.memory_space<hbm>> -> memref<10000x128xf32, #tpu.memory_space<hbm>>
    tpu.enqueue_indirect_dma source(%dma_start3A_41 : memref<10000x128xf32, #tpu.memory_space<hbm>>) target(%arg18 : memref<80x128xf32, #tpu.memory_space<vmem>>) offsets(%arg6 : memref<80xi32, #tpu.memory_space<vmem>>) semaphore(%arg34 : memref<!tpu.dma_semaphore, #tpu.memory_space<semaphore_mem>>)
    %dma_wait3A_42 = arith.constant 0 : i32
    %dma_wait3A_43 = tpu.memref_slice %arg3[%dma_wait3A_42] : memref<640000xi32, #tpu.memory_space<hbm>> -> memref<80xi32, #tpu.memory_space<hbm>>
    %dma_wait3A_44 = arith.constant 0 : i32
    %dma_wait3A_45 = tpu.memref_slice %arg3[%dma_wait3A_44] : memref<640000xi32, #tpu.memory_space<hbm>> -> memref<80xi32, #tpu.memory_space<hbm>>
    tpu.wait_dma2 semaphore(%arg23 : memref<!tpu.dma_semaphore, #tpu.memory_space<semaphore_mem>>) src(%dma_wait3A_45 : memref<80xi32, #tpu.memory_space<hbm>>) dst(%arg7 : memref<80xi32, #tpu.memory_space<vmem>>)
    %dma_start3A_46 = arith.constant 0 : i32
    %dma_start3A_47 = arith.constant 0 : i32
    %dma_start3A_48 = tpu.memref_slice %arg2[%dma_start3A_46, %dma_start3A_47] : memref<10000x128xf32, #tpu.memory_space<hbm>> -> memref<10000x128xf32, #tpu.memory_space<hbm>>
    tpu.enqueue_indirect_dma source(%dma_start3A_48 : memref<10000x128xf32, #tpu.memory_space<hbm>>) target(%arg19 : memref<80x128xf32, #tpu.memory_space<vmem>>) offsets(%arg7 : memref<80xi32, #tpu.memory_space<vmem>>) semaphore(%arg35 : memref<!tpu.dma_semaphore, #tpu.memory_space<semaphore_mem>>)
    %dma_wait3A_49 = arith.constant 0 : i32
    %dma_wait3A_50 = tpu.memref_slice %arg3[%dma_wait3A_49] : memref<640000xi32, #tpu.memory_space<hbm>> -> memref<80xi32, #tpu.memory_space<hbm>>
    %dma_wait3A_51 = arith.constant 0 : i32
    %dma_wait3A_52 = tpu.memref_slice %arg3[%dma_wait3A_51] : memref<640000xi32, #tpu.memory_space<hbm>> -> memref<80xi32, #tpu.memory_space<hbm>>
    tpu.wait_dma2 semaphore(%arg24 : memref<!tpu.dma_semaphore, #tpu.memory_space<semaphore_mem>>) src(%dma_wait3A_52 : memref<80xi32, #tpu.memory_space<hbm>>) dst(%arg8 : memref<80xi32, #tpu.memory_space<vmem>>)
    %dma_start3A_53 = arith.constant 0 : i32
    %dma_start3A_54 = arith.constant 0 : i32
    %dma_start3A_55 = tpu.memref_slice %arg2[%dma_start3A_53, %dma_start3A_54] : memref<10000x128xf32, #tpu.memory_space<hbm>> -> memref<10000x128xf32, #tpu.memory_space<hbm>>
    tpu.enqueue_indirect_dma source(%dma_start3A_55 : memref<10000x128xf32, #tpu.memory_space<hbm>>) target(%arg20 : memref<80x128xf32, #tpu.memory_space<vmem>>) offsets(%arg8 : memref<80xi32, #tpu.memory_space<vmem>>) semaphore(%arg36 : memref<!tpu.dma_semaphore, #tpu.memory_space<semaphore_mem>>)
    %broadcast_in_dim3A = arith.constant 0.000000e+00 : f32
    %broadcast_in_dim3A_56 = vector.broadcast %broadcast_in_dim3A : f32 to vector<16xf32>
    %scan3A = arith.constant 0 : i32
    %scan3A_57 = arith.constant 0 : i32
    %scan3A_58 = arith.constant 80 : i32
    %scan3A_59 = arith.addi %scan3A_57, %scan3A_58 : i32
    %scan3A_60 = arith.constant 1 : i32
    %scan3A_61 = scf.for %scan3A_228 = %scan3A_57 to %scan3A_59 step %scan3A_60 iter_args(%scan3A_229 = %scan3A) -> (i32)  : i32 {
      %swap3A = arith.index_cast %scan3A_228 : i32 to index
      %swap3A_230 = arith.constant 0 : index
      %swap3A_231 = tpu.vector_load %arg21[%swap3A, %swap3A_230] {strides = array<i32>} : memref<80x128xf32, #tpu.memory_space<vmem>>, vector<1x16xf32>,
      %swap3A_232 = vector.shape_cast %swap3A_231 : vector<1x16xf32> to vector<16xf32>
      %swap3A_233 = vector.shape_cast %broadcast_in_dim3A_56 : vector<16xf32> to vector<1x16xf32>
      tpu.vector_store %arg21[%swap3A, %swap3A_230], %swap3A_233 {strides = array<i32>} : memref<80x128xf32, #tpu.memory_space<vmem>>, vector<1x16xf32>,
      %swap3A_234 = arith.index_cast %scan3A_228 : i32 to index
      %swap3A_235 = arith.constant 16 : index
      %swap3A_236 = tpu.vector_load %arg21[%swap3A_234, %swap3A_235] {strides = array<i32>} : memref<80x128xf32, #tpu.memory_space<vmem>>, vector<1x16xf32>,
      %swap3A_237 = vector.shape_cast %swap3A_236 : vector<1x16xf32> to vector<16xf32>
      %swap3A_238 = vector.shape_cast %broadcast_in_dim3A_56 : vector<16xf32> to vector<1x16xf32>
      tpu.vector_store %arg21[%swap3A_234, %swap3A_235], %swap3A_238 {strides = array<i32>} : memref<80x128xf32, #tpu.memory_space<vmem>>, vector<1x16xf32>,
      %swap3A_239 = arith.index_cast %scan3A_228 : i32 to index
      %swap3A_240 = arith.constant 32 : index
      %swap3A_241 = tpu.vector_load %arg21[%swap3A_239, %swap3A_240] {strides = array<i32>} : memref<80x128xf32, #tpu.memory_space<vmem>>, vector<1x16xf32>,
      %swap3A_242 = vector.shape_cast %swap3A_241 : vector<1x16xf32> to vector<16xf32>
      %swap3A_243 = vector.shape_cast %broadcast_in_dim3A_56 : vector<16xf32> to vector<1x16xf32>
      tpu.vector_store %arg21[%swap3A_239, %swap3A_240], %swap3A_243 {strides = array<i32>} : memref<80x128xf32, #tpu.memory_space<vmem>>, vector<1x16xf32>,
      %swap3A_244 = arith.index_cast %scan3A_228 : i32 to index
      %swap3A_245 = arith.constant 48 : index
      %swap3A_246 = tpu.vector_load %arg21[%swap3A_244, %swap3A_245] {strides = array<i32>} : memref<80x128xf32, #tpu.memory_space<vmem>>, vector<1x16xf32>,
      %swap3A_247 = vector.shape_cast %swap3A_246 : vector<1x16xf32> to vector<16xf32>
      %swap3A_248 = vector.shape_cast %broadcast_in_dim3A_56 : vector<16xf32> to vector<1x16xf32>
      tpu.vector_store %arg21[%swap3A_244, %swap3A_245], %swap3A_248 {strides = array<i32>} : memref<80x128xf32, #tpu.memory_space<vmem>>, vector<1x16xf32>,
      %swap3A_249 = arith.index_cast %scan3A_228 : i32 to index
      %swap3A_250 = arith.constant 64 : index
      %swap3A_251 = tpu.vector_load %arg21[%swap3A_249, %swap3A_250] {strides = array<i32>} : memref<80x128xf32, #tpu.memory_space<vmem>>, vector<1x16xf32>,
      %swap3A_252 = vector.shape_cast %swap3A_251 : vector<1x16xf32> to vector<16xf32>
      %swap3A_253 = vector.shape_cast %broadcast_in_dim3A_56 : vector<16xf32> to vector<1x16xf32>
      tpu.vector_store %arg21[%swap3A_249, %swap3A_250], %swap3A_253 {strides = array<i32>} : memref<80x128xf32, #tpu.memory_space<vmem>>, vector<1x16xf32>,
      %swap3A_254 = arith.index_cast %scan3A_228 : i32 to index
      %swap3A_255 = arith.constant 80 : index
      %swap3A_256 = tpu.vector_load %arg21[%swap3A_254, %swap3A_255] {strides = array<i32>} : memref<80x128xf32, #tpu.memory_space<vmem>>, vector<1x16xf32>,
      %swap3A_257 = vector.shape_cast %swap3A_256 : vector<1x16xf32> to vector<16xf32>
      %swap3A_258 = vector.shape_cast %broadcast_in_dim3A_56 : vector<16xf32> to vector<1x16xf32>
      tpu.vector_store %arg21[%swap3A_254, %swap3A_255], %swap3A_258 {strides = array<i32>} : memref<80x128xf32, #tpu.memory_space<vmem>>, vector<1x16xf32>,
      %swap3A_259 = arith.index_cast %scan3A_228 : i32 to index
      %swap3A_260 = arith.constant 96 : index
      %swap3A_261 = tpu.vector_load %arg21[%swap3A_259, %swap3A_260] {strides = array<i32>} : memref<80x128xf32, #tpu.memory_space<vmem>>, vector<1x16xf32>,
      %swap3A_262 = vector.shape_cast %swap3A_261 : vector<1x16xf32> to vector<16xf32>
      %swap3A_263 = vector.shape_cast %broadcast_in_dim3A_56 : vector<16xf32> to vector<1x16xf32>
      tpu.vector_store %arg21[%swap3A_259, %swap3A_260], %swap3A_263 {strides = array<i32>} : memref<80x128xf32, #tpu.memory_space<vmem>>, vector<1x16xf32>,
      %swap3A_264 = arith.index_cast %scan3A_228 : i32 to index
      %swap3A_265 = arith.constant 112 : index
      %swap3A_266 = tpu.vector_load %arg21[%swap3A_264, %swap3A_265] {strides = array<i32>} : memref<80x128xf32, #tpu.memory_space<vmem>>, vector<1x16xf32>,
      %swap3A_267 = vector.shape_cast %swap3A_266 : vector<1x16xf32> to vector<16xf32>
      %swap3A_268 = vector.shape_cast %broadcast_in_dim3A_56 : vector<16xf32> to vector<1x16xf32>
      tpu.vector_store %arg21[%swap3A_264, %swap3A_265], %swap3A_268 {strides = array<i32>} : memref<80x128xf32, #tpu.memory_space<vmem>>, vector<1x16xf32>,
      %scan3A_269 = arith.constant 0 : i32
      scf.yield %scan3A_269 : i32
    }
    %scan3A_62 = arith.constant 80 : i32
    %lt3A = arith.constant 10 : i32
    %lt3A_63 = arith.cmpi slt, %arg1, %lt3A : i32
    %convert_element_type3A = arith.extui %lt3A_63 : i1 to i32
    %cond3A = arith.constant 0 : i32
    %cond3A_64 = arith.cmpi ne, %convert_element_type3A, %cond3A : i32
    scf.if %cond3A_64 {
      %mul3A_228 = arith.constant 1000 : i32
      %mul3A_229 = arith.muli %arg1, %mul3A_228 : i32
      %add3A_230 = arith.constant 0 : i32
      %add3A_231 = arith.addi %mul3A_229, %add3A_230 : i32
      "tpu.region"() ({
        %run_scoped3A = tpu.sem_alloc : memref<!tpu.dma_semaphore, #tpu.memory_space<semaphore_mem>>
        %dma_start3A_281 = arith.constant 0 : i32
        %dma_start3A_282 = tpu.memref_slice %arg5[%add3A_231, %dma_start3A_281] : memref<10000x128xf32, #tpu.memory_space<vmem_shared>> -> memref<80x128xf32, #tpu.memory_space<vmem_shared>>
        %dma_start3A_283 = arith.constant 0 : i32
        %dma_start3A_284 = tpu.memref_slice %arg5[%add3A_231, %dma_start3A_283] : memref<10000x128xf32, #tpu.memory_space<vmem_shared>> -> memref<80x128xf32, #tpu.memory_space<vmem_shared>>
        tpu.enqueue_dma source(%arg21 : memref<80x128xf32, #tpu.memory_space<vmem>>) target(%dma_start3A_284 : memref<80x128xf32, #tpu.memory_space<vmem_shared>>) target_semaphore(%run_scoped3A : memref<!tpu.dma_semaphore, #tpu.memory_space<semaphore_mem>>)
        %dma_wait3A_285 = arith.constant 0 : i32
        %dma_wait3A_286 = tpu.memref_slice %arg5[%add3A_231, %dma_wait3A_285] : memref<10000x128xf32, #tpu.memory_space<vmem_shared>> -> memref<80x128xf32, #tpu.memory_space<vmem_shared>>
        %dma_wait3A_287 = arith.constant 0 : i32
        %dma_wait3A_288 = tpu.memref_slice %arg5[%add3A_231, %dma_wait3A_287] : memref<10000x128xf32, #tpu.memory_space<vmem_shared>> -> memref<80x128xf32, #tpu.memory_space<vmem_shared>>
        tpu.wait_dma2 semaphore(%run_scoped3A : memref<!tpu.dma_semaphore, #tpu.memory_space<semaphore_mem>>) src(%arg21 : memref<80x128xf32, #tpu.memory_space<vmem>>) dst(%dma_wait3A_288 : memref<80x128xf32, #tpu.memory_space<vmem_shared>>)
        tpu.yield
      }) : () -> ()
      %mul3A_232 = arith.constant 1000 : i32
      %mul3A_233 = arith.muli %arg1, %mul3A_232 : i32
      %add3A_234 = arith.constant 80 : i32
      %add3A_235 = arith.addi %mul3A_233, %add3A_234 : i32
      "tpu.region"() ({
        %run_scoped3A = tpu.sem_alloc : memref<!tpu.dma_semaphore, #tpu.memory_space<semaphore_mem>>
        %dma_start3A_281 = arith.constant 0 : i32
        %dma_start3A_282 = tpu.memref_slice %arg5[%add3A_235, %dma_start3A_281] : memref<10000x128xf32, #tpu.memory_space<vmem_shared>> -> memref<80x128xf32, #tpu.memory_space<vmem_shared>>
        %dma_start3A_283 = arith.constant 0 : i32
        %dma_start3A_284 = tpu.memref_slice %arg5[%add3A_235, %dma_start3A_283] : memref<10000x128xf32, #tpu.memory_space<vmem_shared>> -> memref<80x128xf32, #tpu.memory_space<vmem_shared>>
        tpu.enqueue_dma source(%arg21 : memref<80x128xf32, #tpu.memory_space<vmem>>) target(%dma_start3A_284 : memref<80x128xf32, #tpu.memory_space<vmem_shared>>) target_semaphore(%run_scoped3A : memref<!tpu.dma_semaphore, #tpu.memory_space<semaphore_mem>>)
        %dma_wait3A_285 = arith.constant 0 : i32
        %dma_wait3A_286 = tpu.memref_slice %arg5[%add3A_235, %dma_wait3A_285] : memref<10000x128xf32, #tpu.memory_space<vmem_shared>> -> memref<80x128xf32, #tpu.memory_space<vmem_shared>>
        %dma_wait3A_287 = arith.constant 0 : i32
        %dma_wait3A_288 = tpu.memref_slice %arg5[%add3A_235, %dma_wait3A_287] : memref<10000x128xf32, #tpu.memory_space<vmem_shared>> -> memref<80x128xf32, #tpu.memory_space<vmem_shared>>
        tpu.wait_dma2 semaphore(%run_scoped3A : memref<!tpu.dma_semaphore, #tpu.memory_space<semaphore_mem>>) src(%arg21 : memref<80x128xf32, #tpu.memory_space<vmem>>) dst(%dma_wait3A_288 : memref<80x128xf32, #tpu.memory_space<vmem_shared>>)
        tpu.yield
      }) : () -> ()
      %mul3A_236 = arith.constant 1000 : i32
      %mul3A_237 = arith.muli %arg1, %mul3A_236 : i32
      %add3A_238 = arith.constant 160 : i32
      %add3A_239 = arith.addi %mul3A_237, %add3A_238 : i32
      "tpu.region"() ({
        %run_scoped3A = tpu.sem_alloc : memref<!tpu.dma_semaphore, #tpu.memory_space<semaphore_mem>>
        %dma_start3A_281 = arith.constant 0 : i32
        %dma_start3A_282 = tpu.memref_slice %arg5[%add3A_239, %dma_start3A_281] : memref<10000x128xf32, #tpu.memory_space<vmem_shared>> -> memref<80x128xf32, #tpu.memory_space<vmem_shared>>
        %dma_start3A_283 = arith.constant 0 : i32
        %dma_start3A_284 = tpu.memref_slice %arg5[%add3A_239, %dma_start3A_283] : memref<10000x128xf32, #tpu.memory_space<vmem_shared>> -> memref<80x128xf32, #tpu.memory_space<vmem_shared>>
        tpu.enqueue_dma source(%arg21 : memref<80x128xf32, #tpu.memory_space<vmem>>) target(%dma_start3A_284 : memref<80x128xf32, #tpu.memory_space<vmem_shared>>) target_semaphore(%run_scoped3A : memref<!tpu.dma_semaphore, #tpu.memory_space<semaphore_mem>>)
        %dma_wait3A_285 = arith.constant 0 : i32
        %dma_wait3A_286 = tpu.memref_slice %arg5[%add3A_239, %dma_wait3A_285] : memref<10000x128xf32, #tpu.memory_space<vmem_shared>> -> memref<80x128xf32, #tpu.memory_space<vmem_shared>>
        %dma_wait3A_287 = arith.constant 0 : i32
        %dma_wait3A_288 = tpu.memref_slice %arg5[%add3A_239, %dma_wait3A_287] : memref<10000x128xf32, #tpu.memory_space<vmem_shared>> -> memref<80x128xf32, #tpu.memory_space<vmem_shared>>
        tpu.wait_dma2 semaphore(%run_scoped3A : memref<!tpu.dma_semaphore, #tpu.memory_space<semaphore_mem>>) src(%arg21 : memref<80x128xf32, #tpu.memory_space<vmem>>) dst(%dma_wait3A_288 : memref<80x128xf32, #tpu.memory_space<vmem_shared>>)
        tpu.yield
      }) : () -> ()
      %mul3A_240 = arith.constant 1000 : i32
      %mul3A_241 = arith.muli %arg1, %mul3A_240 : i32
      %add3A_242 = arith.constant 240 : i32
      %add3A_243 = arith.addi %mul3A_241, %add3A_242 : i32
      "tpu.region"() ({
        %run_scoped3A = tpu.sem_alloc : memref<!tpu.dma_semaphore, #tpu.memory_space<semaphore_mem>>
        %dma_start3A_281 = arith.constant 0 : i32
        %dma_start3A_282 = tpu.memref_slice %arg5[%add3A_243, %dma_start3A_281] : memref<10000x128xf32, #tpu.memory_space<vmem_shared>> -> memref<80x128xf32, #tpu.memory_space<vmem_shared>>
        %dma_start3A_283 = arith.constant 0 : i32
        %dma_start3A_284 = tpu.memref_slice %arg5[%add3A_243, %dma_start3A_283] : memref<10000x128xf32, #tpu.memory_space<vmem_shared>> -> memref<80x128xf32, #tpu.memory_space<vmem_shared>>
        tpu.enqueue_dma source(%arg21 : memref<80x128xf32, #tpu.memory_space<vmem>>) target(%dma_start3A_284 : memref<80x128xf32, #tpu.memory_space<vmem_shared>>) target_semaphore(%run_scoped3A : memref<!tpu.dma_semaphore, #tpu.memory_space<semaphore_mem>>)
        %dma_wait3A_285 = arith.constant 0 : i32
        %dma_wait3A_286 = tpu.memref_slice %arg5[%add3A_243, %dma_wait3A_285] : memref<10000x128xf32, #tpu.memory_space<vmem_shared>> -> memref<80x128xf32, #tpu.memory_space<vmem_shared>>
        %dma_wait3A_287 = arith.constant 0 : i32
        %dma_wait3A_288 = tpu.memref_slice %arg5[%add3A_243, %dma_wait3A_287] : memref<10000x128xf32, #tpu.memory_space<vmem_shared>> -> memref<80x128xf32, #tpu.memory_space<vmem_shared>>
        tpu.wait_dma2 semaphore(%run_scoped3A : memref<!tpu.dma_semaphore, #tpu.memory_space<semaphore_mem>>) src(%arg21 : memref<80x128xf32, #tpu.memory_space<vmem>>) dst(%dma_wait3A_288 : memref<80x128xf32, #tpu.memory_space<vmem_shared>>)
        tpu.yield
      }) : () -> ()
      %mul3A_244 = arith.constant 1000 : i32
      %mul3A_245 = arith.muli %arg1, %mul3A_244 : i32
      %add3A_246 = arith.constant 320 : i32
      %add3A_247 = arith.addi %mul3A_245, %add3A_246 : i32
      "tpu.region"() ({
        %run_scoped3A = tpu.sem_alloc : memref<!tpu.dma_semaphore, #tpu.memory_space<semaphore_mem>>
        %dma_start3A_281 = arith.constant 0 : i32
        %dma_start3A_282 = tpu.memref_slice %arg5[%add3A_247, %dma_start3A_281] : memref<10000x128xf32, #tpu.memory_space<vmem_shared>> -> memref<80x128xf32, #tpu.memory_space<vmem_shared>>
        %dma_start3A_283 = arith.constant 0 : i32
        %dma_start3A_284 = tpu.memref_slice %arg5[%add3A_247, %dma_start3A_283] : memref<10000x128xf32, #tpu.memory_space<vmem_shared>> -> memref<80x128xf32, #tpu.memory_space<vmem_shared>>
        tpu.enqueue_dma source(%arg21 : memref<80x128xf32, #tpu.memory_space<vmem>>) target(%dma_start3A_284 : memref<80x128xf32, #tpu.memory_space<vmem_shared>>) target_semaphore(%run_scoped3A : memref<!tpu.dma_semaphore, #tpu.memory_space<semaphore_mem>>)
        %dma_wait3A_285 = arith.constant 0 : i32
        %dma_wait3A_286 = tpu.memref_slice %arg5[%add3A_247, %dma_wait3A_285] : memref<10000x128xf32, #tpu.memory_space<vmem_shared>> -> memref<80x128xf32, #tpu.memory_space<vmem_shared>>
        %dma_wait3A_287 = arith.constant 0 : i32
        %dma_wait3A_288 = tpu.memref_slice %arg5[%add3A_247, %dma_wait3A_287] : memref<10000x128xf32, #tpu.memory_space<vmem_shared>> -> memref<80x128xf32, #tpu.memory_space<vmem_shared>>
        tpu.wait_dma2 semaphore(%run_scoped3A : memref<!tpu.dma_semaphore, #tpu.memory_space<semaphore_mem>>) src(%arg21 : memref<80x128xf32, #tpu.memory_space<vmem>>) dst(%dma_wait3A_288 : memref<80x128xf32, #tpu.memory_space<vmem_shared>>)
        tpu.yield
      }) : () -> ()
      %mul3A_248 = arith.constant 1000 : i32
      %mul3A_249 = arith.muli %arg1, %mul3A_248 : i32
      %add3A_250 = arith.constant 400 : i32
      %add3A_251 = arith.addi %mul3A_249, %add3A_250 : i32
      "tpu.region"() ({
        %run_scoped3A = tpu.sem_alloc : memref<!tpu.dma_semaphore, #tpu.memory_space<semaphore_mem>>
        %dma_start3A_281 = arith.constant 0 : i32
        %dma_start3A_282 = tpu.memref_slice %arg5[%add3A_251, %dma_start3A_281] : memref<10000x128xf32, #tpu.memory_space<vmem_shared>> -> memref<80x128xf32, #tpu.memory_space<vmem_shared>>
        %dma_start3A_283 = arith.constant 0 : i32
        %dma_start3A_284 = tpu.memref_slice %arg5[%add3A_251, %dma_start3A_283] : memref<10000x128xf32, #tpu.memory_space<vmem_shared>> -> memref<80x128xf32, #tpu.memory_space<vmem_shared>>
        tpu.enqueue_dma source(%arg21 : memref<80x128xf32, #tpu.memory_space<vmem>>) target(%dma_start3A_284 : memref<80x128xf32, #tpu.memory_space<vmem_shared>>) target_semaphore(%run_scoped3A : memref<!tpu.dma_semaphore, #tpu.memory_space<semaphore_mem>>)
        %dma_wait3A_285 = arith.constant 0 : i32
        %dma_wait3A_286 = tpu.memref_slice %arg5[%add3A_251, %dma_wait3A_285] : memref<10000x128xf32, #tpu.memory_space<vmem_shared>> -> memref<80x128xf32, #tpu.memory_space<vmem_shared>>
        %dma_wait3A_287 = arith.constant 0 : i32
        %dma_wait3A_288 = tpu.memref_slice %arg5[%add3A_251, %dma_wait3A_287] : memref<10000x128xf32, #tpu.memory_space<vmem_shared>> -> memref<80x128xf32, #tpu.memory_space<vmem_shared>>
        tpu.wait_dma2 semaphore(%run_scoped3A : memref<!tpu.dma_semaphore, #tpu.memory_space<semaphore_mem>>) src(%arg21 : memref<80x128xf32, #tpu.memory_space<vmem>>) dst(%dma_wait3A_288 : memref<80x128xf32, #tpu.memory_space<vmem_shared>>)
        tpu.yield
      }) : () -> ()
      %mul3A_252 = arith.constant 1000 : i32
      %mul3A_253 = arith.muli %arg1, %mul3A_252 : i32
      %add3A_254 = arith.constant 480 : i32
      %add3A_255 = arith.addi %mul3A_253, %add3A_254 : i32
      "tpu.region"() ({
        %run_scoped3A = tpu.sem_alloc : memref<!tpu.dma_semaphore, #tpu.memory_space<semaphore_mem>>
        %dma_start3A_281 = arith.constant 0 : i32
        %dma_start3A_282 = tpu.memref_slice %arg5[%add3A_255, %dma_start3A_281] : memref<10000x128xf32, #tpu.memory_space<vmem_shared>> -> memref<80x128xf32, #tpu.memory_space<vmem_shared>>
        %dma_start3A_283 = arith.constant 0 : i32
        %dma_start3A_284 = tpu.memref_slice %arg5[%add3A_255, %dma_start3A_283] : memref<10000x128xf32, #tpu.memory_space<vmem_shared>> -> memref<80x128xf32, #tpu.memory_space<vmem_shared>>
        tpu.enqueue_dma source(%arg21 : memref<80x128xf32, #tpu.memory_space<vmem>>) target(%dma_start3A_284 : memref<80x128xf32, #tpu.memory_space<vmem_shared>>) target_semaphore(%run_scoped3A : memref<!tpu.dma_semaphore, #tpu.memory_space<semaphore_mem>>)
        %dma_wait3A_285 = arith.constant 0 : i32
        %dma_wait3A_286 = tpu.memref_slice %arg5[%add3A_255, %dma_wait3A_285] : memref<10000x128xf32, #tpu.memory_space<vmem_shared>> -> memref<80x128xf32, #tpu.memory_space<vmem_shared>>
        %dma_wait3A_287 = arith.constant 0 : i32
        %dma_wait3A_288 = tpu.memref_slice %arg5[%add3A_255, %dma_wait3A_287] : memref<10000x128xf32, #tpu.memory_space<vmem_shared>> -> memref<80x128xf32, #tpu.memory_space<vmem_shared>>
        tpu.wait_dma2 semaphore(%run_scoped3A : memref<!tpu.dma_semaphore, #tpu.memory_space<semaphore_mem>>) src(%arg21 : memref<80x128xf32, #tpu.memory_space<vmem>>) dst(%dma_wait3A_288 : memref<80x128xf32, #tpu.memory_space<vmem_shared>>)
        tpu.yield
      }) : () -> ()
      %mul3A_256 = arith.constant 1000 : i32
      %mul3A_257 = arith.muli %arg1, %mul3A_256 : i32
      %add3A_258 = arith.constant 560 : i32
      %add3A_259 = arith.addi %mul3A_257, %add3A_258 : i32
      "tpu.region"() ({
        %run_scoped3A = tpu.sem_alloc : memref<!tpu.dma_semaphore, #tpu.memory_space<semaphore_mem>>
        %dma_start3A_281 = arith.constant 0 : i32
        %dma_start3A_282 = tpu.memref_slice %arg5[%add3A_259, %dma_start3A_281] : memref<10000x128xf32, #tpu.memory_space<vmem_shared>> -> memref<80x128xf32, #tpu.memory_space<vmem_shared>>
        %dma_start3A_283 = arith.constant 0 : i32
        %dma_start3A_284 = tpu.memref_slice %arg5[%add3A_259, %dma_start3A_283] : memref<10000x128xf32, #tpu.memory_space<vmem_shared>> -> memref<80x128xf32, #tpu.memory_space<vmem_shared>>
        tpu.enqueue_dma source(%arg21 : memref<80x128xf32, #tpu.memory_space<vmem>>) target(%dma_start3A_284 : memref<80x128xf32, #tpu.memory_space<vmem_shared>>) target_semaphore(%run_scoped3A : memref<!tpu.dma_semaphore, #tpu.memory_space<semaphore_mem>>)
        %dma_wait3A_285 = arith.constant 0 : i32
        %dma_wait3A_286 = tpu.memref_slice %arg5[%add3A_259, %dma_wait3A_285] : memref<10000x128xf32, #tpu.memory_space<vmem_shared>> -> memref<80x128xf32, #tpu.memory_space<vmem_shared>>
        %dma_wait3A_287 = arith.constant 0 : i32
        %dma_wait3A_288 = tpu.memref_slice %arg5[%add3A_259, %dma_wait3A_287] : memref<10000x128xf32, #tpu.memory_space<vmem_shared>> -> memref<80x128xf32, #tpu.memory_space<vmem_shared>>
        tpu.wait_dma2 semaphore(%run_scoped3A : memref<!tpu.dma_semaphore, #tpu.memory_space<semaphore_mem>>) src(%arg21 : memref<80x128xf32, #tpu.memory_space<vmem>>) dst(%dma_wait3A_288 : memref<80x128xf32, #tpu.memory_space<vmem_shared>>)
        tpu.yield
      }) : () -> ()
      %mul3A_260 = arith.constant 1000 : i32
      %mul3A_261 = arith.muli %arg1, %mul3A_260 : i32
      %add3A_262 = arith.constant 640 : i32
      %add3A_263 = arith.addi %mul3A_261, %add3A_262 : i32
      "tpu.region"() ({
        %run_scoped3A = tpu.sem_alloc : memref<!tpu.dma_semaphore, #tpu.memory_space<semaphore_mem>>
        %dma_start3A_281 = arith.constant 0 : i32
        %dma_start3A_282 = tpu.memref_slice %arg5[%add3A_263, %dma_start3A_281] : memref<10000x128xf32, #tpu.memory_space<vmem_shared>> -> memref<80x128xf32, #tpu.memory_space<vmem_shared>>
        %dma_start3A_283 = arith.constant 0 : i32
        %dma_start3A_284 = tpu.memref_slice %arg5[%add3A_263, %dma_start3A_283] : memref<10000x128xf32, #tpu.memory_space<vmem_shared>> -> memref<80x128xf32, #tpu.memory_space<vmem_shared>>
        tpu.enqueue_dma source(%arg21 : memref<80x128xf32, #tpu.memory_space<vmem>>) target(%dma_start3A_284 : memref<80x128xf32, #tpu.memory_space<vmem_shared>>) target_semaphore(%run_scoped3A : memref<!tpu.dma_semaphore, #tpu.memory_space<semaphore_mem>>)
        %dma_wait3A_285 = arith.constant 0 : i32
        %dma_wait3A_286 = tpu.memref_slice %arg5[%add3A_263, %dma_wait3A_285] : memref<10000x128xf32, #tpu.memory_space<vmem_shared>> -> memref<80x128xf32, #tpu.memory_space<vmem_shared>>
        %dma_wait3A_287 = arith.constant 0 : i32
        %dma_wait3A_288 = tpu.memref_slice %arg5[%add3A_263, %dma_wait3A_287] : memref<10000x128xf32, #tpu.memory_space<vmem_shared>> -> memref<80x128xf32, #tpu.memory_space<vmem_shared>>
        tpu.wait_dma2 semaphore(%run_scoped3A : memref<!tpu.dma_semaphore, #tpu.memory_space<semaphore_mem>>) src(%arg21 : memref<80x128xf32, #tpu.memory_space<vmem>>) dst(%dma_wait3A_288 : memref<80x128xf32, #tpu.memory_space<vmem_shared>>)
        tpu.yield
      }) : () -> ()
      %mul3A_264 = arith.constant 1000 : i32
      %mul3A_265 = arith.muli %arg1, %mul3A_264 : i32
      %add3A_266 = arith.constant 720 : i32
      %add3A_267 = arith.addi %mul3A_265, %add3A_266 : i32
      "tpu.region"() ({
        %run_scoped3A = tpu.sem_alloc : memref<!tpu.dma_semaphore, #tpu.memory_space<semaphore_mem>>
        %dma_start3A_281 = arith.constant 0 : i32
        %dma_start3A_282 = tpu.memref_slice %arg5[%add3A_267, %dma_start3A_281] : memref<10000x128xf32, #tpu.memory_space<vmem_shared>> -> memref<80x128xf32, #tpu.memory_space<vmem_shared>>
        %dma_start3A_283 = arith.constant 0 : i32
        %dma_start3A_284 = tpu.memref_slice %arg5[%add3A_267, %dma_start3A_283] : memref<10000x128xf32, #tpu.memory_space<vmem_shared>> -> memref<80x128xf32, #tpu.memory_space<vmem_shared>>
        tpu.enqueue_dma source(%arg21 : memref<80x128xf32, #tpu.memory_space<vmem>>) target(%dma_start3A_284 : memref<80x128xf32, #tpu.memory_space<vmem_shared>>) target_semaphore(%run_scoped3A : memref<!tpu.dma_semaphore, #tpu.memory_space<semaphore_mem>>)
        %dma_wait3A_285 = arith.constant 0 : i32
        %dma_wait3A_286 = tpu.memref_slice %arg5[%add3A_267, %dma_wait3A_285] : memref<10000x128xf32, #tpu.memory_space<vmem_shared>> -> memref<80x128xf32, #tpu.memory_space<vmem_shared>>
        %dma_wait3A_287 = arith.constant 0 : i32
        %dma_wait3A_288 = tpu.memref_slice %arg5[%add3A_267, %dma_wait3A_287] : memref<10000x128xf32, #tpu.memory_space<vmem_shared>> -> memref<80x128xf32, #tpu.memory_space<vmem_shared>>
        tpu.wait_dma2 semaphore(%run_scoped3A : memref<!tpu.dma_semaphore, #tpu.memory_space<semaphore_mem>>) src(%arg21 : memref<80x128xf32, #tpu.memory_space<vmem>>) dst(%dma_wait3A_288 : memref<80x128xf32, #tpu.memory_space<vmem_shared>>)
        tpu.yield
      }) : () -> ()
      %mul3A_268 = arith.constant 1000 : i32
      %mul3A_269 = arith.muli %arg1, %mul3A_268 : i32
      %add3A_270 = arith.constant 800 : i32
      %add3A_271 = arith.addi %mul3A_269, %add3A_270 : i32
      "tpu.region"() ({
        %run_scoped3A = tpu.sem_alloc : memref<!tpu.dma_semaphore, #tpu.memory_space<semaphore_mem>>
        %dma_start3A_281 = arith.constant 0 : i32
        %dma_start3A_282 = tpu.memref_slice %arg5[%add3A_271, %dma_start3A_281] : memref<10000x128xf32, #tpu.memory_space<vmem_shared>> -> memref<80x128xf32, #tpu.memory_space<vmem_shared>>
        %dma_start3A_283 = arith.constant 0 : i32
        %dma_start3A_284 = tpu.memref_slice %arg5[%add3A_271, %dma_start3A_283] : memref<10000x128xf32, #tpu.memory_space<vmem_shared>> -> memref<80x128xf32, #tpu.memory_space<vmem_shared>>
        tpu.enqueue_dma source(%arg21 : memref<80x128xf32, #tpu.memory_space<vmem>>) target(%dma_start3A_284 : memref<80x128xf32, #tpu.memory_space<vmem_shared>>) target_semaphore(%run_scoped3A : memref<!tpu.dma_semaphore, #tpu.memory_space<semaphore_mem>>)
        %dma_wait3A_285 = arith.constant 0 : i32
        %dma_wait3A_286 = tpu.memref_slice %arg5[%add3A_271, %dma_wait3A_285] : memref<10000x128xf32, #tpu.memory_space<vmem_shared>> -> memref<80x128xf32, #tpu.memory_space<vmem_shared>>
        %dma_wait3A_287 = arith.constant 0 : i32
        %dma_wait3A_288 = tpu.memref_slice %arg5[%add3A_271, %dma_wait3A_287] : memref<10000x128xf32, #tpu.memory_space<vmem_shared>> -> memref<80x128xf32, #tpu.memory_space<vmem_shared>>
        tpu.wait_dma2 semaphore(%run_scoped3A : memref<!tpu.dma_semaphore, #tpu.memory_space<semaphore_mem>>) src(%arg21 : memref<80x128xf32, #tpu.memory_space<vmem>>) dst(%dma_wait3A_288 : memref<80x128xf32, #tpu.memory_space<vmem_shared>>)
        tpu.yield
      }) : () -> ()
      %mul3A_272 = arith.constant 1000 : i32
      %mul3A_273 = arith.muli %arg1, %mul3A_272 : i32
      %add3A_274 = arith.constant 880 : i32
      %add3A_275 = arith.addi %mul3A_273, %add3A_274 : i32
      "tpu.region"() ({
        %run_scoped3A = tpu.sem_alloc : memref<!tpu.dma_semaphore, #tpu.memory_space<semaphore_mem>>
        %dma_start3A_281 = arith.constant 0 : i32
        %dma_start3A_282 = tpu.memref_slice %arg5[%add3A_275, %dma_start3A_281] : memref<10000x128xf32, #tpu.memory_space<vmem_shared>> -> memref<80x128xf32, #tpu.memory_space<vmem_shared>>
        %dma_start3A_283 = arith.constant 0 : i32
        %dma_start3A_284 = tpu.memref_slice %arg5[%add3A_275, %dma_start3A_283] : memref<10000x128xf32, #tpu.memory_space<vmem_shared>> -> memref<80x128xf32, #tpu.memory_space<vmem_shared>>
        tpu.enqueue_dma source(%arg21 : memref<80x128xf32, #tpu.memory_space<vmem>>) target(%dma_start3A_284 : memref<80x128xf32, #tpu.memory_space<vmem_shared>>) target_semaphore(%run_scoped3A : memref<!tpu.dma_semaphore, #tpu.memory_space<semaphore_mem>>)
        %dma_wait3A_285 = arith.constant 0 : i32
        %dma_wait3A_286 = tpu.memref_slice %arg5[%add3A_275, %dma_wait3A_285] : memref<10000x128xf32, #tpu.memory_space<vmem_shared>> -> memref<80x128xf32, #tpu.memory_space<vmem_shared>>
        %dma_wait3A_287 = arith.constant 0 : i32
        %dma_wait3A_288 = tpu.memref_slice %arg5[%add3A_275, %dma_wait3A_287] : memref<10000x128xf32, #tpu.memory_space<vmem_shared>> -> memref<80x128xf32, #tpu.memory_space<vmem_shared>>
        tpu.wait_dma2 semaphore(%run_scoped3A : memref<!tpu.dma_semaphore, #tpu.memory_space<semaphore_mem>>) src(%arg21 : memref<80x128xf32, #tpu.memory_space<vmem>>) dst(%dma_wait3A_288 : memref<80x128xf32, #tpu.memory_space<vmem_shared>>)
        tpu.yield
      }) : () -> ()
      %mul3A_276 = arith.constant 1000 : i32
      %mul3A_277 = arith.muli %arg1, %mul3A_276 : i32
      %add3A_278 = arith.constant 1000 : i32
      %add3A_279 = arith.addi %mul3A_277, %add3A_278 : i32
      %sub3A = arith.constant 40 : i32
      %sub3A_280 = arith.subi %add3A_279, %sub3A : i32
      "tpu.region"() ({
        %run_scoped3A = tpu.sem_alloc : memref<!tpu.dma_semaphore, #tpu.memory_space<semaphore_mem>>
        %dma_start3A_281 = arith.constant 0 : i32
        %dma_start3A_282 = arith.constant 0 : i32
        %dma_start3A_283 = tpu.memref_slice %arg21[%dma_start3A_281, %dma_start3A_282] : memref<80x128xf32, #tpu.memory_space<vmem>> -> memref<40x128xf32, #tpu.memory_space<vmem>>
        %dma_start3A_284 = arith.constant 0 : i32
        %dma_start3A_285 = tpu.memref_slice %arg5[%sub3A_280, %dma_start3A_284] : memref<10000x128xf32, #tpu.memory_space<vmem_shared>> -> memref<40x128xf32, #tpu.memory_space<vmem_shared>>
        %dma_start3A_286 = arith.constant 0 : i32
        %dma_start3A_287 = tpu.memref_slice %arg5[%sub3A_280, %dma_start3A_286] : memref<10000x128xf32, #tpu.memory_space<vmem_shared>> -> memref<40x128xf32, #tpu.memory_space<vmem_shared>>
        %dma_start3A_288 = arith.constant 0 : i32
        %dma_start3A_289 = arith.constant 0 : i32
        %dma_start3A_290 = tpu.memref_slice %arg21[%dma_start3A_288, %dma_start3A_289] : memref<80x128xf32, #tpu.memory_space<vmem>> -> memref<40x128xf32, #tpu.memory_space<vmem>>
        tpu.enqueue_dma source(%dma_start3A_290 : memref<40x128xf32, #tpu.memory_space<vmem>>) target(%dma_start3A_287 : memref<40x128xf32, #tpu.memory_space<vmem_shared>>) target_semaphore(%run_scoped3A : memref<!tpu.dma_semaphore, #tpu.memory_space<semaphore_mem>>)
        %dma_wait3A_291 = arith.constant 0 : i32
        %dma_wait3A_292 = arith.constant 0 : i32
        %dma_wait3A_293 = tpu.memref_slice %arg21[%dma_wait3A_291, %dma_wait3A_292] : memref<80x128xf32, #tpu.memory_space<vmem>> -> memref<40x128xf32, #tpu.memory_space<vmem>>
        %dma_wait3A_294 = arith.constant 0 : i32
        %dma_wait3A_295 = tpu.memref_slice %arg5[%sub3A_280, %dma_wait3A_294] : memref<10000x128xf32, #tpu.memory_space<vmem_shared>> -> memref<40x128xf32, #tpu.memory_space<vmem_shared>>
        %dma_wait3A_296 = arith.constant 0 : i32
        %dma_wait3A_297 = tpu.memref_slice %arg5[%sub3A_280, %dma_wait3A_296] : memref<10000x128xf32, #tpu.memory_space<vmem_shared>> -> memref<40x128xf32, #tpu.memory_space<vmem_shared>>
        %dma_wait3A_298 = arith.constant 0 : i32
        %dma_wait3A_299 = arith.constant 0 : i32
        %dma_wait3A_300 = tpu.memref_slice %arg21[%dma_wait3A_298, %dma_wait3A_299] : memref<80x128xf32, #tpu.memory_space<vmem>> -> memref<40x128xf32, #tpu.memory_space<vmem>>
        tpu.wait_dma2 semaphore(%run_scoped3A : memref<!tpu.dma_semaphore, #tpu.memory_space<semaphore_mem>>) src(%dma_wait3A_300 : memref<40x128xf32, #tpu.memory_space<vmem>>) dst(%dma_wait3A_297 : memref<40x128xf32, #tpu.memory_space<vmem_shared>>)
        tpu.yield
      }) : () -> ()
    } else {
    }
    %barrier3A = arith.constant 0 : index
    tpu.barrier barrier_id(%barrier3A)
    %dma_wait3A_65 = arith.constant 0 : i32
    %dma_wait3A_66 = arith.constant 0 : i32
    %dma_wait3A_67 = tpu.memref_slice %arg2[%dma_wait3A_65, %dma_wait3A_66] : memref<10000x128xf32, #tpu.memory_space<hbm>> -> memref<10000x128xf32, #tpu.memory_space<hbm>>
    tpu.wait_indirect_dma semaphore(%arg34 : memref<!tpu.dma_semaphore, #tpu.memory_space<semaphore_mem>>) src(%dma_wait3A_67 : memref<10000x128xf32, #tpu.memory_space<hbm>>) dst(%arg18 : memref<80x128xf32, #tpu.memory_space<vmem>>)
    %dma_wait3A_68 = arith.constant 0 : i32
    %dma_wait3A_69 = tpu.memref_slice %arg3[%dma_wait3A_68] : memref<640000xi32, #tpu.memory_space<hbm>> -> memref<80xi32, #tpu.memory_space<hbm>>
    %dma_wait3A_70 = arith.constant 0 : i32
    %dma_wait3A_71 = tpu.memref_slice %arg3[%dma_wait3A_70] : memref<640000xi32, #tpu.memory_space<hbm>> -> memref<80xi32, #tpu.memory_space<hbm>>
    tpu.wait_dma2 semaphore(%arg30 : memref<!tpu.dma_semaphore, #tpu.memory_space<semaphore_mem>>) src(%dma_wait3A_71 : memref<80xi32, #tpu.memory_space<hbm>>) dst(%arg14 : memref<80xi32, #tpu.memory_space<vmem>>)
    %dma_start3A_72 = arith.constant 0 : i32
    %dma_start3A_73 = arith.constant 0 : i32
    %dma_start3A_74 = tpu.memref_slice %arg5[%dma_start3A_72, %dma_start3A_73] : memref<10000x128xf32, #tpu.memory_space<vmem_shared>> -> memref<10000x128xf32, #tpu.memory_space<vmem_shared>>
    tpu.enqueue_indirect_dma source(%arg18 : memref<80x128xf32, #tpu.memory_space<vmem>>) target(%dma_start3A_74 : memref<10000x128xf32, #tpu.memory_space<vmem_shared>>) offsets(%arg14 : memref<80xi32, #tpu.memory_space<vmem>>) semaphore(%arg38 : memref<!tpu.dma_semaphore, #tpu.memory_space<semaphore_mem>>) {add = true}
    %add3A_75 = arith.constant 320 : i32
    %add3A_76 = arith.addi %mul3A_2, %add3A_75 : i32
    %dma_start3A_77 = tpu.memref_slice %arg3[%add3A_76] : memref<640000xi32, #tpu.memory_space<hbm>> -> memref<80xi32, #tpu.memory_space<hbm>>
    %dma_start3A_78 = tpu.memref_slice %arg3[%add3A_76] : memref<640000xi32, #tpu.memory_space<hbm>> -> memref<80xi32, #tpu.memory_space<hbm>>
    tpu.enqueue_dma source(%dma_start3A_78 : memref<80xi32, #tpu.memory_space<hbm>>) target(%arg10 : memref<80xi32, #tpu.memory_space<vmem>>) target_semaphore(%arg26 : memref<!tpu.dma_semaphore, #tpu.memory_space<semaphore_mem>>)
    %add3A_79 = arith.constant 320000 : i32
    %add3A_80 = arith.addi %add3A_79, %mul3A_2 : i32
    %add3A_81 = arith.constant 240 : i32
    %add3A_82 = arith.addi %add3A_80, %add3A_81 : i32
    %dma_start3A_83 = tpu.memref_slice %arg3[%add3A_82] : memref<640000xi32, #tpu.memory_space<hbm>> -> memref<80xi32, #tpu.memory_space<hbm>>
    %dma_start3A_84 = tpu.memref_slice %arg3[%add3A_82] : memref<640000xi32, #tpu.memory_space<hbm>> -> memref<80xi32, #tpu.memory_space<hbm>>
    tpu.enqueue_dma source(%dma_start3A_84 : memref<80xi32, #tpu.memory_space<hbm>>) target(%arg17 : memref<80xi32, #tpu.memory_space<vmem>>) target_semaphore(%arg33 : memref<!tpu.dma_semaphore, #tpu.memory_space<semaphore_mem>>)
    %dma_wait3A_85 = arith.constant 0 : i32
    %dma_wait3A_86 = tpu.memref_slice %arg3[%dma_wait3A_85] : memref<640000xi32, #tpu.memory_space<hbm>> -> memref<80xi32, #tpu.memory_space<hbm>>
    %dma_wait3A_87 = arith.constant 0 : i32
    %dma_wait3A_88 = tpu.memref_slice %arg3[%dma_wait3A_87] : memref<640000xi32, #tpu.memory_space<hbm>> -> memref<80xi32, #tpu.memory_space<hbm>>
    tpu.wait_dma2 semaphore(%arg25 : memref<!tpu.dma_semaphore, #tpu.memory_space<semaphore_mem>>) src(%dma_wait3A_88 : memref<80xi32, #tpu.memory_space<hbm>>) dst(%arg9 : memref<80xi32, #tpu.memory_space<vmem>>)
    %dma_start3A_89 = arith.constant 0 : i32
    %dma_start3A_90 = arith.constant 0 : i32
    %dma_start3A_91 = tpu.memref_slice %arg2[%dma_start3A_89, %dma_start3A_90] : memref<10000x128xf32, #tpu.memory_space<hbm>> -> memref<10000x128xf32, #tpu.memory_space<hbm>>
    tpu.enqueue_indirect_dma source(%dma_start3A_91 : memref<10000x128xf32, #tpu.memory_space<hbm>>) target(%arg21 : memref<80x128xf32, #tpu.memory_space<vmem>>) offsets(%arg9 : memref<80xi32, #tpu.memory_space<vmem>>) semaphore(%arg37 : memref<!tpu.dma_semaphore, #tpu.memory_space<semaphore_mem>>)
    %dma_wait3A_92 = arith.constant 0 : i32
    %dma_wait3A_93 = arith.constant 0 : i32
    %dma_wait3A_94 = tpu.memref_slice %arg2[%dma_wait3A_92, %dma_wait3A_93] : memref<10000x128xf32, #tpu.memory_space<hbm>> -> memref<10000x128xf32, #tpu.memory_space<hbm>>
    tpu.wait_indirect_dma semaphore(%arg35 : memref<!tpu.dma_semaphore, #tpu.memory_space<semaphore_mem>>) src(%dma_wait3A_94 : memref<10000x128xf32, #tpu.memory_space<hbm>>) dst(%arg19 : memref<80x128xf32, #tpu.memory_space<vmem>>)
    %dma_wait3A_95 = arith.constant 0 : i32
    %dma_wait3A_96 = tpu.memref_slice %arg3[%dma_wait3A_95] : memref<640000xi32, #tpu.memory_space<hbm>> -> memref<80xi32, #tpu.memory_space<hbm>>
    %dma_wait3A_97 = arith.constant 0 : i32
    %dma_wait3A_98 = tpu.memref_slice %arg3[%dma_wait3A_97] : memref<640000xi32, #tpu.memory_space<hbm>> -> memref<80xi32, #tpu.memory_space<hbm>>
    tpu.wait_dma2 semaphore(%arg31 : memref<!tpu.dma_semaphore, #tpu.memory_space<semaphore_mem>>) src(%dma_wait3A_98 : memref<80xi32, #tpu.memory_space<hbm>>) dst(%arg15 : memref<80xi32, #tpu.memory_space<vmem>>)
    %dma_start3A_99 = arith.constant 0 : i32
    %dma_start3A_100 = arith.constant 0 : i32
    %dma_start3A_101 = tpu.memref_slice %arg5[%dma_start3A_99, %dma_start3A_100] : memref<10000x128xf32, #tpu.memory_space<vmem_shared>> -> memref<10000x128xf32, #tpu.memory_space<vmem_shared>>
    tpu.enqueue_indirect_dma source(%arg19 : memref<80x128xf32, #tpu.memory_space<vmem>>) target(%dma_start3A_101 : memref<10000x128xf32, #tpu.memory_space<vmem_shared>>) offsets(%arg15 : memref<80xi32, #tpu.memory_space<vmem>>) semaphore(%arg39 : memref<!tpu.dma_semaphore, #tpu.memory_space<semaphore_mem>>) {add = true}
    %dma_wait3A_102 = arith.constant 0 : i32
    %dma_wait3A_103 = arith.constant 0 : i32
    %dma_wait3A_104 = tpu.memref_slice %arg5[%dma_wait3A_102, %dma_wait3A_103] : memref<10000x128xf32, #tpu.memory_space<vmem_shared>> -> memref<10000x128xf32, #tpu.memory_space<vmem_shared>>
    tpu.wait_indirect_dma semaphore(%arg38 : memref<!tpu.dma_semaphore, #tpu.memory_space<semaphore_mem>>) src(%arg18 : memref<80x128xf32, #tpu.memory_space<vmem>>) dst(%dma_wait3A_104 : memref<10000x128xf32, #tpu.memory_space<vmem_shared>>)
    %add3A_105 = arith.constant 400 : i32
    %add3A_106 = arith.addi %mul3A_2, %add3A_105 : i32
    %dma_start3A_107 = tpu.memref_slice %arg3[%add3A_106] : memref<640000xi32, #tpu.memory_space<hbm>> -> memref<80xi32, #tpu.memory_space<hbm>>
    %dma_start3A_108 = tpu.memref_slice %arg3[%add3A_106] : memref<640000xi32, #tpu.memory_space<hbm>> -> memref<80xi32, #tpu.memory_space<hbm>>
    tpu.enqueue_dma source(%dma_start3A_108 : memref<80xi32, #tpu.memory_space<hbm>>) target(%arg11 : memref<80xi32, #tpu.memory_space<vmem>>) target_semaphore(%arg27 : memref<!tpu.dma_semaphore, #tpu.memory_space<semaphore_mem>>)
    %add3A_109 = arith.constant 320000 : i32
    %add3A_110 = arith.addi %add3A_109, %mul3A_2 : i32
    %add3A_111 = arith.constant 320 : i32
    %add3A_112 = arith.addi %add3A_110, %add3A_111 : i32
    %dma_start3A_113 = tpu.memref_slice %arg3[%add3A_112] : memref<640000xi32, #tpu.memory_space<hbm>> -> memref<80xi32, #tpu.memory_space<hbm>>
    %dma_start3A_114 = tpu.memref_slice %arg3[%add3A_112] : memref<640000xi32, #tpu.memory_space<hbm>> -> memref<80xi32, #tpu.memory_space<hbm>>
    tpu.enqueue_dma source(%dma_start3A_114 : memref<80xi32, #tpu.memory_space<hbm>>) target(%arg14 : memref<80xi32, #tpu.memory_space<vmem>>) target_semaphore(%arg30 : memref<!tpu.dma_semaphore, #tpu.memory_space<semaphore_mem>>)
    %dma_wait3A_115 = arith.constant 0 : i32
    %dma_wait3A_116 = tpu.memref_slice %arg3[%dma_wait3A_115] : memref<640000xi32, #tpu.memory_space<hbm>> -> memref<80xi32, #tpu.memory_space<hbm>>
    %dma_wait3A_117 = arith.constant 0 : i32
    %dma_wait3A_118 = tpu.memref_slice %arg3[%dma_wait3A_117] : memref<640000xi32, #tpu.memory_space<hbm>> -> memref<80xi32, #tpu.memory_space<hbm>>
    tpu.wait_dma2 semaphore(%arg26 : memref<!tpu.dma_semaphore, #tpu.memory_space<semaphore_mem>>) src(%dma_wait3A_118 : memref<80xi32, #tpu.memory_space<hbm>>) dst(%arg10 : memref<80xi32, #tpu.memory_space<vmem>>)
    %dma_start3A_119 = arith.constant 0 : i32
    %dma_start3A_120 = arith.constant 0 : i32
    %dma_start3A_121 = tpu.memref_slice %arg2[%dma_start3A_119, %dma_start3A_120] : memref<10000x128xf32, #tpu.memory_space<hbm>> -> memref<10000x128xf32, #tpu.memory_space<hbm>>
    tpu.enqueue_indirect_dma source(%dma_start3A_121 : memref<10000x128xf32, #tpu.memory_space<hbm>>) target(%arg18 : memref<80x128xf32, #tpu.memory_space<vmem>>) offsets(%arg10 : memref<80xi32, #tpu.memory_space<vmem>>) semaphore(%arg34 : memref<!tpu.dma_semaphore, #tpu.memory_space<semaphore_mem>>)
    %dma_wait3A_122 = arith.constant 0 : i32
    %dma_wait3A_123 = arith.constant 0 : i32
    %dma_wait3A_124 = tpu.memref_slice %arg2[%dma_wait3A_122, %dma_wait3A_123] : memref<10000x128xf32, #tpu.memory_space<hbm>> -> memref<10000x128xf32, #tpu.memory_space<hbm>>
    tpu.wait_indirect_dma semaphore(%arg36 : memref<!tpu.dma_semaphore, #tpu.memory_space<semaphore_mem>>) src(%dma_wait3A_124 : memref<10000x128xf32, #tpu.memory_space<hbm>>) dst(%arg20 : memref<80x128xf32, #tpu.memory_space<vmem>>)
    %dma_wait3A_125 = arith.constant 0 : i32
    %dma_wait3A_126 = tpu.memref_slice %arg3[%dma_wait3A_125] : memref<640000xi32, #tpu.memory_space<hbm>> -> memref<80xi32, #tpu.memory_space<hbm>>
    %dma_wait3A_127 = arith.constant 0 : i32
    %dma_wait3A_128 = tpu.memref_slice %arg3[%dma_wait3A_127] : memref<640000xi32, #tpu.memory_space<hbm>> -> memref<80xi32, #tpu.memory_space<hbm>>
    tpu.wait_dma2 semaphore(%arg32 : memref<!tpu.dma_semaphore, #tpu.memory_space<semaphore_mem>>) src(%dma_wait3A_128 : memref<80xi32, #tpu.memory_space<hbm>>) dst(%arg16 : memref<80xi32, #tpu.memory_space<vmem>>)
    %dma_start3A_129 = arith.constant 0 : i32
    %dma_start3A_130 = arith.constant 0 : i32
    %dma_start3A_131 = tpu.memref_slice %arg5[%dma_start3A_129, %dma_start3A_130] : memref<10000x128xf32, #tpu.memory_space<vmem_shared>> -> memref<10000x128xf32, #tpu.memory_space<vmem_shared>>
    tpu.enqueue_indirect_dma source(%arg20 : memref<80x128xf32, #tpu.memory_space<vmem>>) target(%dma_start3A_131 : memref<10000x128xf32, #tpu.memory_space<vmem_shared>>) offsets(%arg16 : memref<80xi32, #tpu.memory_space<vmem>>) semaphore(%arg40 : memref<!tpu.dma_semaphore, #tpu.memory_space<semaphore_mem>>) {add = true}
    %dma_wait3A_132 = arith.constant 0 : i32
    %dma_wait3A_133 = arith.constant 0 : i32
    %dma_wait3A_134 = tpu.memref_slice %arg5[%dma_wait3A_132, %dma_wait3A_133] : memref<10000x128xf32, #tpu.memory_space<vmem_shared>> -> memref<10000x128xf32, #tpu.memory_space<vmem_shared>>
    tpu.wait_indirect_dma semaphore(%arg39 : memref<!tpu.dma_semaphore, #tpu.memory_space<semaphore_mem>>) src(%arg19 : memref<80x128xf32, #tpu.memory_space<vmem>>) dst(%dma_wait3A_134 : memref<10000x128xf32, #tpu.memory_space<vmem_shared>>)
    %add3A_135 = arith.constant 480 : i32
    %add3A_136 = arith.addi %mul3A_2, %add3A_135 : i32
    %dma_start3A_137 = tpu.memref_slice %arg3[%add3A_136] : memref<640000xi32, #tpu.memory_space<hbm>> -> memref<80xi32, #tpu.memory_space<hbm>>
    %dma_start3A_138 = tpu.memref_slice %arg3[%add3A_136] : memref<640000xi32, #tpu.memory_space<hbm>> -> memref<80xi32, #tpu.memory_space<hbm>>
    tpu.enqueue_dma source(%dma_start3A_138 : memref<80xi32, #tpu.memory_space<hbm>>) target(%arg12 : memref<80xi32, #tpu.memory_space<vmem>>) target_semaphore(%arg28 : memref<!tpu.dma_semaphore, #tpu.memory_space<semaphore_mem>>)
    %add3A_139 = arith.constant 320000 : i32
    %add3A_140 = arith.addi %add3A_139, %mul3A_2 : i32
    %add3A_141 = arith.constant 400 : i32
    %add3A_142 = arith.addi %add3A_140, %add3A_141 : i32
    %dma_start3A_143 = tpu.memref_slice %arg3[%add3A_142] : memref<640000xi32, #tpu.memory_space<hbm>> -> memref<80xi32, #tpu.memory_space<hbm>>
    %dma_start3A_144 = tpu.memref_slice %arg3[%add3A_142] : memref<640000xi32, #tpu.memory_space<hbm>> -> memref<80xi32, #tpu.memory_space<hbm>>
    tpu.enqueue_dma source(%dma_start3A_144 : memref<80xi32, #tpu.memory_space<hbm>>) target(%arg15 : memref<80xi32, #tpu.memory_space<vmem>>) target_semaphore(%arg31 : memref<!tpu.dma_semaphore, #tpu.memory_space<semaphore_mem>>)
    %dma_wait3A_145 = arith.constant 0 : i32
    %dma_wait3A_146 = tpu.memref_slice %arg3[%dma_wait3A_145] : memref<640000xi32, #tpu.memory_space<hbm>> -> memref<80xi32, #tpu.memory_space<hbm>>
    %dma_wait3A_147 = arith.constant 0 : i32
    %dma_wait3A_148 = tpu.memref_slice %arg3[%dma_wait3A_147] : memref<640000xi32, #tpu.memory_space<hbm>> -> memref<80xi32, #tpu.memory_space<hbm>>
    tpu.wait_dma2 semaphore(%arg27 : memref<!tpu.dma_semaphore, #tpu.memory_space<semaphore_mem>>) src(%dma_wait3A_148 : memref<80xi32, #tpu.memory_space<hbm>>) dst(%arg11 : memref<80xi32, #tpu.memory_space<vmem>>)
    %dma_start3A_149 = arith.constant 0 : i32
    %dma_start3A_150 = arith.constant 0 : i32
    %dma_start3A_151 = tpu.memref_slice %arg2[%dma_start3A_149, %dma_start3A_150] : memref<10000x128xf32, #tpu.memory_space<hbm>> -> memref<10000x128xf32, #tpu.memory_space<hbm>>
    tpu.enqueue_indirect_dma source(%dma_start3A_151 : memref<10000x128xf32, #tpu.memory_space<hbm>>) target(%arg19 : memref<80x128xf32, #tpu.memory_space<vmem>>) offsets(%arg11 : memref<80xi32, #tpu.memory_space<vmem>>) semaphore(%arg35 : memref<!tpu.dma_semaphore, #tpu.memory_space<semaphore_mem>>)
    %dma_wait3A_152 = arith.constant 0 : i32
    %dma_wait3A_153 = arith.constant 0 : i32
    %dma_wait3A_154 = tpu.memref_slice %arg2[%dma_wait3A_152, %dma_wait3A_153] : memref<10000x128xf32, #tpu.memory_space<hbm>> -> memref<10000x128xf32, #tpu.memory_space<hbm>>
    tpu.wait_indirect_dma semaphore(%arg37 : memref<!tpu.dma_semaphore, #tpu.memory_space<semaphore_mem>>) src(%dma_wait3A_154 : memref<10000x128xf32, #tpu.memory_space<hbm>>) dst(%arg21 : memref<80x128xf32, #tpu.memory_space<vmem>>)
    %dma_wait3A_155 = arith.constant 0 : i32
    %dma_wait3A_156 = tpu.memref_slice %arg3[%dma_wait3A_155] : memref<640000xi32, #tpu.memory_space<hbm>> -> memref<80xi32, #tpu.memory_space<hbm>>
    %dma_wait3A_157 = arith.constant 0 : i32
    %dma_wait3A_158 = tpu.memref_slice %arg3[%dma_wait3A_157] : memref<640000xi32, #tpu.memory_space<hbm>> -> memref<80xi32, #tpu.memory_space<hbm>>
    tpu.wait_dma2 semaphore(%arg33 : memref<!tpu.dma_semaphore, #tpu.memory_space<semaphore_mem>>) src(%dma_wait3A_158 : memref<80xi32, #tpu.memory_space<hbm>>) dst(%arg17 : memref<80xi32, #tpu.memory_space<vmem>>)
    %dma_start3A_159 = arith.constant 0 : i32
    %dma_start3A_160 = arith.constant 0 : i32
    %dma_start3A_161 = tpu.memref_slice %arg5[%dma_start3A_159, %dma_start3A_160] : memref<10000x128xf32, #tpu.memory_space<vmem_shared>> -> memref<10000x128xf32, #tpu.memory_space<vmem_shared>>
    tpu.enqueue_indirect_dma source(%arg21 : memref<80x128xf32, #tpu.memory_space<vmem>>) target(%dma_start3A_161 : memref<10000x128xf32, #tpu.memory_space<vmem_shared>>) offsets(%arg17 : memref<80xi32, #tpu.memory_space<vmem>>) semaphore(%arg41 : memref<!tpu.dma_semaphore, #tpu.memory_space<semaphore_mem>>) {add = true}
    %dma_wait3A_162 = arith.constant 0 : i32
    %dma_wait3A_163 = arith.constant 0 : i32
    %dma_wait3A_164 = tpu.memref_slice %arg5[%dma_wait3A_162, %dma_wait3A_163] : memref<10000x128xf32, #tpu.memory_space<vmem_shared>> -> memref<10000x128xf32, #tpu.memory_space<vmem_shared>>
    tpu.wait_indirect_dma semaphore(%arg40 : memref<!tpu.dma_semaphore, #tpu.memory_space<semaphore_mem>>) src(%arg20 : memref<80x128xf32, #tpu.memory_space<vmem>>) dst(%dma_wait3A_164 : memref<10000x128xf32, #tpu.memory_space<vmem_shared>>)
    %add3A_165 = arith.constant 560 : i32
    %add3A_166 = arith.addi %mul3A_2, %add3A_165 : i32
    %dma_start3A_167 = tpu.memref_slice %arg3[%add3A_166] : memref<640000xi32, #tpu.memory_space<hbm>> -> memref<80xi32, #tpu.memory_space<hbm>>
    %dma_start3A_168 = tpu.memref_slice %arg3[%add3A_166] : memref<640000xi32, #tpu.memory_space<hbm>> -> memref<80xi32, #tpu.memory_space<hbm>>
    tpu.enqueue_dma source(%dma_start3A_168 : memref<80xi32, #tpu.memory_space<hbm>>) target(%arg13 : memref<80xi32, #tpu.memory_space<vmem>>) target_semaphore(%arg29 : memref<!tpu.dma_semaphore, #tpu.memory_space<semaphore_mem>>)
    %add3A_169 = arith.constant 320000 : i32
    %add3A_170 = arith.addi %add3A_169, %mul3A_2 : i32
    %add3A_171 = arith.constant 480 : i32
    %add3A_172 = arith.addi %add3A_170, %add3A_171 : i32
    %dma_start3A_173 = tpu.memref_slice %arg3[%add3A_172] : memref<640000xi32, #tpu.memory_space<hbm>> -> memref<80xi32, #tpu.memory_space<hbm>>
    %dma_start3A_174 = tpu.memref_slice %arg3[%add3A_172] : memref<640000xi32, #tpu.memory_space<hbm>> -> memref<80xi32, #tpu.memory_space<hbm>>
    tpu.enqueue_dma source(%dma_start3A_174 : memref<80xi32, #tpu.memory_space<hbm>>) target(%arg16 : memref<80xi32, #tpu.memory_space<vmem>>) target_semaphore(%arg32 : memref<!tpu.dma_semaphore, #tpu.memory_space<semaphore_mem>>)
    %dma_wait3A_175 = arith.constant 0 : i32
    %dma_wait3A_176 = tpu.memref_slice %arg3[%dma_wait3A_175] : memref<640000xi32, #tpu.memory_space<hbm>> -> memref<80xi32, #tpu.memory_space<hbm>>
    %dma_wait3A_177 = arith.constant 0 : i32
    %dma_wait3A_178 = tpu.memref_slice %arg3[%dma_wait3A_177] : memref<640000xi32, #tpu.memory_space<hbm>> -> memref<80xi32, #tpu.memory_space<hbm>>
    tpu.wait_dma2 semaphore(%arg28 : memref<!tpu.dma_semaphore, #tpu.memory_space<semaphore_mem>>) src(%dma_wait3A_178 : memref<80xi32, #tpu.memory_space<hbm>>) dst(%arg12 : memref<80xi32, #tpu.memory_space<vmem>>)
    %dma_start3A_179 = arith.constant 0 : i32
    %dma_start3A_180 = arith.constant 0 : i32
    %dma_start3A_181 = tpu.memref_slice %arg2[%dma_start3A_179, %dma_start3A_180] : memref<10000x128xf32, #tpu.memory_space<hbm>> -> memref<10000x128xf32, #tpu.memory_space<hbm>>
    tpu.enqueue_indirect_dma source(%dma_start3A_181 : memref<10000x128xf32, #tpu.memory_space<hbm>>) target(%arg20 : memref<80x128xf32, #tpu.memory_space<vmem>>) offsets(%arg12 : memref<80xi32, #tpu.memory_space<vmem>>) semaphore(%arg36 : memref<!tpu.dma_semaphore, #tpu.memory_space<semaphore_mem>>)
    %dma_wait3A_182 = arith.constant 0 : i32
    %dma_wait3A_183 = arith.constant 0 : i32
    %dma_wait3A_184 = tpu.memref_slice %arg2[%dma_wait3A_182, %dma_wait3A_183] : memref<10000x128xf32, #tpu.memory_space<hbm>> -> memref<10000x128xf32, #tpu.memory_space<hbm>>
    tpu.wait_indirect_dma semaphore(%arg34 : memref<!tpu.dma_semaphore, #tpu.memory_space<semaphore_mem>>) src(%dma_wait3A_184 : memref<10000x128xf32, #tpu.memory_space<hbm>>) dst(%arg18 : memref<80x128xf32, #tpu.memory_space<vmem>>)
    %dma_wait3A_185 = arith.constant 0 : i32
    %dma_wait3A_186 = tpu.memref_slice %arg3[%dma_wait3A_185] : memref<640000xi32, #tpu.memory_space<hbm>> -> memref<80xi32, #tpu.memory_space<hbm>>
    %dma_wait3A_187 = arith.constant 0 : i32
    %dma_wait3A_188 = tpu.memref_slice %arg3[%dma_wait3A_187] : memref<640000xi32, #tpu.memory_space<hbm>> -> memref<80xi32, #tpu.memory_space<hbm>>
    tpu.wait_dma2 semaphore(%arg30 : memref<!tpu.dma_semaphore, #tpu.memory_space<semaphore_mem>>) src(%dma_wait3A_188 : memref<80xi32, #tpu.memory_space<hbm>>) dst(%arg14 : memref<80xi32, #tpu.memory_space<vmem>>)
    %dma_start3A_189 = arith.constant 0 : i32
    %dma_start3A_190 = arith.constant 0 : i32
    %dma_start3A_191 = tpu.memref_slice %arg5[%dma_start3A_189, %dma_start3A_190] : memref<10000x128xf32, #tpu.memory_space<vmem_shared>> -> memref<10000x128xf32, #tpu.memory_space<vmem_shared>>
    tpu.enqueue_indirect_dma source(%arg18 : memref<80x128xf32, #tpu.memory_space<vmem>>) target(%dma_start3A_191 : memref<10000x128xf32, #tpu.memory_space<vmem_shared>>) offsets(%arg14 : memref<80xi32, #tpu.memory_space<vmem>>) semaphore(%arg38 : memref<!tpu.dma_semaphore, #tpu.memory_space<semaphore_mem>>) {add = true}
    %dma_wait3A_192 = arith.constant 0 : i32
    %dma_wait3A_193 = arith.constant 0 : i32
    %dma_wait3A_194 = tpu.memref_slice %arg5[%dma_wait3A_192, %dma_wait3A_193] : memref<10000x128xf32, #tpu.memory_space<vmem_shared>> -> memref<10000x128xf32, #tpu.memory_space<vmem_shared>>
    tpu.wait_indirect_dma semaphore(%arg41 : memref<!tpu.dma_semaphore, #tpu.memory_space<semaphore_mem>>) src(%arg21 : memref<80x128xf32, #tpu.memory_space<vmem>>) dst(%dma_wait3A_194 : memref<10000x128xf32, #tpu.memory_space<vmem_shared>>)
    %add3A_195 = arith.constant 640 : i32
    %add3A_196 = arith.addi %mul3A_2, %add3A_195 : i32
    %dma_start3A_197 = tpu.memref_slice %arg3[%add3A_196] : memref<640000xi32, #tpu.memory_space<hbm>> -> memref<80xi32, #tpu.memory_space<hbm>>
    %dma_start3A_198 = tpu.memref_slice %arg3[%add3A_196] : memref<640000xi32, #tpu.memory_space<hbm>> -> memref<80xi32, #tpu.memory_space<hbm>>
    tpu.enqueue_dma source(%dma_start3A_198 : memref<80xi32, #tpu.memory_space<hbm>>) target(%arg6 : memref<80xi32, #tpu.memory_space<vmem>>) target_semaphore(%arg22 : memref<!tpu.dma_semaphore, #tpu.memory_space<semaphore_mem>>)
    %add3A_199 = arith.constant 320000 : i32
    %add3A_200 = arith.addi %add3A_199, %mul3A_2 : i32
    %add3A_201 = arith.constant 560 : i32
    %add3A_202 = arith.addi %add3A_200, %add3A_201 : i32
    %dma_start3A_203 = tpu.memref_slice %arg3[%add3A_202] : memref<640000xi32, #tpu.memory_space<hbm>> -> memref<80xi32, #tpu.memory_space<hbm>>
    %dma_start3A_204 = tpu.memref_slice %arg3[%add3A_202] : memref<640000xi32, #tpu.memory_space<hbm>> -> memref<80xi32, #tpu.memory_space<hbm>>
    tpu.enqueue_dma source(%dma_start3A_204 : memref<80xi32, #tpu.memory_space<hbm>>) target(%arg17 : memref<80xi32, #tpu.memory_space<vmem>>) target_semaphore(%arg33 : memref<!tpu.dma_semaphore, #tpu.memory_space<semaphore_mem>>)
    %dma_wait3A_205 = arith.constant 0 : i32
    %dma_wait3A_206 = tpu.memref_slice %arg3[%dma_wait3A_205] : memref<640000xi32, #tpu.memory_space<hbm>> -> memref<80xi32, #tpu.memory_space<hbm>>
    %dma_wait3A_207 = arith.constant 0 : i32
    %dma_wait3A_208 = tpu.memref_slice %arg3[%dma_wait3A_207] : memref<640000xi32, #tpu.memory_space<hbm>> -> memref<80xi32, #tpu.memory_space<hbm>>
    tpu.wait_dma2 semaphore(%arg29 : memref<!tpu.dma_semaphore, #tpu.memory_space<semaphore_mem>>) src(%dma_wait3A_208 : memref<80xi32, #tpu.memory_space<hbm>>) dst(%arg13 : memref<80xi32, #tpu.memory_space<vmem>>)
    %dma_start3A_209 = arith.constant 0 : i32
    %dma_start3A_210 = arith.constant 0 : i32
    %dma_start3A_211 = tpu.memref_slice %arg2[%dma_start3A_209, %dma_start3A_210] : memref<10000x128xf32, #tpu.memory_space<hbm>> -> memref<10000x128xf32, #tpu.memory_space<hbm>>
    tpu.enqueue_indirect_dma source(%dma_start3A_211 : memref<10000x128xf32, #tpu.memory_space<hbm>>) target(%arg21 : memref<80x128xf32, #tpu.memory_space<vmem>>) offsets(%arg13 : memref<80xi32, #tpu.memory_space<vmem>>) semaphore(%arg37 : memref<!tpu.dma_semaphore, #tpu.memory_space<semaphore_mem>>)
    %scan3A_212 = arith.constant 0 : i32
    %scan3A_213 = arith.constant 0 : i32
    %scan3A_214 = arith.constant 15 : i32
    %scan3A_215 = arith.addi %scan3A_213, %scan3A_214 : i32
    %scan3A_216 = arith.constant 1 : i32
    %scan3A_217 = scf.for %scan3A_228 = %scan3A_213 to %scan3A_215 step %scan3A_216 iter_args(%scan3A_229 = %scan3A_212) -> (i32)  : i32 {
      %mul3A_230 = arith.constant 8 : i32
      %mul3A_231 = arith.muli %mul3A_230, %scan3A_228 : i32
      %add3A_232 = arith.constant 5 : i32
      %add3A_233 = arith.addi %mul3A_231, %add3A_232 : i32
      %add3A_234 = arith.constant 0 : i32
      %add3A_235 = arith.addi %add3A_233, %add3A_234 : i32
      %dma_wait3A_236 = arith.constant 0 : i32
      %dma_wait3A_237 = arith.constant 0 : i32
      %dma_wait3A_238 = tpu.memref_slice %arg2[%dma_wait3A_236, %dma_wait3A_237] : memref<10000x128xf32, #tpu.memory_space<hbm>> -> memref<10000x128xf32, #tpu.memory_space<hbm>>
      tpu.wait_indirect_dma semaphore(%arg35 : memref<!tpu.dma_semaphore, #tpu.memory_space<semaphore_mem>>) src(%dma_wait3A_238 : memref<10000x128xf32, #tpu.memory_space<hbm>>) dst(%arg19 : memref<80x128xf32, #tpu.memory_space<vmem>>)
      %dma_wait3A_239 = arith.constant 0 : i32
      %dma_wait3A_240 = tpu.memref_slice %arg3[%dma_wait3A_239] : memref<640000xi32, #tpu.memory_space<hbm>> -> memref<80xi32, #tpu.memory_space<hbm>>
      %dma_wait3A_241 = arith.constant 0 : i32
      %dma_wait3A_242 = tpu.memref_slice %arg3[%dma_wait3A_241] : memref<640000xi32, #tpu.memory_space<hbm>> -> memref<80xi32, #tpu.memory_space<hbm>>
      tpu.wait_dma2 semaphore(%arg31 : memref<!tpu.dma_semaphore, #tpu.memory_space<semaphore_mem>>) src(%dma_wait3A_242 : memref<80xi32, #tpu.memory_space<hbm>>) dst(%arg15 : memref<80xi32, #tpu.memory_space<vmem>>)
      %dma_start3A_243 = arith.constant 0 : i32
      %dma_start3A_244 = arith.constant 0 : i32
      %dma_start3A_245 = tpu.memref_slice %arg5[%dma_start3A_243, %dma_start3A_244] : memref<10000x128xf32, #tpu.memory_space<vmem_shared>> -> memref<10000x128xf32, #tpu.memory_space<vmem_shared>>
      tpu.enqueue_indirect_dma source(%arg19 : memref<80x128xf32, #tpu.memory_space<vmem>>) target(%dma_start3A_245 : memref<10000x128xf32, #tpu.memory_space<vmem_shared>>) offsets(%arg15 : memref<80xi32, #tpu.memory_space<vmem>>) semaphore(%arg39 : memref<!tpu.dma_semaphore, #tpu.memory_space<semaphore_mem>>) {add = true}
      %dma_wait3A_246 = arith.constant 0 : i32
      %dma_wait3A_247 = arith.constant 0 : i32
      %dma_wait3A_248 = tpu.memref_slice %arg5[%dma_wait3A_246, %dma_wait3A_247] : memref<10000x128xf32, #tpu.memory_space<vmem_shared>> -> memref<10000x128xf32, #tpu.memory_space<vmem_shared>>
      tpu.wait_indirect_dma semaphore(%arg38 : memref<!tpu.dma_semaphore, #tpu.memory_space<semaphore_mem>>) src(%arg18 : memref<80x128xf32, #tpu.memory_space<vmem>>) dst(%dma_wait3A_248 : memref<10000x128xf32, #tpu.memory_space<vmem_shared>>)
      %add3A_249 = arith.constant 4 : i32
      %add3A_250 = arith.addi %add3A_235, %add3A_249 : i32
      %lt3A_251 = arith.constant 125 : i32
      %lt3A_252 = arith.cmpi slt, %add3A_250, %lt3A_251 : i32
      %convert_element_type3A_253 = arith.extui %lt3A_252 : i1 to i32
      %cond3A_254 = arith.constant 0 : i32
      %cond3A_255 = arith.cmpi ne, %convert_element_type3A_253, %cond3A_254 : i32
      scf.if %cond3A_255 {
        %add3A_495 = arith.constant 4 : i32
        %add3A_496 = arith.addi %add3A_235, %add3A_495 : i32
        %mul3A_497 = arith.constant 80 : i32
        %mul3A_498 = arith.muli %add3A_496, %mul3A_497 : i32
        %add3A_499 = arith.addi %mul3A_2, %mul3A_498 : i32
        %dma_start3A_500 = tpu.memref_slice %arg3[%add3A_499] : memref<640000xi32, #tpu.memory_space<hbm>> -> memref<80xi32, #tpu.memory_space<hbm>>
        %dma_start3A_501 = tpu.memref_slice %arg3[%add3A_499] : memref<640000xi32, #tpu.memory_space<hbm>> -> memref<80xi32, #tpu.memory_space<hbm>>
        tpu.enqueue_dma source(%dma_start3A_501 : memref<80xi32, #tpu.memory_space<hbm>>) target(%arg7 : memref<80xi32, #tpu.memory_space<vmem>>) target_semaphore(%arg23 : memref<!tpu.dma_semaphore, #tpu.memory_space<semaphore_mem>>)
      } else {
      }
      %add3A_256 = arith.constant 3 : i32
      %add3A_257 = arith.addi %add3A_235, %add3A_256 : i32
      %lt3A_258 = arith.constant 125 : i32
      %lt3A_259 = arith.cmpi slt, %add3A_257, %lt3A_258 : i32
      %convert_element_type3A_260 = arith.extui %lt3A_259 : i1 to i32
      %cond3A_261 = arith.constant 0 : i32
      %cond3A_262 = arith.cmpi ne, %convert_element_type3A_260, %cond3A_261 : i32
      scf.if %cond3A_262 {
        %add3A_495 = arith.constant 3 : i32
        %add3A_496 = arith.addi %add3A_235, %add3A_495 : i32
        %add3A_497 = arith.constant 320000 : i32
        %add3A_498 = arith.addi %add3A_497, %mul3A_2 : i32
        %mul3A_499 = arith.constant 80 : i32
        %mul3A_500 = arith.muli %add3A_496, %mul3A_499 : i32
        %add3A_501 = arith.addi %add3A_498, %mul3A_500 : i32
        %dma_start3A_502 = tpu.memref_slice %arg3[%add3A_501] : memref<640000xi32, #tpu.memory_space<hbm>> -> memref<80xi32, #tpu.memory_space<hbm>>
        %dma_start3A_503 = tpu.memref_slice %arg3[%add3A_501] : memref<640000xi32, #tpu.memory_space<hbm>> -> memref<80xi32, #tpu.memory_space<hbm>>
        tpu.enqueue_dma source(%dma_start3A_503 : memref<80xi32, #tpu.memory_space<hbm>>) target(%arg14 : memref<80xi32, #tpu.memory_space<vmem>>) target_semaphore(%arg30 : memref<!tpu.dma_semaphore, #tpu.memory_space<semaphore_mem>>)
        %dma_wait3A_504 = arith.constant 0 : i32
        %dma_wait3A_505 = tpu.memref_slice %arg3[%dma_wait3A_504] : memref<640000xi32, #tpu.memory_space<hbm>> -> memref<80xi32, #tpu.memory_space<hbm>>
        %dma_wait3A_506 = arith.constant 0 : i32
        %dma_wait3A_507 = tpu.memref_slice %arg3[%dma_wait3A_506] : memref<640000xi32, #tpu.memory_space<hbm>> -> memref<80xi32, #tpu.memory_space<hbm>>
        tpu.wait_dma2 semaphore(%arg22 : memref<!tpu.dma_semaphore, #tpu.memory_space<semaphore_mem>>) src(%dma_wait3A_507 : memref<80xi32, #tpu.memory_space<hbm>>) dst(%arg6 : memref<80xi32, #tpu.memory_space<vmem>>)
        %dma_start3A_508 = arith.constant 0 : i32
        %dma_start3A_509 = arith.constant 0 : i32
        %dma_start3A_510 = tpu.memref_slice %arg2[%dma_start3A_508, %dma_start3A_509] : memref<10000x128xf32, #tpu.memory_space<hbm>> -> memref<10000x128xf32, #tpu.memory_space<hbm>>
        tpu.enqueue_indirect_dma source(%dma_start3A_510 : memref<10000x128xf32, #tpu.memory_space<hbm>>) target(%arg18 : memref<80x128xf32, #tpu.memory_space<vmem>>) offsets(%arg6 : memref<80xi32, #tpu.memory_space<vmem>>) semaphore(%arg34 : memref<!tpu.dma_semaphore, #tpu.memory_space<semaphore_mem>>)
      } else {
      }
      %mul3A_263 = arith.constant 8 : i32
      %mul3A_264 = arith.muli %mul3A_263, %scan3A_228 : i32
      %add3A_265 = arith.constant 5 : i32
      %add3A_266 = arith.addi %mul3A_264, %add3A_265 : i32
      %add3A_267 = arith.constant 1 : i32
      %add3A_268 = arith.addi %add3A_266, %add3A_267 : i32
      %dma_wait3A_269 = arith.constant 0 : i32
      %dma_wait3A_270 = arith.constant 0 : i32
      %dma_wait3A_271 = tpu.memref_slice %arg2[%dma_wait3A_269, %dma_wait3A_270] : memref<10000x128xf32, #tpu.memory_space<hbm>> -> memref<10000x128xf32, #tpu.memory_space<hbm>>
      tpu.wait_indirect_dma semaphore(%arg36 : memref<!tpu.dma_semaphore, #tpu.memory_space<semaphore_mem>>) src(%dma_wait3A_271 : memref<10000x128xf32, #tpu.memory_space<hbm>>) dst(%arg20 : memref<80x128xf32, #tpu.memory_space<vmem>>)
      %dma_wait3A_272 = arith.constant 0 : i32
      %dma_wait3A_273 = tpu.memref_slice %arg3[%dma_wait3A_272] : memref<640000xi32, #tpu.memory_space<hbm>> -> memref<80xi32, #tpu.memory_space<hbm>>
      %dma_wait3A_274 = arith.constant 0 : i32
      %dma_wait3A_275 = tpu.memref_slice %arg3[%dma_wait3A_274] : memref<640000xi32, #tpu.memory_space<hbm>> -> memref<80xi32, #tpu.memory_space<hbm>>
      tpu.wait_dma2 semaphore(%arg32 : memref<!tpu.dma_semaphore, #tpu.memory_space<semaphore_mem>>) src(%dma_wait3A_275 : memref<80xi32, #tpu.memory_space<hbm>>) dst(%arg16 : memref<80xi32, #tpu.memory_space<vmem>>)
      %dma_start3A_276 = arith.constant 0 : i32
      %dma_start3A_277 = arith.constant 0 : i32
      %dma_start3A_278 = tpu.memref_slice %arg5[%dma_start3A_276, %dma_start3A_277] : memref<10000x128xf32, #tpu.memory_space<vmem_shared>> -> memref<10000x128xf32, #tpu.memory_space<vmem_shared>>
      tpu.enqueue_indirect_dma source(%arg20 : memref<80x128xf32, #tpu.memory_space<vmem>>) target(%dma_start3A_278 : memref<10000x128xf32, #tpu.memory_space<vmem_shared>>) offsets(%arg16 : memref<80xi32, #tpu.memory_space<vmem>>) semaphore(%arg40 : memref<!tpu.dma_semaphore, #tpu.memory_space<semaphore_mem>>) {add = true}
      %dma_wait3A_279 = arith.constant 0 : i32
      %dma_wait3A_280 = arith.constant 0 : i32
      %dma_wait3A_281 = tpu.memref_slice %arg5[%dma_wait3A_279, %dma_wait3A_280] : memref<10000x128xf32, #tpu.memory_space<vmem_shared>> -> memref<10000x128xf32, #tpu.memory_space<vmem_shared>>
      tpu.wait_indirect_dma semaphore(%arg39 : memref<!tpu.dma_semaphore, #tpu.memory_space<semaphore_mem>>) src(%arg19 : memref<80x128xf32, #tpu.memory_space<vmem>>) dst(%dma_wait3A_281 : memref<10000x128xf32, #tpu.memory_space<vmem_shared>>)
      %add3A_282 = arith.constant 4 : i32
      %add3A_283 = arith.addi %add3A_268, %add3A_282 : i32
      %lt3A_284 = arith.constant 125 : i32
      %lt3A_285 = arith.cmpi slt, %add3A_283, %lt3A_284 : i32
      %convert_element_type3A_286 = arith.extui %lt3A_285 : i1 to i32
      %cond3A_287 = arith.constant 0 : i32
      %cond3A_288 = arith.cmpi ne, %convert_element_type3A_286, %cond3A_287 : i32
      scf.if %cond3A_288 {
        %add3A_495 = arith.constant 4 : i32
        %add3A_496 = arith.addi %add3A_268, %add3A_495 : i32
        %mul3A_497 = arith.constant 80 : i32
        %mul3A_498 = arith.muli %add3A_496, %mul3A_497 : i32
        %add3A_499 = arith.addi %mul3A_2, %mul3A_498 : i32
        %dma_start3A_500 = tpu.memref_slice %arg3[%add3A_499] : memref<640000xi32, #tpu.memory_space<hbm>> -> memref<80xi32, #tpu.memory_space<hbm>>
        %dma_start3A_501 = tpu.memref_slice %arg3[%add3A_499] : memref<640000xi32, #tpu.memory_space<hbm>> -> memref<80xi32, #tpu.memory_space<hbm>>
        tpu.enqueue_dma source(%dma_start3A_501 : memref<80xi32, #tpu.memory_space<hbm>>) target(%arg8 : memref<80xi32, #tpu.memory_space<vmem>>) target_semaphore(%arg24 : memref<!tpu.dma_semaphore, #tpu.memory_space<semaphore_mem>>)
      } else {
      }
      %add3A_289 = arith.constant 3 : i32
      %add3A_290 = arith.addi %add3A_268, %add3A_289 : i32
      %lt3A_291 = arith.constant 125 : i32
      %lt3A_292 = arith.cmpi slt, %add3A_290, %lt3A_291 : i32
      %convert_element_type3A_293 = arith.extui %lt3A_292 : i1 to i32
      %cond3A_294 = arith.constant 0 : i32
      %cond3A_295 = arith.cmpi ne, %convert_element_type3A_293, %cond3A_294 : i32
      scf.if %cond3A_295 {
        %add3A_495 = arith.constant 3 : i32
        %add3A_496 = arith.addi %add3A_268, %add3A_495 : i32
        %add3A_497 = arith.constant 320000 : i32
        %add3A_498 = arith.addi %add3A_497, %mul3A_2 : i32
        %mul3A_499 = arith.constant 80 : i32
        %mul3A_500 = arith.muli %add3A_496, %mul3A_499 : i32
        %add3A_501 = arith.addi %add3A_498, %mul3A_500 : i32
        %dma_start3A_502 = tpu.memref_slice %arg3[%add3A_501] : memref<640000xi32, #tpu.memory_space<hbm>> -> memref<80xi32, #tpu.memory_space<hbm>>
        %dma_start3A_503 = tpu.memref_slice %arg3[%add3A_501] : memref<640000xi32, #tpu.memory_space<hbm>> -> memref<80xi32, #tpu.memory_space<hbm>>
        tpu.enqueue_dma source(%dma_start3A_503 : memref<80xi32, #tpu.memory_space<hbm>>) target(%arg15 : memref<80xi32, #tpu.memory_space<vmem>>) target_semaphore(%arg31 : memref<!tpu.dma_semaphore, #tpu.memory_space<semaphore_mem>>)
        %dma_wait3A_504 = arith.constant 0 : i32
        %dma_wait3A_505 = tpu.memref_slice %arg3[%dma_wait3A_504] : memref<640000xi32, #tpu.memory_space<hbm>> -> memref<80xi32, #tpu.memory_space<hbm>>
        %dma_wait3A_506 = arith.constant 0 : i32
        %dma_wait3A_507 = tpu.memref_slice %arg3[%dma_wait3A_506] : memref<640000xi32, #tpu.memory_space<hbm>> -> memref<80xi32, #tpu.memory_space<hbm>>
        tpu.wait_dma2 semaphore(%arg23 : memref<!tpu.dma_semaphore, #tpu.memory_space<semaphore_mem>>) src(%dma_wait3A_507 : memref<80xi32, #tpu.memory_space<hbm>>) dst(%arg7 : memref<80xi32, #tpu.memory_space<vmem>>)
        %dma_start3A_508 = arith.constant 0 : i32
        %dma_start3A_509 = arith.constant 0 : i32
        %dma_start3A_510 = tpu.memref_slice %arg2[%dma_start3A_508, %dma_start3A_509] : memref<10000x128xf32, #tpu.memory_space<hbm>> -> memref<10000x128xf32, #tpu.memory_space<hbm>>
        tpu.enqueue_indirect_dma source(%dma_start3A_510 : memref<10000x128xf32, #tpu.memory_space<hbm>>) target(%arg19 : memref<80x128xf32, #tpu.memory_space<vmem>>) offsets(%arg7 : memref<80xi32, #tpu.memory_space<vmem>>) semaphore(%arg35 : memref<!tpu.dma_semaphore, #tpu.memory_space<semaphore_mem>>)
      } else {
      }
      %mul3A_296 = arith.constant 8 : i32
      %mul3A_297 = arith.muli %mul3A_296, %scan3A_228 : i32
      %add3A_298 = arith.constant 5 : i32
      %add3A_299 = arith.addi %mul3A_297, %add3A_298 : i32
      %add3A_300 = arith.constant 2 : i32
      %add3A_301 = arith.addi %add3A_299, %add3A_300 : i32
      %dma_wait3A_302 = arith.constant 0 : i32
      %dma_wait3A_303 = arith.constant 0 : i32
      %dma_wait3A_304 = tpu.memref_slice %arg2[%dma_wait3A_302, %dma_wait3A_303] : memref<10000x128xf32, #tpu.memory_space<hbm>> -> memref<10000x128xf32, #tpu.memory_space<hbm>>
      tpu.wait_indirect_dma semaphore(%arg37 : memref<!tpu.dma_semaphore, #tpu.memory_space<semaphore_mem>>) src(%dma_wait3A_304 : memref<10000x128xf32, #tpu.memory_space<hbm>>) dst(%arg21 : memref<80x128xf32, #tpu.memory_space<vmem>>)
      %dma_wait3A_305 = arith.constant 0 : i32
      %dma_wait3A_306 = tpu.memref_slice %arg3[%dma_wait3A_305] : memref<640000xi32, #tpu.memory_space<hbm>> -> memref<80xi32, #tpu.memory_space<hbm>>
      %dma_wait3A_307 = arith.constant 0 : i32
      %dma_wait3A_308 = tpu.memref_slice %arg3[%dma_wait3A_307] : memref<640000xi32, #tpu.memory_space<hbm>> -> memref<80xi32, #tpu.memory_space<hbm>>
      tpu.wait_dma2 semaphore(%arg33 : memref<!tpu.dma_semaphore, #tpu.memory_space<semaphore_mem>>) src(%dma_wait3A_308 : memref<80xi32, #tpu.memory_space<hbm>>) dst(%arg17 : memref<80xi32, #tpu.memory_space<vmem>>)
      %dma_start3A_309 = arith.constant 0 : i32
      %dma_start3A_310 = arith.constant 0 : i32
      %dma_start3A_311 = tpu.memref_slice %arg5[%dma_start3A_309, %dma_start3A_310] : memref<10000x128xf32, #tpu.memory_space<vmem_shared>> -> memref<10000x128xf32, #tpu.memory_space<vmem_shared>>
      tpu.enqueue_indirect_dma source(%arg21 : memref<80x128xf32, #tpu.memory_space<vmem>>) target(%dma_start3A_311 : memref<10000x128xf32, #tpu.memory_space<vmem_shared>>) offsets(%arg17 : memref<80xi32, #tpu.memory_space<vmem>>) semaphore(%arg41 : memref<!tpu.dma_semaphore, #tpu.memory_space<semaphore_mem>>) {add = true}
      %dma_wait3A_312 = arith.constant 0 : i32
      %dma_wait3A_313 = arith.constant 0 : i32
      %dma_wait3A_314 = tpu.memref_slice %arg5[%dma_wait3A_312, %dma_wait3A_313] : memref<10000x128xf32, #tpu.memory_space<vmem_shared>> -> memref<10000x128xf32, #tpu.memory_space<vmem_shared>>
      tpu.wait_indirect_dma semaphore(%arg40 : memref<!tpu.dma_semaphore, #tpu.memory_space<semaphore_mem>>) src(%arg20 : memref<80x128xf32, #tpu.memory_space<vmem>>) dst(%dma_wait3A_314 : memref<10000x128xf32, #tpu.memory_space<vmem_shared>>)
      %add3A_315 = arith.constant 4 : i32
      %add3A_316 = arith.addi %add3A_301, %add3A_315 : i32
      %lt3A_317 = arith.constant 125 : i32
      %lt3A_318 = arith.cmpi slt, %add3A_316, %lt3A_317 : i32
      %convert_element_type3A_319 = arith.extui %lt3A_318 : i1 to i32
      %cond3A_320 = arith.constant 0 : i32
      %cond3A_321 = arith.cmpi ne, %convert_element_type3A_319, %cond3A_320 : i32
      scf.if %cond3A_321 {
        %add3A_495 = arith.constant 4 : i32
        %add3A_496 = arith.addi %add3A_301, %add3A_495 : i32
        %mul3A_497 = arith.constant 80 : i32
        %mul3A_498 = arith.muli %add3A_496, %mul3A_497 : i32
        %add3A_499 = arith.addi %mul3A_2, %mul3A_498 : i32
        %dma_start3A_500 = tpu.memref_slice %arg3[%add3A_499] : memref<640000xi32, #tpu.memory_space<hbm>> -> memref<80xi32, #tpu.memory_space<hbm>>
        %dma_start3A_501 = tpu.memref_slice %arg3[%add3A_499] : memref<640000xi32, #tpu.memory_space<hbm>> -> memref<80xi32, #tpu.memory_space<hbm>>
        tpu.enqueue_dma source(%dma_start3A_501 : memref<80xi32, #tpu.memory_space<hbm>>) target(%arg9 : memref<80xi32, #tpu.memory_space<vmem>>) target_semaphore(%arg25 : memref<!tpu.dma_semaphore, #tpu.memory_space<semaphore_mem>>)
      } else {
      }
      %add3A_322 = arith.constant 3 : i32
      %add3A_323 = arith.addi %add3A_301, %add3A_322 : i32
      %lt3A_324 = arith.constant 125 : i32
      %lt3A_325 = arith.cmpi slt, %add3A_323, %lt3A_324 : i32
      %convert_element_type3A_326 = arith.extui %lt3A_325 : i1 to i32
      %cond3A_327 = arith.constant 0 : i32
      %cond3A_328 = arith.cmpi ne, %convert_element_type3A_326, %cond3A_327 : i32
      scf.if %cond3A_328 {
        %add3A_495 = arith.constant 3 : i32
        %add3A_496 = arith.addi %add3A_301, %add3A_495 : i32
        %add3A_497 = arith.constant 320000 : i32
        %add3A_498 = arith.addi %add3A_497, %mul3A_2 : i32
        %mul3A_499 = arith.constant 80 : i32
        %mul3A_500 = arith.muli %add3A_496, %mul3A_499 : i32
        %add3A_501 = arith.addi %add3A_498, %mul3A_500 : i32
        %dma_start3A_502 = tpu.memref_slice %arg3[%add3A_501] : memref<640000xi32, #tpu.memory_space<hbm>> -> memref<80xi32, #tpu.memory_space<hbm>>
        %dma_start3A_503 = tpu.memref_slice %arg3[%add3A_501] : memref<640000xi32, #tpu.memory_space<hbm>> -> memref<80xi32, #tpu.memory_space<hbm>>
        tpu.enqueue_dma source(%dma_start3A_503 : memref<80xi32, #tpu.memory_space<hbm>>) target(%arg16 : memref<80xi32, #tpu.memory_space<vmem>>) target_semaphore(%arg32 : memref<!tpu.dma_semaphore, #tpu.memory_space<semaphore_mem>>)
        %dma_wait3A_504 = arith.constant 0 : i32
        %dma_wait3A_505 = tpu.memref_slice %arg3[%dma_wait3A_504] : memref<640000xi32, #tpu.memory_space<hbm>> -> memref<80xi32, #tpu.memory_space<hbm>>
        %dma_wait3A_506 = arith.constant 0 : i32
        %dma_wait3A_507 = tpu.memref_slice %arg3[%dma_wait3A_506] : memref<640000xi32, #tpu.memory_space<hbm>> -> memref<80xi32, #tpu.memory_space<hbm>>
        tpu.wait_dma2 semaphore(%arg24 : memref<!tpu.dma_semaphore, #tpu.memory_space<semaphore_mem>>) src(%dma_wait3A_507 : memref<80xi32, #tpu.memory_space<hbm>>) dst(%arg8 : memref<80xi32, #tpu.memory_space<vmem>>)
        %dma_start3A_508 = arith.constant 0 : i32
        %dma_start3A_509 = arith.constant 0 : i32
        %dma_start3A_510 = tpu.memref_slice %arg2[%dma_start3A_508, %dma_start3A_509] : memref<10000x128xf32, #tpu.memory_space<hbm>> -> memref<10000x128xf32, #tpu.memory_space<hbm>>
        tpu.enqueue_indirect_dma source(%dma_start3A_510 : memref<10000x128xf32, #tpu.memory_space<hbm>>) target(%arg20 : memref<80x128xf32, #tpu.memory_space<vmem>>) offsets(%arg8 : memref<80xi32, #tpu.memory_space<vmem>>) semaphore(%arg36 : memref<!tpu.dma_semaphore, #tpu.memory_space<semaphore_mem>>)
      } else {
      }
      %mul3A_329 = arith.constant 8 : i32
      %mul3A_330 = arith.muli %mul3A_329, %scan3A_228 : i32
      %add3A_331 = arith.constant 5 : i32
      %add3A_332 = arith.addi %mul3A_330, %add3A_331 : i32
      %add3A_333 = arith.constant 3 : i32
      %add3A_334 = arith.addi %add3A_332, %add3A_333 : i32
      %dma_wait3A_335 = arith.constant 0 : i32
      %dma_wait3A_336 = arith.constant 0 : i32
      %dma_wait3A_337 = tpu.memref_slice %arg2[%dma_wait3A_335, %dma_wait3A_336] : memref<10000x128xf32, #tpu.memory_space<hbm>> -> memref<10000x128xf32, #tpu.memory_space<hbm>>
      tpu.wait_indirect_dma semaphore(%arg34 : memref<!tpu.dma_semaphore, #tpu.memory_space<semaphore_mem>>) src(%dma_wait3A_337 : memref<10000x128xf32, #tpu.memory_space<hbm>>) dst(%arg18 : memref<80x128xf32, #tpu.memory_space<vmem>>)
      %dma_wait3A_338 = arith.constant 0 : i32
      %dma_wait3A_339 = tpu.memref_slice %arg3[%dma_wait3A_338] : memref<640000xi32, #tpu.memory_space<hbm>> -> memref<80xi32, #tpu.memory_space<hbm>>
      %dma_wait3A_340 = arith.constant 0 : i32
      %dma_wait3A_341 = tpu.memref_slice %arg3[%dma_wait3A_340] : memref<640000xi32, #tpu.memory_space<hbm>> -> memref<80xi32, #tpu.memory_space<hbm>>
      tpu.wait_dma2 semaphore(%arg30 : memref<!tpu.dma_semaphore, #tpu.memory_space<semaphore_mem>>) src(%dma_wait3A_341 : memref<80xi32, #tpu.memory_space<hbm>>) dst(%arg14 : memref<80xi32, #tpu.memory_space<vmem>>)
      %dma_start3A_342 = arith.constant 0 : i32
      %dma_start3A_343 = arith.constant 0 : i32
      %dma_start3A_344 = tpu.memref_slice %arg5[%dma_start3A_342, %dma_start3A_343] : memref<10000x128xf32, #tpu.memory_space<vmem_shared>> -> memref<10000x128xf32, #tpu.memory_space<vmem_shared>>
      tpu.enqueue_indirect_dma source(%arg18 : memref<80x128xf32, #tpu.memory_space<vmem>>) target(%dma_start3A_344 : memref<10000x128xf32, #tpu.memory_space<vmem_shared>>) offsets(%arg14 : memref<80xi32, #tpu.memory_space<vmem>>) semaphore(%arg38 : memref<!tpu.dma_semaphore, #tpu.memory_space<semaphore_mem>>) {add = true}
      %dma_wait3A_345 = arith.constant 0 : i32
      %dma_wait3A_346 = arith.constant 0 : i32
      %dma_wait3A_347 = tpu.memref_slice %arg5[%dma_wait3A_345, %dma_wait3A_346] : memref<10000x128xf32, #tpu.memory_space<vmem_shared>> -> memref<10000x128xf32, #tpu.memory_space<vmem_shared>>
      tpu.wait_indirect_dma semaphore(%arg41 : memref<!tpu.dma_semaphore, #tpu.memory_space<semaphore_mem>>) src(%arg21 : memref<80x128xf32, #tpu.memory_space<vmem>>) dst(%dma_wait3A_347 : memref<10000x128xf32, #tpu.memory_space<vmem_shared>>)
      %add3A_348 = arith.constant 4 : i32
      %add3A_349 = arith.addi %add3A_334, %add3A_348 : i32
      %lt3A_350 = arith.constant 125 : i32
      %lt3A_351 = arith.cmpi slt, %add3A_349, %lt3A_350 : i32
      %convert_element_type3A_352 = arith.extui %lt3A_351 : i1 to i32
      %cond3A_353 = arith.constant 0 : i32
      %cond3A_354 = arith.cmpi ne, %convert_element_type3A_352, %cond3A_353 : i32
      scf.if %cond3A_354 {
        %add3A_495 = arith.constant 4 : i32
        %add3A_496 = arith.addi %add3A_334, %add3A_495 : i32
        %mul3A_497 = arith.constant 80 : i32
        %mul3A_498 = arith.muli %add3A_496, %mul3A_497 : i32
        %add3A_499 = arith.addi %mul3A_2, %mul3A_498 : i32
        %dma_start3A_500 = tpu.memref_slice %arg3[%add3A_499] : memref<640000xi32, #tpu.memory_space<hbm>> -> memref<80xi32, #tpu.memory_space<hbm>>
        %dma_start3A_501 = tpu.memref_slice %arg3[%add3A_499] : memref<640000xi32, #tpu.memory_space<hbm>> -> memref<80xi32, #tpu.memory_space<hbm>>
        tpu.enqueue_dma source(%dma_start3A_501 : memref<80xi32, #tpu.memory_space<hbm>>) target(%arg10 : memref<80xi32, #tpu.memory_space<vmem>>) target_semaphore(%arg26 : memref<!tpu.dma_semaphore, #tpu.memory_space<semaphore_mem>>)
      } else {
      }
      %add3A_355 = arith.constant 3 : i32
      %add3A_356 = arith.addi %add3A_334, %add3A_355 : i32
      %lt3A_357 = arith.constant 125 : i32
      %lt3A_358 = arith.cmpi slt, %add3A_356, %lt3A_357 : i32
      %convert_element_type3A_359 = arith.extui %lt3A_358 : i1 to i32
      %cond3A_360 = arith.constant 0 : i32
      %cond3A_361 = arith.cmpi ne, %convert_element_type3A_359, %cond3A_360 : i32
      scf.if %cond3A_361 {
        %add3A_495 = arith.constant 3 : i32
        %add3A_496 = arith.addi %add3A_334, %add3A_495 : i32
        %add3A_497 = arith.constant 320000 : i32
        %add3A_498 = arith.addi %add3A_497, %mul3A_2 : i32
        %mul3A_499 = arith.constant 80 : i32
        %mul3A_500 = arith.muli %add3A_496, %mul3A_499 : i32
        %add3A_501 = arith.addi %add3A_498, %mul3A_500 : i32
        %dma_start3A_502 = tpu.memref_slice %arg3[%add3A_501] : memref<640000xi32, #tpu.memory_space<hbm>> -> memref<80xi32, #tpu.memory_space<hbm>>
        %dma_start3A_503 = tpu.memref_slice %arg3[%add3A_501] : memref<640000xi32, #tpu.memory_space<hbm>> -> memref<80xi32, #tpu.memory_space<hbm>>
        tpu.enqueue_dma source(%dma_start3A_503 : memref<80xi32, #tpu.memory_space<hbm>>) target(%arg17 : memref<80xi32, #tpu.memory_space<vmem>>) target_semaphore(%arg33 : memref<!tpu.dma_semaphore, #tpu.memory_space<semaphore_mem>>)
        %dma_wait3A_504 = arith.constant 0 : i32
        %dma_wait3A_505 = tpu.memref_slice %arg3[%dma_wait3A_504] : memref<640000xi32, #tpu.memory_space<hbm>> -> memref<80xi32, #tpu.memory_space<hbm>>
        %dma_wait3A_506 = arith.constant 0 : i32
        %dma_wait3A_507 = tpu.memref_slice %arg3[%dma_wait3A_506] : memref<640000xi32, #tpu.memory_space<hbm>> -> memref<80xi32, #tpu.memory_space<hbm>>
        tpu.wait_dma2 semaphore(%arg25 : memref<!tpu.dma_semaphore, #tpu.memory_space<semaphore_mem>>) src(%dma_wait3A_507 : memref<80xi32, #tpu.memory_space<hbm>>) dst(%arg9 : memref<80xi32, #tpu.memory_space<vmem>>)
        %dma_start3A_508 = arith.constant 0 : i32
        %dma_start3A_509 = arith.constant 0 : i32
        %dma_start3A_510 = tpu.memref_slice %arg2[%dma_start3A_508, %dma_start3A_509] : memref<10000x128xf32, #tpu.memory_space<hbm>> -> memref<10000x128xf32, #tpu.memory_space<hbm>>
        tpu.enqueue_indirect_dma source(%dma_start3A_510 : memref<10000x128xf32, #tpu.memory_space<hbm>>) target(%arg21 : memref<80x128xf32, #tpu.memory_space<vmem>>) offsets(%arg9 : memref<80xi32, #tpu.memory_space<vmem>>) semaphore(%arg37 : memref<!tpu.dma_semaphore, #tpu.memory_space<semaphore_mem>>)
      } else {
      }
      %mul3A_362 = arith.constant 8 : i32
      %mul3A_363 = arith.muli %mul3A_362, %scan3A_228 : i32
      %add3A_364 = arith.constant 5 : i32
      %add3A_365 = arith.addi %mul3A_363, %add3A_364 : i32
      %add3A_366 = arith.constant 4 : i32
      %add3A_367 = arith.addi %add3A_365, %add3A_366 : i32
      %dma_wait3A_368 = arith.constant 0 : i32
      %dma_wait3A_369 = arith.constant 0 : i32
      %dma_wait3A_370 = tpu.memref_slice %arg2[%dma_wait3A_368, %dma_wait3A_369] : memref<10000x128xf32, #tpu.memory_space<hbm>> -> memref<10000x128xf32, #tpu.memory_space<hbm>>
      tpu.wait_indirect_dma semaphore(%arg35 : memref<!tpu.dma_semaphore, #tpu.memory_space<semaphore_mem>>) src(%dma_wait3A_370 : memref<10000x128xf32, #tpu.memory_space<hbm>>) dst(%arg19 : memref<80x128xf32, #tpu.memory_space<vmem>>)
      %dma_wait3A_371 = arith.constant 0 : i32
      %dma_wait3A_372 = tpu.memref_slice %arg3[%dma_wait3A_371] : memref<640000xi32, #tpu.memory_space<hbm>> -> memref<80xi32, #tpu.memory_space<hbm>>
      %dma_wait3A_373 = arith.constant 0 : i32
      %dma_wait3A_374 = tpu.memref_slice %arg3[%dma_wait3A_373] : memref<640000xi32, #tpu.memory_space<hbm>> -> memref<80xi32, #tpu.memory_space<hbm>>
      tpu.wait_dma2 semaphore(%arg31 : memref<!tpu.dma_semaphore, #tpu.memory_space<semaphore_mem>>) src(%dma_wait3A_374 : memref<80xi32, #tpu.memory_space<hbm>>) dst(%arg15 : memref<80xi32, #tpu.memory_space<vmem>>)
      %dma_start3A_375 = arith.constant 0 : i32
      %dma_start3A_376 = arith.constant 0 : i32
      %dma_start3A_377 = tpu.memref_slice %arg5[%dma_start3A_375, %dma_start3A_376] : memref<10000x128xf32, #tpu.memory_space<vmem_shared>> -> memref<10000x128xf32, #tpu.memory_space<vmem_shared>>
      tpu.enqueue_indirect_dma source(%arg19 : memref<80x128xf32, #tpu.memory_space<vmem>>) target(%dma_start3A_377 : memref<10000x128xf32, #tpu.memory_space<vmem_shared>>) offsets(%arg15 : memref<80xi32, #tpu.memory_space<vmem>>) semaphore(%arg39 : memref<!tpu.dma_semaphore, #tpu.memory_space<semaphore_mem>>) {add = true}
      %dma_wait3A_378 = arith.constant 0 : i32
      %dma_wait3A_379 = arith.constant 0 : i32
      %dma_wait3A_380 = tpu.memref_slice %arg5[%dma_wait3A_378, %dma_wait3A_379] : memref<10000x128xf32, #tpu.memory_space<vmem_shared>> -> memref<10000x128xf32, #tpu.memory_space<vmem_shared>>
      tpu.wait_indirect_dma semaphore(%arg38 : memref<!tpu.dma_semaphore, #tpu.memory_space<semaphore_mem>>) src(%arg18 : memref<80x128xf32, #tpu.memory_space<vmem>>) dst(%dma_wait3A_380 : memref<10000x128xf32, #tpu.memory_space<vmem_shared>>)
      %add3A_381 = arith.constant 4 : i32
      %add3A_382 = arith.addi %add3A_367, %add3A_381 : i32
      %lt3A_383 = arith.constant 125 : i32
      %lt3A_384 = arith.cmpi slt, %add3A_382, %lt3A_383 : i32
      %convert_element_type3A_385 = arith.extui %lt3A_384 : i1 to i32
      %cond3A_386 = arith.constant 0 : i32
      %cond3A_387 = arith.cmpi ne, %convert_element_type3A_385, %cond3A_386 : i32
      scf.if %cond3A_387 {
        %add3A_495 = arith.constant 4 : i32
        %add3A_496 = arith.addi %add3A_367, %add3A_495 : i32
        %mul3A_497 = arith.constant 80 : i32
        %mul3A_498 = arith.muli %add3A_496, %mul3A_497 : i32
        %add3A_499 = arith.addi %mul3A_2, %mul3A_498 : i32
        %dma_start3A_500 = tpu.memref_slice %arg3[%add3A_499] : memref<640000xi32, #tpu.memory_space<hbm>> -> memref<80xi32, #tpu.memory_space<hbm>>
        %dma_start3A_501 = tpu.memref_slice %arg3[%add3A_499] : memref<640000xi32, #tpu.memory_space<hbm>> -> memref<80xi32, #tpu.memory_space<hbm>>
        tpu.enqueue_dma source(%dma_start3A_501 : memref<80xi32, #tpu.memory_space<hbm>>) target(%arg11 : memref<80xi32, #tpu.memory_space<vmem>>) target_semaphore(%arg27 : memref<!tpu.dma_semaphore, #tpu.memory_space<semaphore_mem>>)
      } else {
      }
      %add3A_388 = arith.constant 3 : i32
      %add3A_389 = arith.addi %add3A_367, %add3A_388 : i32
      %lt3A_390 = arith.constant 125 : i32
      %lt3A_391 = arith.cmpi slt, %add3A_389, %lt3A_390 : i32
      %convert_element_type3A_392 = arith.extui %lt3A_391 : i1 to i32
      %cond3A_393 = arith.constant 0 : i32
      %cond3A_394 = arith.cmpi ne, %convert_element_type3A_392, %cond3A_393 : i32
      scf.if %cond3A_394 {
        %add3A_495 = arith.constant 3 : i32
        %add3A_496 = arith.addi %add3A_367, %add3A_495 : i32
        %add3A_497 = arith.constant 320000 : i32
        %add3A_498 = arith.addi %add3A_497, %mul3A_2 : i32
        %mul3A_499 = arith.constant 80 : i32
        %mul3A_500 = arith.muli %add3A_496, %mul3A_499 : i32
        %add3A_501 = arith.addi %add3A_498, %mul3A_500 : i32
        %dma_start3A_502 = tpu.memref_slice %arg3[%add3A_501] : memref<640000xi32, #tpu.memory_space<hbm>> -> memref<80xi32, #tpu.memory_space<hbm>>
        %dma_start3A_503 = tpu.memref_slice %arg3[%add3A_501] : memref<640000xi32, #tpu.memory_space<hbm>> -> memref<80xi32, #tpu.memory_space<hbm>>
        tpu.enqueue_dma source(%dma_start3A_503 : memref<80xi32, #tpu.memory_space<hbm>>) target(%arg14 : memref<80xi32, #tpu.memory_space<vmem>>) target_semaphore(%arg30 : memref<!tpu.dma_semaphore, #tpu.memory_space<semaphore_mem>>)
        %dma_wait3A_504 = arith.constant 0 : i32
        %dma_wait3A_505 = tpu.memref_slice %arg3[%dma_wait3A_504] : memref<640000xi32, #tpu.memory_space<hbm>> -> memref<80xi32, #tpu.memory_space<hbm>>
        %dma_wait3A_506 = arith.constant 0 : i32
        %dma_wait3A_507 = tpu.memref_slice %arg3[%dma_wait3A_506] : memref<640000xi32, #tpu.memory_space<hbm>> -> memref<80xi32, #tpu.memory_space<hbm>>
        tpu.wait_dma2 semaphore(%arg26 : memref<!tpu.dma_semaphore, #tpu.memory_space<semaphore_mem>>) src(%dma_wait3A_507 : memref<80xi32, #tpu.memory_space<hbm>>) dst(%arg10 : memref<80xi32, #tpu.memory_space<vmem>>)
        %dma_start3A_508 = arith.constant 0 : i32
        %dma_start3A_509 = arith.constant 0 : i32
        %dma_start3A_510 = tpu.memref_slice %arg2[%dma_start3A_508, %dma_start3A_509] : memref<10000x128xf32, #tpu.memory_space<hbm>> -> memref<10000x128xf32, #tpu.memory_space<hbm>>
        tpu.enqueue_indirect_dma source(%dma_start3A_510 : memref<10000x128xf32, #tpu.memory_space<hbm>>) target(%arg18 : memref<80x128xf32, #tpu.memory_space<vmem>>) offsets(%arg10 : memref<80xi32, #tpu.memory_space<vmem>>) semaphore(%arg34 : memref<!tpu.dma_semaphore, #tpu.memory_space<semaphore_mem>>)
      } else {
      }
      %mul3A_395 = arith.constant 8 : i32
      %mul3A_396 = arith.muli %mul3A_395, %scan3A_228 : i32
      %add3A_397 = arith.constant 5 : i32
      %add3A_398 = arith.addi %mul3A_396, %add3A_397 : i32
      %add3A_399 = arith.constant 5 : i32
      %add3A_400 = arith.addi %add3A_398, %add3A_399 : i32
      %dma_wait3A_401 = arith.constant 0 : i32
      %dma_wait3A_402 = arith.constant 0 : i32
      %dma_wait3A_403 = tpu.memref_slice %arg2[%dma_wait3A_401, %dma_wait3A_402] : memref<10000x128xf32, #tpu.memory_space<hbm>> -> memref<10000x128xf32, #tpu.memory_space<hbm>>
      tpu.wait_indirect_dma semaphore(%arg36 : memref<!tpu.dma_semaphore, #tpu.memory_space<semaphore_mem>>) src(%dma_wait3A_403 : memref<10000x128xf32, #tpu.memory_space<hbm>>) dst(%arg20 : memref<80x128xf32, #tpu.memory_space<vmem>>)
      %dma_wait3A_404 = arith.constant 0 : i32
      %dma_wait3A_405 = tpu.memref_slice %arg3[%dma_wait3A_404] : memref<640000xi32, #tpu.memory_space<hbm>> -> memref<80xi32, #tpu.memory_space<hbm>>
      %dma_wait3A_406 = arith.constant 0 : i32
      %dma_wait3A_407 = tpu.memref_slice %arg3[%dma_wait3A_406] : memref<640000xi32, #tpu.memory_space<hbm>> -> memref<80xi32, #tpu.memory_space<hbm>>
      tpu.wait_dma2 semaphore(%arg32 : memref<!tpu.dma_semaphore, #tpu.memory_space<semaphore_mem>>) src(%dma_wait3A_407 : memref<80xi32, #tpu.memory_space<hbm>>) dst(%arg16 : memref<80xi32, #tpu.memory_space<vmem>>)
      %dma_start3A_408 = arith.constant 0 : i32
      %dma_start3A_409 = arith.constant 0 : i32
      %dma_start3A_410 = tpu.memref_slice %arg5[%dma_start3A_408, %dma_start3A_409] : memref<10000x128xf32, #tpu.memory_space<vmem_shared>> -> memref<10000x128xf32, #tpu.memory_space<vmem_shared>>
      tpu.enqueue_indirect_dma source(%arg20 : memref<80x128xf32, #tpu.memory_space<vmem>>) target(%dma_start3A_410 : memref<10000x128xf32, #tpu.memory_space<vmem_shared>>) offsets(%arg16 : memref<80xi32, #tpu.memory_space<vmem>>) semaphore(%arg40 : memref<!tpu.dma_semaphore, #tpu.memory_space<semaphore_mem>>) {add = true}
      %dma_wait3A_411 = arith.constant 0 : i32
      %dma_wait3A_412 = arith.constant 0 : i32
      %dma_wait3A_413 = tpu.memref_slice %arg5[%dma_wait3A_411, %dma_wait3A_412] : memref<10000x128xf32, #tpu.memory_space<vmem_shared>> -> memref<10000x128xf32, #tpu.memory_space<vmem_shared>>
      tpu.wait_indirect_dma semaphore(%arg39 : memref<!tpu.dma_semaphore, #tpu.memory_space<semaphore_mem>>) src(%arg19 : memref<80x128xf32, #tpu.memory_space<vmem>>) dst(%dma_wait3A_413 : memref<10000x128xf32, #tpu.memory_space<vmem_shared>>)
      %add3A_414 = arith.constant 4 : i32
      %add3A_415 = arith.addi %add3A_400, %add3A_414 : i32
      %lt3A_416 = arith.constant 125 : i32
      %lt3A_417 = arith.cmpi slt, %add3A_415, %lt3A_416 : i32
      %convert_element_type3A_418 = arith.extui %lt3A_417 : i1 to i32
      %cond3A_419 = arith.constant 0 : i32
      %cond3A_420 = arith.cmpi ne, %convert_element_type3A_418, %cond3A_419 : i32
      scf.if %cond3A_420 {
        %add3A_495 = arith.constant 4 : i32
        %add3A_496 = arith.addi %add3A_400, %add3A_495 : i32
        %mul3A_497 = arith.constant 80 : i32
        %mul3A_498 = arith.muli %add3A_496, %mul3A_497 : i32
        %add3A_499 = arith.addi %mul3A_2, %mul3A_498 : i32
        %dma_start3A_500 = tpu.memref_slice %arg3[%add3A_499] : memref<640000xi32, #tpu.memory_space<hbm>> -> memref<80xi32, #tpu.memory_space<hbm>>
        %dma_start3A_501 = tpu.memref_slice %arg3[%add3A_499] : memref<640000xi32, #tpu.memory_space<hbm>> -> memref<80xi32, #tpu.memory_space<hbm>>
        tpu.enqueue_dma source(%dma_start3A_501 : memref<80xi32, #tpu.memory_space<hbm>>) target(%arg12 : memref<80xi32, #tpu.memory_space<vmem>>) target_semaphore(%arg28 : memref<!tpu.dma_semaphore, #tpu.memory_space<semaphore_mem>>)
      } else {
      }
      %add3A_421 = arith.constant 3 : i32
      %add3A_422 = arith.addi %add3A_400, %add3A_421 : i32
      %lt3A_423 = arith.constant 125 : i32
      %lt3A_424 = arith.cmpi slt, %add3A_422, %lt3A_423 : i32
      %convert_element_type3A_425 = arith.extui %lt3A_424 : i1 to i32
      %cond3A_426 = arith.constant 0 : i32
      %cond3A_427 = arith.cmpi ne, %convert_element_type3A_425, %cond3A_426 : i32
      scf.if %cond3A_427 {
        %add3A_495 = arith.constant 3 : i32
        %add3A_496 = arith.addi %add3A_400, %add3A_495 : i32
        %add3A_497 = arith.constant 320000 : i32
        %add3A_498 = arith.addi %add3A_497, %mul3A_2 : i32
        %mul3A_499 = arith.constant 80 : i32
        %mul3A_500 = arith.muli %add3A_496, %mul3A_499 : i32
        %add3A_501 = arith.addi %add3A_498, %mul3A_500 : i32
        %dma_start3A_502 = tpu.memref_slice %arg3[%add3A_501] : memref<640000xi32, #tpu.memory_space<hbm>> -> memref<80xi32, #tpu.memory_space<hbm>>
        %dma_start3A_503 = tpu.memref_slice %arg3[%add3A_501] : memref<640000xi32, #tpu.memory_space<hbm>> -> memref<80xi32, #tpu.memory_space<hbm>>
        tpu.enqueue_dma source(%dma_start3A_503 : memref<80xi32, #tpu.memory_space<hbm>>) target(%arg15 : memref<80xi32, #tpu.memory_space<vmem>>) target_semaphore(%arg31 : memref<!tpu.dma_semaphore, #tpu.memory_space<semaphore_mem>>)
        %dma_wait3A_504 = arith.constant 0 : i32
        %dma_wait3A_505 = tpu.memref_slice %arg3[%dma_wait3A_504] : memref<640000xi32, #tpu.memory_space<hbm>> -> memref<80xi32, #tpu.memory_space<hbm>>
        %dma_wait3A_506 = arith.constant 0 : i32
        %dma_wait3A_507 = tpu.memref_slice %arg3[%dma_wait3A_506] : memref<640000xi32, #tpu.memory_space<hbm>> -> memref<80xi32, #tpu.memory_space<hbm>>
        tpu.wait_dma2 semaphore(%arg27 : memref<!tpu.dma_semaphore, #tpu.memory_space<semaphore_mem>>) src(%dma_wait3A_507 : memref<80xi32, #tpu.memory_space<hbm>>) dst(%arg11 : memref<80xi32, #tpu.memory_space<vmem>>)
        %dma_start3A_508 = arith.constant 0 : i32
        %dma_start3A_509 = arith.constant 0 : i32
        %dma_start3A_510 = tpu.memref_slice %arg2[%dma_start3A_508, %dma_start3A_509] : memref<10000x128xf32, #tpu.memory_space<hbm>> -> memref<10000x128xf32, #tpu.memory_space<hbm>>
        tpu.enqueue_indirect_dma source(%dma_start3A_510 : memref<10000x128xf32, #tpu.memory_space<hbm>>) target(%arg19 : memref<80x128xf32, #tpu.memory_space<vmem>>) offsets(%arg11 : memref<80xi32, #tpu.memory_space<vmem>>) semaphore(%arg35 : memref<!tpu.dma_semaphore, #tpu.memory_space<semaphore_mem>>)
      } else {
      }
      %mul3A_428 = arith.constant 8 : i32
      %mul3A_429 = arith.muli %mul3A_428, %scan3A_228 : i32
      %add3A_430 = arith.constant 5 : i32
      %add3A_431 = arith.addi %mul3A_429, %add3A_430 : i32
      %add3A_432 = arith.constant 6 : i32
      %add3A_433 = arith.addi %add3A_431, %add3A_432 : i32
      %dma_wait3A_434 = arith.constant 0 : i32
      %dma_wait3A_435 = arith.constant 0 : i32
      %dma_wait3A_436 = tpu.memref_slice %arg2[%dma_wait3A_434, %dma_wait3A_435] : memref<10000x128xf32, #tpu.memory_space<hbm>> -> memref<10000x128xf32, #tpu.memory_space<hbm>>
      tpu.wait_indirect_dma semaphore(%arg37 : memref<!tpu.dma_semaphore, #tpu.memory_space<semaphore_mem>>) src(%dma_wait3A_436 : memref<10000x128xf32, #tpu.memory_space<hbm>>) dst(%arg21 : memref<80x128xf32, #tpu.memory_space<vmem>>)
      %dma_wait3A_437 = arith.constant 0 : i32
      %dma_wait3A_438 = tpu.memref_slice %arg3[%dma_wait3A_437] : memref<640000xi32, #tpu.memory_space<hbm>> -> memref<80xi32, #tpu.memory_space<hbm>>
      %dma_wait3A_439 = arith.constant 0 : i32
      %dma_wait3A_440 = tpu.memref_slice %arg3[%dma_wait3A_439] : memref<640000xi32, #tpu.memory_space<hbm>> -> memref<80xi32, #tpu.memory_space<hbm>>
      tpu.wait_dma2 semaphore(%arg33 : memref<!tpu.dma_semaphore, #tpu.memory_space<semaphore_mem>>) src(%dma_wait3A_440 : memref<80xi32, #tpu.memory_space<hbm>>) dst(%arg17 : memref<80xi32, #tpu.memory_space<vmem>>)
      %dma_start3A_441 = arith.constant 0 : i32
      %dma_start3A_442 = arith.constant 0 : i32
      %dma_start3A_443 = tpu.memref_slice %arg5[%dma_start3A_441, %dma_start3A_442] : memref<10000x128xf32, #tpu.memory_space<vmem_shared>> -> memref<10000x128xf32, #tpu.memory_space<vmem_shared>>
      tpu.enqueue_indirect_dma source(%arg21 : memref<80x128xf32, #tpu.memory_space<vmem>>) target(%dma_start3A_443 : memref<10000x128xf32, #tpu.memory_space<vmem_shared>>) offsets(%arg17 : memref<80xi32, #tpu.memory_space<vmem>>) semaphore(%arg41 : memref<!tpu.dma_semaphore, #tpu.memory_space<semaphore_mem>>) {add = true}
      %dma_wait3A_444 = arith.constant 0 : i32
      %dma_wait3A_445 = arith.constant 0 : i32
      %dma_wait3A_446 = tpu.memref_slice %arg5[%dma_wait3A_444, %dma_wait3A_445] : memref<10000x128xf32, #tpu.memory_space<vmem_shared>> -> memref<10000x128xf32, #tpu.memory_space<vmem_shared>>
      tpu.wait_indirect_dma semaphore(%arg40 : memref<!tpu.dma_semaphore, #tpu.memory_space<semaphore_mem>>) src(%arg20 : memref<80x128xf32, #tpu.memory_space<vmem>>) dst(%dma_wait3A_446 : memref<10000x128xf32, #tpu.memory_space<vmem_shared>>)
      %add3A_447 = arith.constant 4 : i32
      %add3A_448 = arith.addi %add3A_433, %add3A_447 : i32
      %lt3A_449 = arith.constant 125 : i32
      %lt3A_450 = arith.cmpi slt, %add3A_448, %lt3A_449 : i32
      %convert_element_type3A_451 = arith.extui %lt3A_450 : i1 to i32
      %cond3A_452 = arith.constant 0 : i32
      %cond3A_453 = arith.cmpi ne, %convert_element_type3A_451, %cond3A_452 : i32
      scf.if %cond3A_453 {
        %add3A_495 = arith.constant 4 : i32
        %add3A_496 = arith.addi %add3A_433, %add3A_495 : i32
        %mul3A_497 = arith.constant 80 : i32
        %mul3A_498 = arith.muli %add3A_496, %mul3A_497 : i32
        %add3A_499 = arith.addi %mul3A_2, %mul3A_498 : i32
        %dma_start3A_500 = tpu.memref_slice %arg3[%add3A_499] : memref<640000xi32, #tpu.memory_space<hbm>> -> memref<80xi32, #tpu.memory_space<hbm>>
        %dma_start3A_501 = tpu.memref_slice %arg3[%add3A_499] : memref<640000xi32, #tpu.memory_space<hbm>> -> memref<80xi32, #tpu.memory_space<hbm>>
        tpu.enqueue_dma source(%dma_start3A_501 : memref<80xi32, #tpu.memory_space<hbm>>) target(%arg13 : memref<80xi32, #tpu.memory_space<vmem>>) target_semaphore(%arg29 : memref<!tpu.dma_semaphore, #tpu.memory_space<semaphore_mem>>)
      } else {
      }
      %add3A_454 = arith.constant 3 : i32
      %add3A_455 = arith.addi %add3A_433, %add3A_454 : i32
      %lt3A_456 = arith.constant 125 : i32
      %lt3A_457 = arith.cmpi slt, %add3A_455, %lt3A_456 : i32
      %convert_element_type3A_458 = arith.extui %lt3A_457 : i1 to i32
      %cond3A_459 = arith.constant 0 : i32
      %cond3A_460 = arith.cmpi ne, %convert_element_type3A_458, %cond3A_459 : i32
      scf.if %cond3A_460 {
        %add3A_495 = arith.constant 3 : i32
        %add3A_496 = arith.addi %add3A_433, %add3A_495 : i32
        %add3A_497 = arith.constant 320000 : i32
        %add3A_498 = arith.addi %add3A_497, %mul3A_2 : i32
        %mul3A_499 = arith.constant 80 : i32
        %mul3A_500 = arith.muli %add3A_496, %mul3A_499 : i32
        %add3A_501 = arith.addi %add3A_498, %mul3A_500 : i32
        %dma_start3A_502 = tpu.memref_slice %arg3[%add3A_501] : memref<640000xi32, #tpu.memory_space<hbm>> -> memref<80xi32, #tpu.memory_space<hbm>>
        %dma_start3A_503 = tpu.memref_slice %arg3[%add3A_501] : memref<640000xi32, #tpu.memory_space<hbm>> -> memref<80xi32, #tpu.memory_space<hbm>>
        tpu.enqueue_dma source(%dma_start3A_503 : memref<80xi32, #tpu.memory_space<hbm>>) target(%arg16 : memref<80xi32, #tpu.memory_space<vmem>>) target_semaphore(%arg32 : memref<!tpu.dma_semaphore, #tpu.memory_space<semaphore_mem>>)
        %dma_wait3A_504 = arith.constant 0 : i32
        %dma_wait3A_505 = tpu.memref_slice %arg3[%dma_wait3A_504] : memref<640000xi32, #tpu.memory_space<hbm>> -> memref<80xi32, #tpu.memory_space<hbm>>
        %dma_wait3A_506 = arith.constant 0 : i32
        %dma_wait3A_507 = tpu.memref_slice %arg3[%dma_wait3A_506] : memref<640000xi32, #tpu.memory_space<hbm>> -> memref<80xi32, #tpu.memory_space<hbm>>
        tpu.wait_dma2 semaphore(%arg28 : memref<!tpu.dma_semaphore, #tpu.memory_space<semaphore_mem>>) src(%dma_wait3A_507 : memref<80xi32, #tpu.memory_space<hbm>>) dst(%arg12 : memref<80xi32, #tpu.memory_space<vmem>>)
        %dma_start3A_508 = arith.constant 0 : i32
        %dma_start3A_509 = arith.constant 0 : i32
        %dma_start3A_510 = tpu.memref_slice %arg2[%dma_start3A_508, %dma_start3A_509] : memref<10000x128xf32, #tpu.memory_space<hbm>> -> memref<10000x128xf32, #tpu.memory_space<hbm>>
        tpu.enqueue_indirect_dma source(%dma_start3A_510 : memref<10000x128xf32, #tpu.memory_space<hbm>>) target(%arg20 : memref<80x128xf32, #tpu.memory_space<vmem>>) offsets(%arg12 : memref<80xi32, #tpu.memory_space<vmem>>) semaphore(%arg36 : memref<!tpu.dma_semaphore, #tpu.memory_space<semaphore_mem>>)
      } else {
      }
      %mul3A_461 = arith.constant 8 : i32
      %mul3A_462 = arith.muli %mul3A_461, %scan3A_228 : i32
      %add3A_463 = arith.constant 5 : i32
      %add3A_464 = arith.addi %mul3A_462, %add3A_463 : i32
      %add3A_465 = arith.constant 7 : i32
      %add3A_466 = arith.addi %add3A_464, %add3A_465 : i32
      %dma_wait3A_467 = arith.constant 0 : i32
      %dma_wait3A_468 = arith.constant 0 : i32
      %dma_wait3A_469 = tpu.memref_slice %arg2[%dma_wait3A_467, %dma_wait3A_468] : memref<10000x128xf32, #tpu.memory_space<hbm>> -> memref<10000x128xf32, #tpu.memory_space<hbm>>
      tpu.wait_indirect_dma semaphore(%arg34 : memref<!tpu.dma_semaphore, #tpu.memory_space<semaphore_mem>>) src(%dma_wait3A_469 : memref<10000x128xf32, #tpu.memory_space<hbm>>) dst(%arg18 : memref<80x128xf32, #tpu.memory_space<vmem>>)
      %dma_wait3A_470 = arith.constant 0 : i32
      %dma_wait3A_471 = tpu.memref_slice %arg3[%dma_wait3A_470] : memref<640000xi32, #tpu.memory_space<hbm>> -> memref<80xi32, #tpu.memory_space<hbm>>
      %dma_wait3A_472 = arith.constant 0 : i32
      %dma_wait3A_473 = tpu.memref_slice %arg3[%dma_wait3A_472] : memref<640000xi32, #tpu.memory_space<hbm>> -> memref<80xi32, #tpu.memory_space<hbm>>
      tpu.wait_dma2 semaphore(%arg30 : memref<!tpu.dma_semaphore, #tpu.memory_space<semaphore_mem>>) src(%dma_wait3A_473 : memref<80xi32, #tpu.memory_space<hbm>>) dst(%arg14 : memref<80xi32, #tpu.memory_space<vmem>>)
      %dma_start3A_474 = arith.constant 0 : i32
      %dma_start3A_475 = arith.constant 0 : i32
      %dma_start3A_476 = tpu.memref_slice %arg5[%dma_start3A_474, %dma_start3A_475] : memref<10000x128xf32, #tpu.memory_space<vmem_shared>> -> memref<10000x128xf32, #tpu.memory_space<vmem_shared>>
      tpu.enqueue_indirect_dma source(%arg18 : memref<80x128xf32, #tpu.memory_space<vmem>>) target(%dma_start3A_476 : memref<10000x128xf32, #tpu.memory_space<vmem_shared>>) offsets(%arg14 : memref<80xi32, #tpu.memory_space<vmem>>) semaphore(%arg38 : memref<!tpu.dma_semaphore, #tpu.memory_space<semaphore_mem>>) {add = true}
      %dma_wait3A_477 = arith.constant 0 : i32
      %dma_wait3A_478 = arith.constant 0 : i32
      %dma_wait3A_479 = tpu.memref_slice %arg5[%dma_wait3A_477, %dma_wait3A_478] : memref<10000x128xf32, #tpu.memory_space<vmem_shared>> -> memref<10000x128xf32, #tpu.memory_space<vmem_shared>>
      tpu.wait_indirect_dma semaphore(%arg41 : memref<!tpu.dma_semaphore, #tpu.memory_space<semaphore_mem>>) src(%arg21 : memref<80x128xf32, #tpu.memory_space<vmem>>) dst(%dma_wait3A_479 : memref<10000x128xf32, #tpu.memory_space<vmem_shared>>)
      %add3A_480 = arith.constant 4 : i32
      %add3A_481 = arith.addi %add3A_466, %add3A_480 : i32
      %lt3A_482 = arith.constant 125 : i32
      %lt3A_483 = arith.cmpi slt, %add3A_481, %lt3A_482 : i32
      %convert_element_type3A_484 = arith.extui %lt3A_483 : i1 to i32
      %cond3A_485 = arith.constant 0 : i32
      %cond3A_486 = arith.cmpi ne, %convert_element_type3A_484, %cond3A_485 : i32
      scf.if %cond3A_486 {
        %add3A_495 = arith.constant 4 : i32
        %add3A_496 = arith.addi %add3A_466, %add3A_495 : i32
        %mul3A_497 = arith.constant 80 : i32
        %mul3A_498 = arith.muli %add3A_496, %mul3A_497 : i32
        %add3A_499 = arith.addi %mul3A_2, %mul3A_498 : i32
        %dma_start3A_500 = tpu.memref_slice %arg3[%add3A_499] : memref<640000xi32, #tpu.memory_space<hbm>> -> memref<80xi32, #tpu.memory_space<hbm>>
        %dma_start3A_501 = tpu.memref_slice %arg3[%add3A_499] : memref<640000xi32, #tpu.memory_space<hbm>> -> memref<80xi32, #tpu.memory_space<hbm>>
        tpu.enqueue_dma source(%dma_start3A_501 : memref<80xi32, #tpu.memory_space<hbm>>) target(%arg6 : memref<80xi32, #tpu.memory_space<vmem>>) target_semaphore(%arg22 : memref<!tpu.dma_semaphore, #tpu.memory_space<semaphore_mem>>)
      } else {
      }
      %add3A_487 = arith.constant 3 : i32
      %add3A_488 = arith.addi %add3A_466, %add3A_487 : i32
      %lt3A_489 = arith.constant 125 : i32
      %lt3A_490 = arith.cmpi slt, %add3A_488, %lt3A_489 : i32
      %convert_element_type3A_491 = arith.extui %lt3A_490 : i1 to i32
      %cond3A_492 = arith.constant 0 : i32
      %cond3A_493 = arith.cmpi ne, %convert_element_type3A_491, %cond3A_492 : i32
      scf.if %cond3A_493 {
        %add3A_495 = arith.constant 3 : i32
        %add3A_496 = arith.addi %add3A_466, %add3A_495 : i32
        %add3A_497 = arith.constant 320000 : i32
        %add3A_498 = arith.addi %add3A_497, %mul3A_2 : i32
        %mul3A_499 = arith.constant 80 : i32
        %mul3A_500 = arith.muli %add3A_496, %mul3A_499 : i32
        %add3A_501 = arith.addi %add3A_498, %mul3A_500 : i32
        %dma_start3A_502 = tpu.memref_slice %arg3[%add3A_501] : memref<640000xi32, #tpu.memory_space<hbm>> -> memref<80xi32, #tpu.memory_space<hbm>>
        %dma_start3A_503 = tpu.memref_slice %arg3[%add3A_501] : memref<640000xi32, #tpu.memory_space<hbm>> -> memref<80xi32, #tpu.memory_space<hbm>>
        tpu.enqueue_dma source(%dma_start3A_503 : memref<80xi32, #tpu.memory_space<hbm>>) target(%arg17 : memref<80xi32, #tpu.memory_space<vmem>>) target_semaphore(%arg33 : memref<!tpu.dma_semaphore, #tpu.memory_space<semaphore_mem>>)
        %dma_wait3A_504 = arith.constant 0 : i32
        %dma_wait3A_505 = tpu.memref_slice %arg3[%dma_wait3A_504] : memref<640000xi32, #tpu.memory_space<hbm>> -> memref<80xi32, #tpu.memory_space<hbm>>
        %dma_wait3A_506 = arith.constant 0 : i32
        %dma_wait3A_507 = tpu.memref_slice %arg3[%dma_wait3A_506] : memref<640000xi32, #tpu.memory_space<hbm>> -> memref<80xi32, #tpu.memory_space<hbm>>
        tpu.wait_dma2 semaphore(%arg29 : memref<!tpu.dma_semaphore, #tpu.memory_space<semaphore_mem>>) src(%dma_wait3A_507 : memref<80xi32, #tpu.memory_space<hbm>>) dst(%arg13 : memref<80xi32, #tpu.memory_space<vmem>>)
        %dma_start3A_508 = arith.constant 0 : i32
        %dma_start3A_509 = arith.constant 0 : i32
        %dma_start3A_510 = tpu.memref_slice %arg2[%dma_start3A_508, %dma_start3A_509] : memref<10000x128xf32, #tpu.memory_space<hbm>> -> memref<10000x128xf32, #tpu.memory_space<hbm>>
        tpu.enqueue_indirect_dma source(%dma_start3A_510 : memref<10000x128xf32, #tpu.memory_space<hbm>>) target(%arg21 : memref<80x128xf32, #tpu.memory_space<vmem>>) offsets(%arg13 : memref<80xi32, #tpu.memory_space<vmem>>) semaphore(%arg37 : memref<!tpu.dma_semaphore, #tpu.memory_space<semaphore_mem>>)
      } else {
      }
      %scan3A_494 = arith.constant 0 : i32
      scf.yield %scan3A_494 : i32
    }
    %scan3A_218 = arith.constant 15 : i32
    %dma_wait3A_219 = arith.constant 0 : i32
    %dma_wait3A_220 = arith.constant 0 : i32
    %dma_wait3A_221 = tpu.memref_slice %arg5[%dma_wait3A_219, %dma_wait3A_220] : memref<10000x128xf32, #tpu.memory_space<vmem_shared>> -> memref<10000x128xf32, #tpu.memory_space<vmem_shared>>
    tpu.wait_indirect_dma semaphore(%arg38 : memref<!tpu.dma_semaphore, #tpu.memory_space<semaphore_mem>>) src(%arg18 : memref<80x128xf32, #tpu.memory_space<vmem>>) dst(%dma_wait3A_221 : memref<10000x128xf32, #tpu.memory_space<vmem_shared>>)
    %barrier3A_222 = arith.constant 0 : index
    tpu.barrier barrier_id(%barrier3A_222)
    %lt3A_223 = arith.constant 10 : i32
    %lt3A_224 = arith.cmpi slt, %arg1, %lt3A_223 : i32
    %convert_element_type3A_225 = arith.extui %lt3A_224 : i1 to i32
    %cond3A_226 = arith.constant 0 : i32
    %cond3A_227 = arith.cmpi ne, %convert_element_type3A_225, %cond3A_226 : i32
    scf.if %cond3A_227 {
      %mul3A_228 = arith.constant 1000 : i32
      %mul3A_229 = arith.muli %arg1, %mul3A_228 : i32
      %mul3A_230 = arith.constant 1000 : i32
      %mul3A_231 = arith.muli %arg1, %mul3A_230 : i32
      "tpu.region"() ({
        %run_scoped3A = tpu.sem_alloc : memref<!tpu.dma_semaphore, #tpu.memory_space<semaphore_mem>>
        %dma_start3A_232 = arith.constant 0 : i32
        %dma_start3A_233 = tpu.memref_slice %arg4[%arg0, %mul3A_231, %dma_start3A_232] : memref<2x10000x128xf32, #tpu.memory_space<hbm>> -> memref<1x1000x128xf32, #tpu.memory_space<hbm>>
        %dma_start3A_234 = tpu.memref_squeeze %dma_start3A_233 : memref<1x1000x128xf32, #tpu.memory_space<hbm>> -> memref<1000x128xf32, #tpu.memory_space<hbm>>
        %dma_start3A_235 = arith.constant 0 : i32
        %dma_start3A_236 = tpu.memref_slice %arg5[%mul3A_229, %dma_start3A_235] : memref<10000x128xf32, #tpu.memory_space<vmem_shared>> -> memref<1000x128xf32, #tpu.memory_space<vmem_shared>>
        tpu.enqueue_dma source(%dma_start3A_236 : memref<1000x128xf32, #tpu.memory_space<vmem_shared>>) target(%dma_start3A_234 : memref<1000x128xf32, #tpu.memory_space<hbm>>) target_semaphore(%run_scoped3A : memref<!tpu.dma_semaphore, #tpu.memory_space<semaphore_mem>>)
        %dma_wait3A_237 = arith.constant 0 : i32
        %dma_wait3A_238 = tpu.memref_slice %arg4[%arg0, %mul3A_231, %dma_wait3A_237] : memref<2x10000x128xf32, #tpu.memory_space<hbm>> -> memref<1x1000x128xf32, #tpu.memory_space<hbm>>
        %dma_wait3A_239 = tpu.memref_squeeze %dma_wait3A_238 : memref<1x1000x128xf32, #tpu.memory_space<hbm>> -> memref<1000x128xf32, #tpu.memory_space<hbm>>
        %dma_wait3A_240 = arith.constant 0 : i32
        %dma_wait3A_241 = tpu.memref_slice %arg5[%mul3A_229, %dma_wait3A_240] : memref<10000x128xf32, #tpu.memory_space<vmem_shared>> -> memref<1000x128xf32, #tpu.memory_space<vmem_shared>>
        tpu.wait_dma2 semaphore(%run_scoped3A : memref<!tpu.dma_semaphore, #tpu.memory_space<semaphore_mem>>) src(%dma_wait3A_241 : memref<1000x128xf32, #tpu.memory_space<vmem_shared>>) dst(%dma_wait3A_239 : memref<1000x128xf32, #tpu.memory_space<hbm>>)
        tpu.yield
      }) : () -> ()
    } else {
    }
    return
  }
}

module attributes {stable_mosaic.version = 14 : i64} {
  func.func @_tc_mm_body(%arg0: i32, %arg1: memref<2000x128xf32, #tpu.memory_space<vmem>>, %arg2: memref<128x128xf32, #tpu.memory_space<vmem>>, %arg3: memref<2000x128xf32, #tpu.memory_space<vmem>>) attributes {dimension_semantics = [#tpu.dimension_semantics<arbitrary>], iteration_bounds = array<i64: 5>, scalar_prefetch = 0 : i64, scratch_operands = 0 : i64, tpu.core_type = #tpu.core_type<tc>, window_params = [{transform_indices = @transform_0, window_bounds = array<i64: 2000, 128>}, {pipeline_mode = #tpu.pipeline_mode<synchronous>, transform_indices = @transform_1, window_bounds = array<i64: 128, 128>}, {transform_indices = @transform_2, window_bounds = array<i64: 2000, 128>}]} {
    %get3A = arith.constant 0 : index
    %get3A_0 = arith.constant 0 : index
    %get3A_1 = vector.load %arg1[%get3A, %get3A_0] : memref<2000x128xf32, #tpu.memory_space<vmem>>, vector<2000x128xf32>
    %get3A_2 = arith.constant 0 : index
    %get3A_3 = arith.constant 0 : index
    %get3A_4 = vector.load %arg2[%get3A_2, %get3A_3] : memref<128x128xf32, #tpu.memory_space<vmem>>, vector<128x128xf32>
    %dot_general3A = arith.constant dense<0.000000e+00> : vector<2000x128xf32>
    %dot_general3A_5 = tpu.matmul %get3A_1, %get3A_4, %dot_general3A {dimension_numbers = #tpu.dot_dimension_numbers<[1], [1], [0], [0], [0, 0, 1, 0], [], []>, transpose_lhs_hint = false} : vector<2000x128xf32>, vector<128x128xf32>, vector<2000x128xf32> -> vector<2000x128xf32>
    %swap3A = arith.constant 0 : index
    %swap3A_6 = arith.constant 0 : index
    %swap3A_7 = vector.load %arg3[%swap3A, %swap3A_6] : memref<2000x128xf32, #tpu.memory_space<vmem>>, vector<2000x128xf32>
    tpu.vector_store %arg3[%swap3A, %swap3A_6], %dot_general3A_5 {strides = array<i32>} : memref<2000x128xf32, #tpu.memory_space<vmem>>, vector<2000x128xf32>,
    return
  }
  func.func @transform_0(%arg0: i32) -> (i32, i32) {
    %c0_i32 = arith.constant 0 : i32
    %c0_i32_0 = arith.constant 0 : i32
    return %arg0, %c0_i32 : i32, i32
  }
  func.func @transform_1(%arg0: i32) -> (i32, i32) {
    %c0_i32 = arith.constant 0 : i32
    %c0_i32_0 = arith.constant 0 : i32
    %c0_i32_1 = arith.constant 0 : i32
    return %c0_i32, %c0_i32_0 : i32, i32
  }
  func.func @transform_2(%arg0: i32) -> (i32, i32) {
    %c0_i32 = arith.constant 0 : i32
    %c0_i32_0 = arith.constant 0 : i32
    return %arg0, %c0_i32 : i32, i32
  }
}

module attributes {stable_mosaic.version = 14 : i64} {
  func.func @_tc_combine_body(%arg0: i32, %arg1: memref<2x2000x128xf32, #tpu.memory_space<vmem>>, %arg2: memref<2x2000x1xf32, #tpu.memory_space<vmem>>, %arg3: memref<2000x128xf32, #tpu.memory_space<vmem>>, %arg4: memref<128x128xf32, #tpu.memory_space<vmem>>, %arg5: memref<1x128xf32, #tpu.memory_space<vmem>>, %arg6: memref<2000x128xf32, #tpu.memory_space<vmem>>) attributes {dimension_semantics = [#tpu.dimension_semantics<arbitrary>], iteration_bounds = array<i64: 5>, scalar_prefetch = 0 : i64, scratch_operands = 0 : i64, tpu.core_type = #tpu.core_type<tc>, window_params = [{transform_indices = @transform_0, window_bounds = array<i64: 2, 2000, 128>}, {transform_indices = @transform_1, window_bounds = array<i64: 2, 2000, 1>}, {transform_indices = @transform_2, window_bounds = array<i64: 2000, 128>}, {pipeline_mode = #tpu.pipeline_mode<synchronous>, transform_indices = @transform_3, window_bounds = array<i64: 128, 128>}, {pipeline_mode = #tpu.pipeline_mode<synchronous>, transform_indices = @transform_4, window_bounds = array<i64: 1, 128>}, {transform_indices = @transform_5, window_bounds = array<i64: 2000, 128>}]} {
    %get3A = arith.constant 0 : index
    %get3A_0 = arith.constant 0 : index
    %get3A_1 = arith.constant 0 : index
    %get3A_2 = vector.load %arg2[%get3A, %get3A_0, %get3A_1] : memref<2x2000x1xf32, #tpu.memory_space<vmem>>, vector<1x2000x1xf32>
    %get3A_3 = vector.shape_cast %get3A_2 : vector<1x2000x1xf32> to vector<2000x1xf32>
    %get3A_4 = arith.constant 1 : index
    %get3A_5 = arith.constant 0 : index
    %get3A_6 = arith.constant 0 : index
    %get3A_7 = vector.load %arg2[%get3A_4, %get3A_5, %get3A_6] : memref<2x2000x1xf32, #tpu.memory_space<vmem>>, vector<1x2000x1xf32>
    %get3A_8 = vector.shape_cast %get3A_7 : vector<1x2000x1xf32> to vector<2000x1xf32>
    %add3A = arith.addf %get3A_3, %get3A_8 : vector<2000x1xf32>
    %max3A = arith.constant 1.000000e+00 : f32
    %max3A_9 = vector.broadcast %max3A : f32 to vector<2000x1xf32>
    %max3A_10 = arith.maximumf %add3A, %max3A_9 : vector<2000x1xf32>
    %div3A = arith.constant 1.000000e+00 : f32
    %div3A_11 = vector.broadcast %div3A : f32 to vector<2000x1xf32>
    %div3A_12 = arith.divf %div3A_11, %max3A_10 : vector<2000x1xf32>
    %get3A_13 = arith.constant 0 : index
    %get3A_14 = arith.constant 0 : index
    %get3A_15 = arith.constant 0 : index
    %get3A_16 = vector.load %arg1[%get3A_13, %get3A_14, %get3A_15] : memref<2x2000x128xf32, #tpu.memory_space<vmem>>, vector<1x2000x128xf32>
    %get3A_17 = vector.shape_cast %get3A_16 : vector<1x2000x128xf32> to vector<2000x128xf32>
    %get3A_18 = arith.constant 1 : index
    %get3A_19 = arith.constant 0 : index
    %get3A_20 = arith.constant 0 : index
    %get3A_21 = vector.load %arg1[%get3A_18, %get3A_19, %get3A_20] : memref<2x2000x128xf32, #tpu.memory_space<vmem>>, vector<1x2000x128xf32>
    %get3A_22 = vector.shape_cast %get3A_21 : vector<1x2000x128xf32> to vector<2000x128xf32>
    %add3A_23 = arith.addf %get3A_17, %get3A_22 : vector<2000x128xf32>
    %mul3A = vector.broadcast %div3A_12 : vector<2000x1xf32> to vector<2000x128xf32>
    %mul3A_24 = arith.mulf %add3A_23, %mul3A : vector<2000x128xf32>
    %get3A_25 = arith.constant 0 : index
    %get3A_26 = arith.constant 0 : index
    %get3A_27 = vector.load %arg4[%get3A_25, %get3A_26] : memref<128x128xf32, #tpu.memory_space<vmem>>, vector<128x128xf32>
    %dot_general3A = arith.constant dense<0.000000e+00> : vector<2000x128xf32>
    %dot_general3A_28 = tpu.matmul %mul3A_24, %get3A_27, %dot_general3A {dimension_numbers = #tpu.dot_dimension_numbers<[1], [1], [0], [0], [0, 0, 1, 0], [], []>, transpose_lhs_hint = false} : vector<2000x128xf32>, vector<128x128xf32>, vector<2000x128xf32> -> vector<2000x128xf32>
    %get3A_29 = arith.constant 0 : index
    %get3A_30 = arith.constant 0 : index
    %get3A_31 = vector.load %arg3[%get3A_29, %get3A_30] : memref<2000x128xf32, #tpu.memory_space<vmem>>, vector<2000x128xf32>
    %add3A_32 = arith.addf %dot_general3A_28, %get3A_31 : vector<2000x128xf32>
    %get3A_33 = arith.constant 0 : index
    %get3A_34 = arith.constant 0 : index
    %get3A_35 = vector.load %arg5[%get3A_33, %get3A_34] : memref<1x128xf32, #tpu.memory_space<vmem>>, vector<1x128xf32>
    %add3A_36 = vector.broadcast %get3A_35 : vector<1x128xf32> to vector<2000x128xf32>
    %add3A_37 = arith.addf %add3A_32, %add3A_36 : vector<2000x128xf32>
    %max3A_38 = arith.constant 0.000000e+00 : f32
    %max3A_39 = vector.broadcast %max3A_38 : f32 to vector<2000x128xf32>
    %max3A_40 = arith.maximumf %add3A_37, %max3A_39 : vector<2000x128xf32>
    %swap3A = arith.constant 0 : index
    %swap3A_41 = arith.constant 0 : index
    %swap3A_42 = vector.load %arg6[%swap3A, %swap3A_41] : memref<2000x128xf32, #tpu.memory_space<vmem>>, vector<2000x128xf32>
    tpu.vector_store %arg6[%swap3A, %swap3A_41], %max3A_40 {strides = array<i32>} : memref<2000x128xf32, #tpu.memory_space<vmem>>, vector<2000x128xf32>,
    return
  }
  func.func @transform_0(%arg0: i32) -> (i32, i32, i32) {
    %c0_i32 = arith.constant 0 : i32
    %c0_i32_0 = arith.constant 0 : i32
    %c0_i32_1 = arith.constant 0 : i32
    return %c0_i32, %arg0, %c0_i32_0 : i32, i32, i32
  }
  func.func @transform_1(%arg0: i32) -> (i32, i32, i32) {
    %c0_i32 = arith.constant 0 : i32
    %c0_i32_0 = arith.constant 0 : i32
    %c0_i32_1 = arith.constant 0 : i32
    return %c0_i32, %arg0, %c0_i32_0 : i32, i32, i32
  }
  func.func @transform_2(%arg0: i32) -> (i32, i32) {
    %c0_i32 = arith.constant 0 : i32
    %c0_i32_0 = arith.constant 0 : i32
    return %arg0, %c0_i32 : i32, i32
  }
  func.func @transform_3(%arg0: i32) -> (i32, i32) {
    %c0_i32 = arith.constant 0 : i32
    %c0_i32_0 = arith.constant 0 : i32
    %c0_i32_1 = arith.constant 0 : i32
    return %c0_i32, %c0_i32_0 : i32, i32
  }
  func.func @transform_4(%arg0: i32) -> (i32, i32) {
    %c0_i32 = arith.constant 0 : i32
    %c0_i32_0 = arith.constant 0 : i32
    %c0_i32_1 = arith.constant 0 : i32
    return %c0_i32, %c0_i32_0 : i32, i32
  }
  func.func @transform_5(%arg0: i32) -> (i32, i32) {
    %c0_i32 = arith.constant 0 : i32
    %c0_i32_0 = arith.constant 0 : i32
    return %arg0, %c0_i32 : i32, i32
  }
}

module attributes {stable_mosaic.version = 14 : i64} {
  func.func @_tc_combine_body(%arg0: i32, %arg1: memref<2x2000x128xf32, #tpu.memory_space<vmem>>, %arg2: memref<2x2000x1xf32, #tpu.memory_space<vmem>>, %arg3: memref<2000x128xf32, #tpu.memory_space<vmem>>, %arg4: memref<128x128xf32, #tpu.memory_space<vmem>>, %arg5: memref<1x128xf32, #tpu.memory_space<vmem>>, %arg6: memref<2000x128xf32, #tpu.memory_space<vmem>>) attributes {dimension_semantics = [#tpu.dimension_semantics<arbitrary>], iteration_bounds = array<i64: 5>, scalar_prefetch = 0 : i64, scratch_operands = 0 : i64, tpu.core_type = #tpu.core_type<tc>, window_params = [{transform_indices = @transform_0, window_bounds = array<i64: 2, 2000, 128>}, {transform_indices = @transform_1, window_bounds = array<i64: 2, 2000, 1>}, {transform_indices = @transform_2, window_bounds = array<i64: 2000, 128>}, {pipeline_mode = #tpu.pipeline_mode<synchronous>, transform_indices = @transform_3, window_bounds = array<i64: 128, 128>}, {pipeline_mode = #tpu.pipeline_mode<synchronous>, transform_indices = @transform_4, window_bounds = array<i64: 1, 128>}, {transform_indices = @transform_5, window_bounds = array<i64: 2000, 128>}]} {
    %get3A = arith.constant 0 : index
    %get3A_0 = arith.constant 0 : index
    %get3A_1 = arith.constant 0 : index
    %get3A_2 = vector.load %arg2[%get3A, %get3A_0, %get3A_1] : memref<2x2000x1xf32, #tpu.memory_space<vmem>>, vector<1x2000x1xf32>
    %get3A_3 = vector.shape_cast %get3A_2 : vector<1x2000x1xf32> to vector<2000x1xf32>
    %get3A_4 = arith.constant 1 : index
    %get3A_5 = arith.constant 0 : index
    %get3A_6 = arith.constant 0 : index
    %get3A_7 = vector.load %arg2[%get3A_4, %get3A_5, %get3A_6] : memref<2x2000x1xf32, #tpu.memory_space<vmem>>, vector<1x2000x1xf32>
    %get3A_8 = vector.shape_cast %get3A_7 : vector<1x2000x1xf32> to vector<2000x1xf32>
    %add3A = arith.addf %get3A_3, %get3A_8 : vector<2000x1xf32>
    %max3A = arith.constant 1.000000e+00 : f32
    %max3A_9 = vector.broadcast %max3A : f32 to vector<2000x1xf32>
    %max3A_10 = arith.maximumf %add3A, %max3A_9 : vector<2000x1xf32>
    %div3A = arith.constant 1.000000e+00 : f32
    %div3A_11 = vector.broadcast %div3A : f32 to vector<2000x1xf32>
    %div3A_12 = arith.divf %div3A_11, %max3A_10 : vector<2000x1xf32>
    %get3A_13 = arith.constant 0 : index
    %get3A_14 = arith.constant 0 : index
    %get3A_15 = arith.constant 0 : index
    %get3A_16 = vector.load %arg1[%get3A_13, %get3A_14, %get3A_15] : memref<2x2000x128xf32, #tpu.memory_space<vmem>>, vector<1x2000x128xf32>
    %get3A_17 = vector.shape_cast %get3A_16 : vector<1x2000x128xf32> to vector<2000x128xf32>
    %get3A_18 = arith.constant 1 : index
    %get3A_19 = arith.constant 0 : index
    %get3A_20 = arith.constant 0 : index
    %get3A_21 = vector.load %arg1[%get3A_18, %get3A_19, %get3A_20] : memref<2x2000x128xf32, #tpu.memory_space<vmem>>, vector<1x2000x128xf32>
    %get3A_22 = vector.shape_cast %get3A_21 : vector<1x2000x128xf32> to vector<2000x128xf32>
    %add3A_23 = arith.addf %get3A_17, %get3A_22 : vector<2000x128xf32>
    %mul3A = vector.broadcast %div3A_12 : vector<2000x1xf32> to vector<2000x128xf32>
    %mul3A_24 = arith.mulf %add3A_23, %mul3A : vector<2000x128xf32>
    %get3A_25 = arith.constant 0 : index
    %get3A_26 = arith.constant 0 : index
    %get3A_27 = vector.load %arg4[%get3A_25, %get3A_26] : memref<128x128xf32, #tpu.memory_space<vmem>>, vector<128x128xf32>
    %dot_general3A = arith.constant dense<0.000000e+00> : vector<2000x128xf32>
    %dot_general3A_28 = tpu.matmul %mul3A_24, %get3A_27, %dot_general3A {dimension_numbers = #tpu.dot_dimension_numbers<[1], [1], [0], [0], [0, 0, 1, 0], [], []>, transpose_lhs_hint = false} : vector<2000x128xf32>, vector<128x128xf32>, vector<2000x128xf32> -> vector<2000x128xf32>
    %get3A_29 = arith.constant 0 : index
    %get3A_30 = arith.constant 0 : index
    %get3A_31 = vector.load %arg3[%get3A_29, %get3A_30] : memref<2000x128xf32, #tpu.memory_space<vmem>>, vector<2000x128xf32>
    %add3A_32 = arith.addf %dot_general3A_28, %get3A_31 : vector<2000x128xf32>
    %get3A_33 = arith.constant 0 : index
    %get3A_34 = arith.constant 0 : index
    %get3A_35 = vector.load %arg5[%get3A_33, %get3A_34] : memref<1x128xf32, #tpu.memory_space<vmem>>, vector<1x128xf32>
    %add3A_36 = vector.broadcast %get3A_35 : vector<1x128xf32> to vector<2000x128xf32>
    %add3A_37 = arith.addf %add3A_32, %add3A_36 : vector<2000x128xf32>
    %swap3A = arith.constant 0 : index
    %swap3A_38 = arith.constant 0 : index
    %swap3A_39 = vector.load %arg6[%swap3A, %swap3A_38] : memref<2000x128xf32, #tpu.memory_space<vmem>>, vector<2000x128xf32>
    tpu.vector_store %arg6[%swap3A, %swap3A_38], %add3A_37 {strides = array<i32>} : memref<2000x128xf32, #tpu.memory_space<vmem>>, vector<2000x128xf32>,
    return
  }
  func.func @transform_0(%arg0: i32) -> (i32, i32, i32) {
    %c0_i32 = arith.constant 0 : i32
    %c0_i32_0 = arith.constant 0 : i32
    %c0_i32_1 = arith.constant 0 : i32
    return %c0_i32, %arg0, %c0_i32_0 : i32, i32, i32
  }
  func.func @transform_1(%arg0: i32) -> (i32, i32, i32) {
    %c0_i32 = arith.constant 0 : i32
    %c0_i32_0 = arith.constant 0 : i32
    %c0_i32_1 = arith.constant 0 : i32
    return %c0_i32, %arg0, %c0_i32_0 : i32, i32, i32
  }
  func.func @transform_2(%arg0: i32) -> (i32, i32) {
    %c0_i32 = arith.constant 0 : i32
    %c0_i32_0 = arith.constant 0 : i32
    return %arg0, %c0_i32 : i32, i32
  }
  func.func @transform_3(%arg0: i32) -> (i32, i32) {
    %c0_i32 = arith.constant 0 : i32
    %c0_i32_0 = arith.constant 0 : i32
    %c0_i32_1 = arith.constant 0 : i32
    return %c0_i32, %c0_i32_0 : i32, i32
  }
  func.func @transform_4(%arg0: i32) -> (i32, i32) {
    %c0_i32 = arith.constant 0 : i32
    %c0_i32_0 = arith.constant 0 : i32
    %c0_i32_1 = arith.constant 0 : i32
    return %c0_i32, %c0_i32_0 : i32, i32
  }
  func.func @transform_5(%arg0: i32) -> (i32, i32) {
    %c0_i32 = arith.constant 0 : i32
    %c0_i32_0 = arith.constant 0 : i32
    return %arg0, %c0_i32 : i32, i32
  }
}

</mosaic_0001>

<sc_bundles>
// kernel: kernel.11.cloned.1.call-start
scs
__scs_entry_jumppad:
0x0: {  	(pc) =	sbr.rel $0x88, $3  }
0x1: {  	(tag) =	ssettag $0x0;
	lr =	simm.s32 $0x1  }
0x2: {  	[smem:$0x3F99] =	sst lr;
	_ =	strace $0xD0000000  }
0x3: {  	_ = 	snop  }
0x4: {  	_ = 	snop  }
0x5: {  	_ = 	snop  }
0x6: {  	_ = 	snop  }
0x7: {  	_ = 	snop  }
__scs_overlays_trampoline_lowered:
0x8: {  	[smem:$0x3FA8] =	sst s0  }
0x9: {  	[smem:$0x3FA9] =	sst s1  }
0xa: {  	[smem:$0x3FAA] =	sst s2  }
0xb: {  	[smem:$0x3FAB] =	sst s3  }
0xc: {  	[smem:$0x3FAC] =	sst s4  }
0xd: {  	[smem:$0x3FAD] =	sst s5  }
0xe: {  	[smem:$0x3FAE] =	sst s6  }
0xf: {  	[smem:$0x3FAF] =	sst s7  }
0x10: {  	[smem:$0x3FB0] =	sst s8  }
0x11: {  	[smem:$0x3FB1] =	sst s9;
	s0 =	simm.s32 @!p0 $0x0  }
0x12: {  	s1 =	sld [smem:$0x3F97];
	s0 =	simm.s32 @p0 $0x1  }
0x13: {  	[smem:$0x3FB2] =	sst s0;
	s0 =	simm.s32 @!p1 $0x0  }
0x14: {  	s2 =	sld [smem:$0x3F96];
	s0 =	simm.s32 @p1 $0x1  }
0x15: {  	[smem:$0x3FB3] =	sst s0;
	s0 =	simm.s32 @!p2 $0x0  }
0x16: {  	s3 =	sld [smem:$0x3FDB];
	s0 =	simm.s32 @p2 $0x1  }
0x17: {  	s4 =	simm.s32 $0x1BF5;
	[smem:$0x3FB5] =	sst s0  }
0x18: {  	s0 =	sld [smem:$0x3F98];
	_ =	swait.ge [sflag:s4], $0x0  }
0x19: {  	s7 =	sld [smem:$0x3F99]  }
0x1a: {  	s8 =	sadd.s32 $0xFFFFE003, lr  }
0x1b: {  	s9 =	sadd.s32 $0xFFFFFEF7, lr;
	s5 =	simm.s32 $0xFFFFFFFF;
	p2 =	slt.u32 s8, $0xFFFFF086  }
0x1c: {  	p1 =	slt.u32 s9, $0xF7A;
	s5 =	simm.s32 @!p2 $0x0  }
0x1d: {  	s5 =	simm.s32 @p1 $0x1;
	p0 =	seq.s32 s7, s2  }
0x1e: {  	s7 =	smul.u32 @!p0 $0xF7A, s2;
	p2 =	seq.s32 @!p0 s5, $0x0  }
0x1f: {  	s9 =	smul.u32 $0xF7A, s1;
	s8 =	simm.s32 @!p0 $0x1BF5;
	p2 =	por !p2, p0  }
0x20: {  	[sflag:s8] =	ssyncset.s32 @!p0 $0xFFFFF086;
	s6 =	sadd.s32 @!p0 s3, s7;
	s7 =	simm.s32 @!p0 $0x108  }
0x21: {  	s3 =	sadd.s32 s3, s9;
	s6 =	sadd.s32 @!p0 $0x88, s6;
	s7 =	simm.s32 @p2 $0x1082  }
0x22: {  	[simem:s7], [sflag:s8] =	dma.local @!p0 [hbm:s6], $0xF7A  }
0x23: {  	s9 =	sor.u32 $0xD0000000, s2;
	s6 =	simm.s32 $0x108;
	_ =	swait.ge @!p0 [sflag:s8], $0x0  }
0x24: {  	s3 =	sadd.s32 $0x88, s3;
	s6 =	simm.s32 @!p1 $0x1082;
	[sflag:s4] =	ssyncset.s32 $0xFFFFF086  }
0x25: {  	[simem:s6], [sflag:s4] =	dma.local [hbm:s3], $0xF7A  }
0x26: {  	[smem:$0x3F99] =	sst s1;
	(tag) =	ssettag s2;
	_ =	strace s9  }
0x27: {  	s1 =	sld [smem:$0x3FA9]  }
0x28: {  	s2 =	sld [smem:$0x3FAA]  }
0x29: {  	s4 =	sld [smem:$0x3FAC]  }
0x2a: {  	p0 =	seq.s32 s5, $0x0;
	s5 =	sld [smem:$0x3FAD]  }
0x2b: {  	s6 =	sld [smem:$0x3FAE]  }
0x2c: {  	s7 =	sld [smem:$0x3FAF]  }
0x2d: {  	s3 =	simm.s32 $0x108;
	s8 =	sld [smem:$0x3FB0]  }
0x2e: {  	s3 =	simm.s32 @!p0 $0x1082;
	s9 =	sld [smem:$0x3FB1]  }
0x2f: {  	lr =	sadd.s32 s0, s3;
	s0 =	sld [smem:$0x3FA8]  }
0x30: {  	s3 =	sld [smem:$0x3FAB]  }
0x31: {  	[smem:$0x3FB4] =	sst s10  }
0x32: {  	s10 =	sld [smem:$0x3FB2];
	_ =	sdelay $0x3  }
0x33: {  	p0 =	seq.s32 s10, $0x1;
	s10 =	sld [smem:$0x3FB4];
	_ =	sdelay $0x3  }
0x34: {  	[smem:$0x3FB4] =	sst s10  }
0x35: {  	s10 =	sld [smem:$0x3FB3];
	_ =	sdelay $0x3  }
0x36: {  	p1 =	seq.s32 s10, $0x1;
	s10 =	sld [smem:$0x3FB4];
	_ =	sdelay $0x3  }
0x37: {  	[smem:$0x3FB4] =	sst s10  }
0x38: {  	s10 =	sld [smem:$0x3FB5]  }
0x39: {  	_ = 	snop;
	(pc) =	sbr.ind lr, $3  }
0x3a: {  	_ = 	snop  }
0x3b: {  	_ = 	snop  }
0x3c: {  	p2 =	seq.s32 s10, $0x1;
	s10 =	sld [smem:$0x3FB4]  }
0x3d: {  	_ =	shalt  }
0x3e: {  	_ =	shalt  }
0x3f: {  	_ =	shalt  }
0x40: {  	_ =	shalt  }
0x41: {  	_ =	shalt  }
0x42: {  	_ =	shalt  }
0x43: {  	_ =	shalt  }
0x44: {  	_ =	shalt  }
0x45: {  	_ =	shalt  }
0x46: {  	_ =	shalt  }
0x47: {  	_ =	shalt  }
0x48: {  	_ =	shalt  }
0x49: {  	_ =	shalt  }
0x4a: {  	_ =	shalt  }
0x4b: {  	_ =	shalt  }
0x4c: {  	_ =	shalt  }
0x4d: {  	_ =	shalt  }
0x4e: {  	_ =	shalt  }
0x4f: {  	_ =	shalt  }
0x50: {  	_ =	shalt  }
0x51: {  	_ =	shalt  }
0x52: {  	_ =	shalt  }
0x53: {  	_ =	shalt  }
0x54: {  	_ =	shalt  }
0x55: {  	_ =	shalt  }
0x56: {  	_ =	shalt  }
0x57: {  	_ =	shalt  }
0x58: {  	_ =	shalt  }
0x59: {  	_ =	shalt  }
0x5a: {  	_ =	shalt  }
0x5b: {  	_ =	shalt  }
0x5c: {  	_ =	shalt  }
0x5d: {  	_ =	shalt  }
0x5e: {  	_ =	shalt  }
0x5f: {  	_ =	shalt  }
0x60: {  	_ =	shalt  }
0x61: {  	_ =	shalt  }
0x62: {  	_ =	shalt  }
0x63: {  	_ =	shalt  }
0x64: {  	_ =	shalt  }
0x65: {  	_ =	shalt  }
0x66: {  	_ =	shalt  }
0x67: {  	_ =	shalt  }
0x68: {  	_ =	shalt  }
0x69: {  	_ =	shalt  }
0x6a: {  	_ =	shalt  }
0x6b: {  	_ =	shalt  }
0x6c: {  	_ =	shalt  }
0x6d: {  	_ =	shalt  }
0x6e: {  	_ =	shalt  }
0x6f: {  	_ =	shalt  }
0x70: {  	_ =	shalt  }
0x71: {  	_ =	shalt  }
0x72: {  	_ =	shalt  }
0x73: {  	_ =	shalt  }
0x74: {  	_ =	shalt  }
0x75: {  	_ =	shalt  }
0x76: {  	_ =	shalt  }
0x77: {  	_ =	shalt  }
0x78: {  	_ =	shalt  }
0x79: {  	_ =	shalt  }
0x7a: {  	_ =	shalt  }
0x7b: {  	_ =	shalt  }
0x7c: {  	_ =	shalt  }
0x7d: {  	_ =	shalt  }
0x7e: {  	_ =	shalt  }
0x7f: {  	_ =	shalt  }
0x80: {  	_ =	shalt  }
0x81: {  	_ =	shalt  }
0x82: {  	_ =	shalt  }
0x83: {  	_ =	shalt  }
0x84: {  	_ =	shalt  }
0x85: {  	_ =	shalt  }
0x86: {  	_ =	shalt  }
0x87: {  	_ =	shalt  }
.Lfunc_end0:
.L_simem_size_0:
called_computation.1_lowered:
.L_overlay_start_0:
0x88: {  	s2 =	sld [smem:$0x3FD9]  }
0x89: {  	s3 =	sld [smem:$0x3FFE];
	_ =	sdelay $0x1  }
0x8a: {  	s1 =	srdreg.scid  }
0x8b: {  	s0 =	sand.u32 $0x1, s1  }
0x8c: {  	s17 =	sshll.u32 s0, $0xA;
	s2 =	sadd.s32 s3, s2  }
0x8d: {  	s2 =	sadd.s32 s2, s17  }
0x8e: {  	[smem:$0x3FC0] =	sst s2  }
0x8f: {  	_ = 	snop  }
0x90: {  	s2 =	sld [smem:$0x3FD0];
	(tm) =	ssettm $0x1  }
0x91: {  	s18 =	sld [smem:$0x3FFB];
	_ =	sdelay $0x3  }
0x92: {  	_ =	strace s18  }
0x93: {  	s3 =	sld [smem:$0x3FFC];
	_ =	sdelay $0x3  }
0x94: {  	_ =	strace s3  }
0x95: {  	s3 =	sld [smem:$0x3FFD];
	_ =	sdelay $0x3  }
0x96: {  	_ =	strace s3  }
0x97: {  	_ =	strace $0x8FFFFFFF  }
0x98: {  	s19 =	sld [smem:$0x3FDB];
	_ =	sdelay $0x1  }
0x99: {  	s4 =	simm.s32 $_scs_section_size  }
0x9a: {  	s5 =	simm.s32 $_size__tile_overlayer_lowered;
	s6 =	simm.s32 $_tile_overlayer_lowered  }
0x9b: {  	s22 =	simm.s32 $0x1BFF;
	s21 =	sshll.u32 s6, $0x1;
	s3 =	sadd.s32 s4, s19  }
0x9c: {  	s7 =	simm.s32 $0x0;
	s20 =	sshll.u32 s5, $0x1;
	s5 =	sadd.s32 s21, s3  }
0x9d: {  	[timem:s7], [sflag:s22] =	dma.local [hbm:s5], s20  }
0x9e: {  	_ =	swait.ge [sflag:s22], s20  }
0x9f: {  	s4 =	ssub.s32 $0x0, s20;
	[sflag:s22] =	ssyncset.done $0x0  }
0xa0: {  	[sflag:s22] =	ssyncadd.s32 s4;
	_ =	sdelay $0x1  }
0xa1: {  	s23 =	simm.s32 $0x1B8B  }
0xa2: {  	_ =	swait.ge [sflag:s23], $0x1  }
0xa3: {  	[sflag:s23] =	ssyncset.done $0x0  }
0xa4: {  	s25 =	simm.s32 $0x1B8E;
	s24 =	sld [smem:$0x3FFE];
	[sflag:s23] =	ssyncadd.s32 $0xFFFFFFFF  }
0xa5: {  	s26 =	simm.s32 $execute0_lowered;
	[smem:$0x3FD2] =	sst s25  }
0xa6: {  	s5 =	sshll.u32 s26, $0x1;
	_ =	strace $0x80000049;
	[dreg:$0x1] =	wrdreg $0xFFFFFFFF  }
0xa7: {  	s28 =	simm.s32 $_size_execute0_lowered;
	s3 =	sadd.s32 s3, s5;
	[dreg:$0x0] =	wrdreg $0x0  }
0xa8: {  	s5 =	sshll.u32 s28, $0x1;
	[dreg:$0x2] =	wrdreg s3  }
0xa9: {  	[dreg:$0x3] =	wrdreg s5  }
0xaa: {  	[dreg:$0x4] =	wrdreg $0xC0  }
0xab: {  	_ =	task [dreg:s7], $0x5FFFF  }
0xac: {  	[dreg:$0x1] =	wrdreg $0xFFFFFFFF  }
0xad: {  	[dreg:$0x0] =	wrdreg $0x60  }
0xae: {  	[dreg:$0x2] =	wrdreg s2  }
0xaf: {  	[dreg:$0x3] =	wrdreg s24  }
0xb0: {  	[dreg:$0x4] =	wrdreg $0x0  }
0xb1: {  	[dreg:$0x5] =	wrdreg $0x9  }
0xb2: {  	_ =	task.clear_ibuf [dreg:s7], $0x6FFFF;
	_ =	strace $0x90000049  }
0xb3: {  	s29 =	simm.s32 $0x9;
	_ =	strace $0x8000004B  }
0xb4: {  	_ =	swait.ge [sflag:s29], $0x1  }
0xb5: {  	[sflag:s29] =	ssyncadd.s32 $0xFFFFFFFF  }
0xb6: {  	_ =	strace $0x9000004B  }
0xb7: {  	_ =	sfence  }
0xb8: {  	s30 =	sld [smem:$0x0];
	_ =	sdelay $0x2  }
0xb9: {  	s31 =	sshll.u32 s1, $0xD;
	s1 =	sshrl.u32 s1, $0x2  }
0xba: {  	s3 =	sand.u32 $0x4000, s31;
	s1 =	sadd.s32 s1, s30  }
0xbb: {  	s0 =	sor.u32 s3, s0;
	s1 =	sshll.u32 s1, $0x11  }
0xbc: {  	s0 =	sor.u32 s1, s0  }
0xbd: {  	s0 =	sadd.s32 $0x8F2B, s0  }
0xbe: {  	[sflag:s0] =	ssyncadd.remote.s32 $0x1  }
0xbf: {  	_ =	sfence.sel $0xFFFF  }
0xc0: {  	[dreg:$0x0] =	wrdreg $0xFFFFFFFF;
	(pc) =	sbr.abs _section_cstart, $3  }
0xc1: {  	[dreg:$0x1] =	wrdreg $0xFFFFFFFF  }
0xc2: {  	_ =	task.clear_ibuf [dreg:s7], $0x2FFFF;
	_ =	strace $0x9FFFFFFF  }
0xc3: {  	(tm) =	ssettm $0x7FFFFFFF  }
tec
execute0_lowered:
.L_overlay_start_1:
0x0: {  	(tag) =	ssettag $0x1  }
0x1: {  	s1 =	rddreg [dreg:$0x0]  }
0x2: {  	s3 =	rddreg [dreg:$0x1]  }
0x3: {  	s2 =	rddreg [dreg:$0x2];
	s4 =	simm.s32 $0x0;
	s0 =	srdreg.scid  }
0x4: {  	s11 =	stileid.u32;
	s28 =	simm.s32 $0x13C80;
	s29 =	simm.s32 $0x13D00  }
0x5: {  	s30 =	simm.s32 $0x13D80;
	s31 =	simm.s32 $0x13A80;
	s7 =	smul.u32 $0x1F400, s11  }
0x6: {  	[smem:$0x7FF] =	sst s4;
	s5 =	sand.u32 $0x1, s0;
	s22 =	smul.u32 $0x2710, s11  }
0x7: {  	s0 =	sadd.s32 $0x2800, s3;
	p0 =	sgt.u32 s11, $0x9;
	s6 =	smul.u32 $0x138800, s5  }
0x8: {  	s8 =	sshll.u32 s5, $0x4;
	s9 =	smul.u32 $0x27100, s5;
	s5 =	ssub.s32 $0x2, s5  }
0x9: {  	_ =	strace $0x8000004A;
	s21 =	sor.u32 s11, s8;
	s23 =	sshrl.u32 s5, $0x1  }
0xa: {  	s6 =	sadd.s32 s7, s6;
	s7 =	smul.u32 $0x2710, s21;
	s8 =	sadd.s32 s22, s9  }
0xb: {  	s5 =	ssub.s32 s5, s23;
	s6 =	sshrl.u32 s6, $0x3;
	s25 =	sadd.s32 $0x4E610, s8  }
0xc: {  	s26 =	sadd.s32 $0x410, s8;
	s9 =	sadd.s32 $0x4B0, s8;
	s10 =	sadd.s32 $0x4E6B0, s8  }
0xd: {  	s13 =	sadd.s32 $0x460, s8;
	s24 =	sshrl.u32 s7, $0x3;
	s7 =	sshrl.u32 s25, $0x3  }
0xe: {  	s14 =	sadd.s32 $0x4E660, s8;
	s9 =	sshrl.u32 s9, $0x3;
	s7 =	sadd.s32 s7, s0  }
0xf: {  	s20 =	sadd.s32 $0x4E570, s8;
	s9 =	sadd.s32 s9, s0;
	[dreg:$0x5] =	wrdreg s7  }
0x10: {  	s22 =	sshrl.u32 s20, $0x3;
	s12 =	sadd.s32 s0, s24;
	[dreg:$0x7] =	wrdreg s9  }
0x11: {  	s7 =	sshrl.u32 s26, $0x3;
	s20 =	sadd.s32 $0x14, s12;
	[dreg:$0x4] =	wrdreg s12  }
0x12: {  	s9 =	sshrl.u32 s14, $0x3;
	s7 =	sadd.s32 s7, s0;
	[dreg:$0x19] =	wrdreg s20  }
0x13: {  	s19 =	sadd.s32 $0x370, s8;
	s16 =	sadd.s32 s9, s0;
	[dreg:$0x6] =	wrdreg s7  }
0x14: {  	s9 =	sshrl.u32 s19, $0x3;
	s19 =	smax.u32 s5, $0x1;
	[dreg:$0xa] =	wrdreg s16  }
0x15: {  	s10 =	sshrl.u32 s10, $0x3;
	s20 =	sadd.s32 $0x3C, s12;
	[dreg:$0x18] =	wrdreg s19  }
0x16: {  	s15 =	sadd.s32 $0x3C0, s8;
	s7 =	sadd.s32 s10, s0;
	[smem:$0x7F8] =	sst s20  }
0x17: {  	s18 =	sadd.s32 $0x4E5C0, s8;
	s21 =	sadd.s32 s9, s0;
	[dreg:$0x8] =	wrdreg s7  }
0x18: {  	s24 =	sadd.s32 $0x4E520, s8;
	s16 =	sadd.s32 $0xA, s12;
	[dreg:$0xd] =	wrdreg s21  }
0x19: {  	s9 =	sshrl.u32 s24, $0x3;
	s24 =	sadd.s32 $0x9C4A, s12;
	[dreg:$0x15] =	wrdreg s16  }
0x1a: {  	s23 =	sadd.s32 $0x320, s8;
	s19 =	sadd.s32 $0x9C68, s12;
	[dreg:$0x1c] =	wrdreg s24  }
0x1b: {  	s3 =	sadd.s32 s6, s3;
	s26 =	sadd.s32 s9, s0;
	[smem:$0x7F7] =	sst s19  }
0x1c: {  	s25 =	sadd.s32 $0x4E480, s8;
	s21 =	sadd.s32 $0x1E, s12;
	[dreg:$0x10] =	wrdreg s26  }
0x1d: {  	s9 =	sshrl.u32 s25, $0x3;
	s25 =	sadd.s32 $0x9C54, s12;
	[dreg:$0x1a] =	wrdreg s21  }
0x1e: {  	s6 =	smul.u32 $0x7D000, s11;
	s16 =	sadd.s32 $0x28, s12;
	[dreg:$0x1d] =	wrdreg s25  }
0x1f: {  	s7 =	sshrl.u32 s13, $0x3;
	s24 =	sadd.s32 $0x9C7C, s12;
	[smem:$0x7F4] =	sst s16  }
0x20: {  	s17 =	sshrl.u32 s15, $0x3;
	s7 =	sadd.s32 s7, s0;
	[smem:$0x7FB] =	sst s24  }
0x21: {  	s10 =	sadd.s32 $0x500, s8;
	s21 =	sadd.s32 $0x9C72, s12;
	[dreg:$0x9] =	wrdreg s7  }
0x22: {  	s20 =	simm.s32 $0x12;
	s25 =	sadd.s32 $0x50, s12;
	[smem:$0x7F9] =	sst s21  }
0x23: {  	s13 =	sadd.s32 $0x2D0, s8;
	s7 =	sadd.s32 s17, s0;
	[smem:$0x7FC] =	sst s25  }
0x24: {  	[dreg:$0xb] =	wrdreg s7;
	s7 =	sshrl.u32 s18, $0x3;
	s18 =	sadd.s32 $0x16200, s3  }
0x25: {  	s8 =	sadd.s32 $0x4E4D0, s8;
	s7 =	sadd.s32 s7, s0;
	[dreg:$0x17] =	wrdreg s18  }
0x26: {  	s19 =	simm.s32 $0xA;
	s18 =	sadd.s32 $0x32, s12;
	[dreg:$0xc] =	wrdreg s7  }
0x27: {  	s17 =	sshrl.u32 s6, $0x2;
	s7 =	sadd.s32 s22, s0;
	[smem:$0x7F6] =	sst s18  }
0x28: {  	s22 =	sadd.s32 s17, s2;
	s17 =	sadd.s32 $0x9C5E, s12;
	[dreg:$0xe] =	wrdreg s7  }
0x29: {  	s15 =	sshrl.u32 s8, $0x3;
	s16 =	simm.s32 $0x13A00;
	[smem:$0x7F5] =	sst s17  }
0x2a: {  	s7 =	sshrl.u32 s23, $0x3;
	s23 =	sadd.s32 $0x9C40, s12;
	[dreg:$0x16] =	wrdreg s22  }
0x2b: {  	s24 =	simm.s32 $0x10;
	s26 =	sadd.s32 $0x2800, s22;
	[dreg:$0x1b] =	wrdreg s23  }
0x2c: {  	s25 =	simm.s32 $0xC;
	s3 =	sadd.s32 $0x5000, s22;
	[dreg:$0x1e] =	wrdreg s26  }
0x2d: {  	s21 =	simm.s32 $0x14;
	s5 =	sadd.s32 $0x7800, s22;
	[dreg:$0x1f] =	wrdreg s3  }
0x2e: {  	s18 =	simm.s32 $0xB;
	s6 =	sadd.s32 $0xA000, s22;
	[smem:$0x7EA] =	sst s5  }
0x2f: {  	s8 =	sadd.s32 $0xF000, s22;
	s11 =	sadd.s32 $0x16800, s22;
	[smem:$0x7EB] =	sst s6  }
0x30: {  	s17 =	simm.s32 $0xF;
	s7 =	sadd.s32 s7, s0;
	[smem:$0x7ED] =	sst s8  }
0x31: {  	[smem:$0x7F0] =	sst s11;
	s23 =	sadd.s32 $0x46, s12;
	s26 =	sadd.s32 $0x9C86, s12  }
0x32: {  	s6 =	simm.s32 $0x13880;
	s3 =	simm.s32 $0x13E80;
	[dreg:$0xf] =	wrdreg s7  }
0x33: {  	s8 =	simm.s32 $0x18E80;
	s11 =	simm.s32 $0x0;
	[smem:$0x7FA] =	sst s23  }
0x34: {  	s7 =	sadd.s32 s9, s0;
	s9 =	sshrl.u32 s13, $0x3;
	[smem:$0x7FD] =	sst s26  }
0x35: {  	s13 =	sadd.s32 $0x19000, s22;
	s23 =	simm.s32 $0x16680;
	[dreg:$0x11] =	wrdreg s7  }
0x36: {  	s26 =	simm.s32 $0x13;
	s14 =	sadd.s32 s9, s0;
	[smem:$0x7F1] =	sst s13  }
0x37: {  	s7 =	sshrl.u32 s10, $0x3;
	s9 =	sadd.s32 $0x11800, s22;
	[dreg:$0x13] =	wrdreg s14  }
0x38: {  	s10 =	sadd.s32 $0x14000, s22;
	s13 =	simm.s32 $0x1B680;
	[smem:$0x7EE] =	sst s9  }
0x39: {  	s7 =	sadd.s32 s7, s0;
	s0 =	sadd.s32 s15, s0;
	[smem:$0x7EF] =	sst s10  }
.Ltmp0:
0x3a: {  	s14 =	sadd.s32 $0x1B800, s22;
	[dreg:$0x12] =	wrdreg s7;
	(pc) =	sbr.rel .LBB2_1-.Ltmp0, $4  }
0x3b: {  	s15 =	sadd.s32 $0x1E000, s22;
	s9 =	simm.s32 $0xD;
	[dreg:$0x14] =	wrdreg s0  }
0x3c: {  	s10 =	simm.s32 $0x9;
	s7 =	sadd.s32 $0xC800, s22;
	[smem:$0x7F2] =	sst s14  }
0x3d: {  	[smem:$0x7F3] =	sst s15;
	s0 =	simm.s32 $0x50;
	s14 =	simm.s32 $0xE  }
0x3e: {  	v0 =	vimm.f32 $0.0e+00;
	s15 =	simm.s32 $0x11;
	[smem:$0x7EC] =	sst s7;
	s7 =	simm.s32 $0x13E00  }
.LBB2_6:
0x3f: {  	_ =	swait.ge [sflag:s24], $0x2800  }
0x40: {  	[sflag:s24] =	ssyncset.done $0x0  }
0x41: {  	[sflag:s24] =	ssyncadd.s32 $0xFFFFD800  }
0x42: {  	_ =	swait.ge [sflag:s25], $0x50  }
0x43: {  	[sflag:s25] =	ssyncset.done $0x0  }
0x44: {  	[sflag:s25] =	ssyncadd.s32 $0xFFFFFFB0  }
0x45: {  	[spmem:s2] =	stream.indirect.scatter.add.f32 [tilespmem:s13], [sflag:$0x14], $0x80, s7, s0, $0xb8;
	[tilespmem:$0x1DE80] =	vst v63  }
0x46: {  	_ =	swait.ge [sflag:s26], $0x2800  }
0x47: {  	[sflag:s26] =	ssyncset.done $0x0  }
0x48: {  	[sflag:s26] =	ssyncadd.s32 $0xFFFFD800  }
0x49: {  	_ =	swait.ge [sflag:s9], $0x2800  }
0x4a: {  	[sflag:s9] =	ssyncset.done $0x0  }
0x4b: {  	[sflag:s9] =	ssyncadd.s32 $0xFFFFD800  }
0x4c: {  	_ =	swait.ge [sflag:s10], $0x50  }
0x4d: {  	[sflag:s10] =	ssyncset.done $0x0  }
0x4e: {  	[sflag:s10] =	ssyncadd.s32 $0xFFFFFFB0  }
0x4f: {  	[spmem:s2] =	stream.indirect.scatter.add.f32 [tilespmem:s3], [sflag:$0x11], $0x80, s28, s0, $0xb8;
	[tilespmem:$0x1DE80] =	vst v63  }
0x50: {  	_ =	swait.ge [sflag:s21], $0x2800  }
0x51: {  	[sflag:s21] =	ssyncset.done $0x0  }
0x52: {  	[sflag:s21] =	ssyncadd.s32 $0xFFFFD800  }
0x53: {  	_ =	swait.ge [sflag:s15], $0x2800  }
0x54: {  	[sflag:s15] =	ssyncset.done $0x0  }
0x55: {  	[sflag:s15] =	ssyncadd.s32 $0xFFFFD800  }
0x56: {  	s5 =	stileid.u32;
	[bflag:$0x0] =	sbarrier.arrive $0xFFFF  }
0x57: {  	s5 =	sshll.u32 @!p0 s5, $0x6;
	s22 =	rddreg [dreg:$0x16]  }
0x58: {  	s5 =	sor.u32 @!p0 $0x1C15, s5;
	s12 =	rddreg [dreg:$0x17];
	s6 =	sshrl.u32 @!p0 s22, $0x3  }
0x59: {  	[hbm:s12], [sflag:s5] =	dma.local @!p0 [spmem:s6], $0x3E80  }
0x5a: {  	s5 =	simm.s32 @!p0 $0x15  }
0x5b: {  	_ =	swait.ge @!p0 [sflag:s5], $0x3E80  }
0x5c: {  	s11 =	sld [smem:$0x7E9];
	_ =	sdelay $0x2  }
0x5d: {  	s12 =	rddreg [dreg:$0x18];
	s11 =	sadd.s32 $0x1, s11  }
0x5e: {  	p1 =	sne.s32 s11, s12  }
.Ltmp1:
0x5f: {  	_ = 	snop;
	(pc) =	sbr.rel @!p1 .LBB2_7-.Ltmp1, $3  }
0x60: {  	_ =	sdelay $0x1  }
0x61: {  	[sflag:s5] =	ssyncset.done @!p0 $0x0  }
0x62: {  	s6 =	simm.s32 $0x13880;
	[sflag:s5] =	ssyncadd.s32 @!p0 $0xFFFFC180  }
.LBB2_1:
0x63: {  	[smem:$0x7E9] =	sst s11  }
0x64: {  	s5 =	rddreg [dreg:$0x4]  }
0x65: {  	[tilespmem:s6], [sflag:$0x1] =	stream.linear.gather [hbm4b:s5+s4], $0x50, $0x38;
	[tilespmem:$0x1DE80] =	vst v63  }
0x66: {  	s12 =	rddreg [dreg:$0x15];
	s11 =	simm.s32 $0x13900  }
0x67: {  	[tilespmem:s11], [sflag:$0x2] =	stream.linear.gather [hbm4b:s12+s4], $0x50, $0x38;
	[tilespmem:$0x1DE80] =	vst v63  }
0x68: {  	s5 =	rddreg [dreg:$0x19];
	s12 =	simm.s32 $0x13980  }
0x69: {  	[tilespmem:s12], [sflag:$0x3] =	stream.linear.gather [hbm4b:s5+s4], $0x50, $0x38;
	[tilespmem:$0x1DE80] =	vst v63  }
0x6a: {  	s5 =	rddreg [dreg:$0x1a]  }
0x6b: {  	[tilespmem:s16], [sflag:$0x4] =	stream.linear.gather [hbm4b:s5+s4], $0x50, $0x38;
	[tilespmem:$0x1DE80] =	vst v63  }
0x6c: {  	s5 =	rddreg [dreg:$0x1b]  }
0x6d: {  	[tilespmem:s28], [sflag:$0x9] =	stream.linear.gather [hbm4b:s5+s4], $0x50, $0x38;
	[tilespmem:$0x1DE80] =	vst v63  }
0x6e: {  	s5 =	rddreg [dreg:$0x1c]  }
0x6f: {  	[tilespmem:s29], [sflag:$0xA] =	stream.linear.gather [hbm4b:s5+s4], $0x50, $0x38;
	[tilespmem:$0x1DE80] =	vst v63  }
0x70: {  	s5 =	rddreg [dreg:$0x1d]  }
0x71: {  	[tilespmem:s30], [sflag:$0xB] =	stream.linear.gather [hbm4b:s5+s4], $0x50, $0x38;
	[tilespmem:$0x1DE80] =	vst v63  }
0x72: {  	s5 =	simm.s32 $0x1  }
0x73: {  	_ =	swait.ge [sflag:s5], $0x50  }
0x74: {  	[sflag:s5] =	ssyncset.done $0x0  }
0x75: {  	[sflag:s5] =	ssyncadd.s32 $0xFFFFFFB0  }
0x76: {  	[tilespmem:s3], [sflag:$0xD] =	stream.indirect.gather [hbm4b:s1+s0], $0x80, s6, s0, $0xb8;
	[tilespmem:$0x1DE80] =	vst v63  }
0x77: {  	s6 =	simm.s32 $0x2  }
0x78: {  	_ =	swait.ge [sflag:s6], $0x50  }
0x79: {  	[sflag:s6] =	ssyncset.done $0x0  }
0x7a: {  	[sflag:s6] =	ssyncadd.s32 $0xFFFFFFB0  }
0x7b: {  	[tilespmem:s23], [sflag:$0xE] =	stream.indirect.gather [hbm4b:s1+s0], $0x80, s11, s0, $0xb8;
	[tilespmem:$0x1DE80] =	vst v63  }
0x7c: {  	s11 =	simm.s32 $0x3  }
0x7d: {  	_ =	swait.ge [sflag:s11], $0x50  }
0x7e: {  	[sflag:s11] =	ssyncset.done $0x0  }
0x7f: {  	s5 =	simm.s32 $0x0;
	s6 =	simm.s32 $0x200;
	[sflag:s11] =	ssyncadd.s32 $0xFFFFFFB0  }
0x80: {  	[tilespmem:s8], [sflag:$0xF] =	stream.indirect.gather [hbm4b:s1+s0], $0x80, s12, s0, $0xb8;
	[tilespmem:$0x1DE80] =	vst v63  }
.LBB2_2:
0x81: {  	p1 =	sne.s32 s6, $0x9E00;
	[tilespmem:s5+$0x1B6F0] =	vst v0  }
0x82: {  	[tilespmem:s5+$0x1B680] =	vst v0  }
0x83: {  	[tilespmem:s5+$0x1B690] =	vst v0  }
.Ltmp2:
0x84: {  	[tilespmem:s5+$0x1B6A0] =	vst v0;
	(pc) =	sbr.rel @p1 .LBB2_2-.Ltmp2, $4  }
0x85: {  	[tilespmem:s5+$0x1B6B0] =	vst v0  }
0x86: {  	[tilespmem:s5+$0x1B6C0] =	vst v0  }
0x87: {  	[tilespmem:s5+$0x1B6D0] =	vst v0  }
0x88: {  	[tilespmem:s5+$0x1B6E0] =	vst v0;
	s5 =	sshra.s32 s6, $0x2;
	s6 =	sadd.s32 $0x200, s6  }
0x89: {  	[tilespmem:s5+$0x1B6F0] =	vst v0  }
0x8a: {  	[tilespmem:s5+$0x1B680] =	vst v0  }
0x8b: {  	[tilespmem:s5+$0x1B690] =	vst v0  }
0x8c: {  	[tilespmem:s5+$0x1B6A0] =	vst v0  }
0x8d: {  	[tilespmem:s5+$0x1B6B0] =	vst v0  }
0x8e: {  	[tilespmem:s5+$0x1B6C0] =	vst v0  }
0x8f: {  	[tilespmem:s5+$0x1B6D0] =	vst v0  }
0x90: {  	[tilespmem:s5+$0x1B6E0] =	vst v0;
	s5 =	simm.s32 @!p0 $0x1B680;
	s6 =	simm.s32 @!p0 $0x15  }
0x91: {  	[spmem:s22] =	stream.linear.scatter @!p0 [tilespmem:s5], [sflag:$0x15], $0x2800, $0x38;
	[tilespmem:$0x1DE80] =	vst v63  }
0x92: {  	_ =	swait.ge @!p0 [sflag:s6], $0x2800  }
0x93: {  	[sflag:s6] =	ssyncset.done @!p0 $0x0  }
0x94: {  	s12 =	rddreg [dreg:$0x1e];
	[sflag:s6] =	ssyncadd.s32 @!p0 $0xFFFFD800  }
0x95: {  	[spmem:s12] =	stream.linear.scatter @!p0 [tilespmem:s5], [sflag:$0x15], $0x2800, $0x38;
	[tilespmem:$0x1DE80] =	vst v63  }
0x96: {  	_ =	swait.ge @!p0 [sflag:s6], $0x2800  }
0x97: {  	[sflag:s6] =	ssyncset.done @!p0 $0x0  }
0x98: {  	s12 =	rddreg [dreg:$0x1f];
	[sflag:s6] =	ssyncadd.s32 @!p0 $0xFFFFD800  }
0x99: {  	[spmem:s12] =	stream.linear.scatter @!p0 [tilespmem:s5], [sflag:$0x15], $0x2800, $0x38;
	[tilespmem:$0x1DE80] =	vst v63  }
0x9a: {  	_ =	swait.ge @!p0 [sflag:s6], $0x2800  }
0x9b: {  	s12 =	sld [smem:$0x7EA]  }
0x9c: {  	[sflag:s6] =	ssyncset.done @!p0 $0x0  }
0x9d: {  	[sflag:s6] =	ssyncadd.s32 @!p0 $0xFFFFD800  }
0x9e: {  	[spmem:s12] =	stream.linear.scatter @!p0 [tilespmem:s5], [sflag:$0x15], $0x2800, $0x38;
	[tilespmem:$0x1DE80] =	vst v63  }
0x9f: {  	_ =	swait.ge @!p0 [sflag:s6], $0x2800  }
0xa0: {  	s12 =	sld [smem:$0x7EB]  }
0xa1: {  	[sflag:s6] =	ssyncset.done @!p0 $0x0  }
0xa2: {  	[sflag:s6] =	ssyncadd.s32 @!p0 $0xFFFFD800  }
0xa3: {  	[spmem:s12] =	stream.linear.scatter @!p0 [tilespmem:s5], [sflag:$0x15], $0x2800, $0x38;
	[tilespmem:$0x1DE80] =	vst v63  }
0xa4: {  	_ =	swait.ge @!p0 [sflag:s6], $0x2800  }
0xa5: {  	s12 =	sld [smem:$0x7EC]  }
0xa6: {  	[sflag:s6] =	ssyncset.done @!p0 $0x0  }
0xa7: {  	[sflag:s6] =	ssyncadd.s32 @!p0 $0xFFFFD800  }
0xa8: {  	[spmem:s12] =	stream.linear.scatter @!p0 [tilespmem:s5], [sflag:$0x15], $0x2800, $0x38;
	[tilespmem:$0x1DE80] =	vst v63  }
0xa9: {  	_ =	swait.ge @!p0 [sflag:s6], $0x2800  }
0xaa: {  	s12 =	sld [smem:$0x7ED]  }
0xab: {  	[sflag:s6] =	ssyncset.done @!p0 $0x0  }
0xac: {  	[sflag:s6] =	ssyncadd.s32 @!p0 $0xFFFFD800  }
0xad: {  	[spmem:s12] =	stream.linear.scatter @!p0 [tilespmem:s5], [sflag:$0x15], $0x2800, $0x38;
	[tilespmem:$0x1DE80] =	vst v63  }
0xae: {  	_ =	swait.ge @!p0 [sflag:s6], $0x2800  }
0xaf: {  	s12 =	sld [smem:$0x7EE]  }
0xb0: {  	[sflag:s6] =	ssyncset.done @!p0 $0x0  }
0xb1: {  	[sflag:s6] =	ssyncadd.s32 @!p0 $0xFFFFD800  }
0xb2: {  	[spmem:s12] =	stream.linear.scatter @!p0 [tilespmem:s5], [sflag:$0x15], $0x2800, $0x38;
	[tilespmem:$0x1DE80] =	vst v63  }
0xb3: {  	_ =	swait.ge @!p0 [sflag:s6], $0x2800  }
0xb4: {  	s12 =	sld [smem:$0x7EF]  }
0xb5: {  	[sflag:s6] =	ssyncset.done @!p0 $0x0  }
0xb6: {  	[sflag:s6] =	ssyncadd.s32 @!p0 $0xFFFFD800  }
0xb7: {  	[spmem:s12] =	stream.linear.scatter @!p0 [tilespmem:s5], [sflag:$0x15], $0x2800, $0x38;
	[tilespmem:$0x1DE80] =	vst v63  }
0xb8: {  	_ =	swait.ge @!p0 [sflag:s6], $0x2800  }
0xb9: {  	s12 =	sld [smem:$0x7F0]  }
0xba: {  	[sflag:s6] =	ssyncset.done @!p0 $0x0  }
0xbb: {  	[sflag:s6] =	ssyncadd.s32 @!p0 $0xFFFFD800  }
0xbc: {  	[spmem:s12] =	stream.linear.scatter @!p0 [tilespmem:s5], [sflag:$0x15], $0x2800, $0x38;
	[tilespmem:$0x1DE80] =	vst v63  }
0xbd: {  	_ =	swait.ge @!p0 [sflag:s6], $0x2800  }
0xbe: {  	s12 =	sld [smem:$0x7F1]  }
0xbf: {  	[sflag:s6] =	ssyncset.done @!p0 $0x0  }
0xc0: {  	[sflag:s6] =	ssyncadd.s32 @!p0 $0xFFFFD800  }
0xc1: {  	[spmem:s12] =	stream.linear.scatter @!p0 [tilespmem:s5], [sflag:$0x15], $0x2800, $0x38;
	[tilespmem:$0x1DE80] =	vst v63  }
0xc2: {  	_ =	swait.ge @!p0 [sflag:s6], $0x2800  }
0xc3: {  	s12 =	sld [smem:$0x7F2]  }
0xc4: {  	[sflag:s6] =	ssyncset.done @!p0 $0x0  }
0xc5: {  	[sflag:s6] =	ssyncadd.s32 @!p0 $0xFFFFD800  }
0xc6: {  	[spmem:s12] =	stream.linear.scatter @!p0 [tilespmem:s5], [sflag:$0x15], $0x2800, $0x38;
	[tilespmem:$0x1DE80] =	vst v63  }
0xc7: {  	_ =	swait.ge @!p0 [sflag:s6], $0x2800  }
0xc8: {  	s12 =	sld [smem:$0x7F3]  }
0xc9: {  	[sflag:s6] =	ssyncset.done @!p0 $0x0  }
0xca: {  	[sflag:s6] =	ssyncadd.s32 @!p0 $0xFFFFD800  }
0xcb: {  	[spmem:s12] =	stream.linear.scatter @!p0 [tilespmem:s5], [sflag:$0x15], $0x1400, $0x38;
	[tilespmem:$0x1DE80] =	vst v63  }
0xcc: {  	_ =	swait.ge @!p0 [sflag:s6], $0x1400  }
0xcd: {  	[sflag:s6] =	ssyncset.done @!p0 $0x0  }
0xce: {  	[sflag:s6] =	ssyncadd.s32 @!p0 $0xFFFFEC00  }
0xcf: {  	[bflag:$0x0] =	sbarrier.arrive $0xFFFF  }
0xd0: {  	_ =	swait.ge [sflag:s9], $0x2800  }
0xd1: {  	[sflag:s9] =	ssyncset.done $0x0  }
0xd2: {  	[sflag:s9] =	ssyncadd.s32 $0xFFFFD800  }
0xd3: {  	_ =	swait.ge [sflag:s10], $0x50  }
0xd4: {  	[sflag:s10] =	ssyncset.done $0x0  }
0xd5: {  	s12 =	sld [smem:$0x7F4];
	[sflag:s10] =	ssyncadd.s32 $0xFFFFFFB0  }
0xd6: {  	[spmem:s2] =	stream.indirect.scatter.add.f32 [tilespmem:s3], [sflag:$0x11], $0x80, s28, s0, $0xb8;
	[tilespmem:$0x1DE80] =	vst v63  }
0xd7: {  	s11 =	simm.s32 $0x13A80;
	s5 =	simm.s32 $0x0;
	s22 =	sld [smem:$0x7F5]  }
0xd8: {  	[tilespmem:s11], [sflag:$0x5] =	stream.linear.gather [hbm4b:s12+s5], $0x50, $0x38;
	[tilespmem:$0x1DE80] =	vst v63  }
0xd9: {  	s12 =	simm.s32 $0x4  }
0xda: {  	[tilespmem:s7], [sflag:$0xC] =	stream.linear.gather [hbm4b:s22+s5], $0x50, $0x38;
	[tilespmem:$0x1DE80] =	vst v63  }
0xdb: {  	_ =	swait.ge [sflag:s12], $0x50  }
0xdc: {  	[sflag:s12] =	ssyncset.done $0x0  }
0xdd: {  	[sflag:s12] =	ssyncadd.s32 $0xFFFFFFB0  }
0xde: {  	[tilespmem:s13], [sflag:$0x10] =	stream.indirect.gather [hbm4b:s1+s0], $0x80, s16, s0, $0xb8;
	[tilespmem:$0x1DE80] =	vst v63  }
0xdf: {  	_ =	swait.ge [sflag:s14], $0x2800  }
0xe0: {  	[sflag:s14] =	ssyncset.done $0x0  }
0xe1: {  	[sflag:s14] =	ssyncadd.s32 $0xFFFFD800  }
0xe2: {  	_ =	swait.ge [sflag:s19], $0x50  }
0xe3: {  	[sflag:s19] =	ssyncset.done $0x0  }
0xe4: {  	[sflag:s19] =	ssyncadd.s32 $0xFFFFFFB0  }
0xe5: {  	[spmem:s2] =	stream.indirect.scatter.add.f32 [tilespmem:s23], [sflag:$0x12], $0x80, s29, s0, $0xb8;
	[tilespmem:$0x1DE80] =	vst v63  }
0xe6: {  	_ =	swait.ge [sflag:s15], $0x2800  }
0xe7: {  	s16 =	sld [smem:$0x7F6]  }
0xe8: {  	[sflag:s15] =	ssyncset.done $0x0  }
0xe9: {  	s12 =	simm.s32 $0x13B00;
	s22 =	sld [smem:$0x7F7];
	[sflag:s15] =	ssyncadd.s32 $0xFFFFD800  }
0xea: {  	[tilespmem:s12], [sflag:$0x6] =	stream.linear.gather [hbm4b:s16+s5], $0x50, $0x38;
	[tilespmem:$0x1DE80] =	vst v63  }
0xeb: {  	s16 =	simm.s32 $0x5  }
0xec: {  	[tilespmem:s28], [sflag:$0x9] =	stream.linear.gather [hbm4b:s22+s5], $0x50, $0x38;
	[tilespmem:$0x1DE80] =	vst v63  }
0xed: {  	_ =	swait.ge [sflag:s16], $0x50  }
0xee: {  	[sflag:s16] =	ssyncset.done $0x0  }
0xef: {  	[sflag:s16] =	ssyncadd.s32 $0xFFFFFFB0  }
0xf0: {  	[tilespmem:s3], [sflag:$0xD] =	stream.indirect.gather [hbm4b:s1+s0], $0x80, s11, s0, $0xb8;
	[tilespmem:$0x1DE80] =	vst v63  }
0xf1: {  	_ =	swait.ge [sflag:s17], $0x2800  }
0xf2: {  	[sflag:s17] =	ssyncset.done $0x0  }
0xf3: {  	[sflag:s17] =	ssyncadd.s32 $0xFFFFD800  }
0xf4: {  	_ =	swait.ge [sflag:s18], $0x50  }
0xf5: {  	[sflag:s18] =	ssyncset.done $0x0  }
0xf6: {  	[sflag:s18] =	ssyncadd.s32 $0xFFFFFFB0  }
0xf7: {  	[spmem:s2] =	stream.indirect.scatter.add.f32 [tilespmem:s8], [sflag:$0x13], $0x80, s30, s0, $0xb8;
	[tilespmem:$0x1DE80] =	vst v63  }
0xf8: {  	_ =	swait.ge [sflag:s20], $0x2800  }
0xf9: {  	s22 =	sld [smem:$0x7F8]  }
0xfa: {  	[sflag:s20] =	ssyncset.done $0x0  }
0xfb: {  	s11 =	simm.s32 $0x13B80;
	s16 =	sld [smem:$0x7F9];
	[sflag:s20] =	ssyncadd.s32 $0xFFFFD800  }
0xfc: {  	[tilespmem:s11], [sflag:$0x7] =	stream.linear.gather [hbm4b:s22+s5], $0x50, $0x38;
	[tilespmem:$0x1DE80] =	vst v63  }
0xfd: {  	s22 =	simm.s32 $0x6  }
0xfe: {  	[tilespmem:s29], [sflag:$0xA] =	stream.linear.gather [hbm4b:s16+s5], $0x50, $0x38;
	[tilespmem:$0x1DE80] =	vst v63  }
0xff: {  	_ =	swait.ge [sflag:s22], $0x50  }
0x100: {  	[sflag:s22] =	ssyncset.done $0x0  }
0x101: {  	[sflag:s22] =	ssyncadd.s32 $0xFFFFFFB0  }
0x102: {  	[tilespmem:s23], [sflag:$0xE] =	stream.indirect.gather [hbm4b:s1+s0], $0x80, s12, s0, $0xb8;
	[tilespmem:$0x1DE80] =	vst v63  }
0x103: {  	_ =	swait.ge [sflag:s24], $0x2800  }
0x104: {  	[sflag:s24] =	ssyncset.done $0x0  }
0x105: {  	[sflag:s24] =	ssyncadd.s32 $0xFFFFD800  }
0x106: {  	_ =	swait.ge [sflag:s25], $0x50  }
0x107: {  	[sflag:s25] =	ssyncset.done $0x0  }
0x108: {  	[sflag:s25] =	ssyncadd.s32 $0xFFFFFFB0  }
0x109: {  	[spmem:s2] =	stream.indirect.scatter.add.f32 [tilespmem:s13], [sflag:$0x14], $0x80, s7, s0, $0xb8;
	[tilespmem:$0x1DE80] =	vst v63  }
0x10a: {  	_ =	swait.ge [sflag:s26], $0x2800  }
0x10b: {  	s16 =	sld [smem:$0x7FA]  }
0x10c: {  	[sflag:s26] =	ssyncset.done $0x0  }
0x10d: {  	s12 =	simm.s32 $0x13C00;
	s22 =	sld [smem:$0x7FB];
	[sflag:s26] =	ssyncadd.s32 $0xFFFFD800  }
0x10e: {  	[tilespmem:s12], [sflag:$0x8] =	stream.linear.gather [hbm4b:s16+s5], $0x50, $0x38;
	[tilespmem:$0x1DE80] =	vst v63  }
0x10f: {  	s16 =	simm.s32 $0x7  }
0x110: {  	[tilespmem:s30], [sflag:$0xB] =	stream.linear.gather [hbm4b:s22+s5], $0x50, $0x38;
	[tilespmem:$0x1DE80] =	vst v63  }
0x111: {  	_ =	swait.ge [sflag:s16], $0x50  }
0x112: {  	[sflag:s16] =	ssyncset.done $0x0  }
0x113: {  	[sflag:s16] =	ssyncadd.s32 $0xFFFFFFB0  }
0x114: {  	[tilespmem:s8], [sflag:$0xF] =	stream.indirect.gather [hbm4b:s1+s0], $0x80, s11, s0, $0xb8;
	[tilespmem:$0x1DE80] =	vst v63  }
0x115: {  	_ =	swait.ge [sflag:s9], $0x2800  }
0x116: {  	[sflag:s9] =	ssyncset.done $0x0  }
0x117: {  	[sflag:s9] =	ssyncadd.s32 $0xFFFFD800  }
0x118: {  	_ =	swait.ge [sflag:s10], $0x50  }
0x119: {  	[sflag:s10] =	ssyncset.done $0x0  }
0x11a: {  	[sflag:s10] =	ssyncadd.s32 $0xFFFFFFB0  }
0x11b: {  	[spmem:s2] =	stream.indirect.scatter.add.f32 [tilespmem:s3], [sflag:$0x11], $0x80, s28, s0, $0xb8;
	[tilespmem:$0x1DE80] =	vst v63  }
0x11c: {  	_ =	swait.ge [sflag:s21], $0x2800  }
0x11d: {  	s22 =	sld [smem:$0x7FC]  }
0x11e: {  	[sflag:s21] =	ssyncset.done $0x0  }
0x11f: {  	s11 =	simm.s32 $0x13880;
	s16 =	sld [smem:$0x7FD];
	[sflag:s21] =	ssyncadd.s32 $0xFFFFD800  }
0x120: {  	[tilespmem:s11], [sflag:$0x1] =	stream.linear.gather [hbm4b:s22+s5], $0x50, $0x38;
	[tilespmem:$0x1DE80] =	vst v63  }
0x121: {  	s22 =	simm.s32 $0x8  }
0x122: {  	[tilespmem:s7], [sflag:$0xC] =	stream.linear.gather [hbm4b:s16+s5], $0x50, $0x38;
	[tilespmem:$0x1DE80] =	vst v63  }
0x123: {  	_ =	swait.ge [sflag:s22], $0x50  }
0x124: {  	[sflag:s22] =	ssyncset.done $0x0  }
0x125: {  	[sflag:s22] =	ssyncadd.s32 $0xFFFFFFB0  }
0x126: {  	[tilespmem:s13], [sflag:$0x10] =	stream.indirect.gather [hbm4b:s1+s0], $0x80, s12, s0, $0xb8;
	[tilespmem:$0x1DE80] =	vst v63  }
.LBB2_4:
0x127: {  	_ =	swait.ge [sflag:s14], $0x2800  }
0x128: {  	[sflag:s14] =	ssyncset.done $0x0  }
0x129: {  	[sflag:s14] =	ssyncadd.s32 $0xFFFFD800  }
0x12a: {  	_ =	swait.ge [sflag:s19], $0x50  }
0x12b: {  	[sflag:s19] =	ssyncset.done $0x0  }
0x12c: {  	[sflag:s19] =	ssyncadd.s32 $0xFFFFFFB0  }
0x12d: {  	[spmem:s2] =	stream.indirect.scatter.add.f32 [tilespmem:s23], [sflag:$0x12], $0x80, s29, s0, $0xb8;
	[tilespmem:$0x1DE80] =	vst v63  }
0x12e: {  	_ =	swait.ge [sflag:s15], $0x2800  }
0x12f: {  	s12 =	simm.s32 $0x13900;
	[sflag:s15] =	ssyncset.done $0x0;
	s6 =	rddreg [dreg:$0x13]  }
0x130: {  	s16 =	rddreg [dreg:$0x11];
	[sflag:s15] =	ssyncadd.s32 $0xFFFFD800;
	s6 =	sadd.s32 s5, s6  }
0x131: {  	[tilespmem:s12], [sflag:$0x2] =	stream.linear.gather [hbm4b:s6+s4], $0x50, $0x38;
	[tilespmem:$0x1DE80] =	vst v63  }
0x132: {  	s22 =	simm.s32 $0x1;
	s6 =	sadd.s32 s5, s16  }
0x133: {  	[tilespmem:s28], [sflag:$0x9] =	stream.linear.gather [hbm4b:s6+s4], $0x50, $0x38;
	[tilespmem:$0x1DE80] =	vst v63  }
0x134: {  	_ =	swait.ge [sflag:s22], $0x50  }
0x135: {  	[sflag:s22] =	ssyncset.done $0x0  }
0x136: {  	[sflag:s22] =	ssyncadd.s32 $0xFFFFFFB0  }
0x137: {  	[tilespmem:s3], [sflag:$0xD] =	stream.indirect.gather [hbm4b:s1+s0], $0x80, s11, s0, $0xb8;
	[tilespmem:$0x1DE80] =	vst v63  }
0x138: {  	_ =	swait.ge [sflag:s17], $0x2800  }
0x139: {  	[sflag:s17] =	ssyncset.done $0x0  }
0x13a: {  	[sflag:s17] =	ssyncadd.s32 $0xFFFFD800  }
0x13b: {  	_ =	swait.ge [sflag:s18], $0x50  }
0x13c: {  	[sflag:s18] =	ssyncset.done $0x0  }
0x13d: {  	[sflag:s18] =	ssyncadd.s32 $0xFFFFFFB0  }
0x13e: {  	[spmem:s2] =	stream.indirect.scatter.add.f32 [tilespmem:s8], [sflag:$0x13], $0x80, s30, s0, $0xb8;
	[tilespmem:$0x1DE80] =	vst v63  }
0x13f: {  	_ =	swait.ge [sflag:s20], $0x2800  }
0x140: {  	s11 =	rddreg [dreg:$0xf]  }
0x141: {  	[sflag:s20] =	ssyncset.done $0x0;
	s16 =	rddreg [dreg:$0x14]  }
0x142: {  	[sflag:s20] =	ssyncadd.s32 $0xFFFFD800;
	s6 =	sadd.s32 s5, s11;
	s11 =	simm.s32 $0x13980  }
0x143: {  	[tilespmem:s11], [sflag:$0x3] =	stream.linear.gather [hbm4b:s6+s4], $0x50, $0x38;
	[tilespmem:$0x1DE80] =	vst v63  }
0x144: {  	s22 =	simm.s32 $0x2;
	s6 =	sadd.s32 s5, s16  }
0x145: {  	[tilespmem:s29], [sflag:$0xA] =	stream.linear.gather [hbm4b:s6+s4], $0x50, $0x38;
	[tilespmem:$0x1DE80] =	vst v63  }
0x146: {  	_ =	swait.ge [sflag:s22], $0x50  }
0x147: {  	[sflag:s22] =	ssyncset.done $0x0  }
0x148: {  	[sflag:s22] =	ssyncadd.s32 $0xFFFFFFB0  }
0x149: {  	[tilespmem:s23], [sflag:$0xE] =	stream.indirect.gather [hbm4b:s1+s0], $0x80, s12, s0, $0xb8;
	[tilespmem:$0x1DE80] =	vst v63  }
0x14a: {  	_ =	swait.ge [sflag:s24], $0x2800  }
0x14b: {  	[sflag:s24] =	ssyncset.done $0x0  }
0x14c: {  	[sflag:s24] =	ssyncadd.s32 $0xFFFFD800  }
0x14d: {  	_ =	swait.ge [sflag:s25], $0x50  }
0x14e: {  	[sflag:s25] =	ssyncset.done $0x0  }
0x14f: {  	[sflag:s25] =	ssyncadd.s32 $0xFFFFFFB0  }
0x150: {  	[spmem:s2] =	stream.indirect.scatter.add.f32 [tilespmem:s13], [sflag:$0x14], $0x80, s7, s0, $0xb8;
	[tilespmem:$0x1DE80] =	vst v63  }
0x151: {  	_ =	swait.ge [sflag:s26], $0x2800  }
0x152: {  	s12 =	rddreg [dreg:$0xd]  }
0x153: {  	[sflag:s26] =	ssyncset.done $0x0;
	s16 =	rddreg [dreg:$0x10]  }
0x154: {  	[sflag:s26] =	ssyncadd.s32 $0xFFFFD800;
	s6 =	sadd.s32 s5, s12;
	s12 =	simm.s32 $0x13A00  }
0x155: {  	[tilespmem:s12], [sflag:$0x4] =	stream.linear.gather [hbm4b:s6+s4], $0x50, $0x38;
	[tilespmem:$0x1DE80] =	vst v63  }
0x156: {  	s22 =	simm.s32 $0x3;
	s6 =	sadd.s32 s5, s16  }
0x157: {  	[tilespmem:s30], [sflag:$0xB] =	stream.linear.gather [hbm4b:s6+s4], $0x50, $0x38;
	[tilespmem:$0x1DE80] =	vst v63  }
0x158: {  	_ =	swait.ge [sflag:s22], $0x50  }
0x159: {  	[sflag:s22] =	ssyncset.done $0x0  }
0x15a: {  	[sflag:s22] =	ssyncadd.s32 $0xFFFFFFB0  }
0x15b: {  	[tilespmem:s8], [sflag:$0xF] =	stream.indirect.gather [hbm4b:s1+s0], $0x80, s11, s0, $0xb8;
	[tilespmem:$0x1DE80] =	vst v63  }
0x15c: {  	_ =	swait.ge [sflag:s9], $0x2800  }
0x15d: {  	[sflag:s9] =	ssyncset.done $0x0  }
0x15e: {  	[sflag:s9] =	ssyncadd.s32 $0xFFFFD800  }
0x15f: {  	_ =	swait.ge [sflag:s10], $0x50  }
0x160: {  	[sflag:s10] =	ssyncset.done $0x0  }
0x161: {  	[sflag:s10] =	ssyncadd.s32 $0xFFFFFFB0  }
0x162: {  	[spmem:s2] =	stream.indirect.scatter.add.f32 [tilespmem:s3], [sflag:$0x11], $0x80, s28, s0, $0xb8;
	[tilespmem:$0x1DE80] =	vst v63  }
0x163: {  	_ =	swait.ge [sflag:s21], $0x2800  }
0x164: {  	[sflag:s21] =	ssyncset.done $0x0;
	s16 =	rddreg [dreg:$0xb]  }
0x165: {  	s22 =	rddreg [dreg:$0xe];
	[sflag:s21] =	ssyncadd.s32 $0xFFFFD800;
	s6 =	sadd.s32 s5, s16  }
0x166: {  	[tilespmem:s31], [sflag:$0x5] =	stream.linear.gather [hbm4b:s6+s4], $0x50, $0x38;
	[tilespmem:$0x1DE80] =	vst v63  }
0x167: {  	s11 =	simm.s32 $0x4;
	s6 =	sadd.s32 s5, s22  }
0x168: {  	[tilespmem:s7], [sflag:$0xC] =	stream.linear.gather [hbm4b:s6+s4], $0x50, $0x38;
	[tilespmem:$0x1DE80] =	vst v63  }
0x169: {  	_ =	swait.ge [sflag:s11], $0x50  }
0x16a: {  	[sflag:s11] =	ssyncset.done $0x0  }
0x16b: {  	[sflag:s11] =	ssyncadd.s32 $0xFFFFFFB0  }
0x16c: {  	[tilespmem:s13], [sflag:$0x10] =	stream.indirect.gather [hbm4b:s1+s0], $0x80, s12, s0, $0xb8;
	[tilespmem:$0x1DE80] =	vst v63  }
0x16d: {  	_ =	swait.ge [sflag:s14], $0x2800  }
0x16e: {  	[sflag:s14] =	ssyncset.done $0x0  }
0x16f: {  	[sflag:s14] =	ssyncadd.s32 $0xFFFFD800  }
0x170: {  	_ =	swait.ge [sflag:s19], $0x50  }
0x171: {  	[sflag:s19] =	ssyncset.done $0x0  }
0x172: {  	[sflag:s19] =	ssyncadd.s32 $0xFFFFFFB0  }
0x173: {  	[spmem:s2] =	stream.indirect.scatter.add.f32 [tilespmem:s23], [sflag:$0x12], $0x80, s29, s0, $0xb8;
	[tilespmem:$0x1DE80] =	vst v63  }
0x174: {  	p1 =	seq.s32 s5, $0x460;
	_ =	swait.ge [sflag:s15], $0x2800  }
0x175: {  	s22 =	simm.s32 @!p1 $0x0;
	[sflag:s15] =	ssyncset.done $0x0;
	s6 =	rddreg [dreg:$0x6]  }
0x176: {  	s12 =	simm.s32 @!p1 $0x13B00;
	[sflag:s15] =	ssyncadd.s32 $0xFFFFD800;
	s6 =	sadd.s32 @!p1 s5, s6  }
0x177: {  	[tilespmem:s12], [sflag:$0x6] =	stream.linear.gather @!p1 [hbm4b:s6+s22], $0x50, $0x38;
	[tilespmem:$0x1DE80] =	vst v63  }
0x178: {  	s12 =	rddreg [dreg:$0xc]  }
0x179: {  	s22 =	simm.s32 $0x5;
	s6 =	sadd.s32 s5, s12  }
0x17a: {  	[tilespmem:s28], [sflag:$0x9] =	stream.linear.gather [hbm4b:s6+s4], $0x50, $0x38;
	[tilespmem:$0x1DE80] =	vst v63  }
0x17b: {  	_ =	swait.ge [sflag:s22], $0x50  }
0x17c: {  	[sflag:s22] =	ssyncset.done $0x0  }
0x17d: {  	[sflag:s22] =	ssyncadd.s32 $0xFFFFFFB0  }
0x17e: {  	[tilespmem:s3], [sflag:$0xD] =	stream.indirect.gather [hbm4b:s1+s0], $0x80, s31, s0, $0xb8;
	[tilespmem:$0x1DE80] =	vst v63  }
0x17f: {  	_ =	swait.ge [sflag:s17], $0x2800  }
0x180: {  	[sflag:s17] =	ssyncset.done $0x0  }
0x181: {  	[sflag:s17] =	ssyncadd.s32 $0xFFFFD800  }
0x182: {  	_ =	swait.ge [sflag:s18], $0x50  }
0x183: {  	[sflag:s18] =	ssyncset.done $0x0  }
.Ltmp3:
0x184: {  	[sflag:s18] =	ssyncadd.s32 $0xFFFFFFB0;
	(pc) =	sbr.rel @p1 .LBB2_6-.Ltmp3, $4  }
0x185: {  	[spmem:s2] =	stream.indirect.scatter.add.f32 [tilespmem:s8], [sflag:$0x13], $0x80, s30, s0, $0xb8;
	[tilespmem:$0x1DE80] =	vst v63  }
0x186: {  	_ =	swait.ge [sflag:s20], $0x2800  }
0x187: {  	[sflag:s20] =	ssyncset.done $0x0  }
0x188: {  	s16 =	simm.s32 $0x13A00;
	s11 =	simm.s32 $0x13880;
	[sflag:s20] =	ssyncadd.s32 $0xFFFFD800  }
0x189: {  	s6 =	rddreg [dreg:$0x9]  }
0x18a: {  	s12 =	simm.s32 $0x13B80;
	s22 =	rddreg [dreg:$0x5];
	s6 =	sadd.s32 s5, s6  }
0x18b: {  	[tilespmem:s12], [sflag:$0x7] =	stream.linear.gather [hbm4b:s6+s4], $0x50, $0x38;
	[tilespmem:$0x1DE80] =	vst v63  }
0x18c: {  	s16 =	simm.s32 $0x6;
	s6 =	sadd.s32 s5, s22  }
0x18d: {  	[tilespmem:s29], [sflag:$0xA] =	stream.linear.gather [hbm4b:s6+s4], $0x50, $0x38;
	[tilespmem:$0x1DE80] =	vst v63  }
0x18e: {  	_ =	swait.ge [sflag:s16], $0x50  }
0x18f: {  	[sflag:s16] =	ssyncset.done $0x0  }
0x190: {  	s22 =	simm.s32 $0x13B00;
	[sflag:s16] =	ssyncadd.s32 $0xFFFFFFB0  }
0x191: {  	[tilespmem:s23], [sflag:$0xE] =	stream.indirect.gather [hbm4b:s1+s0], $0x80, s22, s0, $0xb8;
	[tilespmem:$0x1DE80] =	vst v63  }
0x192: {  	_ =	swait.ge [sflag:s24], $0x2800  }
0x193: {  	[sflag:s24] =	ssyncset.done $0x0  }
0x194: {  	[sflag:s24] =	ssyncadd.s32 $0xFFFFD800  }
0x195: {  	_ =	swait.ge [sflag:s25], $0x50  }
0x196: {  	[sflag:s25] =	ssyncset.done $0x0  }
0x197: {  	[sflag:s25] =	ssyncadd.s32 $0xFFFFFFB0  }
0x198: {  	[spmem:s2] =	stream.indirect.scatter.add.f32 [tilespmem:s13], [sflag:$0x14], $0x80, s7, s0, $0xb8;
	[tilespmem:$0x1DE80] =	vst v63  }
0x199: {  	_ =	swait.ge [sflag:s26], $0x2800  }
0x19a: {  	s16 =	rddreg [dreg:$0x7]  }
0x19b: {  	[sflag:s26] =	ssyncset.done $0x0;
	s22 =	rddreg [dreg:$0xa]  }
0x19c: {  	[sflag:s26] =	ssyncadd.s32 $0xFFFFD800;
	s6 =	sadd.s32 s5, s16;
	s16 =	simm.s32 $0x13C00  }
0x19d: {  	[tilespmem:s16], [sflag:$0x8] =	stream.linear.gather [hbm4b:s6+s4], $0x50, $0x38;
	[tilespmem:$0x1DE80] =	vst v63  }
0x19e: {  	s6 =	sadd.s32 s5, s22;
	s22 =	simm.s32 $0x7  }
0x19f: {  	[tilespmem:s30], [sflag:$0xB] =	stream.linear.gather [hbm4b:s6+s4], $0x50, $0x38;
	[tilespmem:$0x1DE80] =	vst v63  }
0x1a0: {  	_ =	swait.ge [sflag:s22], $0x50  }
0x1a1: {  	[sflag:s22] =	ssyncset.done $0x0  }
0x1a2: {  	[sflag:s22] =	ssyncadd.s32 $0xFFFFFFB0  }
0x1a3: {  	[tilespmem:s8], [sflag:$0xF] =	stream.indirect.gather [hbm4b:s1+s0], $0x80, s12, s0, $0xb8;
	[tilespmem:$0x1DE80] =	vst v63  }
0x1a4: {  	_ =	swait.ge [sflag:s9], $0x2800  }
0x1a5: {  	[sflag:s9] =	ssyncset.done $0x0  }
0x1a6: {  	[sflag:s9] =	ssyncadd.s32 $0xFFFFD800  }
0x1a7: {  	_ =	swait.ge [sflag:s10], $0x50  }
0x1a8: {  	[sflag:s10] =	ssyncset.done $0x0  }
0x1a9: {  	[sflag:s10] =	ssyncadd.s32 $0xFFFFFFB0  }
0x1aa: {  	[spmem:s2] =	stream.indirect.scatter.add.f32 [tilespmem:s3], [sflag:$0x11], $0x80, s28, s0, $0xb8;
	[tilespmem:$0x1DE80] =	vst v63  }
0x1ab: {  	_ =	swait.ge [sflag:s21], $0x2800  }
0x1ac: {  	[sflag:s21] =	ssyncset.done $0x0;
	s22 =	rddreg [dreg:$0x12]  }
0x1ad: {  	s12 =	rddreg [dreg:$0x8];
	[sflag:s21] =	ssyncadd.s32 $0xFFFFD800;
	s6 =	sadd.s32 s5, s22  }
0x1ae: {  	[tilespmem:s11], [sflag:$0x1] =	stream.linear.gather [hbm4b:s6+s4], $0x50, $0x38;
	[tilespmem:$0x1DE80] =	vst v63  }
0x1af: {  	s6 =	sadd.s32 s5, s12  }
0x1b0: {  	[tilespmem:s7], [sflag:$0xC] =	stream.linear.gather [hbm4b:s6+s4], $0x50, $0x38;
	[tilespmem:$0x1DE80] =	vst v63  }
.Ltmp4:
0x1b1: {  	s22 =	simm.s32 $0x8;
	(pc) =	sbr.rel .LBB2_4-.Ltmp4, $4  }
0x1b2: {  	_ =	swait.ge [sflag:s22], $0x50  }
0x1b3: {  	[sflag:s22] =	ssyncset.done $0x0  }
0x1b4: {  	s5 =	sadd.s32 $0x50, s5;
	s11 =	simm.s32 $0x13880;
	[sflag:s22] =	ssyncadd.s32 $0xFFFFFFB0  }
0x1b5: {  	[tilespmem:s13], [sflag:$0x10] =	stream.indirect.gather [hbm4b:s1+s0], $0x80, s16, s0, $0xb8;
	[tilespmem:$0x1DE80] =	vst v63  }
.LBB2_7:
0x1b6: {  	_ =	sfence.sel $0x180000  }
0x1b7: {  	[bflag:$0x0] =	sbarrier.arrive $0xFFFF  }
0x1b8: {  	_ =	strace $0x9000004A  }
0x1b9: {  	s0 =	stileid.u32;
	[bflag:$0x2] =	sbarrier.arrive $0xFFFF  }
0x1ba: {  	p0 =	sne.s32 s0, $0x0;
	s0 =	rddreg [dreg:$0x3]  }
0x1bb: {  	s0 =	sadd.s32 @!p0 $0x100000, s0  }
0x1bc: {  	[sflag:s0] =	ssyncadd.tile.s32 @!p0 $0x1;
	_ =	shalt  }
.Lfunc_end2:
_tile_overlayer_lowered:
.L_overlay_start_2:
0x1bd: {  	(tag) =	ssettag $0x2  }
0x1be: {  	s0 =	rddreg [dreg:$0x0];
	s2 =	stileid.u32  }
0x1bf: {  	s1 =	rddreg [dreg:$0x1];
	p0 =	sne.s32 s2, $0x0  }
0x1c0: {  	s3 =	rddreg [dreg:$0x2];
	[bflag:$0x3] =	sbarrier.arrive $0xFFFF;
	s2 =	simm.s32 @!p0 $0x1C15  }
0x1c1: {  	[timem:s3], [sflag:s2] =	dma.local @!p0 [hbm:s0], s1  }
0x1c2: {  	s0 =	simm.s32 @!p0 $0x15  }
0x1c3: {  	_ =	swait.ge @!p0 [sflag:s0], s1  }
0x1c4: {  	s1 =	ssub.s32 @!p0 $0x0, s1;
	[sflag:s0] =	ssyncset.done @!p0 $0x0  }
0x1c5: {  	[sflag:s0] =	ssyncadd.s32 @!p0 s1  }
0x1c6: {  	[bflag:$0x3] =	sbarrier.arrive $0xFFFF  }
0x1c7: {  	_ =	shalt  }

// kernel: kernel.8.cloned.1.call-start
scs
__scs_entry_jumppad:
0x0: {  	(pc) =	sbr.rel $0x88, $3  }
0x1: {  	(tag) =	ssettag $0x0;
	lr =	simm.s32 $0x1  }
0x2: {  	[smem:$0x3F99] =	sst lr;
	_ =	strace $0xD0000000  }
0x3: {  	_ = 	snop  }
0x4: {  	_ = 	snop  }
0x5: {  	_ = 	snop  }
0x6: {  	_ = 	snop  }
0x7: {  	_ = 	snop  }
__scs_overlays_trampoline_lowered:
0x8: {  	[smem:$0x3FA8] =	sst s0  }
0x9: {  	[smem:$0x3FA9] =	sst s1  }
0xa: {  	[smem:$0x3FAA] =	sst s2  }
0xb: {  	[smem:$0x3FAB] =	sst s3  }
0xc: {  	[smem:$0x3FAC] =	sst s4  }
0xd: {  	[smem:$0x3FAD] =	sst s5  }
0xe: {  	[smem:$0x3FAE] =	sst s6  }
0xf: {  	[smem:$0x3FAF] =	sst s7  }
0x10: {  	[smem:$0x3FB0] =	sst s8  }
0x11: {  	[smem:$0x3FB1] =	sst s9;
	s0 =	simm.s32 @!p0 $0x0  }
0x12: {  	s1 =	sld [smem:$0x3F97];
	s0 =	simm.s32 @p0 $0x1  }
0x13: {  	[smem:$0x3FB2] =	sst s0;
	s0 =	simm.s32 @!p1 $0x0  }
0x14: {  	s2 =	sld [smem:$0x3F96];
	s0 =	simm.s32 @p1 $0x1  }
0x15: {  	[smem:$0x3FB3] =	sst s0;
	s0 =	simm.s32 @!p2 $0x0  }
0x16: {  	s3 =	sld [smem:$0x3FDB];
	s0 =	simm.s32 @p2 $0x1  }
0x17: {  	s4 =	simm.s32 $0x1BF5;
	[smem:$0x3FB5] =	sst s0  }
0x18: {  	s0 =	sld [smem:$0x3F98];
	_ =	swait.ge [sflag:s4], $0x0  }
0x19: {  	s7 =	sld [smem:$0x3F99]  }
0x1a: {  	s8 =	sadd.s32 $0xFFFFE003, lr  }
0x1b: {  	s9 =	sadd.s32 $0xFFFFFEF7, lr;
	s5 =	simm.s32 $0xFFFFFFFF;
	p2 =	slt.u32 s8, $0xFFFFF086  }
0x1c: {  	p1 =	slt.u32 s9, $0xF7A;
	s5 =	simm.s32 @!p2 $0x0  }
0x1d: {  	s5 =	simm.s32 @p1 $0x1;
	p0 =	seq.s32 s7, s2  }
0x1e: {  	s7 =	smul.u32 @!p0 $0xF7A, s2;
	p2 =	seq.s32 @!p0 s5, $0x0  }
0x1f: {  	s9 =	smul.u32 $0xF7A, s1;
	s8 =	simm.s32 @!p0 $0x1BF5;
	p2 =	por !p2, p0  }
0x20: {  	[sflag:s8] =	ssyncset.s32 @!p0 $0xFFFFF086;
	s6 =	sadd.s32 @!p0 s3, s7;
	s7 =	simm.s32 @!p0 $0x108  }
0x21: {  	s3 =	sadd.s32 s3, s9;
	s6 =	sadd.s32 @!p0 $0x88, s6;
	s7 =	simm.s32 @p2 $0x1082  }
0x22: {  	[simem:s7], [sflag:s8] =	dma.local @!p0 [hbm:s6], $0xF7A  }
0x23: {  	s9 =	sor.u32 $0xD0000000, s2;
	s6 =	simm.s32 $0x108;
	_ =	swait.ge @!p0 [sflag:s8], $0x0  }
0x24: {  	s3 =	sadd.s32 $0x88, s3;
	s6 =	simm.s32 @!p1 $0x1082;
	[sflag:s4] =	ssyncset.s32 $0xFFFFF086  }
0x25: {  	[simem:s6], [sflag:s4] =	dma.local [hbm:s3], $0xF7A  }
0x26: {  	[smem:$0x3F99] =	sst s1;
	(tag) =	ssettag s2;
	_ =	strace s9  }
0x27: {  	s1 =	sld [smem:$0x3FA9]  }
0x28: {  	s2 =	sld [smem:$0x3FAA]  }
0x29: {  	s4 =	sld [smem:$0x3FAC]  }
0x2a: {  	p0 =	seq.s32 s5, $0x0;
	s5 =	sld [smem:$0x3FAD]  }
0x2b: {  	s6 =	sld [smem:$0x3FAE]  }
0x2c: {  	s7 =	sld [smem:$0x3FAF]  }
0x2d: {  	s3 =	simm.s32 $0x108;
	s8 =	sld [smem:$0x3FB0]  }
0x2e: {  	s3 =	simm.s32 @!p0 $0x1082;
	s9 =	sld [smem:$0x3FB1]  }
0x2f: {  	lr =	sadd.s32 s0, s3;
	s0 =	sld [smem:$0x3FA8]  }
0x30: {  	s3 =	sld [smem:$0x3FAB]  }
0x31: {  	[smem:$0x3FB4] =	sst s10  }
0x32: {  	s10 =	sld [smem:$0x3FB2];
	_ =	sdelay $0x3  }
0x33: {  	p0 =	seq.s32 s10, $0x1;
	s10 =	sld [smem:$0x3FB4];
	_ =	sdelay $0x3  }
0x34: {  	[smem:$0x3FB4] =	sst s10  }
0x35: {  	s10 =	sld [smem:$0x3FB3];
	_ =	sdelay $0x3  }
0x36: {  	p1 =	seq.s32 s10, $0x1;
	s10 =	sld [smem:$0x3FB4];
	_ =	sdelay $0x3  }
0x37: {  	[smem:$0x3FB4] =	sst s10  }
0x38: {  	s10 =	sld [smem:$0x3FB5]  }
0x39: {  	_ = 	snop;
	(pc) =	sbr.ind lr, $3  }
0x3a: {  	_ = 	snop  }
0x3b: {  	_ = 	snop  }
0x3c: {  	p2 =	seq.s32 s10, $0x1;
	s10 =	sld [smem:$0x3FB4]  }
0x3d: {  	_ =	shalt  }
0x3e: {  	_ =	shalt  }
0x3f: {  	_ =	shalt  }
0x40: {  	_ =	shalt  }
0x41: {  	_ =	shalt  }
0x42: {  	_ =	shalt  }
0x43: {  	_ =	shalt  }
0x44: {  	_ =	shalt  }
0x45: {  	_ =	shalt  }
0x46: {  	_ =	shalt  }
0x47: {  	_ =	shalt  }
0x48: {  	_ =	shalt  }
0x49: {  	_ =	shalt  }
0x4a: {  	_ =	shalt  }
0x4b: {  	_ =	shalt  }
0x4c: {  	_ =	shalt  }
0x4d: {  	_ =	shalt  }
0x4e: {  	_ =	shalt  }
0x4f: {  	_ =	shalt  }
0x50: {  	_ =	shalt  }
0x51: {  	_ =	shalt  }
0x52: {  	_ =	shalt  }
0x53: {  	_ =	shalt  }
0x54: {  	_ =	shalt  }
0x55: {  	_ =	shalt  }
0x56: {  	_ =	shalt  }
0x57: {  	_ =	shalt  }
0x58: {  	_ =	shalt  }
0x59: {  	_ =	shalt  }
0x5a: {  	_ =	shalt  }
0x5b: {  	_ =	shalt  }
0x5c: {  	_ =	shalt  }
0x5d: {  	_ =	shalt  }
0x5e: {  	_ =	shalt  }
0x5f: {  	_ =	shalt  }
0x60: {  	_ =	shalt  }
0x61: {  	_ =	shalt  }
0x62: {  	_ =	shalt  }
0x63: {  	_ =	shalt  }
0x64: {  	_ =	shalt  }
0x65: {  	_ =	shalt  }
0x66: {  	_ =	shalt  }
0x67: {  	_ =	shalt  }
0x68: {  	_ =	shalt  }
0x69: {  	_ =	shalt  }
0x6a: {  	_ =	shalt  }
0x6b: {  	_ =	shalt  }
0x6c: {  	_ =	shalt  }
0x6d: {  	_ =	shalt  }
0x6e: {  	_ =	shalt  }
0x6f: {  	_ =	shalt  }
0x70: {  	_ =	shalt  }
0x71: {  	_ =	shalt  }
0x72: {  	_ =	shalt  }
0x73: {  	_ =	shalt  }
0x74: {  	_ =	shalt  }
0x75: {  	_ =	shalt  }
0x76: {  	_ =	shalt  }
0x77: {  	_ =	shalt  }
0x78: {  	_ =	shalt  }
0x79: {  	_ =	shalt  }
0x7a: {  	_ =	shalt  }
0x7b: {  	_ =	shalt  }
0x7c: {  	_ =	shalt  }
0x7d: {  	_ =	shalt  }
0x7e: {  	_ =	shalt  }
0x7f: {  	_ =	shalt  }
0x80: {  	_ =	shalt  }
0x81: {  	_ =	shalt  }
0x82: {  	_ =	shalt  }
0x83: {  	_ =	shalt  }
0x84: {  	_ =	shalt  }
0x85: {  	_ =	shalt  }
0x86: {  	_ =	shalt  }
0x87: {  	_ =	shalt  }
.Lfunc_end0:
.L_simem_size_0:
called_computation_lowered:
.L_overlay_start_0:
0x88: {  	s2 =	sld [smem:$0x3FD9]  }
0x89: {  	s3 =	sld [smem:$0x3FFE];
	_ =	sdelay $0x1  }
0x8a: {  	s1 =	srdreg.scid  }
0x8b: {  	s0 =	sand.u32 $0x1, s1  }
0x8c: {  	s17 =	sshll.u32 s0, $0xA;
	s2 =	sadd.s32 s3, s2  }
0x8d: {  	s2 =	sadd.s32 s2, s17  }
0x8e: {  	[smem:$0x3FC0] =	sst s2  }
0x8f: {  	_ = 	snop  }
0x90: {  	s2 =	sld [smem:$0x3FC9]  }
0x91: {  	s18 =	sld [smem:$0x3FD0];
	(tm) =	ssettm $0x1  }
0x92: {  	s4 =	sld [smem:$0x3FFB];
	_ =	sdelay $0x3  }
0x93: {  	_ =	strace s4  }
0x94: {  	s4 =	sld [smem:$0x3FFC];
	_ =	sdelay $0x3  }
0x95: {  	_ =	strace s4  }
0x96: {  	s4 =	sld [smem:$0x3FFD];
	_ =	sdelay $0x3  }
0x97: {  	_ =	strace s4  }
0x98: {  	_ =	strace $0x8FFFFFFF  }
0x99: {  	s19 =	sld [smem:$0x3FDB];
	_ =	sdelay $0x1  }
0x9a: {  	s5 =	simm.s32 $_scs_section_size  }
0x9b: {  	s6 =	simm.s32 $_size__tile_overlayer_lowered;
	s7 =	simm.s32 $_tile_overlayer_lowered  }
0x9c: {  	s22 =	simm.s32 $0x1BFF;
	s21 =	sshll.u32 s7, $0x1;
	s4 =	sadd.s32 s5, s19  }
0x9d: {  	s8 =	simm.s32 $0x0;
	s20 =	sshll.u32 s6, $0x1;
	s6 =	sadd.s32 s21, s4  }
0x9e: {  	[timem:s8], [sflag:s22] =	dma.local [hbm:s6], s20  }
0x9f: {  	_ =	swait.ge [sflag:s22], s20  }
0xa0: {  	s5 =	ssub.s32 $0x0, s20;
	[sflag:s22] =	ssyncset.done $0x0  }
0xa1: {  	[sflag:s22] =	ssyncadd.s32 s5;
	_ =	sdelay $0x1  }
0xa2: {  	s23 =	simm.s32 $0x1B8B  }
0xa3: {  	_ =	swait.ge [sflag:s23], $0x1  }
0xa4: {  	[sflag:s23] =	ssyncset.done $0x0  }
0xa5: {  	s25 =	simm.s32 $0x1B8E;
	s24 =	sld [smem:$0x3FFE];
	[sflag:s23] =	ssyncadd.s32 $0xFFFFFFFF  }
0xa6: {  	s26 =	simm.s32 $execute0_lowered;
	[smem:$0x3FD2] =	sst s25  }
0xa7: {  	s6 =	sshll.u32 s26, $0x1;
	_ =	strace $0x80000046;
	[dreg:$0x1] =	wrdreg $0xFFFFFFFF  }
0xa8: {  	s28 =	simm.s32 $_size_execute0_lowered;
	s4 =	sadd.s32 s4, s6;
	[dreg:$0x0] =	wrdreg $0x0  }
0xa9: {  	s6 =	sshll.u32 s28, $0x1;
	[dreg:$0x2] =	wrdreg s4  }
0xaa: {  	[dreg:$0x3] =	wrdreg s6  }
0xab: {  	[dreg:$0x4] =	wrdreg $0xC0  }
0xac: {  	_ =	task [dreg:s8], $0x5FFFF  }
0xad: {  	[dreg:$0x1] =	wrdreg $0xFFFFFFFF  }
0xae: {  	[dreg:$0x0] =	wrdreg $0x60  }
0xaf: {  	[dreg:$0x2] =	wrdreg s2  }
0xb0: {  	[dreg:$0x3] =	wrdreg s24  }
0xb1: {  	[dreg:$0x4] =	wrdreg s18  }
0xb2: {  	[dreg:$0x5] =	wrdreg $0x1800  }
0xb3: {  	[dreg:$0x6] =	wrdreg $0x13A000  }
0xb4: {  	[dreg:$0x7] =	wrdreg $0x9  }
0xb5: {  	_ =	task.clear_ibuf [dreg:s8], $0x8FFFF;
	_ =	strace $0x90000046  }
0xb6: {  	s29 =	simm.s32 $0x9;
	_ =	strace $0x80000048  }
0xb7: {  	_ =	swait.ge [sflag:s29], $0x1  }
0xb8: {  	[sflag:s29] =	ssyncadd.s32 $0xFFFFFFFF  }
0xb9: {  	_ =	strace $0x90000048  }
0xba: {  	_ =	sfence  }
0xbb: {  	s30 =	sld [smem:$0x0];
	_ =	sdelay $0x2  }
0xbc: {  	s31 =	sshll.u32 s1, $0xD;
	s1 =	sshrl.u32 s1, $0x2  }
0xbd: {  	s3 =	sand.u32 $0x4000, s31;
	s1 =	sadd.s32 s1, s30  }
0xbe: {  	s0 =	sor.u32 s3, s0;
	s1 =	sshll.u32 s1, $0x11  }
0xbf: {  	s0 =	sor.u32 s1, s0  }
0xc0: {  	s0 =	sadd.s32 $0x8F2B, s0  }
0xc1: {  	[sflag:s0] =	ssyncadd.remote.s32 $0x1  }
0xc2: {  	_ =	sfence.sel $0xFFFF  }
0xc3: {  	[dreg:$0x0] =	wrdreg $0xFFFFFFFF;
	(pc) =	sbr.abs _section_cstart, $3  }
0xc4: {  	[dreg:$0x1] =	wrdreg $0xFFFFFFFF  }
0xc5: {  	_ =	task.clear_ibuf [dreg:s8], $0x2FFFF;
	_ =	strace $0x9FFFFFFF  }
0xc6: {  	(tm) =	ssettm $0x7FFFFFFF  }
0xc7: {  	_ =	shalt  }
tec
execute0_lowered:
.L_overlay_start_1:
0x0: {  	(tag) =	ssettag $0x1  }
0x1: {  	s2 =	rddreg [dreg:$0x1]  }
0x2: {  	s0 =	srdreg.scid;
	s14 =	stileid.u32  }
0x3: {  	s9 =	rddreg [dreg:$0x2];
	s7 =	sand.u32 $0x1, s0;
	s4 =	smul.u32 $0x1F400, s14  }
0x4: {  	s19 =	simm.s32 $0x0;
	s0 =	smul.u32 $0x138800, s7;
	s3 =	sshll.u32 s7, $0x4  }
0x5: {  	[smem:$0x7FF] =	sst s19;
	s10 =	smul.u32 $0x2710, s7;
	s3 =	sor.u32 s14, s3  }
0x6: {  	s1 =	ssub.s32 $0x2, s7;
	s6 =	smul.u32 $0x2710, s3;
	s26 =	sadd.s32 s4, s0  }
0x7: {  	s8 =	sshrl.u32 s1, $0x1;
	s0 =	smul.u32 $0x3E8, s14;
	s3 =	sshrl.u32 s26, $0x3  }
0x8: {  	s5 =	sadd.s32 $0x2800, s2;
	s3 =	sadd.s32 s3, s2;
	s2 =	ssub.s32 s1, s8  }
0x9: {  	s6 =	sshrl.u32 s6, $0x3;
	s11 =	sadd.s32 s0, s10;
	s4 =	sadd.s32 $0xC8, s0  }
0xa: {  	s15 =	sadd.s32 s5, s6;
	s12 =	sshrl.u32 s11, $0x3;
	s13 =	sadd.s32 s10, s4  }
0xb: {  	s11 =	smul.u32 $0x27100, s7;
	s7 =	sadd.s32 $0x258, s0;
	s6 =	sadd.s32 s9, s12  }
0xc: {  	s8 =	sshrl.u32 s13, $0x3;
	s12 =	smul.u32 $0x2710, s14;
	s13 =	sadd.s32 s10, s7  }
0xd: {  	[dreg:$0x7] =	wrdreg s6;
	s6 =	sadd.s32 $0x190, s0;
	s8 =	sadd.s32 s9, s8  }
0xe: {  	s13 =	sshrl.u32 s13, $0x3;
	[dreg:$0x8] =	wrdreg s8;
	s16 =	sadd.s32 s10, s6  }
0xf: {  	s11 =	sadd.s32 s12, s11;
	s17 =	sadd.s32 s9, s13;
	s8 =	sshrl.u32 s16, $0x3  }
0x10: {  	[dreg:$0xa] =	wrdreg s17;
	s18 =	sadd.s32 $0x4E610, s11;
	s21 =	sadd.s32 $0x410, s11  }
0x11: {  	s23 =	sadd.s32 $0x4E660, s11;
	s25 =	sadd.s32 $0x460, s11;
	s8 =	sadd.s32 s9, s8  }
0x12: {  	s1 =	sadd.s32 $0x4E6B0, s11;
	[dreg:$0x9] =	wrdreg s8;
	s8 =	sadd.s32 $0x320, s0  }
0x13: {  	s12 =	sadd.s32 $0x4B0, s11;
	s16 =	sadd.s32 $0x3C0, s11;
	s10 =	sadd.s32 s10, s8  }
0x14: {  	s20 =	sshrl.u32 s18, $0x3;
	s22 =	sshrl.u32 s21, $0x3;
	s10 =	sshrl.u32 s10, $0x3  }
0x15: {  	s24 =	sshrl.u32 s23, $0x3;
	s26 =	sshrl.u32 s25, $0x3;
	s9 =	sadd.s32 s9, s10  }
0x16: {  	s13 =	sshrl.u32 s12, $0x3;
	[dreg:$0xb] =	wrdreg s9;
	s9 =	sadd.s32 s20, s5  }
0x17: {  	s17 =	sshrl.u32 s16, $0x3;
	[dreg:$0xc] =	wrdreg s9;
	s9 =	sadd.s32 s22, s5  }
0x18: {  	s18 =	sadd.s32 $0x4E5C0, s11;
	s23 =	sadd.s32 $0x4E570, s11;
	[dreg:$0xd] =	wrdreg s9  }
0x19: {  	s9 =	sadd.s32 s24, s5;
	s24 =	sshrl.u32 s23, $0x3;
	s23 =	rddreg [dreg:$0x0]  }
0x1a: {  	s10 =	sshrl.u32 s1, $0x3;
	[dreg:$0xe] =	wrdreg s9;
	s9 =	sadd.s32 s26, s5  }
0x1b: {  	s21 =	sadd.s32 $0x370, s11;
	[dreg:$0xf] =	wrdreg s9;
	s9 =	sadd.s32 s10, s5  }
0x1c: {  	s25 =	sadd.s32 $0x320, s11;
	[dreg:$0x10] =	wrdreg s9;
	s9 =	sadd.s32 s13, s5  }
0x1d: {  	s16 =	sadd.s32 $0x500, s11;
	s20 =	sshrl.u32 s18, $0x3;
	[dreg:$0x11] =	wrdreg s9  }
0x1e: {  	s9 =	sadd.s32 s17, s5;
	s17 =	sshrl.u32 s16, $0x3;
	s16 =	rddreg [dreg:$0x4]  }
0x1f: {  	s12 =	sadd.s32 $0x4E480, s11;
	[dreg:$0x12] =	wrdreg s9;
	s9 =	sadd.s32 s20, s5  }
0x20: {  	s1 =	sadd.s32 $0x4E520, s11;
	s22 =	sshrl.u32 s21, $0x3;
	[dreg:$0x13] =	wrdreg s9  }
0x21: {  	s18 =	sadd.s32 $0x2D0, s11;
	s9 =	sadd.s32 s22, s5;
	s22 =	rddreg [dreg:$0x3]  }
0x22: {  	s26 =	sshrl.u32 s25, $0x3;
	[dreg:$0x14] =	wrdreg s9;
	s9 =	sadd.s32 s24, s5  }
0x23: {  	s10 =	sshrl.u32 s1, $0x3;
	[dreg:$0x15] =	wrdreg s9;
	s9 =	sadd.s32 s26, s5  }
0x24: {  	s13 =	sshrl.u32 s12, $0x3;
	[dreg:$0x16] =	wrdreg s9;
	s9 =	sadd.s32 s10, s5  }
0x25: {  	s21 =	sadd.s32 $0x4E4D0, s11;
	[dreg:$0x17] =	wrdreg s9;
	s9 =	sadd.s32 s13, s5  }
0x26: {  	s20 =	sshrl.u32 s18, $0x3;
	[dreg:$0x18] =	wrdreg s9;
	s9 =	sadd.s32 s17, s5  }
0x27: {  	s10 =	sshrl.u32 s21, $0x3;
	[dreg:$0x19] =	wrdreg s9;
	s9 =	sadd.s32 s20, s5  }
0x28: {  	s5 =	sadd.s32 s10, s5;
	[dreg:$0x1a] =	wrdreg s9  }
0x29: {  	s3 =	sadd.s32 $0x16200, s3;
	[dreg:$0x1b] =	wrdreg s5  }
0x2a: {  	s0 =	sadd.s32 s0, s16;
	_ =	strace $0x80000047;
	[dreg:$0x1e] =	wrdreg s3  }
0x2b: {  	s4 =	sadd.s32 s4, s16;
	[dreg:$0x1f] =	wrdreg s0  }
0x2c: {  	s6 =	sadd.s32 s6, s16;
	[smem:$0x7D9] =	sst s4  }
0x2d: {  	s9 =	sadd.s32 s7, s16;
	[smem:$0x7DA] =	sst s6  }
0x2e: {  	s10 =	sadd.s32 s8, s16;
	[smem:$0x7DB] =	sst s9  }
0x2f: {  	s11 =	smax.u32 s2, $0x1;
	s25 =	smul.u32 $0xFA0, s14;
	[smem:$0x7DC] =	sst s10  }
0x30: {  	p0 =	sgt.u32 s14, $0x9;
	s12 =	sadd.s32 $0xA, s15;
	[smem:$0x7DD] =	sst s11  }
0x31: {  	s1 =	sshrl.u32 s25, $0x2;
	s13 =	sadd.s32 $0x14, s15;
	[smem:$0x7DE] =	sst s12  }
0x32: {  	s24 =	smul.u32 $0x7D000, s14;
	s14 =	sadd.s32 $0x1E, s15;
	[smem:$0x7DF] =	sst s13  }
0x33: {  	s5 =	sadd.s32 s1, s16;
	s16 =	sadd.s32 $0x9C40, s15;
	[smem:$0x7E0] =	sst s14  }
0x34: {  	s26 =	sshrl.u32 s24, $0x2;
	s17 =	sadd.s32 $0x9C4A, s15;
	[smem:$0x7E1] =	sst s16  }
0x35: {  	s18 =	sadd.s32 $0x9C54, s15;
	s20 =	sadd.s32 s26, s22;
	[smem:$0x7E2] =	sst s17  }
0x36: {  	s21 =	sadd.s32 $0x2800, s20;
	[smem:$0x7E3] =	sst s18  }
0x37: {  	s22 =	sadd.s32 $0x5000, s20;
	[smem:$0x7E4] =	sst s21  }
0x38: {  	s24 =	sadd.s32 $0x7800, s20;
	[smem:$0x7E5] =	sst s22  }
0x39: {  	s25 =	sadd.s32 $0xA000, s20;
	[smem:$0x7E6] =	sst s24  }
0x3a: {  	s26 =	sadd.s32 $0xC800, s20;
	[smem:$0x7E7] =	sst s25  }
0x3b: {  	s1 =	sadd.s32 $0xF000, s20;
	[smem:$0x7E8] =	sst s26  }
0x3c: {  	s2 =	sadd.s32 $0x11800, s20;
	[smem:$0x7E9] =	sst s1  }
0x3d: {  	s7 =	sadd.s32 $0x1B800, s20;
	[smem:$0x7EA] =	sst s2  }
0x3e: {  	s8 =	sadd.s32 $0x1E000, s20;
	[smem:$0x7EE] =	sst s7  }
0x3f: {  	[smem:$0x7EF] =	sst s8  }
0x40: {  	[dreg:$0x1d] =	wrdreg s5  }
0x41: {  	[dreg:$0x6] =	wrdreg s15  }
0x42: {  	s3 =	sadd.s32 $0x14000, s20;
	[dreg:$0x1c] =	wrdreg s20  }
0x43: {  	s4 =	sadd.s32 $0x16800, s20;
	[smem:$0x7EB] =	sst s3  }
0x44: {  	s6 =	sadd.s32 $0x19000, s20;
	[smem:$0x7EC] =	sst s4  }
0x45: {  	s9 =	sadd.s32 $0xC8, s5;
	[smem:$0x7ED] =	sst s6  }
0x46: {  	s10 =	sadd.s32 $0x190, s5;
	[smem:$0x7F0] =	sst s9  }
0x47: {  	s11 =	sadd.s32 $0x258, s5;
	[smem:$0x7F1] =	sst s10  }
0x48: {  	s12 =	sadd.s32 $0x320, s5;
	[smem:$0x7F2] =	sst s11  }
0x49: {  	s13 =	sadd.s32 $0x28, s15;
	[smem:$0x7F3] =	sst s12  }
0x4a: {  	s14 =	sadd.s32 $0x9C5E, s15;
	[smem:$0x7F4] =	sst s13  }
0x4b: {  	s16 =	sadd.s32 $0x32, s15;
	[smem:$0x7F5] =	sst s14  }
0x4c: {  	s17 =	sadd.s32 $0x9C68, s15;
	[smem:$0x7F6] =	sst s16  }
0x4d: {  	s30 =	simm.s32 $0x50;
	s18 =	sadd.s32 $0x3C, s15;
	[smem:$0x7F7] =	sst s17  }
0x4e: {  	s28 =	simm.s32 $0x141F8;
	s21 =	sadd.s32 $0x9C72, s15;
	[smem:$0x7F8] =	sst s18  }
0x4f: {  	s31 =	simm.s32 $0x1BA78;
	s22 =	sadd.s32 $0x46, s15;
	[smem:$0x7F9] =	sst s21  }
0x50: {  	s29 =	simm.s32 $0x16;
	s24 =	sadd.s32 $0x9C7C, s15;
	[smem:$0x7FA] =	sst s22  }
.Ltmp0:
0x51: {  	s25 =	sadd.s32 $0x50, s15;
	[smem:$0x7FB] =	sst s24;
	(pc) =	sbr.rel .LBB2_1-.Ltmp0, $4  }
0x52: {  	s26 =	sadd.s32 $0x9C86, s15;
	s8 =	simm.s32 $0x13C78;
	[smem:$0x7FC] =	sst s25  }
0x53: {  	s0 =	simm.s32 $0x0;
	[smem:$0x7FD] =	sst s26;
	s21 =	simm.s32 $0x14078  }
0x54: {  	s11 =	simm.s32 $0x140F8;
	s13 =	simm.s32 $0x14178;
	s17 =	simm.s32 $0x14278  }
0x55: {  	v0 =	vimm.f32 $0.0e+00;
	v1 =	vimm.f32 $1.000000000e+00;
	s26 =	simm.s32 $0x19278;
	s24 =	simm.s32 $0x15;
	s25 =	simm.s32 $0xC  }
.LBB2_6:
0x56: {  	s2 =	simm.s32 $0x11  }
0x57: {  	_ =	swait.ge [sflag:s2], $0x2800  }
0x58: {  	[sflag:s2] =	ssyncset.done $0x0  }
0x59: {  	s20 =	simm.s32 $0x15;
	[sflag:s2] =	ssyncadd.s32 $0xFFFFD800  }
0x5a: {  	_ =	swait.ge [sflag:s20], $0x50  }
0x5b: {  	[sflag:s20] =	ssyncset.done $0x0  }
0x5c: {  	[sflag:s20] =	ssyncadd.s32 $0xFFFFFFB0  }
0x5d: {  	s2 =	stileid.u32;
	[bflag:$0x0] =	sbarrier.arrive $0xFFFF  }
0x5e: {  	s2 =	sshll.u32 @!p0 s2, $0x6;
	s20 =	rddreg [dreg:$0x1c]  }
0x5f: {  	s2 =	sor.u32 @!p0 $0x1C19, s2;
	s9 =	rddreg [dreg:$0x1e];
	s8 =	sshrl.u32 @!p0 s20, $0x3  }
0x60: {  	[hbm:s9], [sflag:s2] =	dma.local @!p0 [spmem:s8], $0x3E80  }
0x61: {  	s2 =	simm.s32 @!p0 $0x19  }
0x62: {  	_ =	swait.ge @!p0 [sflag:s2], $0x3E80  }
0x63: {  	[sflag:s2] =	ssyncset.done @!p0 $0x0  }
0x64: {  	s8 =	simm.s32 @!p0 $0x80;
	s9 =	rddreg [dreg:$0x1f];
	[sflag:s2] =	ssyncadd.s32 @!p0 $0xFFFFC180  }
0x65: {  	[tilespmem:s8], [sflag:$0x19] =	stream.linear.gather @!p0 [spmem:s9], $0xC8, $0x38;
	[tilespmem:$0x1E278] =	vst v63  }
0x66: {  	_ =	swait.ge @!p0 [sflag:s2], $0xC8  }
0x67: {  	[sflag:s2] =	ssyncset.done @!p0 $0x0  }
0x68: {  	s9 =	simm.s32 @!p0 $0x0;
	s15 =	rddreg [dreg:$0x7];
	[sflag:s2] =	ssyncadd.s32 @!p0 $0xFFFFFF38  }
0x69: {  	[hbm4b:s15+s9] =	stream.linear.scatter @!p0 [tilespmem:s8], [sflag:$0x19], $0xC8, $0x38;
	[tilespmem:$0x1E278] =	vst v63  }
0x6a: {  	_ =	swait.ge @!p0 [sflag:s2], $0xC8  }
0x6b: {  	s15 =	sld [smem:$0x7D9]  }
0x6c: {  	[sflag:s2] =	ssyncset.done @!p0 $0x0  }
0x6d: {  	[sflag:s2] =	ssyncadd.s32 @!p0 $0xFFFFFF38  }
0x6e: {  	[tilespmem:s8], [sflag:$0x19] =	stream.linear.gather @!p0 [spmem:s15], $0xC8, $0x38;
	[tilespmem:$0x1E278] =	vst v63  }
0x6f: {  	_ =	swait.ge @!p0 [sflag:s2], $0xC8  }
0x70: {  	[sflag:s2] =	ssyncset.done @!p0 $0x0  }
0x71: {  	s15 =	rddreg [dreg:$0x8];
	[sflag:s2] =	ssyncadd.s32 @!p0 $0xFFFFFF38  }
0x72: {  	[hbm4b:s15+s9] =	stream.linear.scatter @!p0 [tilespmem:s8], [sflag:$0x19], $0xC8, $0x38;
	[tilespmem:$0x1E278] =	vst v63  }
0x73: {  	_ =	swait.ge @!p0 [sflag:s2], $0xC8  }
0x74: {  	s15 =	sld [smem:$0x7DA]  }
0x75: {  	[sflag:s2] =	ssyncset.done @!p0 $0x0  }
0x76: {  	[sflag:s2] =	ssyncadd.s32 @!p0 $0xFFFFFF38  }
0x77: {  	[tilespmem:s8], [sflag:$0x19] =	stream.linear.gather @!p0 [spmem:s15], $0xC8, $0x38;
	[tilespmem:$0x1E278] =	vst v63  }
0x78: {  	_ =	swait.ge @!p0 [sflag:s2], $0xC8  }
0x79: {  	[sflag:s2] =	ssyncset.done @!p0 $0x0  }
0x7a: {  	s15 =	rddreg [dreg:$0x9];
	[sflag:s2] =	ssyncadd.s32 @!p0 $0xFFFFFF38  }
0x7b: {  	[hbm4b:s15+s9] =	stream.linear.scatter @!p0 [tilespmem:s8], [sflag:$0x19], $0xC8, $0x38;
	[tilespmem:$0x1E278] =	vst v63  }
0x7c: {  	_ =	swait.ge @!p0 [sflag:s2], $0xC8  }
0x7d: {  	s15 =	sld [smem:$0x7DB]  }
0x7e: {  	[sflag:s2] =	ssyncset.done @!p0 $0x0  }
0x7f: {  	[sflag:s2] =	ssyncadd.s32 @!p0 $0xFFFFFF38  }
0x80: {  	[tilespmem:s8], [sflag:$0x19] =	stream.linear.gather @!p0 [spmem:s15], $0xC8, $0x38;
	[tilespmem:$0x1E278] =	vst v63  }
0x81: {  	_ =	swait.ge @!p0 [sflag:s2], $0xC8  }
0x82: {  	[sflag:s2] =	ssyncset.done @!p0 $0x0  }
0x83: {  	s15 =	rddreg [dreg:$0xa];
	[sflag:s2] =	ssyncadd.s32 @!p0 $0xFFFFFF38  }
0x84: {  	[hbm4b:s15+s9] =	stream.linear.scatter @!p0 [tilespmem:s8], [sflag:$0x19], $0xC8, $0x38;
	[tilespmem:$0x1E278] =	vst v63  }
0x85: {  	_ =	swait.ge @!p0 [sflag:s2], $0xC8  }
0x86: {  	s15 =	sld [smem:$0x7DC]  }
0x87: {  	[sflag:s2] =	ssyncset.done @!p0 $0x0  }
0x88: {  	[sflag:s2] =	ssyncadd.s32 @!p0 $0xFFFFFF38  }
0x89: {  	[tilespmem:s8], [sflag:$0x19] =	stream.linear.gather @!p0 [spmem:s15], $0xC8, $0x38;
	[tilespmem:$0x1E278] =	vst v63  }
0x8a: {  	_ =	swait.ge @!p0 [sflag:s2], $0xC8  }
0x8b: {  	[sflag:s2] =	ssyncset.done @!p0 $0x0  }
0x8c: {  	s15 =	rddreg [dreg:$0xb];
	[sflag:s2] =	ssyncadd.s32 @!p0 $0xFFFFFF38  }
0x8d: {  	[hbm4b:s15+s9] =	stream.linear.scatter @!p0 [tilespmem:s8], [sflag:$0x19], $0xC8, $0x38;
	[tilespmem:$0x1E278] =	vst v63  }
0x8e: {  	_ =	swait.ge @!p0 [sflag:s2], $0xC8  }
0x8f: {  	s0 =	sld [smem:$0x7D8]  }
0x90: {  	s22 =	sld [smem:$0x7DD];
	_ =	sdelay $0x1  }
0x91: {  	s0 =	sadd.s32 $0x1, s0  }
0x92: {  	p1 =	sne.s32 s0, s22  }
.Ltmp1:
0x93: {  	_ = 	snop;
	(pc) =	sbr.rel @!p1 .LBB2_7-.Ltmp1, $3  }
0x94: {  	_ =	sdelay $0x1  }
0x95: {  	s28 =	simm.s32 $0x141F8;
	[sflag:s2] =	ssyncset.done @!p0 $0x0  }
0x96: {  	s31 =	simm.s32 $0x1BA78;
	s8 =	simm.s32 $0x13C78;
	[sflag:s2] =	ssyncadd.s32 @!p0 $0xFFFFFF38  }
.LBB2_1:
0x97: {  	s2 =	rddreg [dreg:$0x6]  }
0x98: {  	s5 =	sld [smem:$0x7DE]  }
0x99: {  	[tilespmem:s8], [sflag:$0x1] =	stream.linear.gather [hbm4b:s2+s19], $0x50, $0x38;
	[tilespmem:$0x1E278] =	vst v63  }
0x9a: {  	s4 =	simm.s32 $0x13CF8;
	s6 =	sld [smem:$0x7DF]  }
0x9b: {  	[tilespmem:s4], [sflag:$0x2] =	stream.linear.gather [hbm4b:s5+s19], $0x50, $0x38;
	[tilespmem:$0x1E278] =	vst v63  }
0x9c: {  	s9 =	simm.s32 $0x13D78;
	s7 =	sld [smem:$0x7E0]  }
0x9d: {  	[tilespmem:s9], [sflag:$0x3] =	stream.linear.gather [hbm4b:s6+s19], $0x50, $0x38;
	[tilespmem:$0x1E278] =	vst v63  }
0x9e: {  	s10 =	simm.s32 $0x13DF8;
	s12 =	sld [smem:$0x7E1]  }
0x9f: {  	[tilespmem:s10], [sflag:$0x4] =	stream.linear.gather [hbm4b:s7+s19], $0x50, $0x38;
	[tilespmem:$0x1E278] =	vst v63  }
0xa0: {  	s14 =	sld [smem:$0x7E2]  }
0xa1: {  	[tilespmem:s21], [sflag:$0x9] =	stream.linear.gather [hbm4b:s12+s19], $0x50, $0x38;
	[tilespmem:$0x1E278] =	vst v63  }
0xa2: {  	s15 =	sld [smem:$0x7E3]  }
0xa3: {  	[tilespmem:s11], [sflag:$0xA] =	stream.linear.gather [hbm4b:s14+s19], $0x50, $0x38;
	[tilespmem:$0x1E278] =	vst v63  }
0xa4: {  	[smem:$0x7D8] =	sst s0;
	s16 =	simm.s32 $0x1  }
0xa5: {  	[tilespmem:s13], [sflag:$0xB] =	stream.linear.gather [hbm4b:s15+s19], $0x50, $0x38;
	[tilespmem:$0x1E278] =	vst v63  }
0xa6: {  	_ =	swait.ge [sflag:s16], $0x50  }
0xa7: {  	[sflag:s16] =	ssyncset.done $0x0  }
0xa8: {  	s18 =	simm.s32 $0x2;
	[sflag:s16] =	ssyncadd.s32 $0xFFFFFFB0  }
0xa9: {  	[tilespmem:s17], [sflag:$0xD] =	stream.indirect.gather [hbm4b:s23+s30], $0x80, s8, s30, $0xb8;
	[tilespmem:$0x1E278] =	vst v63  }
0xaa: {  	_ =	swait.ge [sflag:s18], $0x50  }
0xab: {  	[sflag:s18] =	ssyncset.done $0x0  }
0xac: {  	s22 =	simm.s32 $0x3;
	s21 =	simm.s32 $0x16A78;
	[sflag:s18] =	ssyncadd.s32 $0xFFFFFFB0  }
0xad: {  	[tilespmem:s21], [sflag:$0xE] =	stream.indirect.gather [hbm4b:s23+s30], $0x80, s4, s30, $0xb8;
	[tilespmem:$0x1E278] =	vst v63  }
0xae: {  	_ =	swait.ge [sflag:s22], $0x50  }
0xaf: {  	[sflag:s22] =	ssyncset.done $0x0  }
0xb0: {  	[sflag:s22] =	ssyncadd.s32 $0xFFFFFFB0  }
0xb1: {  	[tilespmem:s26], [sflag:$0xF] =	stream.indirect.gather [hbm4b:s23+s30], $0x80, s9, s30, $0xb8;
	[tilespmem:$0x1E278] =	vst v63  }
0xb2: {  	s21 =	simm.s32 $0x200;
	s9 =	simm.s32 $0x0  }
.LBB2_2:
0xb3: {  	p1 =	sne.s32 s21, $0x9E00;
	[tilespmem:s9+$0x1BAE8] =	vst v0  }
0xb4: {  	[tilespmem:s9+$0x1BA78] =	vst v0  }
0xb5: {  	[tilespmem:s9+$0x1BA88] =	vst v0  }
.Ltmp2:
0xb6: {  	[tilespmem:s9+$0x1BA98] =	vst v0;
	(pc) =	sbr.rel @p1 .LBB2_2-.Ltmp2, $4  }
0xb7: {  	[tilespmem:s9+$0x1BAA8] =	vst v0  }
0xb8: {  	[tilespmem:s9+$0x1BAB8] =	vst v0  }
0xb9: {  	[tilespmem:s9+$0x1BAC8] =	vst v0  }
0xba: {  	[tilespmem:s9+$0x1BAD8] =	vst v0;
	s9 =	sshra.s32 s21, $0x2;
	s21 =	sadd.s32 $0x200, s21  }
0xbb: {  	[tilespmem:s9+$0x1BAE8] =	vst v0  }
0xbc: {  	[tilespmem:s9+$0x1BA78] =	vst v0  }
0xbd: {  	[tilespmem:s9+$0x1BA88] =	vst v0  }
0xbe: {  	[tilespmem:s9+$0x1BA98] =	vst v0  }
0xbf: {  	[tilespmem:s9+$0x1BAA8] =	vst v0  }
0xc0: {  	[tilespmem:s9+$0x1BAB8] =	vst v0  }
0xc1: {  	[tilespmem:s9+$0x1BAC8] =	vst v0  }
0xc2: {  	[tilespmem:s9+$0x1BAD8] =	vst v0;
	s21 =	simm.s32 @!p0 $0x1BA78;
	s9 =	simm.s32 @!p0 $0x19  }
0xc3: {  	[spmem:s20] =	stream.linear.scatter @!p0 [tilespmem:s21], [sflag:$0x19], $0x2800, $0x38;
	[tilespmem:$0x1E278] =	vst v63  }
0xc4: {  	_ =	swait.ge @!p0 [sflag:s9], $0x2800  }
0xc5: {  	s2 =	sld [smem:$0x7E4]  }
0xc6: {  	[sflag:s9] =	ssyncset.done @!p0 $0x0  }
0xc7: {  	[sflag:s9] =	ssyncadd.s32 @!p0 $0xFFFFD800  }
0xc8: {  	[spmem:s2] =	stream.linear.scatter @!p0 [tilespmem:s21], [sflag:$0x19], $0x2800, $0x38;
	[tilespmem:$0x1E278] =	vst v63  }
0xc9: {  	_ =	swait.ge @!p0 [sflag:s9], $0x2800  }
0xca: {  	s2 =	sld [smem:$0x7E5]  }
0xcb: {  	[sflag:s9] =	ssyncset.done @!p0 $0x0  }
0xcc: {  	[sflag:s9] =	ssyncadd.s32 @!p0 $0xFFFFD800  }
0xcd: {  	[spmem:s2] =	stream.linear.scatter @!p0 [tilespmem:s21], [sflag:$0x19], $0x2800, $0x38;
	[tilespmem:$0x1E278] =	vst v63  }
0xce: {  	_ =	swait.ge @!p0 [sflag:s9], $0x2800  }
0xcf: {  	s2 =	sld [smem:$0x7E6]  }
0xd0: {  	[sflag:s9] =	ssyncset.done @!p0 $0x0  }
0xd1: {  	[sflag:s9] =	ssyncadd.s32 @!p0 $0xFFFFD800  }
0xd2: {  	[spmem:s2] =	stream.linear.scatter @!p0 [tilespmem:s21], [sflag:$0x19], $0x2800, $0x38;
	[tilespmem:$0x1E278] =	vst v63  }
0xd3: {  	_ =	swait.ge @!p0 [sflag:s9], $0x2800  }
0xd4: {  	s2 =	sld [smem:$0x7E7]  }
0xd5: {  	[sflag:s9] =	ssyncset.done @!p0 $0x0  }
0xd6: {  	[sflag:s9] =	ssyncadd.s32 @!p0 $0xFFFFD800  }
0xd7: {  	[spmem:s2] =	stream.linear.scatter @!p0 [tilespmem:s21], [sflag:$0x19], $0x2800, $0x38;
	[tilespmem:$0x1E278] =	vst v63  }
0xd8: {  	_ =	swait.ge @!p0 [sflag:s9], $0x2800  }
0xd9: {  	s2 =	sld [smem:$0x7E8]  }
0xda: {  	[sflag:s9] =	ssyncset.done @!p0 $0x0  }
0xdb: {  	[sflag:s9] =	ssyncadd.s32 @!p0 $0xFFFFD800  }
0xdc: {  	[spmem:s2] =	stream.linear.scatter @!p0 [tilespmem:s21], [sflag:$0x19], $0x2800, $0x38;
	[tilespmem:$0x1E278] =	vst v63  }
0xdd: {  	_ =	swait.ge @!p0 [sflag:s9], $0x2800  }
0xde: {  	s2 =	sld [smem:$0x7E9]  }
0xdf: {  	[sflag:s9] =	ssyncset.done @!p0 $0x0  }
0xe0: {  	[sflag:s9] =	ssyncadd.s32 @!p0 $0xFFFFD800  }
0xe1: {  	[spmem:s2] =	stream.linear.scatter @!p0 [tilespmem:s21], [sflag:$0x19], $0x2800, $0x38;
	[tilespmem:$0x1E278] =	vst v63  }
0xe2: {  	_ =	swait.ge @!p0 [sflag:s9], $0x2800  }
0xe3: {  	s2 =	sld [smem:$0x7EA]  }
0xe4: {  	[sflag:s9] =	ssyncset.done @!p0 $0x0  }
0xe5: {  	[sflag:s9] =	ssyncadd.s32 @!p0 $0xFFFFD800  }
0xe6: {  	[spmem:s2] =	stream.linear.scatter @!p0 [tilespmem:s21], [sflag:$0x19], $0x2800, $0x38;
	[tilespmem:$0x1E278] =	vst v63  }
0xe7: {  	_ =	swait.ge @!p0 [sflag:s9], $0x2800  }
0xe8: {  	s2 =	sld [smem:$0x7EB]  }
0xe9: {  	[sflag:s9] =	ssyncset.done @!p0 $0x0  }
0xea: {  	[sflag:s9] =	ssyncadd.s32 @!p0 $0xFFFFD800  }
0xeb: {  	[spmem:s2] =	stream.linear.scatter @!p0 [tilespmem:s21], [sflag:$0x19], $0x2800, $0x38;
	[tilespmem:$0x1E278] =	vst v63  }
0xec: {  	_ =	swait.ge @!p0 [sflag:s9], $0x2800  }
0xed: {  	s2 =	sld [smem:$0x7EC]  }
0xee: {  	[sflag:s9] =	ssyncset.done @!p0 $0x0  }
0xef: {  	[sflag:s9] =	ssyncadd.s32 @!p0 $0xFFFFD800  }
0xf0: {  	[spmem:s2] =	stream.linear.scatter @!p0 [tilespmem:s21], [sflag:$0x19], $0x2800, $0x38;
	[tilespmem:$0x1E278] =	vst v63  }
0xf1: {  	_ =	swait.ge @!p0 [sflag:s9], $0x2800  }
0xf2: {  	s2 =	sld [smem:$0x7ED]  }
0xf3: {  	[sflag:s9] =	ssyncset.done @!p0 $0x0  }
0xf4: {  	[sflag:s9] =	ssyncadd.s32 @!p0 $0xFFFFD800  }
0xf5: {  	[spmem:s2] =	stream.linear.scatter @!p0 [tilespmem:s21], [sflag:$0x19], $0x2800, $0x38;
	[tilespmem:$0x1E278] =	vst v63  }
0xf6: {  	_ =	swait.ge @!p0 [sflag:s9], $0x2800  }
0xf7: {  	s2 =	sld [smem:$0x7EE]  }
0xf8: {  	[sflag:s9] =	ssyncset.done @!p0 $0x0  }
0xf9: {  	[sflag:s9] =	ssyncadd.s32 @!p0 $0xFFFFD800  }
0xfa: {  	[spmem:s2] =	stream.linear.scatter @!p0 [tilespmem:s21], [sflag:$0x19], $0x2800, $0x38;
	[tilespmem:$0x1E278] =	vst v63  }
0xfb: {  	_ =	swait.ge @!p0 [sflag:s9], $0x2800  }
0xfc: {  	s2 =	sld [smem:$0x7EF]  }
0xfd: {  	[sflag:s9] =	ssyncset.done @!p0 $0x0  }
0xfe: {  	[sflag:s9] =	ssyncadd.s32 @!p0 $0xFFFFD800  }
0xff: {  	[spmem:s2] =	stream.linear.scatter @!p0 [tilespmem:s21], [sflag:$0x19], $0x1400, $0x38;
	[tilespmem:$0x1E278] =	vst v63  }
0x100: {  	_ =	swait.ge @!p0 [sflag:s9], $0x1400  }
0x101: {  	[sflag:s9] =	ssyncset.done @!p0 $0x0  }
0x102: {  	[sflag:s9] =	ssyncadd.s32 @!p0 $0xFFFFEC00  }
0x103: {  	[tilespmem:$0x0] =	vst v1  }
0x104: {  	[tilespmem:$0x10] =	vst v1  }
0x105: {  	[tilespmem:$0x20] =	vst v1  }
0x106: {  	[tilespmem:$0x30] =	vst v1  }
0x107: {  	[tilespmem:$0x40] =	vst v1  }
0x108: {  	[tilespmem:$0x80] =	vst v0  }
0x109: {  	[tilespmem:$0x90] =	vst v0  }
0x10a: {  	[tilespmem:$0xA0] =	vst v0  }
0x10b: {  	[tilespmem:$0xB0] =	vst v0  }
0x10c: {  	[tilespmem:$0xC0] =	vst v0  }
0x10d: {  	[tilespmem:$0xD0] =	vst v0  }
0x10e: {  	[tilespmem:$0xE0] =	vst v0  }
0x10f: {  	[tilespmem:$0xF0] =	vst v0  }
0x110: {  	[tilespmem:$0x100] =	vst v0  }
0x111: {  	[tilespmem:$0x110] =	vst v0  }
0x112: {  	[tilespmem:$0x120] =	vst v0  }
0x113: {  	[tilespmem:$0x130] =	vst v0  }
0x114: {  	s21 =	simm.s32 @!p0 $0x80;
	s2 =	rddreg [dreg:$0x1d];
	[tilespmem:$0x140] =	vst v0  }
0x115: {  	[spmem:s2] =	stream.linear.scatter @!p0 [tilespmem:s21], [sflag:$0x19], $0xC8, $0x38;
	[tilespmem:$0x1E278] =	vst v63  }
0x116: {  	_ =	swait.ge @!p0 [sflag:s9], $0xC8  }
0x117: {  	s2 =	sld [smem:$0x7F0]  }
0x118: {  	[sflag:s9] =	ssyncset.done @!p0 $0x0  }
0x119: {  	[sflag:s9] =	ssyncadd.s32 @!p0 $0xFFFFFF38  }
0x11a: {  	[spmem:s2] =	stream.linear.scatter @!p0 [tilespmem:s21], [sflag:$0x19], $0xC8, $0x38;
	[tilespmem:$0x1E278] =	vst v63  }
0x11b: {  	_ =	swait.ge @!p0 [sflag:s9], $0xC8  }
0x11c: {  	s2 =	sld [smem:$0x7F1]  }
0x11d: {  	[sflag:s9] =	ssyncset.done @!p0 $0x0  }
0x11e: {  	[sflag:s9] =	ssyncadd.s32 @!p0 $0xFFFFFF38  }
0x11f: {  	[spmem:s2] =	stream.linear.scatter @!p0 [tilespmem:s21], [sflag:$0x19], $0xC8, $0x38;
	[tilespmem:$0x1E278] =	vst v63  }
0x120: {  	_ =	swait.ge @!p0 [sflag:s9], $0xC8  }
0x121: {  	s2 =	sld [smem:$0x7F2]  }
0x122: {  	[sflag:s9] =	ssyncset.done @!p0 $0x0  }
0x123: {  	[sflag:s9] =	ssyncadd.s32 @!p0 $0xFFFFFF38  }
0x124: {  	[spmem:s2] =	stream.linear.scatter @!p0 [tilespmem:s21], [sflag:$0x19], $0xC8, $0x38;
	[tilespmem:$0x1E278] =	vst v63  }
0x125: {  	_ =	swait.ge @!p0 [sflag:s9], $0xC8  }
0x126: {  	s2 =	sld [smem:$0x7F3]  }
0x127: {  	[sflag:s9] =	ssyncset.done @!p0 $0x0  }
0x128: {  	[sflag:s9] =	ssyncadd.s32 @!p0 $0xFFFFFF38  }
0x129: {  	[spmem:s2] =	stream.linear.scatter @!p0 [tilespmem:s21], [sflag:$0x19], $0xC8, $0x38;
	[tilespmem:$0x1E278] =	vst v63  }
0x12a: {  	_ =	swait.ge @!p0 [sflag:s9], $0xC8  }
0x12b: {  	[sflag:s9] =	ssyncset.done @!p0 $0x0  }
0x12c: {  	[sflag:s9] =	ssyncadd.s32 @!p0 $0xFFFFFF38  }
0x12d: {  	s15 =	simm.s32 $0xD;
	[bflag:$0x0] =	sbarrier.arrive $0xFFFF  }
0x12e: {  	_ =	swait.ge [sflag:s15], $0x2800  }
0x12f: {  	[sflag:s15] =	ssyncset.done $0x0  }
0x130: {  	s7 =	simm.s32 $0x9;
	[sflag:s15] =	ssyncadd.s32 $0xFFFFD800  }
0x131: {  	_ =	swait.ge [sflag:s7], $0x50  }
0x132: {  	[sflag:s7] =	ssyncset.done $0x0  }
0x133: {  	s13 =	sld [smem:$0x7F4];
	[sflag:s7] =	ssyncadd.s32 $0xFFFFFFB0  }
0x134: {  	s4 =	simm.s32 $0x14078;
	s10 =	simm.s32 $0x14278;
	s6 =	rddreg [dreg:$0x3]  }
0x135: {  	[spmem:s6] =	stream.indirect.scatter.add.f32 [tilespmem:s10], [sflag:$0x11], $0x80, s4, s30, $0xb8;
	[tilespmem:$0x1E278] =	vst v63  }
0x136: {  	s9 =	simm.s32 $0x0;
	s12 =	rddreg [dreg:$0x4]  }
0x137: {  	[spmem:s12] =	stream.indirect.scatter.add.f32 [tilespmem:s9], [sflag:$0x15], $0x1, s4, s30, $0xb8;
	[tilespmem:$0x1E278] =	vst v63  }
0x138: {  	s14 =	simm.s32 $0x13E78;
	s16 =	sld [smem:$0x7F5]  }
0x139: {  	[tilespmem:s14], [sflag:$0x5] =	stream.linear.gather [hbm4b:s13+s9], $0x50, $0x38;
	[tilespmem:$0x1E278] =	vst v63  }
0x13a: {  	s17 =	simm.s32 $0x4  }
0x13b: {  	[tilespmem:s28], [sflag:$0xC] =	stream.linear.gather [hbm4b:s16+s9], $0x50, $0x38;
	[tilespmem:$0x1E278] =	vst v63  }
0x13c: {  	_ =	swait.ge [sflag:s17], $0x50  }
0x13d: {  	[sflag:s17] =	ssyncset.done $0x0  }
0x13e: {  	s0 =	simm.s32 $0x13DF8;
	s18 =	simm.s32 $0xE;
	[sflag:s17] =	ssyncadd.s32 $0xFFFFFFB0  }
0x13f: {  	[tilespmem:s31], [sflag:$0x10] =	stream.indirect.gather [hbm4b:s23+s30], $0x80, s0, s30, $0xb8;
	[tilespmem:$0x1E278] =	vst v63  }
0x140: {  	_ =	swait.ge [sflag:s18], $0x2800  }
0x141: {  	[sflag:s18] =	ssyncset.done $0x0  }
0x142: {  	s20 =	simm.s32 $0xA;
	[sflag:s18] =	ssyncadd.s32 $0xFFFFD800  }
0x143: {  	_ =	swait.ge [sflag:s20], $0x50  }
0x144: {  	[sflag:s20] =	ssyncset.done $0x0  }
0x145: {  	s3 =	simm.s32 $0x140F8;
	s11 =	simm.s32 $0x16A78;
	[sflag:s20] =	ssyncadd.s32 $0xFFFFFFB0  }
0x146: {  	[spmem:s6] =	stream.indirect.scatter.add.f32 [tilespmem:s11], [sflag:$0x12], $0x80, s3, s30, $0xb8;
	[tilespmem:$0x1E278] =	vst v63  }
0x147: {  	s21 =	simm.s32 $0x11  }
0x148: {  	[spmem:s12] =	stream.indirect.scatter.add.f32 [tilespmem:s9], [sflag:$0x16], $0x1, s3, s30, $0xb8;
	[tilespmem:$0x1E278] =	vst v63  }
0x149: {  	_ =	swait.ge [sflag:s21], $0x2800  }
0x14a: {  	[sflag:s21] =	ssyncset.done $0x0  }
0x14b: {  	s22 =	simm.s32 $0x15;
	[sflag:s21] =	ssyncadd.s32 $0xFFFFD800  }
0x14c: {  	_ =	swait.ge [sflag:s22], $0x50  }
0x14d: {  	s26 =	sld [smem:$0x7F6]  }
0x14e: {  	[sflag:s22] =	ssyncset.done $0x0  }
0x14f: {  	s16 =	simm.s32 $0x13EF8;
	s0 =	sld [smem:$0x7F7];
	[sflag:s22] =	ssyncadd.s32 $0xFFFFFFB0  }
0x150: {  	[tilespmem:s16], [sflag:$0x6] =	stream.linear.gather [hbm4b:s26+s9], $0x50, $0x38;
	[tilespmem:$0x1E278] =	vst v63  }
0x151: {  	s1 =	simm.s32 $0x5  }
0x152: {  	[tilespmem:s4], [sflag:$0x9] =	stream.linear.gather [hbm4b:s0+s9], $0x50, $0x38;
	[tilespmem:$0x1E278] =	vst v63  }
0x153: {  	_ =	swait.ge [sflag:s1], $0x50  }
0x154: {  	[sflag:s1] =	ssyncset.done $0x0  }
0x155: {  	s2 =	simm.s32 $0xF;
	[sflag:s1] =	ssyncadd.s32 $0xFFFFFFB0  }
0x156: {  	[tilespmem:s10], [sflag:$0xD] =	stream.indirect.gather [hbm4b:s23+s30], $0x80, s14, s30, $0xb8;
	[tilespmem:$0x1E278] =	vst v63  }
0x157: {  	_ =	swait.ge [sflag:s2], $0x2800  }
0x158: {  	[sflag:s2] =	ssyncset.done $0x0  }
0x159: {  	s5 =	simm.s32 $0xB;
	[sflag:s2] =	ssyncadd.s32 $0xFFFFD800  }
0x15a: {  	_ =	swait.ge [sflag:s5], $0x50  }
0x15b: {  	[sflag:s5] =	ssyncset.done $0x0  }
0x15c: {  	s14 =	simm.s32 $0x19278;
	[sflag:s5] =	ssyncadd.s32 $0xFFFFFFB0;
	s5 =	simm.s32 $0x14178  }
0x15d: {  	[spmem:s6] =	stream.indirect.scatter.add.f32 [tilespmem:s14], [sflag:$0x13], $0x80, s5, s30, $0xb8;
	[tilespmem:$0x1E278] =	vst v63  }
0x15e: {  	s13 =	simm.s32 $0x12  }
0x15f: {  	[spmem:s12] =	stream.indirect.scatter.add.f32 [tilespmem:s9], [sflag:$0x17], $0x1, s5, s30, $0xb8;
	[tilespmem:$0x1E278] =	vst v63  }
0x160: {  	_ =	swait.ge [sflag:s13], $0x2800  }
0x161: {  	[sflag:s13] =	ssyncset.done $0x0  }
0x162: {  	s17 =	simm.s32 $0x16;
	[sflag:s13] =	ssyncadd.s32 $0xFFFFD800  }
0x163: {  	_ =	swait.ge [sflag:s17], $0x50  }
0x164: {  	s18 =	sld [smem:$0x7F8]  }
0x165: {  	[sflag:s17] =	ssyncset.done $0x0  }
0x166: {  	s20 =	simm.s32 $0x13F78;
	s21 =	sld [smem:$0x7F9];
	[sflag:s17] =	ssyncadd.s32 $0xFFFFFFB0  }
0x167: {  	[tilespmem:s20], [sflag:$0x7] =	stream.linear.gather [hbm4b:s18+s9], $0x50, $0x38;
	[tilespmem:$0x1E278] =	vst v63  }
0x168: {  	s22 =	simm.s32 $0x6  }
0x169: {  	[tilespmem:s3], [sflag:$0xA] =	stream.linear.gather [hbm4b:s21+s9], $0x50, $0x38;
	[tilespmem:$0x1E278] =	vst v63  }
0x16a: {  	_ =	swait.ge [sflag:s22], $0x50  }
0x16b: {  	[sflag:s22] =	ssyncset.done $0x0  }
0x16c: {  	s26 =	simm.s32 $0x10;
	[sflag:s22] =	ssyncadd.s32 $0xFFFFFFB0  }
0x16d: {  	[tilespmem:s11], [sflag:$0xE] =	stream.indirect.gather [hbm4b:s23+s30], $0x80, s16, s30, $0xb8;
	[tilespmem:$0x1E278] =	vst v63  }
0x16e: {  	_ =	swait.ge [sflag:s26], $0x2800  }
0x16f: {  	[sflag:s26] =	ssyncset.done $0x0  }
0x170: {  	s1 =	simm.s32 $0xC;
	[sflag:s26] =	ssyncadd.s32 $0xFFFFD800  }
0x171: {  	_ =	swait.ge [sflag:s1], $0x50  }
0x172: {  	[sflag:s1] =	ssyncset.done $0x0  }
0x173: {  	[sflag:s1] =	ssyncadd.s32 $0xFFFFFFB0  }
0x174: {  	[spmem:s6] =	stream.indirect.scatter.add.f32 [tilespmem:s31], [sflag:$0x14], $0x80, s28, s30, $0xb8;
	[tilespmem:$0x1E278] =	vst v63  }
0x175: {  	s1 =	simm.s32 $0x13  }
0x176: {  	[spmem:s12] =	stream.indirect.scatter.add.f32 [tilespmem:s9], [sflag:$0x18], $0x1, s28, s30, $0xb8;
	[tilespmem:$0x1E278] =	vst v63  }
0x177: {  	_ =	swait.ge [sflag:s1], $0x2800  }
0x178: {  	[sflag:s1] =	ssyncset.done $0x0  }
0x179: {  	s3 =	simm.s32 $0x17;
	[sflag:s1] =	ssyncadd.s32 $0xFFFFD800  }
0x17a: {  	_ =	swait.ge [sflag:s3], $0x50  }
0x17b: {  	s11 =	sld [smem:$0x7FA]  }
0x17c: {  	[sflag:s3] =	ssyncset.done $0x0  }
0x17d: {  	s13 =	simm.s32 $0x13FF8;
	s16 =	sld [smem:$0x7FB];
	[sflag:s3] =	ssyncadd.s32 $0xFFFFFFB0  }
0x17e: {  	[tilespmem:s13], [sflag:$0x8] =	stream.linear.gather [hbm4b:s11+s9], $0x50, $0x38;
	[tilespmem:$0x1E278] =	vst v63  }
0x17f: {  	s17 =	simm.s32 $0x7  }
0x180: {  	[tilespmem:s5], [sflag:$0xB] =	stream.linear.gather [hbm4b:s16+s9], $0x50, $0x38;
	[tilespmem:$0x1E278] =	vst v63  }
0x181: {  	_ =	swait.ge [sflag:s17], $0x50  }
0x182: {  	[sflag:s17] =	ssyncset.done $0x0  }
0x183: {  	[sflag:s17] =	ssyncadd.s32 $0xFFFFFFB0  }
0x184: {  	[tilespmem:s14], [sflag:$0xF] =	stream.indirect.gather [hbm4b:s23+s30], $0x80, s20, s30, $0xb8;
	[tilespmem:$0x1E278] =	vst v63  }
0x185: {  	_ =	swait.ge [sflag:s15], $0x2800  }
0x186: {  	[sflag:s15] =	ssyncset.done $0x0  }
0x187: {  	[sflag:s15] =	ssyncadd.s32 $0xFFFFD800  }
0x188: {  	_ =	swait.ge [sflag:s7], $0x50  }
0x189: {  	[sflag:s7] =	ssyncset.done $0x0  }
0x18a: {  	[sflag:s7] =	ssyncadd.s32 $0xFFFFFFB0  }
0x18b: {  	[spmem:s6] =	stream.indirect.scatter.add.f32 [tilespmem:s10], [sflag:$0x11], $0x80, s4, s30, $0xb8;
	[tilespmem:$0x1E278] =	vst v63  }
0x18c: {  	s18 =	simm.s32 $0x14  }
0x18d: {  	[spmem:s12] =	stream.indirect.scatter.add.f32 [tilespmem:s9], [sflag:$0x15], $0x1, s4, s30, $0xb8;
	[tilespmem:$0x1E278] =	vst v63  }
0x18e: {  	_ =	swait.ge [sflag:s18], $0x2800  }
0x18f: {  	[sflag:s18] =	ssyncset.done $0x0  }
0x190: {  	s20 =	simm.s32 $0x18;
	[sflag:s18] =	ssyncadd.s32 $0xFFFFD800  }
0x191: {  	_ =	swait.ge [sflag:s20], $0x50  }
0x192: {  	s21 =	sld [smem:$0x7FC]  }
0x193: {  	[sflag:s20] =	ssyncset.done $0x0  }
0x194: {  	s22 =	sld [smem:$0x7FD];
	[sflag:s20] =	ssyncadd.s32 $0xFFFFFFB0  }
0x195: {  	[tilespmem:s8], [sflag:$0x1] =	stream.linear.gather [hbm4b:s21+s9], $0x50, $0x38;
	[tilespmem:$0x1E278] =	vst v63  }
0x196: {  	s26 =	simm.s32 $0x8  }
0x197: {  	[tilespmem:s28], [sflag:$0xC] =	stream.linear.gather [hbm4b:s22+s9], $0x50, $0x38;
	[tilespmem:$0x1E278] =	vst v63  }
0x198: {  	_ =	swait.ge [sflag:s26], $0x50  }
0x199: {  	[sflag:s26] =	ssyncset.done $0x0  }
0x19a: {  	[sflag:s26] =	ssyncadd.s32 $0xFFFFFFB0  }
0x19b: {  	[tilespmem:s31], [sflag:$0x10] =	stream.indirect.gather [hbm4b:s23+s30], $0x80, s13, s30, $0xb8;
	[tilespmem:$0x1E278] =	vst v63  }
.LBB2_4:
0x19c: {  	s11 =	simm.s32 $0xE  }
0x19d: {  	_ =	swait.ge [sflag:s11], $0x2800  }
0x19e: {  	[sflag:s11] =	ssyncset.done $0x0  }
0x19f: {  	s20 =	simm.s32 $0xA;
	[sflag:s11] =	ssyncadd.s32 $0xFFFFD800  }
0x1a0: {  	_ =	swait.ge [sflag:s20], $0x50  }
0x1a1: {  	[sflag:s20] =	ssyncset.done $0x0  }
0x1a2: {  	[sflag:s20] =	ssyncadd.s32 $0xFFFFFFB0  }
0x1a3: {  	s15 =	simm.s32 $0x140F8;
	s0 =	simm.s32 $0x16A78;
	s22 =	rddreg [dreg:$0x3]  }
0x1a4: {  	[spmem:s22] =	stream.indirect.scatter.add.f32 [tilespmem:s0], [sflag:$0x12], $0x80, s15, s30, $0xb8;
	[tilespmem:$0x1E278] =	vst v63  }
0x1a5: {  	s5 =	rddreg [dreg:$0x4]  }
0x1a6: {  	[spmem:s5] =	stream.indirect.scatter.add.f32 [tilespmem:s19], [sflag:$0x16], $0x1, s15, s30, $0xb8;
	[tilespmem:$0x1E278] =	vst v63  }
0x1a7: {  	s19 =	simm.s32 $0x11  }
0x1a8: {  	_ =	swait.ge [sflag:s19], $0x2800  }
0x1a9: {  	[sflag:s19] =	ssyncset.done $0x0  }
0x1aa: {  	[sflag:s19] =	ssyncadd.s32 $0xFFFFD800  }
0x1ab: {  	s18 =	simm.s32 $0x0;
	_ =	swait.ge [sflag:s24], $0x50  }
0x1ac: {  	s4 =	simm.s32 $0x13CF8;
	[sflag:s24] =	ssyncset.done $0x0;
	s2 =	rddreg [dreg:$0x1a]  }
0x1ad: {  	s14 =	rddreg [dreg:$0x18];
	[sflag:s24] =	ssyncadd.s32 $0xFFFFFFB0;
	s21 =	sadd.s32 s9, s2  }
0x1ae: {  	[tilespmem:s4], [sflag:$0x2] =	stream.linear.gather [hbm4b:s21+s18], $0x50, $0x38;
	[tilespmem:$0x1E278] =	vst v63  }
0x1af: {  	s17 =	simm.s32 $0x14078;
	s16 =	sadd.s32 s9, s14;
	s21 =	simm.s32 $0x1  }
0x1b0: {  	[tilespmem:s17], [sflag:$0x9] =	stream.linear.gather [hbm4b:s16+s18], $0x50, $0x38;
	[tilespmem:$0x1E278] =	vst v63  }
0x1b1: {  	_ =	swait.ge [sflag:s21], $0x50  }
0x1b2: {  	[sflag:s21] =	ssyncset.done $0x0  }
0x1b3: {  	s26 =	simm.s32 $0x14278;
	s0 =	simm.s32 $0xF;
	[sflag:s21] =	ssyncadd.s32 $0xFFFFFFB0  }
0x1b4: {  	[tilespmem:s26], [sflag:$0xD] =	stream.indirect.gather [hbm4b:s23+s30], $0x80, s8, s30, $0xb8;
	[tilespmem:$0x1E278] =	vst v63  }
0x1b5: {  	_ =	swait.ge [sflag:s0], $0x2800  }
0x1b6: {  	[sflag:s0] =	ssyncset.done $0x0  }
0x1b7: {  	s13 =	simm.s32 $0xB;
	[sflag:s0] =	ssyncadd.s32 $0xFFFFD800  }
0x1b8: {  	_ =	swait.ge [sflag:s13], $0x50  }
0x1b9: {  	[sflag:s13] =	ssyncset.done $0x0  }
0x1ba: {  	s1 =	simm.s32 $0x19278;
	s17 =	simm.s32 $0x14178;
	[sflag:s13] =	ssyncadd.s32 $0xFFFFFFB0  }
0x1bb: {  	[spmem:s22] =	stream.indirect.scatter.add.f32 [tilespmem:s1], [sflag:$0x13], $0x80, s17, s30, $0xb8;
	[tilespmem:$0x1E278] =	vst v63  }
0x1bc: {  	s6 =	simm.s32 $0x12  }
0x1bd: {  	[spmem:s5] =	stream.indirect.scatter.add.f32 [tilespmem:s18], [sflag:$0x17], $0x1, s17, s30, $0xb8;
	[tilespmem:$0x1E278] =	vst v63  }
0x1be: {  	_ =	swait.ge [sflag:s6], $0x2800  }
0x1bf: {  	[sflag:s6] =	ssyncset.done $0x0  }
0x1c0: {  	[sflag:s6] =	ssyncadd.s32 $0xFFFFD800  }
0x1c1: {  	_ =	swait.ge [sflag:s29], $0x50  }
0x1c2: {  	s8 =	simm.s32 $0x13D78;
	[sflag:s29] =	ssyncset.done $0x0;
	s1 =	rddreg [dreg:$0x16]  }
0x1c3: {  	s12 =	rddreg [dreg:$0x1b];
	[sflag:s29] =	ssyncadd.s32 $0xFFFFFFB0;
	s2 =	sadd.s32 s9, s1  }
0x1c4: {  	[tilespmem:s8], [sflag:$0x3] =	stream.linear.gather [hbm4b:s2+s18], $0x50, $0x38;
	[tilespmem:$0x1E278] =	vst v63  }
0x1c5: {  	s16 =	simm.s32 $0x2;
	s14 =	sadd.s32 s9, s12  }
0x1c6: {  	[tilespmem:s15], [sflag:$0xA] =	stream.linear.gather [hbm4b:s14+s18], $0x50, $0x38;
	[tilespmem:$0x1E278] =	vst v63  }
0x1c7: {  	_ =	swait.ge [sflag:s16], $0x50  }
0x1c8: {  	[sflag:s16] =	ssyncset.done $0x0  }
0x1c9: {  	s3 =	simm.s32 $0x16A78;
	s12 =	simm.s32 $0x10;
	[sflag:s16] =	ssyncadd.s32 $0xFFFFFFB0  }
0x1ca: {  	[tilespmem:s3], [sflag:$0xE] =	stream.indirect.gather [hbm4b:s23+s30], $0x80, s4, s30, $0xb8;
	[tilespmem:$0x1E278] =	vst v63  }
0x1cb: {  	_ =	swait.ge [sflag:s12], $0x2800  }
0x1cc: {  	[sflag:s12] =	ssyncset.done $0x0  }
0x1cd: {  	[sflag:s12] =	ssyncadd.s32 $0xFFFFD800  }
0x1ce: {  	_ =	swait.ge [sflag:s25], $0x50  }
0x1cf: {  	[sflag:s25] =	ssyncset.done $0x0  }
0x1d0: {  	[sflag:s25] =	ssyncadd.s32 $0xFFFFFFB0  }
0x1d1: {  	[spmem:s22] =	stream.indirect.scatter.add.f32 [tilespmem:s31], [sflag:$0x14], $0x80, s28, s30, $0xb8;
	[tilespmem:$0x1E278] =	vst v63  }
0x1d2: {  	s1 =	simm.s32 $0x13  }
0x1d3: {  	[spmem:s5] =	stream.indirect.scatter.add.f32 [tilespmem:s18], [sflag:$0x18], $0x1, s28, s30, $0xb8;
	[tilespmem:$0x1E278] =	vst v63  }
0x1d4: {  	_ =	swait.ge [sflag:s1], $0x2800  }
0x1d5: {  	[sflag:s1] =	ssyncset.done $0x0  }
0x1d6: {  	s3 =	simm.s32 $0x17;
	[sflag:s1] =	ssyncadd.s32 $0xFFFFD800  }
0x1d7: {  	_ =	swait.ge [sflag:s3], $0x50  }
0x1d8: {  	s4 =	simm.s32 $0x13DF8;
	[sflag:s3] =	ssyncset.done $0x0;
	s21 =	rddreg [dreg:$0x14]  }
0x1d9: {  	s28 =	rddreg [dreg:$0x17];
	[sflag:s3] =	ssyncadd.s32 $0xFFFFFFB0;
	s26 =	sadd.s32 s9, s21  }
0x1da: {  	[tilespmem:s4], [sflag:$0x4] =	stream.linear.gather [hbm4b:s26+s18], $0x50, $0x38;
	[tilespmem:$0x1E278] =	vst v63  }
0x1db: {  	s16 =	simm.s32 $0x3;
	s14 =	sadd.s32 s9, s28  }
0x1dc: {  	[tilespmem:s17], [sflag:$0xB] =	stream.linear.gather [hbm4b:s14+s18], $0x50, $0x38;
	[tilespmem:$0x1E278] =	vst v63  }
0x1dd: {  	_ =	swait.ge [sflag:s16], $0x50  }
0x1de: {  	[sflag:s16] =	ssyncset.done $0x0  }
0x1df: {  	s7 =	simm.s32 $0x19278;
	s28 =	simm.s32 $0xD;
	[sflag:s16] =	ssyncadd.s32 $0xFFFFFFB0  }
0x1e0: {  	[tilespmem:s7], [sflag:$0xF] =	stream.indirect.gather [hbm4b:s23+s30], $0x80, s8, s30, $0xb8;
	[tilespmem:$0x1E278] =	vst v63  }
0x1e1: {  	_ =	swait.ge [sflag:s28], $0x2800  }
0x1e2: {  	[sflag:s28] =	ssyncset.done $0x0  }
0x1e3: {  	s7 =	simm.s32 $0x9;
	[sflag:s28] =	ssyncadd.s32 $0xFFFFD800  }
0x1e4: {  	_ =	swait.ge [sflag:s7], $0x50  }
0x1e5: {  	[sflag:s7] =	ssyncset.done $0x0  }
0x1e6: {  	s10 =	simm.s32 $0x14278;
	s21 =	simm.s32 $0x14078;
	[sflag:s7] =	ssyncadd.s32 $0xFFFFFFB0  }
0x1e7: {  	[spmem:s22] =	stream.indirect.scatter.add.f32 [tilespmem:s10], [sflag:$0x11], $0x80, s21, s30, $0xb8;
	[tilespmem:$0x1E278] =	vst v63  }
0x1e8: {  	s10 =	simm.s32 $0x14  }
0x1e9: {  	[spmem:s5] =	stream.indirect.scatter.add.f32 [tilespmem:s18], [sflag:$0x15], $0x1, s21, s30, $0xb8;
	[tilespmem:$0x1E278] =	vst v63  }
0x1ea: {  	_ =	swait.ge [sflag:s10], $0x2800  }
0x1eb: {  	[sflag:s10] =	ssyncset.done $0x0  }
0x1ec: {  	s16 =	simm.s32 $0x18;
	[sflag:s10] =	ssyncadd.s32 $0xFFFFD800  }
0x1ed: {  	_ =	swait.ge [sflag:s16], $0x50  }
0x1ee: {  	s26 =	rddreg [dreg:$0x12]  }
0x1ef: {  	[sflag:s16] =	ssyncset.done $0x0;
	s21 =	rddreg [dreg:$0x15]  }
0x1f0: {  	[sflag:s16] =	ssyncadd.s32 $0xFFFFFFB0;
	s8 =	sadd.s32 s9, s26;
	s26 =	simm.s32 $0x13E78  }
0x1f1: {  	[tilespmem:s26], [sflag:$0x5] =	stream.linear.gather [hbm4b:s8+s18], $0x50, $0x38;
	[tilespmem:$0x1E278] =	vst v63  }
0x1f2: {  	s31 =	simm.s32 $0x141F8;
	s2 =	sadd.s32 s9, s21;
	s8 =	simm.s32 $0x4  }
0x1f3: {  	[tilespmem:s31], [sflag:$0xC] =	stream.linear.gather [hbm4b:s2+s18], $0x50, $0x38;
	[tilespmem:$0x1E278] =	vst v63  }
0x1f4: {  	_ =	swait.ge [sflag:s8], $0x50  }
0x1f5: {  	[sflag:s8] =	ssyncset.done $0x0  }
0x1f6: {  	s14 =	simm.s32 $0x1BA78;
	[sflag:s8] =	ssyncadd.s32 $0xFFFFFFB0  }
0x1f7: {  	[tilespmem:s14], [sflag:$0x10] =	stream.indirect.gather [hbm4b:s23+s30], $0x80, s4, s30, $0xb8;
	[tilespmem:$0x1E278] =	vst v63  }
0x1f8: {  	_ =	swait.ge [sflag:s11], $0x2800  }
0x1f9: {  	[sflag:s11] =	ssyncset.done $0x0  }
0x1fa: {  	[sflag:s11] =	ssyncadd.s32 $0xFFFFD800  }
0x1fb: {  	_ =	swait.ge [sflag:s20], $0x50  }
0x1fc: {  	[sflag:s20] =	ssyncset.done $0x0  }
0x1fd: {  	[sflag:s20] =	ssyncadd.s32 $0xFFFFFFB0;
	s20 =	simm.s32 $0x16A78  }
0x1fe: {  	[spmem:s22] =	stream.indirect.scatter.add.f32 [tilespmem:s20], [sflag:$0x12], $0x80, s15, s30, $0xb8;
	[tilespmem:$0x1E278] =	vst v63  }
0x1ff: {  	_ = 	snop  }
0x200: {  	[spmem:s5] =	stream.indirect.scatter.add.f32 [tilespmem:s18], [sflag:$0x16], $0x1, s15, s30, $0xb8;
	[tilespmem:$0x1E278] =	vst v63  }
0x201: {  	_ =	swait.ge [sflag:s19], $0x2800  }
0x202: {  	[sflag:s19] =	ssyncset.done $0x0  }
0x203: {  	[sflag:s19] =	ssyncadd.s32 $0xFFFFD800  }
0x204: {  	p1 =	seq.s32 s9, $0x460;
	_ =	swait.ge [sflag:s24], $0x50  }
0x205: {  	s8 =	simm.s32 @!p1 $0x13EF8;
	[sflag:s24] =	ssyncset.done $0x0;
	s2 =	rddreg [dreg:$0xd]  }
0x206: {  	s20 =	simm.s32 @!p1 $0x0;
	[sflag:s24] =	ssyncadd.s32 $0xFFFFFFB0;
	s21 =	sadd.s32 @!p1 s9, s2  }
0x207: {  	[tilespmem:s8], [sflag:$0x6] =	stream.linear.gather @!p1 [hbm4b:s21+s20], $0x50, $0x38;
	[tilespmem:$0x1E278] =	vst v63  }
0x208: {  	s15 =	simm.s32 $0x14078;
	s21 =	rddreg [dreg:$0x13]  }
0x209: {  	s18 =	simm.s32 $0x5;
	s19 =	simm.s32 $0x0;
	s2 =	sadd.s32 s9, s21  }
0x20a: {  	[tilespmem:s15], [sflag:$0x9] =	stream.linear.gather [hbm4b:s2+s19], $0x50, $0x38;
	[tilespmem:$0x1E278] =	vst v63  }
0x20b: {  	_ =	swait.ge [sflag:s18], $0x50  }
0x20c: {  	[sflag:s18] =	ssyncset.done $0x0  }
0x20d: {  	[sflag:s18] =	ssyncadd.s32 $0xFFFFFFB0;
	s18 =	simm.s32 $0x14278  }
0x20e: {  	[tilespmem:s18], [sflag:$0xD] =	stream.indirect.gather [hbm4b:s23+s30], $0x80, s26, s30, $0xb8;
	[tilespmem:$0x1E278] =	vst v63  }
0x20f: {  	_ =	swait.ge [sflag:s0], $0x2800  }
0x210: {  	[sflag:s0] =	ssyncset.done $0x0  }
0x211: {  	[sflag:s0] =	ssyncadd.s32 $0xFFFFD800  }
0x212: {  	_ =	swait.ge [sflag:s13], $0x50  }
0x213: {  	[sflag:s13] =	ssyncset.done $0x0  }
0x214: {  	s21 =	simm.s32 $0x19278;
	[sflag:s13] =	ssyncadd.s32 $0xFFFFFFB0  }
0x215: {  	[spmem:s22] =	stream.indirect.scatter.add.f32 [tilespmem:s21], [sflag:$0x13], $0x80, s17, s30, $0xb8;
	[tilespmem:$0x1E278] =	vst v63  }
0x216: {  	_ = 	snop  }
0x217: {  	[spmem:s5] =	stream.indirect.scatter.add.f32 [tilespmem:s19], [sflag:$0x17], $0x1, s17, s30, $0xb8;
	[tilespmem:$0x1E278] =	vst v63  }
0x218: {  	_ =	swait.ge [sflag:s6], $0x2800  }
0x219: {  	[sflag:s6] =	ssyncset.done $0x0  }
0x21a: {  	[sflag:s6] =	ssyncadd.s32 $0xFFFFD800  }
0x21b: {  	_ =	swait.ge [sflag:s29], $0x50  }
0x21c: {  	s2 =	rddreg [dreg:$0xf]  }
0x21d: {  	[sflag:s29] =	ssyncset.done $0x0;
	s15 =	rddreg [dreg:$0xc]  }
0x21e: {  	[sflag:s29] =	ssyncadd.s32 $0xFFFFFFB0;
	s21 =	sadd.s32 @!p1 s9, s2;
	s2 =	simm.s32 @!p1 $0x13F78  }
0x21f: {  	[tilespmem:s2], [sflag:$0x7] =	stream.linear.gather @!p1 [hbm4b:s21+s20], $0x50, $0x38;
	[tilespmem:$0x1E278] =	vst v63  }
0x220: {  	s21 =	sadd.s32 @!p1 s9, s15;
	s15 =	simm.s32 @!p1 $0x140F8  }
0x221: {  	[tilespmem:s15], [sflag:$0xA] =	stream.linear.gather @!p1 [hbm4b:s21+s20], $0x50, $0x38;
	[tilespmem:$0x1E278] =	vst v63  }
0x222: {  	s15 =	simm.s32 @!p1 $0x6  }
0x223: {  	_ =	swait.ge @!p1 [sflag:s15], $0x50  }
0x224: {  	[sflag:s15] =	ssyncset.done @!p1 $0x0  }
0x225: {  	s21 =	simm.s32 @!p1 $0x16A78;
	[sflag:s15] =	ssyncadd.s32 @!p1 $0xFFFFFFB0;
	s15 =	simm.s32 @!p1 $0x50  }
0x226: {  	[tilespmem:s21], [sflag:$0xE] =	stream.indirect.gather @!p1 [hbm4b:s23+s15], $0x80, s8, s15, $0xb8;
	[tilespmem:$0x1E278] =	vst v63  }
0x227: {  	_ =	swait.ge [sflag:s12], $0x2800  }
0x228: {  	[sflag:s12] =	ssyncset.done $0x0  }
0x229: {  	[sflag:s12] =	ssyncadd.s32 $0xFFFFD800  }
0x22a: {  	_ =	swait.ge [sflag:s25], $0x50  }
0x22b: {  	[sflag:s25] =	ssyncset.done $0x0  }
0x22c: {  	[sflag:s25] =	ssyncadd.s32 $0xFFFFFFB0  }
0x22d: {  	[spmem:s22] =	stream.indirect.scatter.add.f32 [tilespmem:s14], [sflag:$0x14], $0x80, s31, s30, $0xb8;
	[tilespmem:$0x1E278] =	vst v63  }
0x22e: {  	_ = 	snop  }
0x22f: {  	[spmem:s5] =	stream.indirect.scatter.add.f32 [tilespmem:s19], [sflag:$0x18], $0x1, s31, s30, $0xb8;
	[tilespmem:$0x1E278] =	vst v63  }
0x230: {  	_ =	swait.ge [sflag:s1], $0x2800  }
0x231: {  	[sflag:s1] =	ssyncset.done $0x0  }
0x232: {  	[sflag:s1] =	ssyncadd.s32 $0xFFFFD800  }
0x233: {  	_ =	swait.ge [sflag:s3], $0x50  }
0x234: {  	[sflag:s3] =	ssyncset.done $0x0;
	s8 =	rddreg [dreg:$0x11]  }
0x235: {  	s21 =	simm.s32 @!p1 $0x13FF8;
	[sflag:s3] =	ssyncadd.s32 $0xFFFFFFB0;
	s8 =	sadd.s32 @!p1 s9, s8  }
0x236: {  	[tilespmem:s21], [sflag:$0x8] =	stream.linear.gather @!p1 [hbm4b:s8+s20], $0x50, $0x38;
	[tilespmem:$0x1E278] =	vst v63  }
0x237: {  	s8 =	rddreg [dreg:$0xe]  }
0x238: {  	s21 =	simm.s32 @!p1 $0x14178;
	s8 =	sadd.s32 @!p1 s9, s8  }
0x239: {  	[tilespmem:s21], [sflag:$0xB] =	stream.linear.gather @!p1 [hbm4b:s8+s20], $0x50, $0x38;
	[tilespmem:$0x1E278] =	vst v63  }
0x23a: {  	s8 =	simm.s32 @!p1 $0x7  }
0x23b: {  	_ =	swait.ge @!p1 [sflag:s8], $0x50  }
0x23c: {  	[sflag:s8] =	ssyncset.done @!p1 $0x0  }
0x23d: {  	[sflag:s8] =	ssyncadd.s32 @!p1 $0xFFFFFFB0;
	s8 =	simm.s32 @!p1 $0x19278  }
0x23e: {  	[tilespmem:s8], [sflag:$0xF] =	stream.indirect.gather @!p1 [hbm4b:s23+s15], $0x80, s2, s15, $0xb8;
	[tilespmem:$0x1E278] =	vst v63  }
0x23f: {  	_ =	swait.ge [sflag:s28], $0x2800  }
0x240: {  	[sflag:s28] =	ssyncset.done $0x0  }
0x241: {  	[sflag:s28] =	ssyncadd.s32 $0xFFFFD800  }
0x242: {  	_ =	swait.ge [sflag:s7], $0x50  }
0x243: {  	[sflag:s7] =	ssyncset.done $0x0  }
0x244: {  	s28 =	simm.s32 $0x14078;
	[sflag:s7] =	ssyncadd.s32 $0xFFFFFFB0  }
0x245: {  	[spmem:s22] =	stream.indirect.scatter.add.f32 [tilespmem:s18], [sflag:$0x11], $0x80, s28, s30, $0xb8;
	[tilespmem:$0x1E278] =	vst v63  }
0x246: {  	_ = 	snop  }
0x247: {  	[spmem:s5] =	stream.indirect.scatter.add.f32 [tilespmem:s19], [sflag:$0x15], $0x1, s28, s30, $0xb8;
	[tilespmem:$0x1E278] =	vst v63  }
0x248: {  	_ =	swait.ge [sflag:s10], $0x2800  }
.Ltmp3:
0x249: {  	[sflag:s10] =	ssyncset.done $0x0;
	(pc) =	sbr.rel @p1 .LBB2_6-.Ltmp3, $4  }
0x24a: {  	[sflag:s10] =	ssyncadd.s32 $0xFFFFD800  }
0x24b: {  	s4 =	simm.s32 $0x13C78;
	s11 =	simm.s32 $0x140F8;
	_ =	swait.ge [sflag:s16], $0x50  }
0x24c: {  	s26 =	simm.s32 $0x19278;
	s13 =	simm.s32 $0x14178;
	[sflag:s16] =	ssyncset.done $0x0  }
0x24d: {  	s17 =	simm.s32 $0x14278;
	s21 =	simm.s32 $0x14078;
	[sflag:s16] =	ssyncadd.s32 $0xFFFFFFB0  }
0x24e: {  	s2 =	rddreg [dreg:$0x19]  }
0x24f: {  	s22 =	rddreg [dreg:$0x10];
	s2 =	sadd.s32 s9, s2  }
0x250: {  	[tilespmem:s4], [sflag:$0x1] =	stream.linear.gather [hbm4b:s2+s19], $0x50, $0x38;
	[tilespmem:$0x1E278] =	vst v63  }
0x251: {  	s2 =	sadd.s32 s9, s22  }
0x252: {  	[tilespmem:s31], [sflag:$0xC] =	stream.linear.gather [hbm4b:s2+s19], $0x50, $0x38;
	[tilespmem:$0x1E278] =	vst v63  }
.Ltmp4:
0x253: {  	s0 =	simm.s32 $0x8;
	(pc) =	sbr.rel .LBB2_4-.Ltmp4, $4  }
0x254: {  	s26 =	simm.s32 $0x13FF8;
	_ =	swait.ge [sflag:s0], $0x50  }
0x255: {  	s8 =	simm.s32 $0x13C78;
	s28 =	simm.s32 $0x141F8;
	[sflag:s0] =	ssyncset.done $0x0  }
0x256: {  	s9 =	sadd.s32 $0x50, s9;
	s31 =	simm.s32 $0x1BA78;
	[sflag:s0] =	ssyncadd.s32 $0xFFFFFFB0  }
0x257: {  	[tilespmem:s14], [sflag:$0x10] =	stream.indirect.gather [hbm4b:s23+s30], $0x80, s26, s30, $0xb8;
	[tilespmem:$0x1E278] =	vst v63  }
.LBB2_7:
0x258: {  	_ =	sfence.sel $0x180000  }
0x259: {  	[bflag:$0x0] =	sbarrier.arrive $0xFFFF  }
0x25a: {  	_ =	strace $0x90000047  }
0x25b: {  	s0 =	stileid.u32;
	[bflag:$0x2] =	sbarrier.arrive $0xFFFF  }
0x25c: {  	p0 =	sne.s32 s0, $0x0;
	s0 =	rddreg [dreg:$0x5]  }
0x25d: {  	s0 =	sadd.s32 @!p0 $0x100000, s0  }
0x25e: {  	[sflag:s0] =	ssyncadd.tile.s32 @!p0 $0x1;
	_ =	shalt  }
.Lfunc_end2:
_tile_overlayer_lowered:
.L_overlay_start_2:
0x25f: {  	(tag) =	ssettag $0x2  }
0x260: {  	s0 =	rddreg [dreg:$0x0];
	s2 =	stileid.u32  }
0x261: {  	s1 =	rddreg [dreg:$0x1];
	p0 =	sne.s32 s2, $0x0  }
0x262: {  	s3 =	rddreg [dreg:$0x2];
	[bflag:$0x3] =	sbarrier.arrive $0xFFFF;
	s2 =	simm.s32 @!p0 $0x1C19  }
0x263: {  	[timem:s3], [sflag:s2] =	dma.local @!p0 [hbm:s0], s1  }
0x264: {  	s0 =	simm.s32 @!p0 $0x19  }
0x265: {  	_ =	swait.ge @!p0 [sflag:s0], s1  }
0x266: {  	s1 =	ssub.s32 @!p0 $0x0, s1;
	[sflag:s0] =	ssyncset.done @!p0 $0x0  }
0x267: {  	[sflag:s0] =	ssyncadd.s32 @!p0 s1  }
0x268: {  	[bflag:$0x3] =	sbarrier.arrive $0xFFFF  }
0x269: {  	_ =	shalt  }

</sc_bundles>
